<compile_context>
chip_gen: v7x
topology: tpu7x:2x2x1
jax: 0.10.2.dev20260603
libtpu: 0.0.44.dev20260713+nightly
codegen_flags: <defaults>
</compile_context>

<pallas_src>
import functools

import jax
import jax.numpy as jnp
from jax.experimental import pallas as pl
from jax.experimental.pallas import tpu as pltpu
from jax.experimental.pallas import tpu_sc as plsc

N = 10000
E = 320000
NT = 16
CH = 128
NCH = 160
NG = 4
NCH3 = NCH // 2
EPAD = NT * NCH * CH
ROWS_PER_TILE_INIT = 632
NPAD = NT * ROWS_PER_TILE_INIT
ROWS_PER_TILE_OUT = 624
BN = 2000
HB = 2


def _sc_aggregate(h_flat, src3, dst3, binit, n_chunks, n_groups):
    gch = n_chunks // n_groups
    mesh = plsc.VectorSubcoreMesh(core_axis_name="c", subcore_axis_name="s")

    @functools.partial(
        pl.kernel,
        mesh=mesh,
        out_type=jax.ShapeDtypeStruct((2 * N, 128), jnp.float32),
        scratch_types=[
            pltpu.VMEM((gch, CH), jnp.int32),
            pltpu.VMEM((gch, CH), jnp.int32),
            pltpu.VMEM((CH, 128), jnp.float32),
            pltpu.VMEM((CH, 128), jnp.float32),
            pltpu.VMEM_SHARED((NPAD, 128), jnp.float32),
            pltpu.SemaphoreType.DMA((HB,)),
            pltpu.SemaphoreType.DMA((HB,)),
        ],
    )
    def agg(h_hbm, src_hbm, dst_hbm, bi_hbm, out_hbm, src_v, dst_v, rows0_v,
            rows1_v, acc_sh, sem0, sem1):
        c = jax.lax.axis_index("c")
        s = jax.lax.axis_index("s")
        w = s * 2 + c
        pltpu.sync_copy(bi_hbm.at[pl.ds(c * ROWS_PER_TILE_INIT,
                                        ROWS_PER_TILE_INIT)],
                        acc_sh.at[pl.ds(s * ROWS_PER_TILE_INIT,
                                        ROWS_PER_TILE_INIT)])
        plsc.subcore_barrier()

        bufs = (rows0_v, rows1_v)
        sems = (sem0, sem1)

        def fire(j, b):
            for hshard in range(HB):
                sl = pl.ds(hshard * (CH // HB), CH // HB)
                pltpu.async_copy(h_hbm.at[src_v.at[j].at[sl]],
                                 bufs[b].at[sl], sems[b].at[hshard])

        def wait(j, b):
            for hshard in range(HB):
                sl = pl.ds(hshard * (CH // HB), CH // HB)
                pltpu.make_async_copy(h_hbm.at[src_v.at[j].at[sl]],
                                      bufs[b].at[sl], sems[b].at[hshard]).wait()

        for g in range(n_groups):
            base = w * n_chunks + g * gch
            pltpu.sync_copy(src_hbm.at[pl.ds(base, gch)], src_v)
            pltpu.sync_copy(dst_hbm.at[pl.ds(base, gch)], dst_v)
            fire(0, 0)

            @pl.loop(0, gch, step=2)
            def _(j):
                wait(j, 0)
                fire(j + 1, 1)
                pltpu.sync_copy(rows0_v, acc_sh.at[dst_v.at[j]], add=True)
                wait(j + 1, 1)

                @pl.when(j + 2 < gch)
                def _():
                    fire(j + 2, 0)

                pltpu.sync_copy(rows1_v, acc_sh.at[dst_v.at[j + 1]], add=True)

        plsc.subcore_barrier()
        pltpu.sync_copy(acc_sh.at[pl.ds(s * ROWS_PER_TILE_OUT,
                                        ROWS_PER_TILE_OUT)],
                        out_hbm.at[pl.ds(c * N + s * ROWS_PER_TILE_OUT,
                                         ROWS_PER_TILE_OUT)])

        @pl.when(s == NT - 1)
        def _():
            rem_base = NT * ROWS_PER_TILE_OUT
            pltpu.sync_copy(acc_sh.at[pl.ds(rem_base, N - rem_base)],
                            out_hbm.at[pl.ds(c * N + rem_base, N - rem_base)])

    return agg(h_flat, src3, dst3, binit)


def _mm_first2(a, W1, b1, W2):

    def body(a_ref, w1_ref, b1_ref, w2_ref, o_ref):
        t = a_ref[0] + a_ref[1]
        u = jnp.dot(t, w1_ref[...], preferred_element_type=jnp.float32)
        u = jnp.maximum(u + b1_ref[...], 0.0)
        h = jnp.dot(u, w2_ref[...], preferred_element_type=jnp.float32)
        o_ref[0] = h[:, :128]
        o_ref[1] = h[:, 128:]

    return pl.pallas_call(
        body,
        grid=(N // BN,),
        in_specs=[
            pl.BlockSpec((2, BN, 128), lambda i: (0, i, 0)),
            pl.BlockSpec((128, 256), lambda i: (0, 0)),
            pl.BlockSpec((1, 256), lambda i: (0, 0)),
            pl.BlockSpec((256, 256), lambda i: (0, 0)),
        ],
        out_specs=pl.BlockSpec((2, BN, 128), lambda i: (0, i, 0)),
        out_shape=jax.ShapeDtypeStruct((2, N, 128), jnp.float32),
    )(a, W1, b1.reshape(1, 256), W2)


def _mm_last(a, W):

    def body(a_ref, w_ref, o_ref):
        t = jnp.concatenate([a_ref[0], a_ref[1]], axis=1)
        t = jnp.maximum(t, 0.0)
        o_ref[...] = jnp.dot(t, w_ref[...],
                             preferred_element_type=jnp.float32)

    return pl.pallas_call(
        body,
        grid=(N // BN,),
        in_specs=[
            pl.BlockSpec((2, BN, 128), lambda i: (0, i, 0)),
            pl.BlockSpec((256, 128), lambda i: (0, 0)),
        ],
        out_specs=pl.BlockSpec((BN, 128), lambda i: (i, 0)),
        out_shape=jax.ShapeDtypeStruct((N, 128), jnp.float32),
    )(a, W)


def _log_softmax_sum(a):

    def body(a_ref, o_ref):
        t = a_ref[0] + a_ref[1]
        m = jnp.max(t, axis=1, keepdims=True)
        e = jnp.exp(t - m)
        lse = jnp.log(jnp.sum(e, axis=1, keepdims=True))
        o_ref[...] = t - m - lse

    return pl.pallas_call(
        body,
        grid=(N // BN,),
        in_specs=[pl.BlockSpec((2, BN, 128), lambda i: (0, i, 0))],
        out_specs=pl.BlockSpec((BN, 128), lambda i: (i, 0)),
        out_shape=jax.ShapeDtypeStruct((N, 128), jnp.float32),
    )(a)


def _bias_init_halves(b):
    return jnp.broadcast_to(b.reshape(2, 1, 128),
                            (2, ROWS_PER_TILE_INIT, 128)).reshape(
                                2 * ROWS_PER_TILE_INIT, 128)


def _bias_init_once(b):
    rows = jnp.broadcast_to(b.reshape(1, 128), (ROWS_PER_TILE_INIT, 128))
    return jnp.concatenate([rows, jnp.zeros_like(rows)], axis=0)


def kernel(x, edge_index, W1, b1, W2, b2, W3, b3):
    src = edge_index[0].astype(jnp.int32)
    dst = edge_index[1].astype(jnp.int32)
    pad = EPAD - E
    pad_iota = jnp.arange(pad, dtype=jnp.int32)
    src_p = jnp.concatenate([src, pad_iota % N])
    dst_p = jnp.concatenate([dst, N + pad_iota % (NPAD - N)])
    src_t = src_p.reshape(NT, 1, NCH, CH)
    dst_t = dst_p.reshape(NT, 1, NCH, CH)
    offs = (jnp.arange(2, dtype=jnp.int32) * N)[None, :, None, None]
    src3 = (src_t + offs).reshape(2 * NT * NCH, CH)
    dst3 = jnp.broadcast_to(dst_t,
                            (NT, 2, NCH, CH)).reshape(2 * NT * NCH, CH)
    srcE = src_p.reshape(2 * NT * NCH3, CH)
    dstE = dst_p.reshape(2 * NT * NCH3, CH)

    zinit = jnp.zeros((2 * ROWS_PER_TILE_INIT, 128), jnp.float32)
    a0 = _sc_aggregate(x, srcE, dstE, zinit,
                       NCH3, NG // 2).reshape(2, N, 128)
    h2 = _mm_first2(a0, W1, b1, W2)
    a2 = _sc_aggregate(h2.reshape(2 * N, 128), src3, dst3,
                       _bias_init_halves(b2), NCH, NG).reshape(2, N, 128)
    h3 = _mm_last(a2, W3)
    a3 = _sc_aggregate(h3, srcE, dstE,
                       _bias_init_once(b3), NCH3, NG // 2).reshape(2, N, 128)
    return _log_softmax_sum(a3)

# --- scband reference (transcript-rebuilt; emitter-appended) ---
"""Pipeline reference for scband-gcn-64510408786492 (READ-ONLY COPY).

The authoritative reference and input builder live on the scoring server;
editing this copy changes nothing except your own understanding.
"""

import jax, jax.numpy as jnp
import numpy as np

N_NODES = 10000
N_EDGES = 320000
IN_C = 128
HID_C = 256
OUT_C = 128


def setup_inputs(seed: int = 0) -> dict:
    key = jax.random.key(seed)
    ks = jax.random.split(key, 8)
    x = jax.random.normal(ks[0], (N_NODES, IN_C), dtype=jnp.float32)
    edge_index = jax.random.randint(ks[1], (2, N_EDGES), 0, N_NODES, dtype=jnp.int64)
    # GCNConv weights (normalize=False): linear weight [in, out] + bias [out]
    W1 = jax.random.normal(ks[2], (IN_C, HID_C), dtype=jnp.float32) * (1.0 / np.sqrt(IN_C))
    b1 = jnp.zeros((HID_C,), dtype=jnp.float32)
    W2 = jax.random.normal(ks[3], (HID_C, HID_C), dtype=jnp.float32) * (1.0 / np.sqrt(HID_C))
    b2 = jnp.zeros((HID_C,), dtype=jnp.float32)
    W3 = jax.random.normal(ks[4], (HID_C, OUT_C), dtype=jnp.float32) * (1.0 / np.sqrt(HID_C))
    b3 = jnp.zeros((OUT_C,), dtype=jnp.float32)
    return {"x": x, "edge_index": edge_index, "W1": W1, "b1": b1, "W2": W2, "b2": b2, "W3": W3, "b3": b3}


def _gcn_conv(x, W, b, src, dst, n_nodes):
    # GCNConv(normalize=False): h = x @ W; out[dst] += h[src]; out += b
    h = x @ W
    msg = jnp.take(h, src, axis=0)
    agg = jax.ops.segment_sum(msg, dst, num_segments=n_nodes)
    return agg + b


def reference(x, edge_index, W1, b1, W2, b2, W3, b3):
    src = edge_index[0]
    dst = edge_index[1]
    n = x.shape[0]
    h = _gcn_conv(x, W1, b1, src, dst, n)
    h = jax.nn.relu(h)  # xReLU('ReLU'); dropout is identity in eval mode
    h = _gcn_conv(h, W2, b2, src, dst, n)
    h = jax.nn.relu(h)
    h = _gcn_conv(h, W3, b3, src, dst, n)
    return jax.nn.log_softmax(h, axis=-1)

if __name__ == "__main__":
    import jax
    _d = setup_inputs()
    print(jax.jit(kernel)(*tuple(_d.values())))

</pallas_src>

<mosaic_0001>
#map = affine_map<(d0, d1) -> (0, 0)>
module attributes {stable_mosaic.version = 14 : i64} {
  func.func @agg(%arg0: i32, %arg1: i32, %arg2: memref<10000x128xf32, #tpu.memory_space<hbm>>, %arg3: memref<2560x128xi32, #tpu.memory_space<hbm>>, %arg4: memref<2560x128xi32, #tpu.memory_space<hbm>>, %arg5: memref<1264x128xf32, #tpu.memory_space<hbm>>, %arg6: memref<20000x128xf32, #tpu.memory_space<hbm>>, %arg7: memref<40x128xi32, #tpu.memory_space<vmem>>, %arg8: memref<40x128xi32, #tpu.memory_space<vmem>>, %arg9: memref<128x128xf32, #tpu.memory_space<vmem>>, %arg10: memref<128x128xf32, #tpu.memory_space<vmem>>, %arg11: memref<10112x128xf32, #tpu.memory_space<vmem_shared>>, %arg12: memref<2x!tpu.dma_semaphore, #tpu.memory_space<semaphore_mem>>, %arg13: memref<2x!tpu.dma_semaphore, #tpu.memory_space<semaphore_mem>>) attributes {dimension_semantics = [#tpu.dimension_semantics<core_parallel>, #tpu.dimension_semantics<subcore_parallel>], iteration_bounds = array<i64: 2, 16>, scalar_prefetch = 0 : i64, scratch_operands = 7 : i64, tpu.core_type = #tpu.core_type<sc_vector_subcore>, window_params = [{transform_indices = #map}, {transform_indices = #map}, {transform_indices = #map}, {transform_indices = #map}, {transform_indices = #map}]} {
    %mul3A = arith.constant 2 : i32
    %mul3A_0 = arith.muli %arg1, %mul3A : i32
    %add3A = arith.addi %mul3A_0, %arg0 : i32
    %mul3A_1 = arith.constant 632 : i32
    %mul3A_2 = arith.muli %arg0, %mul3A_1 : i32
    %mul3A_3 = arith.constant 632 : i32
    %mul3A_4 = arith.muli %arg1, %mul3A_3 : i32
    "tpu.region"() ({
      %run_scoped3A = tpu.sem_alloc : memref<!tpu.dma_semaphore, #tpu.memory_space<semaphore_mem>>
      %dma_start3A_91 = arith.constant 0 : i32
      %dma_start3A_92 = tpu.memref_slice %arg11[%mul3A_4, %dma_start3A_91] : memref<10112x128xf32, #tpu.memory_space<vmem_shared>> -> memref<632x128xf32, #tpu.memory_space<vmem_shared>>
      %dma_start3A_93 = arith.constant 0 : i32
      %dma_start3A_94 = tpu.memref_slice %arg5[%mul3A_2, %dma_start3A_93] : memref<1264x128xf32, #tpu.memory_space<hbm>> -> memref<632x128xf32, #tpu.memory_space<hbm>>
      tpu.enqueue_dma source(%dma_start3A_94 : memref<632x128xf32, #tpu.memory_space<hbm>>) target(%dma_start3A_92 : memref<632x128xf32, #tpu.memory_space<vmem_shared>>) target_semaphore(%run_scoped3A : memref<!tpu.dma_semaphore, #tpu.memory_space<semaphore_mem>>)
      %dma_wait3A = arith.constant 0 : i32
      %dma_wait3A_95 = tpu.memref_slice %arg11[%mul3A_4, %dma_wait3A] : memref<10112x128xf32, #tpu.memory_space<vmem_shared>> -> memref<632x128xf32, #tpu.memory_space<vmem_shared>>
      %dma_wait3A_96 = arith.constant 0 : i32
      %dma_wait3A_97 = tpu.memref_slice %arg5[%mul3A_2, %dma_wait3A_96] : memref<1264x128xf32, #tpu.memory_space<hbm>> -> memref<632x128xf32, #tpu.memory_space<hbm>>
      tpu.wait_dma2 semaphore(%run_scoped3A : memref<!tpu.dma_semaphore, #tpu.memory_space<semaphore_mem>>) src(%dma_wait3A_97 : memref<632x128xf32, #tpu.memory_space<hbm>>) dst(%dma_wait3A_95 : memref<632x128xf32, #tpu.memory_space<vmem_shared>>)
      tpu.yield
    }) : () -> ()
    %barrier3A = arith.constant 0 : index
    tpu.barrier barrier_id(%barrier3A)
    %mul3A_5 = arith.constant 80 : i32
    %mul3A_6 = arith.muli %add3A, %mul3A_5 : i32
    %add3A_7 = arith.constant 0 : i32
    %add3A_8 = arith.addi %mul3A_6, %add3A_7 : i32
    "tpu.region"() ({
      %run_scoped3A = tpu.sem_alloc : memref<!tpu.dma_semaphore, #tpu.memory_space<semaphore_mem>>
      %dma_start3A_91 = arith.constant 0 : i32
      %dma_start3A_92 = tpu.memref_slice %arg3[%add3A_8, %dma_start3A_91] : memref<2560x128xi32, #tpu.memory_space<hbm>> -> memref<40x128xi32, #tpu.memory_space<hbm>>
      %dma_start3A_93 = arith.constant 0 : i32
      %dma_start3A_94 = tpu.memref_slice %arg3[%add3A_8, %dma_start3A_93] : memref<2560x128xi32, #tpu.memory_space<hbm>> -> memref<40x128xi32, #tpu.memory_space<hbm>>
      tpu.enqueue_dma source(%dma_start3A_94 : memref<40x128xi32, #tpu.memory_space<hbm>>) target(%arg7 : memref<40x128xi32, #tpu.memory_space<vmem>>) target_semaphore(%run_scoped3A : memref<!tpu.dma_semaphore, #tpu.memory_space<semaphore_mem>>)
      %dma_wait3A = arith.constant 0 : i32
      %dma_wait3A_95 = tpu.memref_slice %arg3[%add3A_8, %dma_wait3A] : memref<2560x128xi32, #tpu.memory_space<hbm>> -> memref<40x128xi32, #tpu.memory_space<hbm>>
      %dma_wait3A_96 = arith.constant 0 : i32
      %dma_wait3A_97 = tpu.memref_slice %arg3[%add3A_8, %dma_wait3A_96] : memref<2560x128xi32, #tpu.memory_space<hbm>> -> memref<40x128xi32, #tpu.memory_space<hbm>>
      tpu.wait_dma2 semaphore(%run_scoped3A : memref<!tpu.dma_semaphore, #tpu.memory_space<semaphore_mem>>) src(%dma_wait3A_97 : memref<40x128xi32, #tpu.memory_space<hbm>>) dst(%arg7 : memref<40x128xi32, #tpu.memory_space<vmem>>)
      tpu.yield
    }) : () -> ()
    "tpu.region"() ({
      %run_scoped3A = tpu.sem_alloc : memref<!tpu.dma_semaphore, #tpu.memory_space<semaphore_mem>>
      %dma_start3A_91 = arith.constant 0 : i32
      %dma_start3A_92 = tpu.memref_slice %arg4[%add3A_8, %dma_start3A_91] : memref<2560x128xi32, #tpu.memory_space<hbm>> -> memref<40x128xi32, #tpu.memory_space<hbm>>
      %dma_start3A_93 = arith.constant 0 : i32
      %dma_start3A_94 = tpu.memref_slice %arg4[%add3A_8, %dma_start3A_93] : memref<2560x128xi32, #tpu.memory_space<hbm>> -> memref<40x128xi32, #tpu.memory_space<hbm>>
      tpu.enqueue_dma source(%dma_start3A_94 : memref<40x128xi32, #tpu.memory_space<hbm>>) target(%arg8 : memref<40x128xi32, #tpu.memory_space<vmem>>) target_semaphore(%run_scoped3A : memref<!tpu.dma_semaphore, #tpu.memory_space<semaphore_mem>>)
      %dma_wait3A = arith.constant 0 : i32
      %dma_wait3A_95 = tpu.memref_slice %arg4[%add3A_8, %dma_wait3A] : memref<2560x128xi32, #tpu.memory_space<hbm>> -> memref<40x128xi32, #tpu.memory_space<hbm>>
      %dma_wait3A_96 = arith.constant 0 : i32
      %dma_wait3A_97 = tpu.memref_slice %arg4[%add3A_8, %dma_wait3A_96] : memref<2560x128xi32, #tpu.memory_space<hbm>> -> memref<40x128xi32, #tpu.memory_space<hbm>>
      tpu.wait_dma2 semaphore(%run_scoped3A : memref<!tpu.dma_semaphore, #tpu.memory_space<semaphore_mem>>) src(%dma_wait3A_97 : memref<40x128xi32, #tpu.memory_space<hbm>>) dst(%arg8 : memref<40x128xi32, #tpu.memory_space<vmem>>)
      tpu.yield
    }) : () -> ()
    %dma_start3A = arith.constant 0 : i32
    %dma_start3A_9 = arith.constant 0 : i32
    %dma_start3A_10 = arith.constant 0 : i32
    %dma_start3A_11 = arith.constant 0 : i32
    %dma_start3A_12 = tpu.memref_slice %arg9[%dma_start3A_10, %dma_start3A_11] : memref<128x128xf32, #tpu.memory_space<vmem>> -> memref<64x128xf32, #tpu.memory_space<vmem>>
    %dma_start3A_13 = arith.constant 0 : i32
    %dma_start3A_14 = tpu.memref_slice %arg7[%dma_start3A, %dma_start3A_13] : memref<40x128xi32, #tpu.memory_space<vmem>> -> memref<1x128xi32, #tpu.memory_space<vmem>>
    %dma_start3A_15 = tpu.memref_squeeze %dma_start3A_14 : memref<1x128xi32, #tpu.memory_space<vmem>> -> memref<128xi32, #tpu.memory_space<vmem>>
    %dma_start3A_16 = arith.constant 0 : i32
    %dma_start3A_17 = tpu.memref_slice %dma_start3A_15[%dma_start3A_16] : memref<128xi32, #tpu.memory_space<vmem>> -> memref<64xi32, #tpu.memory_space<vmem>>
    %dma_start3A_18 = arith.constant 0 : i32
    %dma_start3A_19 = arith.constant 0 : i32
    %dma_start3A_20 = tpu.memref_slice %arg2[%dma_start3A_18, %dma_start3A_19] : memref<10000x128xf32, #tpu.memory_space<hbm>> -> memref<10000x128xf32, #tpu.memory_space<hbm>>
    %dma_start3A_21 = tpu.memref_slice %arg12[%dma_start3A_9] : memref<2x!tpu.dma_semaphore, #tpu.memory_space<semaphore_mem>> -> memref<1x!tpu.dma_semaphore, #tpu.memory_space<semaphore_mem>>
    %dma_start3A_22 = tpu.memref_squeeze %dma_start3A_21 : memref<1x!tpu.dma_semaphore, #tpu.memory_space<semaphore_mem>> -> memref<!tpu.dma_semaphore, #tpu.memory_space<semaphore_mem>>
    tpu.enqueue_indirect_dma source(%dma_start3A_20 : memref<10000x128xf32, #tpu.memory_space<hbm>>) target(%dma_start3A_12 : memref<64x128xf32, #tpu.memory_space<vmem>>) offsets(%dma_start3A_17 : memref<64xi32, #tpu.memory_space<vmem>>) semaphore(%dma_start3A_22 : memref<!tpu.dma_semaphore, #tpu.memory_space<semaphore_mem>>)
    %dma_start3A_23 = arith.constant 0 : i32
    %dma_start3A_24 = arith.constant 1 : i32
    %dma_start3A_25 = arith.constant 64 : i32
    %dma_start3A_26 = arith.constant 0 : i32
    %dma_start3A_27 = tpu.memref_slice %arg9[%dma_start3A_25, %dma_start3A_26] : memref<128x128xf32, #tpu.memory_space<vmem>> -> memref<64x128xf32, #tpu.memory_space<vmem>>
    %dma_start3A_28 = arith.constant 0 : i32
    %dma_start3A_29 = tpu.memref_slice %arg7[%dma_start3A_23, %dma_start3A_28] : memref<40x128xi32, #tpu.memory_space<vmem>> -> memref<1x128xi32, #tpu.memory_space<vmem>>
    %dma_start3A_30 = tpu.memref_squeeze %dma_start3A_29 : memref<1x128xi32, #tpu.memory_space<vmem>> -> memref<128xi32, #tpu.memory_space<vmem>>
    %dma_start3A_31 = arith.constant 64 : i32
    %dma_start3A_32 = tpu.memref_slice %dma_start3A_30[%dma_start3A_31] : memref<128xi32, #tpu.memory_space<vmem>> -> memref<64xi32, #tpu.memory_space<vmem>>
    %dma_start3A_33 = arith.constant 0 : i32
    %dma_start3A_34 = arith.constant 0 : i32
    %dma_start3A_35 = tpu.memref_slice %arg2[%dma_start3A_33, %dma_start3A_34] : memref<10000x128xf32, #tpu.memory_space<hbm>> -> memref<10000x128xf32, #tpu.memory_space<hbm>>
    %dma_start3A_36 = tpu.memref_slice %arg12[%dma_start3A_24] : memref<2x!tpu.dma_semaphore, #tpu.memory_space<semaphore_mem>> -> memref<1x!tpu.dma_semaphore, #tpu.memory_space<semaphore_mem>>
    %dma_start3A_37 = tpu.memref_squeeze %dma_start3A_36 : memref<1x!tpu.dma_semaphore, #tpu.memory_space<semaphore_mem>> -> memref<!tpu.dma_semaphore, #tpu.memory_space<semaphore_mem>>
    tpu.enqueue_indirect_dma source(%dma_start3A_35 : memref<10000x128xf32, #tpu.memory_space<hbm>>) target(%dma_start3A_27 : memref<64x128xf32, #tpu.memory_space<vmem>>) offsets(%dma_start3A_32 : memref<64xi32, #tpu.memory_space<vmem>>) semaphore(%dma_start3A_37 : memref<!tpu.dma_semaphore, #tpu.memory_space<semaphore_mem>>)
    %scan3A = arith.constant 0 : i32
    %scan3A_38 = arith.constant 20 : i32
    %scan3A_39 = arith.addi %scan3A, %scan3A_38 : i32
    %scan3A_40 = arith.constant 1 : i32
    scf.for %scan3A_91 = %scan3A to %scan3A_39 step %scan3A_40  : i32 {
      %mul3A_92 = arith.constant 2 : i32
      %mul3A_93 = arith.muli %scan3A_91, %mul3A_92 : i32
      %add3A_94 = arith.constant 0 : i32
      %add3A_95 = arith.addi %add3A_94, %mul3A_93 : i32
      %dma_wait3A = arith.constant 0 : i32
      %dma_wait3A_96 = arith.constant 0 : i32
      %dma_wait3A_97 = arith.constant 0 : i32
      %dma_wait3A_98 = tpu.memref_slice %arg9[%dma_wait3A_96, %dma_wait3A_97] : memref<128x128xf32, #tpu.memory_space<vmem>> -> memref<64x128xf32, #tpu.memory_space<vmem>>
      %dma_wait3A_99 = arith.constant 0 : i32
      %dma_wait3A_100 = tpu.memref_slice %arg7[%add3A_95, %dma_wait3A_99] : memref<40x128xi32, #tpu.memory_space<vmem>> -> memref<1x128xi32, #tpu.memory_space<vmem>>
      %dma_wait3A_101 = tpu.memref_squeeze %dma_wait3A_100 : memref<1x128xi32, #tpu.memory_space<vmem>> -> memref<128xi32, #tpu.memory_space<vmem>>
      %dma_wait3A_102 = arith.constant 0 : i32
      %dma_wait3A_103 = tpu.memref_slice %dma_wait3A_101[%dma_wait3A_102] : memref<128xi32, #tpu.memory_space<vmem>> -> memref<64xi32, #tpu.memory_space<vmem>>
      %dma_wait3A_104 = arith.constant 0 : i32
      %dma_wait3A_105 = arith.constant 0 : i32
      %dma_wait3A_106 = tpu.memref_slice %arg2[%dma_wait3A_104, %dma_wait3A_105] : memref<10000x128xf32, #tpu.memory_space<hbm>> -> memref<10000x128xf32, #tpu.memory_space<hbm>>
      %dma_wait3A_107 = tpu.memref_slice %arg12[%dma_wait3A] : memref<2x!tpu.dma_semaphore, #tpu.memory_space<semaphore_mem>> -> memref<1x!tpu.dma_semaphore, #tpu.memory_space<semaphore_mem>>
      %dma_wait3A_108 = tpu.memref_squeeze %dma_wait3A_107 : memref<1x!tpu.dma_semaphore, #tpu.memory_space<semaphore_mem>> -> memref<!tpu.dma_semaphore, #tpu.memory_space<semaphore_mem>>
      tpu.wait_indirect_dma semaphore(%dma_wait3A_108 : memref<!tpu.dma_semaphore, #tpu.memory_space<semaphore_mem>>) src(%dma_wait3A_106 : memref<10000x128xf32, #tpu.memory_space<hbm>>) dst(%dma_wait3A_98 : memref<64x128xf32, #tpu.memory_space<vmem>>)
      %dma_wait3A_109 = arith.constant 1 : i32
      %dma_wait3A_110 = arith.constant 64 : i32
      %dma_wait3A_111 = arith.constant 0 : i32
      %dma_wait3A_112 = tpu.memref_slice %arg9[%dma_wait3A_110, %dma_wait3A_111] : memref<128x128xf32, #tpu.memory_space<vmem>> -> memref<64x128xf32, #tpu.memory_space<vmem>>
      %dma_wait3A_113 = arith.constant 0 : i32
      %dma_wait3A_114 = tpu.memref_slice %arg7[%add3A_95, %dma_wait3A_113] : memref<40x128xi32, #tpu.memory_space<vmem>> -> memref<1x128xi32, #tpu.memory_space<vmem>>
      %dma_wait3A_115 = tpu.memref_squeeze %dma_wait3A_114 : memref<1x128xi32, #tpu.memory_space<vmem>> -> memref<128xi32, #tpu.memory_space<vmem>>
      %dma_wait3A_116 = arith.constant 64 : i32
      %dma_wait3A_117 = tpu.memref_slice %dma_wait3A_115[%dma_wait3A_116] : memref<128xi32, #tpu.memory_space<vmem>> -> memref<64xi32, #tpu.memory_space<vmem>>
      %dma_wait3A_118 = arith.constant 0 : i32
      %dma_wait3A_119 = arith.constant 0 : i32
      %dma_wait3A_120 = tpu.memref_slice %arg2[%dma_wait3A_118, %dma_wait3A_119] : memref<10000x128xf32, #tpu.memory_space<hbm>> -> memref<10000x128xf32, #tpu.memory_space<hbm>>
      %dma_wait3A_121 = tpu.memref_slice %arg12[%dma_wait3A_109] : memref<2x!tpu.dma_semaphore, #tpu.memory_space<semaphore_mem>> -> memref<1x!tpu.dma_semaphore, #tpu.memory_space<semaphore_mem>>
      %dma_wait3A_122 = tpu.memref_squeeze %dma_wait3A_121 : memref<1x!tpu.dma_semaphore, #tpu.memory_space<semaphore_mem>> -> memref<!tpu.dma_semaphore, #tpu.memory_space<semaphore_mem>>
      tpu.wait_indirect_dma semaphore(%dma_wait3A_122 : memref<!tpu.dma_semaphore, #tpu.memory_space<semaphore_mem>>) src(%dma_wait3A_120 : memref<10000x128xf32, #tpu.memory_space<hbm>>) dst(%dma_wait3A_112 : memref<64x128xf32, #tpu.memory_space<vmem>>)
      %add3A_123 = arith.constant 1 : i32
      %add3A_124 = arith.addi %add3A_95, %add3A_123 : i32
      %dma_start3A_125 = arith.constant 0 : i32
      %dma_start3A_126 = arith.constant 0 : i32
      %dma_start3A_127 = arith.constant 0 : i32
      %dma_start3A_128 = tpu.memref_slice %arg10[%dma_start3A_126, %dma_start3A_127] : memref<128x128xf32, #tpu.memory_space<vmem>> -> memref<64x128xf32, #tpu.memory_space<vmem>>
      %dma_start3A_129 = arith.constant 0 : i32
      %dma_start3A_130 = tpu.memref_slice %arg7[%add3A_124, %dma_start3A_129] : memref<40x128xi32, #tpu.memory_space<vmem>> -> memref<1x128xi32, #tpu.memory_space<vmem>>
      %dma_start3A_131 = tpu.memref_squeeze %dma_start3A_130 : memref<1x128xi32, #tpu.memory_space<vmem>> -> memref<128xi32, #tpu.memory_space<vmem>>
      %dma_start3A_132 = arith.constant 0 : i32
      %dma_start3A_133 = tpu.memref_slice %dma_start3A_131[%dma_start3A_132] : memref<128xi32, #tpu.memory_space<vmem>> -> memref<64xi32, #tpu.memory_space<vmem>>
      %dma_start3A_134 = arith.constant 0 : i32
      %dma_start3A_135 = arith.constant 0 : i32
      %dma_start3A_136 = tpu.memref_slice %arg2[%dma_start3A_134, %dma_start3A_135] : memref<10000x128xf32, #tpu.memory_space<hbm>> -> memref<10000x128xf32, #tpu.memory_space<hbm>>
      %dma_start3A_137 = tpu.memref_slice %arg13[%dma_start3A_125] : memref<2x!tpu.dma_semaphore, #tpu.memory_space<semaphore_mem>> -> memref<1x!tpu.dma_semaphore, #tpu.memory_space<semaphore_mem>>
      %dma_start3A_138 = tpu.memref_squeeze %dma_start3A_137 : memref<1x!tpu.dma_semaphore, #tpu.memory_space<semaphore_mem>> -> memref<!tpu.dma_semaphore, #tpu.memory_space<semaphore_mem>>
      tpu.enqueue_indirect_dma source(%dma_start3A_136 : memref<10000x128xf32, #tpu.memory_space<hbm>>) target(%dma_start3A_128 : memref<64x128xf32, #tpu.memory_space<vmem>>) offsets(%dma_start3A_133 : memref<64xi32, #tpu.memory_space<vmem>>) semaphore(%dma_start3A_138 : memref<!tpu.dma_semaphore, #tpu.memory_space<semaphore_mem>>)
      %dma_start3A_139 = arith.constant 1 : i32
      %dma_start3A_140 = arith.constant 64 : i32
      %dma_start3A_141 = arith.constant 0 : i32
      %dma_start3A_142 = tpu.memref_slice %arg10[%dma_start3A_140, %dma_start3A_141] : memref<128x128xf32, #tpu.memory_space<vmem>> -> memref<64x128xf32, #tpu.memory_space<vmem>>
      %dma_start3A_143 = arith.constant 0 : i32
      %dma_start3A_144 = tpu.memref_slice %arg7[%add3A_124, %dma_start3A_143] : memref<40x128xi32, #tpu.memory_space<vmem>> -> memref<1x128xi32, #tpu.memory_space<vmem>>
      %dma_start3A_145 = tpu.memref_squeeze %dma_start3A_144 : memref<1x128xi32, #tpu.memory_space<vmem>> -> memref<128xi32, #tpu.memory_space<vmem>>
      %dma_start3A_146 = arith.constant 64 : i32
      %dma_start3A_147 = tpu.memref_slice %dma_start3A_145[%dma_start3A_146] : memref<128xi32, #tpu.memory_space<vmem>> -> memref<64xi32, #tpu.memory_space<vmem>>
      %dma_start3A_148 = arith.constant 0 : i32
      %dma_start3A_149 = arith.constant 0 : i32
      %dma_start3A_150 = tpu.memref_slice %arg2[%dma_start3A_148, %dma_start3A_149] : memref<10000x128xf32, #tpu.memory_space<hbm>> -> memref<10000x128xf32, #tpu.memory_space<hbm>>
      %dma_start3A_151 = tpu.memref_slice %arg13[%dma_start3A_139] : memref<2x!tpu.dma_semaphore, #tpu.memory_space<semaphore_mem>> -> memref<1x!tpu.dma_semaphore, #tpu.memory_space<semaphore_mem>>
      %dma_start3A_152 = tpu.memref_squeeze %dma_start3A_151 : memref<1x!tpu.dma_semaphore, #tpu.memory_space<semaphore_mem>> -> memref<!tpu.dma_semaphore, #tpu.memory_space<semaphore_mem>>
      tpu.enqueue_indirect_dma source(%dma_start3A_150 : memref<10000x128xf32, #tpu.memory_space<hbm>>) target(%dma_start3A_142 : memref<64x128xf32, #tpu.memory_space<vmem>>) offsets(%dma_start3A_147 : memref<64xi32, #tpu.memory_space<vmem>>) semaphore(%dma_start3A_152 : memref<!tpu.dma_semaphore, #tpu.memory_space<semaphore_mem>>)
      "tpu.region"() ({
        %run_scoped3A = tpu.sem_alloc : memref<!tpu.dma_semaphore, #tpu.memory_space<semaphore_mem>>
        %dma_start3A_191 = arith.constant 0 : i32
        %dma_start3A_192 = tpu.memref_slice %arg8[%add3A_95, %dma_start3A_191] : memref<40x128xi32, #tpu.memory_space<vmem>> -> memref<1x128xi32, #tpu.memory_space<vmem>>
        %dma_start3A_193 = tpu.memref_squeeze %dma_start3A_192 : memref<1x128xi32, #tpu.memory_space<vmem>> -> memref<128xi32, #tpu.memory_space<vmem>>
        %dma_start3A_194 = arith.constant 0 : i32
        %dma_start3A_195 = arith.constant 0 : i32
        %dma_start3A_196 = tpu.memref_slice %arg11[%dma_start3A_194, %dma_start3A_195] : memref<10112x128xf32, #tpu.memory_space<vmem_shared>> -> memref<10112x128xf32, #tpu.memory_space<vmem_shared>>
        tpu.enqueue_indirect_dma source(%arg9 : memref<128x128xf32, #tpu.memory_space<vmem>>) target(%dma_start3A_196 : memref<10112x128xf32, #tpu.memory_space<vmem_shared>>) offsets(%dma_start3A_193 : memref<128xi32, #tpu.memory_space<vmem>>) semaphore(%run_scoped3A : memref<!tpu.dma_semaphore, #tpu.memory_space<semaphore_mem>>) {add = true}
        %dma_wait3A_197 = arith.constant 0 : i32
        %dma_wait3A_198 = tpu.memref_slice %arg8[%add3A_95, %dma_wait3A_197] : memref<40x128xi32, #tpu.memory_space<vmem>> -> memref<1x128xi32, #tpu.memory_space<vmem>>
        %dma_wait3A_199 = tpu.memref_squeeze %dma_wait3A_198 : memref<1x128xi32, #tpu.memory_space<vmem>> -> memref<128xi32, #tpu.memory_space<vmem>>
        %dma_wait3A_200 = arith.constant 0 : i32
        %dma_wait3A_201 = arith.constant 0 : i32
        %dma_wait3A_202 = tpu.memref_slice %arg11[%dma_wait3A_200, %dma_wait3A_201] : memref<10112x128xf32, #tpu.memory_space<vmem_shared>> -> memref<10112x128xf32, #tpu.memory_space<vmem_shared>>
        tpu.wait_indirect_dma semaphore(%run_scoped3A : memref<!tpu.dma_semaphore, #tpu.memory_space<semaphore_mem>>) src(%arg9 : memref<128x128xf32, #tpu.memory_space<vmem>>) dst(%dma_wait3A_202 : memref<10112x128xf32, #tpu.memory_space<vmem_shared>>)
        tpu.yield
      }) : () -> ()
      %add3A_153 = arith.constant 1 : i32
      %add3A_154 = arith.addi %add3A_95, %add3A_153 : i32
      %dma_wait3A_155 = arith.constant 0 : i32
      %dma_wait3A_156 = arith.constant 0 : i32
      %dma_wait3A_157 = arith.constant 0 : i32
      %dma_wait3A_158 = tpu.memref_slice %arg10[%dma_wait3A_156, %dma_wait3A_157] : memref<128x128xf32, #tpu.memory_space<vmem>> -> memref<64x128xf32, #tpu.memory_space<vmem>>
      %dma_wait3A_159 = arith.constant 0 : i32
      %dma_wait3A_160 = tpu.memref_slice %arg7[%add3A_154, %dma_wait3A_159] : memref<40x128xi32, #tpu.memory_space<vmem>> -> memref<1x128xi32, #tpu.memory_space<vmem>>
      %dma_wait3A_161 = tpu.memref_squeeze %dma_wait3A_160 : memref<1x128xi32, #tpu.memory_space<vmem>> -> memref<128xi32, #tpu.memory_space<vmem>>
      %dma_wait3A_162 = arith.constant 0 : i32
      %dma_wait3A_163 = tpu.memref_slice %dma_wait3A_161[%dma_wait3A_162] : memref<128xi32, #tpu.memory_space<vmem>> -> memref<64xi32, #tpu.memory_space<vmem>>
      %dma_wait3A_164 = arith.constant 0 : i32
      %dma_wait3A_165 = arith.constant 0 : i32
      %dma_wait3A_166 = tpu.memref_slice %arg2[%dma_wait3A_164, %dma_wait3A_165] : memref<10000x128xf32, #tpu.memory_space<hbm>> -> memref<10000x128xf32, #tpu.memory_space<hbm>>
      %dma_wait3A_167 = tpu.memref_slice %arg13[%dma_wait3A_155] : memref<2x!tpu.dma_semaphore, #tpu.memory_space<semaphore_mem>> -> memref<1x!tpu.dma_semaphore, #tpu.memory_space<semaphore_mem>>
      %dma_wait3A_168 = tpu.memref_squeeze %dma_wait3A_167 : memref<1x!tpu.dma_semaphore, #tpu.memory_space<semaphore_mem>> -> memref<!tpu.dma_semaphore, #tpu.memory_space<semaphore_mem>>
      tpu.wait_indirect_dma semaphore(%dma_wait3A_168 : memref<!tpu.dma_semaphore, #tpu.memory_space<semaphore_mem>>) src(%dma_wait3A_166 : memref<10000x128xf32, #tpu.memory_space<hbm>>) dst(%dma_wait3A_158 : memref<64x128xf32, #tpu.memory_space<vmem>>)
      %dma_wait3A_169 = arith.constant 1 : i32
      %dma_wait3A_170 = arith.constant 64 : i32
      %dma_wait3A_171 = arith.constant 0 : i32
      %dma_wait3A_172 = tpu.memref_slice %arg10[%dma_wait3A_170, %dma_wait3A_171] : memref<128x128xf32, #tpu.memory_space<vmem>> -> memref<64x128xf32, #tpu.memory_space<vmem>>
      %dma_wait3A_173 = arith.constant 0 : i32
      %dma_wait3A_174 = tpu.memref_slice %arg7[%add3A_154, %dma_wait3A_173] : memref<40x128xi32, #tpu.memory_space<vmem>> -> memref<1x128xi32, #tpu.memory_space<vmem>>
      %dma_wait3A_175 = tpu.memref_squeeze %dma_wait3A_174 : memref<1x128xi32, #tpu.memory_space<vmem>> -> memref<128xi32, #tpu.memory_space<vmem>>
      %dma_wait3A_176 = arith.constant 64 : i32
      %dma_wait3A_177 = tpu.memref_slice %dma_wait3A_175[%dma_wait3A_176] : memref<128xi32, #tpu.memory_space<vmem>> -> memref<64xi32, #tpu.memory_space<vmem>>
      %dma_wait3A_178 = arith.constant 0 : i32
      %dma_wait3A_179 = arith.constant 0 : i32
      %dma_wait3A_180 = tpu.memref_slice %arg2[%dma_wait3A_178, %dma_wait3A_179] : memref<10000x128xf32, #tpu.memory_space<hbm>> -> memref<10000x128xf32, #tpu.memory_space<hbm>>
      %dma_wait3A_181 = tpu.memref_slice %arg13[%dma_wait3A_169] : memref<2x!tpu.dma_semaphore, #tpu.memory_space<semaphore_mem>> -> memref<1x!tpu.dma_semaphore, #tpu.memory_space<semaphore_mem>>
      %dma_wait3A_182 = tpu.memref_squeeze %dma_wait3A_181 : memref<1x!tpu.dma_semaphore, #tpu.memory_space<semaphore_mem>> -> memref<!tpu.dma_semaphore, #tpu.memory_space<semaphore_mem>>
      tpu.wait_indirect_dma semaphore(%dma_wait3A_182 : memref<!tpu.dma_semaphore, #tpu.memory_space<semaphore_mem>>) src(%dma_wait3A_180 : memref<10000x128xf32, #tpu.memory_space<hbm>>) dst(%dma_wait3A_172 : memref<64x128xf32, #tpu.memory_space<vmem>>)
      %add3A_183 = arith.constant 2 : i32
      %add3A_184 = arith.addi %add3A_95, %add3A_183 : i32
      %lt3A = arith.constant 40 : i32
      %lt3A_185 = arith.cmpi slt, %add3A_184, %lt3A : i32
      %convert_element_type3A_186 = arith.extui %lt3A_185 : i1 to i32
      %cond3A_187 = arith.constant 0 : i32
      %cond3A_188 = arith.cmpi ne, %convert_element_type3A_186, %cond3A_187 : i32
      scf.if %cond3A_188 {
        %add3A_191 = arith.constant 2 : i32
        %add3A_192 = arith.addi %add3A_95, %add3A_191 : i32
        %dma_start3A_193 = arith.constant 0 : i32
        %dma_start3A_194 = arith.constant 0 : i32
        %dma_start3A_195 = arith.constant 0 : i32
        %dma_start3A_196 = tpu.memref_slice %arg9[%dma_start3A_194, %dma_start3A_195] : memref<128x128xf32, #tpu.memory_space<vmem>> -> memref<64x128xf32, #tpu.memory_space<vmem>>
        %dma_start3A_197 = arith.constant 0 : i32
        %dma_start3A_198 = tpu.memref_slice %arg7[%add3A_192, %dma_start3A_197] : memref<40x128xi32, #tpu.memory_space<vmem>> -> memref<1x128xi32, #tpu.memory_space<vmem>>
        %dma_start3A_199 = tpu.memref_squeeze %dma_start3A_198 : memref<1x128xi32, #tpu.memory_space<vmem>> -> memref<128xi32, #tpu.memory_space<vmem>>
        %dma_start3A_200 = arith.constant 0 : i32
        %dma_start3A_201 = tpu.memref_slice %dma_start3A_199[%dma_start3A_200] : memref<128xi32, #tpu.memory_space<vmem>> -> memref<64xi32, #tpu.memory_space<vmem>>
        %dma_start3A_202 = arith.constant 0 : i32
        %dma_start3A_203 = arith.constant 0 : i32
        %dma_start3A_204 = tpu.memref_slice %arg2[%dma_start3A_202, %dma_start3A_203] : memref<10000x128xf32, #tpu.memory_space<hbm>> -> memref<10000x128xf32, #tpu.memory_space<hbm>>
        %dma_start3A_205 = tpu.memref_slice %arg12[%dma_start3A_193] : memref<2x!tpu.dma_semaphore, #tpu.memory_space<semaphore_mem>> -> memref<1x!tpu.dma_semaphore, #tpu.memory_space<semaphore_mem>>
        %dma_start3A_206 = tpu.memref_squeeze %dma_start3A_205 : memref<1x!tpu.dma_semaphore, #tpu.memory_space<semaphore_mem>> -> memref<!tpu.dma_semaphore, #tpu.memory_space<semaphore_mem>>
        tpu.enqueue_indirect_dma source(%dma_start3A_204 : memref<10000x128xf32, #tpu.memory_space<hbm>>) target(%dma_start3A_196 : memref<64x128xf32, #tpu.memory_space<vmem>>) offsets(%dma_start3A_201 : memref<64xi32, #tpu.memory_space<vmem>>) semaphore(%dma_start3A_206 : memref<!tpu.dma_semaphore, #tpu.memory_space<semaphore_mem>>)
        %dma_start3A_207 = arith.constant 1 : i32
        %dma_start3A_208 = arith.constant 64 : i32
        %dma_start3A_209 = arith.constant 0 : i32
        %dma_start3A_210 = tpu.memref_slice %arg9[%dma_start3A_208, %dma_start3A_209] : memref<128x128xf32, #tpu.memory_space<vmem>> -> memref<64x128xf32, #tpu.memory_space<vmem>>
        %dma_start3A_211 = arith.constant 0 : i32
        %dma_start3A_212 = tpu.memref_slice %arg7[%add3A_192, %dma_start3A_211] : memref<40x128xi32, #tpu.memory_space<vmem>> -> memref<1x128xi32, #tpu.memory_space<vmem>>
        %dma_start3A_213 = tpu.memref_squeeze %dma_start3A_212 : memref<1x128xi32, #tpu.memory_space<vmem>> -> memref<128xi32, #tpu.memory_space<vmem>>
        %dma_start3A_214 = arith.constant 64 : i32
        %dma_start3A_215 = tpu.memref_slice %dma_start3A_213[%dma_start3A_214] : memref<128xi32, #tpu.memory_space<vmem>> -> memref<64xi32, #tpu.memory_space<vmem>>
        %dma_start3A_216 = arith.constant 0 : i32
        %dma_start3A_217 = arith.constant 0 : i32
        %dma_start3A_218 = tpu.memref_slice %arg2[%dma_start3A_216, %dma_start3A_217] : memref<10000x128xf32, #tpu.memory_space<hbm>> -> memref<10000x128xf32, #tpu.memory_space<hbm>>
        %dma_start3A_219 = tpu.memref_slice %arg12[%dma_start3A_207] : memref<2x!tpu.dma_semaphore, #tpu.memory_space<semaphore_mem>> -> memref<1x!tpu.dma_semaphore, #tpu.memory_space<semaphore_mem>>
        %dma_start3A_220 = tpu.memref_squeeze %dma_start3A_219 : memref<1x!tpu.dma_semaphore, #tpu.memory_space<semaphore_mem>> -> memref<!tpu.dma_semaphore, #tpu.memory_space<semaphore_mem>>
        tpu.enqueue_indirect_dma source(%dma_start3A_218 : memref<10000x128xf32, #tpu.memory_space<hbm>>) target(%dma_start3A_210 : memref<64x128xf32, #tpu.memory_space<vmem>>) offsets(%dma_start3A_215 : memref<64xi32, #tpu.memory_space<vmem>>) semaphore(%dma_start3A_220 : memref<!tpu.dma_semaphore, #tpu.memory_space<semaphore_mem>>)
      } else {
      }
      %add3A_189 = arith.constant 1 : i32
      %add3A_190 = arith.addi %add3A_95, %add3A_189 : i32
      "tpu.region"() ({
        %run_scoped3A = tpu.sem_alloc : memref<!tpu.dma_semaphore, #tpu.memory_space<semaphore_mem>>
        %dma_start3A_191 = arith.constant 0 : i32
        %dma_start3A_192 = tpu.memref_slice %arg8[%add3A_190, %dma_start3A_191] : memref<40x128xi32, #tpu.memory_space<vmem>> -> memref<1x128xi32, #tpu.memory_space<vmem>>
        %dma_start3A_193 = tpu.memref_squeeze %dma_start3A_192 : memref<1x128xi32, #tpu.memory_space<vmem>> -> memref<128xi32, #tpu.memory_space<vmem>>
        %dma_start3A_194 = arith.constant 0 : i32
        %dma_start3A_195 = arith.constant 0 : i32
        %dma_start3A_196 = tpu.memref_slice %arg11[%dma_start3A_194, %dma_start3A_195] : memref<10112x128xf32, #tpu.memory_space<vmem_shared>> -> memref<10112x128xf32, #tpu.memory_space<vmem_shared>>
        tpu.enqueue_indirect_dma source(%arg10 : memref<128x128xf32, #tpu.memory_space<vmem>>) target(%dma_start3A_196 : memref<10112x128xf32, #tpu.memory_space<vmem_shared>>) offsets(%dma_start3A_193 : memref<128xi32, #tpu.memory_space<vmem>>) semaphore(%run_scoped3A : memref<!tpu.dma_semaphore, #tpu.memory_space<semaphore_mem>>) {add = true}
        %dma_wait3A_197 = arith.constant 0 : i32
        %dma_wait3A_198 = tpu.memref_slice %arg8[%add3A_190, %dma_wait3A_197] : memref<40x128xi32, #tpu.memory_space<vmem>> -> memref<1x128xi32, #tpu.memory_space<vmem>>
        %dma_wait3A_199 = tpu.memref_squeeze %dma_wait3A_198 : memref<1x128xi32, #tpu.memory_space<vmem>> -> memref<128xi32, #tpu.memory_space<vmem>>
        %dma_wait3A_200 = arith.constant 0 : i32
        %dma_wait3A_201 = arith.constant 0 : i32
        %dma_wait3A_202 = tpu.memref_slice %arg11[%dma_wait3A_200, %dma_wait3A_201] : memref<10112x128xf32, #tpu.memory_space<vmem_shared>> -> memref<10112x128xf32, #tpu.memory_space<vmem_shared>>
        tpu.wait_indirect_dma semaphore(%run_scoped3A : memref<!tpu.dma_semaphore, #tpu.memory_space<semaphore_mem>>) src(%arg10 : memref<128x128xf32, #tpu.memory_space<vmem>>) dst(%dma_wait3A_202 : memref<10112x128xf32, #tpu.memory_space<vmem_shared>>)
        tpu.yield
      }) : () -> ()
    }
    %scan3A_41 = arith.constant 20 : i32
    %mul3A_42 = arith.constant 80 : i32
    %mul3A_43 = arith.muli %add3A, %mul3A_42 : i32
    %add3A_44 = arith.constant 40 : i32
    %add3A_45 = arith.addi %mul3A_43, %add3A_44 : i32
    "tpu.region"() ({
      %run_scoped3A = tpu.sem_alloc : memref<!tpu.dma_semaphore, #tpu.memory_space<semaphore_mem>>
      %dma_start3A_91 = arith.constant 0 : i32
      %dma_start3A_92 = tpu.memref_slice %arg3[%add3A_45, %dma_start3A_91] : memref<2560x128xi32, #tpu.memory_space<hbm>> -> memref<40x128xi32, #tpu.memory_space<hbm>>
      %dma_start3A_93 = arith.constant 0 : i32
      %dma_start3A_94 = tpu.memref_slice %arg3[%add3A_45, %dma_start3A_93] : memref<2560x128xi32, #tpu.memory_space<hbm>> -> memref<40x128xi32, #tpu.memory_space<hbm>>
      tpu.enqueue_dma source(%dma_start3A_94 : memref<40x128xi32, #tpu.memory_space<hbm>>) target(%arg7 : memref<40x128xi32, #tpu.memory_space<vmem>>) target_semaphore(%run_scoped3A : memref<!tpu.dma_semaphore, #tpu.memory_space<semaphore_mem>>)
      %dma_wait3A = arith.constant 0 : i32
      %dma_wait3A_95 = tpu.memref_slice %arg3[%add3A_45, %dma_wait3A] : memref<2560x128xi32, #tpu.memory_space<hbm>> -> memref<40x128xi32, #tpu.memory_space<hbm>>
      %dma_wait3A_96 = arith.constant 0 : i32
      %dma_wait3A_97 = tpu.memref_slice %arg3[%add3A_45, %dma_wait3A_96] : memref<2560x128xi32, #tpu.memory_space<hbm>> -> memref<40x128xi32, #tpu.memory_space<hbm>>
      tpu.wait_dma2 semaphore(%run_scoped3A : memref<!tpu.dma_semaphore, #tpu.memory_space<semaphore_mem>>) src(%dma_wait3A_97 : memref<40x128xi32, #tpu.memory_space<hbm>>) dst(%arg7 : memref<40x128xi32, #tpu.memory_space<vmem>>)
      tpu.yield
    }) : () -> ()
    "tpu.region"() ({
      %run_scoped3A = tpu.sem_alloc : memref<!tpu.dma_semaphore, #tpu.memory_space<semaphore_mem>>
      %dma_start3A_91 = arith.constant 0 : i32
      %dma_start3A_92 = tpu.memref_slice %arg4[%add3A_45, %dma_start3A_91] : memref<2560x128xi32, #tpu.memory_space<hbm>> -> memref<40x128xi32, #tpu.memory_space<hbm>>
      %dma_start3A_93 = arith.constant 0 : i32
      %dma_start3A_94 = tpu.memref_slice %arg4[%add3A_45, %dma_start3A_93] : memref<2560x128xi32, #tpu.memory_space<hbm>> -> memref<40x128xi32, #tpu.memory_space<hbm>>
      tpu.enqueue_dma source(%dma_start3A_94 : memref<40x128xi32, #tpu.memory_space<hbm>>) target(%arg8 : memref<40x128xi32, #tpu.memory_space<vmem>>) target_semaphore(%run_scoped3A : memref<!tpu.dma_semaphore, #tpu.memory_space<semaphore_mem>>)
      %dma_wait3A = arith.constant 0 : i32
      %dma_wait3A_95 = tpu.memref_slice %arg4[%add3A_45, %dma_wait3A] : memref<2560x128xi32, #tpu.memory_space<hbm>> -> memref<40x128xi32, #tpu.memory_space<hbm>>
      %dma_wait3A_96 = arith.constant 0 : i32
      %dma_wait3A_97 = tpu.memref_slice %arg4[%add3A_45, %dma_wait3A_96] : memref<2560x128xi32, #tpu.memory_space<hbm>> -> memref<40x128xi32, #tpu.memory_space<hbm>>
      tpu.wait_dma2 semaphore(%run_scoped3A : memref<!tpu.dma_semaphore, #tpu.memory_space<semaphore_mem>>) src(%dma_wait3A_97 : memref<40x128xi32, #tpu.memory_space<hbm>>) dst(%arg8 : memref<40x128xi32, #tpu.memory_space<vmem>>)
      tpu.yield
    }) : () -> ()
    %dma_start3A_46 = arith.constant 0 : i32
    %dma_start3A_47 = arith.constant 0 : i32
    %dma_start3A_48 = arith.constant 0 : i32
    %dma_start3A_49 = arith.constant 0 : i32
    %dma_start3A_50 = tpu.memref_slice %arg9[%dma_start3A_48, %dma_start3A_49] : memref<128x128xf32, #tpu.memory_space<vmem>> -> memref<64x128xf32, #tpu.memory_space<vmem>>
    %dma_start3A_51 = arith.constant 0 : i32
    %dma_start3A_52 = tpu.memref_slice %arg7[%dma_start3A_46, %dma_start3A_51] : memref<40x128xi32, #tpu.memory_space<vmem>> -> memref<1x128xi32, #tpu.memory_space<vmem>>
    %dma_start3A_53 = tpu.memref_squeeze %dma_start3A_52 : memref<1x128xi32, #tpu.memory_space<vmem>> -> memref<128xi32, #tpu.memory_space<vmem>>
    %dma_start3A_54 = arith.constant 0 : i32
    %dma_start3A_55 = tpu.memref_slice %dma_start3A_53[%dma_start3A_54] : memref<128xi32, #tpu.memory_space<vmem>> -> memref<64xi32, #tpu.memory_space<vmem>>
    %dma_start3A_56 = arith.constant 0 : i32
    %dma_start3A_57 = arith.constant 0 : i32
    %dma_start3A_58 = tpu.memref_slice %arg2[%dma_start3A_56, %dma_start3A_57] : memref<10000x128xf32, #tpu.memory_space<hbm>> -> memref<10000x128xf32, #tpu.memory_space<hbm>>
    %dma_start3A_59 = tpu.memref_slice %arg12[%dma_start3A_47] : memref<2x!tpu.dma_semaphore, #tpu.memory_space<semaphore_mem>> -> memref<1x!tpu.dma_semaphore, #tpu.memory_space<semaphore_mem>>
    %dma_start3A_60 = tpu.memref_squeeze %dma_start3A_59 : memref<1x!tpu.dma_semaphore, #tpu.memory_space<semaphore_mem>> -> memref<!tpu.dma_semaphore, #tpu.memory_space<semaphore_mem>>
    tpu.enqueue_indirect_dma source(%dma_start3A_58 : memref<10000x128xf32, #tpu.memory_space<hbm>>) target(%dma_start3A_50 : memref<64x128xf32, #tpu.memory_space<vmem>>) offsets(%dma_start3A_55 : memref<64xi32, #tpu.memory_space<vmem>>) semaphore(%dma_start3A_60 : memref<!tpu.dma_semaphore, #tpu.memory_space<semaphore_mem>>)
    %dma_start3A_61 = arith.constant 0 : i32
    %dma_start3A_62 = arith.constant 1 : i32
    %dma_start3A_63 = arith.constant 64 : i32
    %dma_start3A_64 = arith.constant 0 : i32
    %dma_start3A_65 = tpu.memref_slice %arg9[%dma_start3A_63, %dma_start3A_64] : memref<128x128xf32, #tpu.memory_space<vmem>> -> memref<64x128xf32, #tpu.memory_space<vmem>>
    %dma_start3A_66 = arith.constant 0 : i32
    %dma_start3A_67 = tpu.memref_slice %arg7[%dma_start3A_61, %dma_start3A_66] : memref<40x128xi32, #tpu.memory_space<vmem>> -> memref<1x128xi32, #tpu.memory_space<vmem>>
    %dma_start3A_68 = tpu.memref_squeeze %dma_start3A_67 : memref<1x128xi32, #tpu.memory_space<vmem>> -> memref<128xi32, #tpu.memory_space<vmem>>
    %dma_start3A_69 = arith.constant 64 : i32
    %dma_start3A_70 = tpu.memref_slice %dma_start3A_68[%dma_start3A_69] : memref<128xi32, #tpu.memory_space<vmem>> -> memref<64xi32, #tpu.memory_space<vmem>>
    %dma_start3A_71 = arith.constant 0 : i32
    %dma_start3A_72 = arith.constant 0 : i32
    %dma_start3A_73 = tpu.memref_slice %arg2[%dma_start3A_71, %dma_start3A_72] : memref<10000x128xf32, #tpu.memory_space<hbm>> -> memref<10000x128xf32, #tpu.memory_space<hbm>>
    %dma_start3A_74 = tpu.memref_slice %arg12[%dma_start3A_62] : memref<2x!tpu.dma_semaphore, #tpu.memory_space<semaphore_mem>> -> memref<1x!tpu.dma_semaphore, #tpu.memory_space<semaphore_mem>>
    %dma_start3A_75 = tpu.memref_squeeze %dma_start3A_74 : memref<1x!tpu.dma_semaphore, #tpu.memory_space<semaphore_mem>> -> memref<!tpu.dma_semaphore, #tpu.memory_space<semaphore_mem>>
    tpu.enqueue_indirect_dma source(%dma_start3A_73 : memref<10000x128xf32, #tpu.memory_space<hbm>>) target(%dma_start3A_65 : memref<64x128xf32, #tpu.memory_space<vmem>>) offsets(%dma_start3A_70 : memref<64xi32, #tpu.memory_space<vmem>>) semaphore(%dma_start3A_75 : memref<!tpu.dma_semaphore, #tpu.memory_space<semaphore_mem>>)
    %scan3A_76 = arith.constant 0 : i32
    %scan3A_77 = arith.constant 20 : i32
    %scan3A_78 = arith.addi %scan3A_76, %scan3A_77 : i32
    %scan3A_79 = arith.constant 1 : i32
    scf.for %scan3A_91 = %scan3A_76 to %scan3A_78 step %scan3A_79  : i32 {
      %mul3A_92 = arith.constant 2 : i32
      %mul3A_93 = arith.muli %scan3A_91, %mul3A_92 : i32
      %add3A_94 = arith.constant 0 : i32
      %add3A_95 = arith.addi %add3A_94, %mul3A_93 : i32
      %dma_wait3A = arith.constant 0 : i32
      %dma_wait3A_96 = arith.constant 0 : i32
      %dma_wait3A_97 = arith.constant 0 : i32
      %dma_wait3A_98 = tpu.memref_slice %arg9[%dma_wait3A_96, %dma_wait3A_97] : memref<128x128xf32, #tpu.memory_space<vmem>> -> memref<64x128xf32, #tpu.memory_space<vmem>>
      %dma_wait3A_99 = arith.constant 0 : i32
      %dma_wait3A_100 = tpu.memref_slice %arg7[%add3A_95, %dma_wait3A_99] : memref<40x128xi32, #tpu.memory_space<vmem>> -> memref<1x128xi32, #tpu.memory_space<vmem>>
      %dma_wait3A_101 = tpu.memref_squeeze %dma_wait3A_100 : memref<1x128xi32, #tpu.memory_space<vmem>> -> memref<128xi32, #tpu.memory_space<vmem>>
      %dma_wait3A_102 = arith.constant 0 : i32
      %dma_wait3A_103 = tpu.memref_slice %dma_wait3A_101[%dma_wait3A_102] : memref<128xi32, #tpu.memory_space<vmem>> -> memref<64xi32, #tpu.memory_space<vmem>>
      %dma_wait3A_104 = arith.constant 0 : i32
      %dma_wait3A_105 = arith.constant 0 : i32
      %dma_wait3A_106 = tpu.memref_slice %arg2[%dma_wait3A_104, %dma_wait3A_105] : memref<10000x128xf32, #tpu.memory_space<hbm>> -> memref<10000x128xf32, #tpu.memory_space<hbm>>
      %dma_wait3A_107 = tpu.memref_slice %arg12[%dma_wait3A] : memref<2x!tpu.dma_semaphore, #tpu.memory_space<semaphore_mem>> -> memref<1x!tpu.dma_semaphore, #tpu.memory_space<semaphore_mem>>
      %dma_wait3A_108 = tpu.memref_squeeze %dma_wait3A_107 : memref<1x!tpu.dma_semaphore, #tpu.memory_space<semaphore_mem>> -> memref<!tpu.dma_semaphore, #tpu.memory_space<semaphore_mem>>
      tpu.wait_indirect_dma semaphore(%dma_wait3A_108 : memref<!tpu.dma_semaphore, #tpu.memory_space<semaphore_mem>>) src(%dma_wait3A_106 : memref<10000x128xf32, #tpu.memory_space<hbm>>) dst(%dma_wait3A_98 : memref<64x128xf32, #tpu.memory_space<vmem>>)
      %dma_wait3A_109 = arith.constant 1 : i32
      %dma_wait3A_110 = arith.constant 64 : i32
      %dma_wait3A_111 = arith.constant 0 : i32
      %dma_wait3A_112 = tpu.memref_slice %arg9[%dma_wait3A_110, %dma_wait3A_111] : memref<128x128xf32, #tpu.memory_space<vmem>> -> memref<64x128xf32, #tpu.memory_space<vmem>>
      %dma_wait3A_113 = arith.constant 0 : i32
      %dma_wait3A_114 = tpu.memref_slice %arg7[%add3A_95, %dma_wait3A_113] : memref<40x128xi32, #tpu.memory_space<vmem>> -> memref<1x128xi32, #tpu.memory_space<vmem>>
      %dma_wait3A_115 = tpu.memref_squeeze %dma_wait3A_114 : memref<1x128xi32, #tpu.memory_space<vmem>> -> memref<128xi32, #tpu.memory_space<vmem>>
      %dma_wait3A_116 = arith.constant 64 : i32
      %dma_wait3A_117 = tpu.memref_slice %dma_wait3A_115[%dma_wait3A_116] : memref<128xi32, #tpu.memory_space<vmem>> -> memref<64xi32, #tpu.memory_space<vmem>>
      %dma_wait3A_118 = arith.constant 0 : i32
      %dma_wait3A_119 = arith.constant 0 : i32
      %dma_wait3A_120 = tpu.memref_slice %arg2[%dma_wait3A_118, %dma_wait3A_119] : memref<10000x128xf32, #tpu.memory_space<hbm>> -> memref<10000x128xf32, #tpu.memory_space<hbm>>
      %dma_wait3A_121 = tpu.memref_slice %arg12[%dma_wait3A_109] : memref<2x!tpu.dma_semaphore, #tpu.memory_space<semaphore_mem>> -> memref<1x!tpu.dma_semaphore, #tpu.memory_space<semaphore_mem>>
      %dma_wait3A_122 = tpu.memref_squeeze %dma_wait3A_121 : memref<1x!tpu.dma_semaphore, #tpu.memory_space<semaphore_mem>> -> memref<!tpu.dma_semaphore, #tpu.memory_space<semaphore_mem>>
      tpu.wait_indirect_dma semaphore(%dma_wait3A_122 : memref<!tpu.dma_semaphore, #tpu.memory_space<semaphore_mem>>) src(%dma_wait3A_120 : memref<10000x128xf32, #tpu.memory_space<hbm>>) dst(%dma_wait3A_112 : memref<64x128xf32, #tpu.memory_space<vmem>>)
      %add3A_123 = arith.constant 1 : i32
      %add3A_124 = arith.addi %add3A_95, %add3A_123 : i32
      %dma_start3A_125 = arith.constant 0 : i32
      %dma_start3A_126 = arith.constant 0 : i32
      %dma_start3A_127 = arith.constant 0 : i32
      %dma_start3A_128 = tpu.memref_slice %arg10[%dma_start3A_126, %dma_start3A_127] : memref<128x128xf32, #tpu.memory_space<vmem>> -> memref<64x128xf32, #tpu.memory_space<vmem>>
      %dma_start3A_129 = arith.constant 0 : i32
      %dma_start3A_130 = tpu.memref_slice %arg7[%add3A_124, %dma_start3A_129] : memref<40x128xi32, #tpu.memory_space<vmem>> -> memref<1x128xi32, #tpu.memory_space<vmem>>
      %dma_start3A_131 = tpu.memref_squeeze %dma_start3A_130 : memref<1x128xi32, #tpu.memory_space<vmem>> -> memref<128xi32, #tpu.memory_space<vmem>>
      %dma_start3A_132 = arith.constant 0 : i32
      %dma_start3A_133 = tpu.memref_slice %dma_start3A_131[%dma_start3A_132] : memref<128xi32, #tpu.memory_space<vmem>> -> memref<64xi32, #tpu.memory_space<vmem>>
      %dma_start3A_134 = arith.constant 0 : i32
      %dma_start3A_135 = arith.constant 0 : i32
      %dma_start3A_136 = tpu.memref_slice %arg2[%dma_start3A_134, %dma_start3A_135] : memref<10000x128xf32, #tpu.memory_space<hbm>> -> memref<10000x128xf32, #tpu.memory_space<hbm>>
      %dma_start3A_137 = tpu.memref_slice %arg13[%dma_start3A_125] : memref<2x!tpu.dma_semaphore, #tpu.memory_space<semaphore_mem>> -> memref<1x!tpu.dma_semaphore, #tpu.memory_space<semaphore_mem>>
      %dma_start3A_138 = tpu.memref_squeeze %dma_start3A_137 : memref<1x!tpu.dma_semaphore, #tpu.memory_space<semaphore_mem>> -> memref<!tpu.dma_semaphore, #tpu.memory_space<semaphore_mem>>
      tpu.enqueue_indirect_dma source(%dma_start3A_136 : memref<10000x128xf32, #tpu.memory_space<hbm>>) target(%dma_start3A_128 : memref<64x128xf32, #tpu.memory_space<vmem>>) offsets(%dma_start3A_133 : memref<64xi32, #tpu.memory_space<vmem>>) semaphore(%dma_start3A_138 : memref<!tpu.dma_semaphore, #tpu.memory_space<semaphore_mem>>)
      %dma_start3A_139 = arith.constant 1 : i32
      %dma_start3A_140 = arith.constant 64 : i32
      %dma_start3A_141 = arith.constant 0 : i32
      %dma_start3A_142 = tpu.memref_slice %arg10[%dma_start3A_140, %dma_start3A_141] : memref<128x128xf32, #tpu.memory_space<vmem>> -> memref<64x128xf32, #tpu.memory_space<vmem>>
      %dma_start3A_143 = arith.constant 0 : i32
      %dma_start3A_144 = tpu.memref_slice %arg7[%add3A_124, %dma_start3A_143] : memref<40x128xi32, #tpu.memory_space<vmem>> -> memref<1x128xi32, #tpu.memory_space<vmem>>
      %dma_start3A_145 = tpu.memref_squeeze %dma_start3A_144 : memref<1x128xi32, #tpu.memory_space<vmem>> -> memref<128xi32, #tpu.memory_space<vmem>>
      %dma_start3A_146 = arith.constant 64 : i32
      %dma_start3A_147 = tpu.memref_slice %dma_start3A_145[%dma_start3A_146] : memref<128xi32, #tpu.memory_space<vmem>> -> memref<64xi32, #tpu.memory_space<vmem>>
      %dma_start3A_148 = arith.constant 0 : i32
      %dma_start3A_149 = arith.constant 0 : i32
      %dma_start3A_150 = tpu.memref_slice %arg2[%dma_start3A_148, %dma_start3A_149] : memref<10000x128xf32, #tpu.memory_space<hbm>> -> memref<10000x128xf32, #tpu.memory_space<hbm>>
      %dma_start3A_151 = tpu.memref_slice %arg13[%dma_start3A_139] : memref<2x!tpu.dma_semaphore, #tpu.memory_space<semaphore_mem>> -> memref<1x!tpu.dma_semaphore, #tpu.memory_space<semaphore_mem>>
      %dma_start3A_152 = tpu.memref_squeeze %dma_start3A_151 : memref<1x!tpu.dma_semaphore, #tpu.memory_space<semaphore_mem>> -> memref<!tpu.dma_semaphore, #tpu.memory_space<semaphore_mem>>
      tpu.enqueue_indirect_dma source(%dma_start3A_150 : memref<10000x128xf32, #tpu.memory_space<hbm>>) target(%dma_start3A_142 : memref<64x128xf32, #tpu.memory_space<vmem>>) offsets(%dma_start3A_147 : memref<64xi32, #tpu.memory_space<vmem>>) semaphore(%dma_start3A_152 : memref<!tpu.dma_semaphore, #tpu.memory_space<semaphore_mem>>)
      "tpu.region"() ({
        %run_scoped3A = tpu.sem_alloc : memref<!tpu.dma_semaphore, #tpu.memory_space<semaphore_mem>>
        %dma_start3A_191 = arith.constant 0 : i32
        %dma_start3A_192 = tpu.memref_slice %arg8[%add3A_95, %dma_start3A_191] : memref<40x128xi32, #tpu.memory_space<vmem>> -> memref<1x128xi32, #tpu.memory_space<vmem>>
        %dma_start3A_193 = tpu.memref_squeeze %dma_start3A_192 : memref<1x128xi32, #tpu.memory_space<vmem>> -> memref<128xi32, #tpu.memory_space<vmem>>
        %dma_start3A_194 = arith.constant 0 : i32
        %dma_start3A_195 = arith.constant 0 : i32
        %dma_start3A_196 = tpu.memref_slice %arg11[%dma_start3A_194, %dma_start3A_195] : memref<10112x128xf32, #tpu.memory_space<vmem_shared>> -> memref<10112x128xf32, #tpu.memory_space<vmem_shared>>
        tpu.enqueue_indirect_dma source(%arg9 : memref<128x128xf32, #tpu.memory_space<vmem>>) target(%dma_start3A_196 : memref<10112x128xf32, #tpu.memory_space<vmem_shared>>) offsets(%dma_start3A_193 : memref<128xi32, #tpu.memory_space<vmem>>) semaphore(%run_scoped3A : memref<!tpu.dma_semaphore, #tpu.memory_space<semaphore_mem>>) {add = true}
        %dma_wait3A_197 = arith.constant 0 : i32
        %dma_wait3A_198 = tpu.memref_slice %arg8[%add3A_95, %dma_wait3A_197] : memref<40x128xi32, #tpu.memory_space<vmem>> -> memref<1x128xi32, #tpu.memory_space<vmem>>
        %dma_wait3A_199 = tpu.memref_squeeze %dma_wait3A_198 : memref<1x128xi32, #tpu.memory_space<vmem>> -> memref<128xi32, #tpu.memory_space<vmem>>
        %dma_wait3A_200 = arith.constant 0 : i32
        %dma_wait3A_201 = arith.constant 0 : i32
        %dma_wait3A_202 = tpu.memref_slice %arg11[%dma_wait3A_200, %dma_wait3A_201] : memref<10112x128xf32, #tpu.memory_space<vmem_shared>> -> memref<10112x128xf32, #tpu.memory_space<vmem_shared>>
        tpu.wait_indirect_dma semaphore(%run_scoped3A : memref<!tpu.dma_semaphore, #tpu.memory_space<semaphore_mem>>) src(%arg9 : memref<128x128xf32, #tpu.memory_space<vmem>>) dst(%dma_wait3A_202 : memref<10112x128xf32, #tpu.memory_space<vmem_shared>>)
        tpu.yield
      }) : () -> ()
      %add3A_153 = arith.constant 1 : i32
      %add3A_154 = arith.addi %add3A_95, %add3A_153 : i32
      %dma_wait3A_155 = arith.constant 0 : i32
      %dma_wait3A_156 = arith.constant 0 : i32
      %dma_wait3A_157 = arith.constant 0 : i32
      %dma_wait3A_158 = tpu.memref_slice %arg10[%dma_wait3A_156, %dma_wait3A_157] : memref<128x128xf32, #tpu.memory_space<vmem>> -> memref<64x128xf32, #tpu.memory_space<vmem>>
      %dma_wait3A_159 = arith.constant 0 : i32
      %dma_wait3A_160 = tpu.memref_slice %arg7[%add3A_154, %dma_wait3A_159] : memref<40x128xi32, #tpu.memory_space<vmem>> -> memref<1x128xi32, #tpu.memory_space<vmem>>
      %dma_wait3A_161 = tpu.memref_squeeze %dma_wait3A_160 : memref<1x128xi32, #tpu.memory_space<vmem>> -> memref<128xi32, #tpu.memory_space<vmem>>
      %dma_wait3A_162 = arith.constant 0 : i32
      %dma_wait3A_163 = tpu.memref_slice %dma_wait3A_161[%dma_wait3A_162] : memref<128xi32, #tpu.memory_space<vmem>> -> memref<64xi32, #tpu.memory_space<vmem>>
      %dma_wait3A_164 = arith.constant 0 : i32
      %dma_wait3A_165 = arith.constant 0 : i32
      %dma_wait3A_166 = tpu.memref_slice %arg2[%dma_wait3A_164, %dma_wait3A_165] : memref<10000x128xf32, #tpu.memory_space<hbm>> -> memref<10000x128xf32, #tpu.memory_space<hbm>>
      %dma_wait3A_167 = tpu.memref_slice %arg13[%dma_wait3A_155] : memref<2x!tpu.dma_semaphore, #tpu.memory_space<semaphore_mem>> -> memref<1x!tpu.dma_semaphore, #tpu.memory_space<semaphore_mem>>
      %dma_wait3A_168 = tpu.memref_squeeze %dma_wait3A_167 : memref<1x!tpu.dma_semaphore, #tpu.memory_space<semaphore_mem>> -> memref<!tpu.dma_semaphore, #tpu.memory_space<semaphore_mem>>
      tpu.wait_indirect_dma semaphore(%dma_wait3A_168 : memref<!tpu.dma_semaphore, #tpu.memory_space<semaphore_mem>>) src(%dma_wait3A_166 : memref<10000x128xf32, #tpu.memory_space<hbm>>) dst(%dma_wait3A_158 : memref<64x128xf32, #tpu.memory_space<vmem>>)
      %dma_wait3A_169 = arith.constant 1 : i32
      %dma_wait3A_170 = arith.constant 64 : i32
      %dma_wait3A_171 = arith.constant 0 : i32
      %dma_wait3A_172 = tpu.memref_slice %arg10[%dma_wait3A_170, %dma_wait3A_171] : memref<128x128xf32, #tpu.memory_space<vmem>> -> memref<64x128xf32, #tpu.memory_space<vmem>>
      %dma_wait3A_173 = arith.constant 0 : i32
      %dma_wait3A_174 = tpu.memref_slice %arg7[%add3A_154, %dma_wait3A_173] : memref<40x128xi32, #tpu.memory_space<vmem>> -> memref<1x128xi32, #tpu.memory_space<vmem>>
      %dma_wait3A_175 = tpu.memref_squeeze %dma_wait3A_174 : memref<1x128xi32, #tpu.memory_space<vmem>> -> memref<128xi32, #tpu.memory_space<vmem>>
      %dma_wait3A_176 = arith.constant 64 : i32
      %dma_wait3A_177 = tpu.memref_slice %dma_wait3A_175[%dma_wait3A_176] : memref<128xi32, #tpu.memory_space<vmem>> -> memref<64xi32, #tpu.memory_space<vmem>>
      %dma_wait3A_178 = arith.constant 0 : i32
      %dma_wait3A_179 = arith.constant 0 : i32
      %dma_wait3A_180 = tpu.memref_slice %arg2[%dma_wait3A_178, %dma_wait3A_179] : memref<10000x128xf32, #tpu.memory_space<hbm>> -> memref<10000x128xf32, #tpu.memory_space<hbm>>
      %dma_wait3A_181 = tpu.memref_slice %arg13[%dma_wait3A_169] : memref<2x!tpu.dma_semaphore, #tpu.memory_space<semaphore_mem>> -> memref<1x!tpu.dma_semaphore, #tpu.memory_space<semaphore_mem>>
      %dma_wait3A_182 = tpu.memref_squeeze %dma_wait3A_181 : memref<1x!tpu.dma_semaphore, #tpu.memory_space<semaphore_mem>> -> memref<!tpu.dma_semaphore, #tpu.memory_space<semaphore_mem>>
      tpu.wait_indirect_dma semaphore(%dma_wait3A_182 : memref<!tpu.dma_semaphore, #tpu.memory_space<semaphore_mem>>) src(%dma_wait3A_180 : memref<10000x128xf32, #tpu.memory_space<hbm>>) dst(%dma_wait3A_172 : memref<64x128xf32, #tpu.memory_space<vmem>>)
      %add3A_183 = arith.constant 2 : i32
      %add3A_184 = arith.addi %add3A_95, %add3A_183 : i32
      %lt3A = arith.constant 40 : i32
      %lt3A_185 = arith.cmpi slt, %add3A_184, %lt3A : i32
      %convert_element_type3A_186 = arith.extui %lt3A_185 : i1 to i32
      %cond3A_187 = arith.constant 0 : i32
      %cond3A_188 = arith.cmpi ne, %convert_element_type3A_186, %cond3A_187 : i32
      scf.if %cond3A_188 {
        %add3A_191 = arith.constant 2 : i32
        %add3A_192 = arith.addi %add3A_95, %add3A_191 : i32
        %dma_start3A_193 = arith.constant 0 : i32
        %dma_start3A_194 = arith.constant 0 : i32
        %dma_start3A_195 = arith.constant 0 : i32
        %dma_start3A_196 = tpu.memref_slice %arg9[%dma_start3A_194, %dma_start3A_195] : memref<128x128xf32, #tpu.memory_space<vmem>> -> memref<64x128xf32, #tpu.memory_space<vmem>>
        %dma_start3A_197 = arith.constant 0 : i32
        %dma_start3A_198 = tpu.memref_slice %arg7[%add3A_192, %dma_start3A_197] : memref<40x128xi32, #tpu.memory_space<vmem>> -> memref<1x128xi32, #tpu.memory_space<vmem>>
        %dma_start3A_199 = tpu.memref_squeeze %dma_start3A_198 : memref<1x128xi32, #tpu.memory_space<vmem>> -> memref<128xi32, #tpu.memory_space<vmem>>
        %dma_start3A_200 = arith.constant 0 : i32
        %dma_start3A_201 = tpu.memref_slice %dma_start3A_199[%dma_start3A_200] : memref<128xi32, #tpu.memory_space<vmem>> -> memref<64xi32, #tpu.memory_space<vmem>>
        %dma_start3A_202 = arith.constant 0 : i32
        %dma_start3A_203 = arith.constant 0 : i32
        %dma_start3A_204 = tpu.memref_slice %arg2[%dma_start3A_202, %dma_start3A_203] : memref<10000x128xf32, #tpu.memory_space<hbm>> -> memref<10000x128xf32, #tpu.memory_space<hbm>>
        %dma_start3A_205 = tpu.memref_slice %arg12[%dma_start3A_193] : memref<2x!tpu.dma_semaphore, #tpu.memory_space<semaphore_mem>> -> memref<1x!tpu.dma_semaphore, #tpu.memory_space<semaphore_mem>>
        %dma_start3A_206 = tpu.memref_squeeze %dma_start3A_205 : memref<1x!tpu.dma_semaphore, #tpu.memory_space<semaphore_mem>> -> memref<!tpu.dma_semaphore, #tpu.memory_space<semaphore_mem>>
        tpu.enqueue_indirect_dma source(%dma_start3A_204 : memref<10000x128xf32, #tpu.memory_space<hbm>>) target(%dma_start3A_196 : memref<64x128xf32, #tpu.memory_space<vmem>>) offsets(%dma_start3A_201 : memref<64xi32, #tpu.memory_space<vmem>>) semaphore(%dma_start3A_206 : memref<!tpu.dma_semaphore, #tpu.memory_space<semaphore_mem>>)
        %dma_start3A_207 = arith.constant 1 : i32
        %dma_start3A_208 = arith.constant 64 : i32
        %dma_start3A_209 = arith.constant 0 : i32
        %dma_start3A_210 = tpu.memref_slice %arg9[%dma_start3A_208, %dma_start3A_209] : memref<128x128xf32, #tpu.memory_space<vmem>> -> memref<64x128xf32, #tpu.memory_space<vmem>>
        %dma_start3A_211 = arith.constant 0 : i32
        %dma_start3A_212 = tpu.memref_slice %arg7[%add3A_192, %dma_start3A_211] : memref<40x128xi32, #tpu.memory_space<vmem>> -> memref<1x128xi32, #tpu.memory_space<vmem>>
        %dma_start3A_213 = tpu.memref_squeeze %dma_start3A_212 : memref<1x128xi32, #tpu.memory_space<vmem>> -> memref<128xi32, #tpu.memory_space<vmem>>
        %dma_start3A_214 = arith.constant 64 : i32
        %dma_start3A_215 = tpu.memref_slice %dma_start3A_213[%dma_start3A_214] : memref<128xi32, #tpu.memory_space<vmem>> -> memref<64xi32, #tpu.memory_space<vmem>>
        %dma_start3A_216 = arith.constant 0 : i32
        %dma_start3A_217 = arith.constant 0 : i32
        %dma_start3A_218 = tpu.memref_slice %arg2[%dma_start3A_216, %dma_start3A_217] : memref<10000x128xf32, #tpu.memory_space<hbm>> -> memref<10000x128xf32, #tpu.memory_space<hbm>>
        %dma_start3A_219 = tpu.memref_slice %arg12[%dma_start3A_207] : memref<2x!tpu.dma_semaphore, #tpu.memory_space<semaphore_mem>> -> memref<1x!tpu.dma_semaphore, #tpu.memory_space<semaphore_mem>>
        %dma_start3A_220 = tpu.memref_squeeze %dma_start3A_219 : memref<1x!tpu.dma_semaphore, #tpu.memory_space<semaphore_mem>> -> memref<!tpu.dma_semaphore, #tpu.memory_space<semaphore_mem>>
        tpu.enqueue_indirect_dma source(%dma_start3A_218 : memref<10000x128xf32, #tpu.memory_space<hbm>>) target(%dma_start3A_210 : memref<64x128xf32, #tpu.memory_space<vmem>>) offsets(%dma_start3A_215 : memref<64xi32, #tpu.memory_space<vmem>>) semaphore(%dma_start3A_220 : memref<!tpu.dma_semaphore, #tpu.memory_space<semaphore_mem>>)
      } else {
      }
      %add3A_189 = arith.constant 1 : i32
      %add3A_190 = arith.addi %add3A_95, %add3A_189 : i32
      "tpu.region"() ({
        %run_scoped3A = tpu.sem_alloc : memref<!tpu.dma_semaphore, #tpu.memory_space<semaphore_mem>>
        %dma_start3A_191 = arith.constant 0 : i32
        %dma_start3A_192 = tpu.memref_slice %arg8[%add3A_190, %dma_start3A_191] : memref<40x128xi32, #tpu.memory_space<vmem>> -> memref<1x128xi32, #tpu.memory_space<vmem>>
        %dma_start3A_193 = tpu.memref_squeeze %dma_start3A_192 : memref<1x128xi32, #tpu.memory_space<vmem>> -> memref<128xi32, #tpu.memory_space<vmem>>
        %dma_start3A_194 = arith.constant 0 : i32
        %dma_start3A_195 = arith.constant 0 : i32
        %dma_start3A_196 = tpu.memref_slice %arg11[%dma_start3A_194, %dma_start3A_195] : memref<10112x128xf32, #tpu.memory_space<vmem_shared>> -> memref<10112x128xf32, #tpu.memory_space<vmem_shared>>
        tpu.enqueue_indirect_dma source(%arg10 : memref<128x128xf32, #tpu.memory_space<vmem>>) target(%dma_start3A_196 : memref<10112x128xf32, #tpu.memory_space<vmem_shared>>) offsets(%dma_start3A_193 : memref<128xi32, #tpu.memory_space<vmem>>) semaphore(%run_scoped3A : memref<!tpu.dma_semaphore, #tpu.memory_space<semaphore_mem>>) {add = true}
        %dma_wait3A_197 = arith.constant 0 : i32
        %dma_wait3A_198 = tpu.memref_slice %arg8[%add3A_190, %dma_wait3A_197] : memref<40x128xi32, #tpu.memory_space<vmem>> -> memref<1x128xi32, #tpu.memory_space<vmem>>
        %dma_wait3A_199 = tpu.memref_squeeze %dma_wait3A_198 : memref<1x128xi32, #tpu.memory_space<vmem>> -> memref<128xi32, #tpu.memory_space<vmem>>
        %dma_wait3A_200 = arith.constant 0 : i32
        %dma_wait3A_201 = arith.constant 0 : i32
        %dma_wait3A_202 = tpu.memref_slice %arg11[%dma_wait3A_200, %dma_wait3A_201] : memref<10112x128xf32, #tpu.memory_space<vmem_shared>> -> memref<10112x128xf32, #tpu.memory_space<vmem_shared>>
        tpu.wait_indirect_dma semaphore(%run_scoped3A : memref<!tpu.dma_semaphore, #tpu.memory_space<semaphore_mem>>) src(%arg10 : memref<128x128xf32, #tpu.memory_space<vmem>>) dst(%dma_wait3A_202 : memref<10112x128xf32, #tpu.memory_space<vmem_shared>>)
        tpu.yield
      }) : () -> ()
    }
    %scan3A_80 = arith.constant 20 : i32
    %barrier3A_81 = arith.constant 0 : index
    tpu.barrier barrier_id(%barrier3A_81)
    %mul3A_82 = arith.constant 624 : i32
    %mul3A_83 = arith.muli %arg1, %mul3A_82 : i32
    %mul3A_84 = arith.constant 10000 : i32
    %mul3A_85 = arith.muli %arg0, %mul3A_84 : i32
    %mul3A_86 = arith.constant 624 : i32
    %mul3A_87 = arith.muli %arg1, %mul3A_86 : i32
    %add3A_88 = arith.addi %mul3A_85, %mul3A_87 : i32
    "tpu.region"() ({
      %run_scoped3A = tpu.sem_alloc : memref<!tpu.dma_semaphore, #tpu.memory_space<semaphore_mem>>
      %dma_start3A_91 = arith.constant 0 : i32
      %dma_start3A_92 = tpu.memref_slice %arg6[%add3A_88, %dma_start3A_91] : memref<20000x128xf32, #tpu.memory_space<hbm>> -> memref<624x128xf32, #tpu.memory_space<hbm>>
      %dma_start3A_93 = arith.constant 0 : i32
      %dma_start3A_94 = tpu.memref_slice %arg11[%mul3A_83, %dma_start3A_93] : memref<10112x128xf32, #tpu.memory_space<vmem_shared>> -> memref<624x128xf32, #tpu.memory_space<vmem_shared>>
      tpu.enqueue_dma source(%dma_start3A_94 : memref<624x128xf32, #tpu.memory_space<vmem_shared>>) target(%dma_start3A_92 : memref<624x128xf32, #tpu.memory_space<hbm>>) target_semaphore(%run_scoped3A : memref<!tpu.dma_semaphore, #tpu.memory_space<semaphore_mem>>)
      %dma_wait3A = arith.constant 0 : i32
      %dma_wait3A_95 = tpu.memref_slice %arg6[%add3A_88, %dma_wait3A] : memref<20000x128xf32, #tpu.memory_space<hbm>> -> memref<624x128xf32, #tpu.memory_space<hbm>>
      %dma_wait3A_96 = arith.constant 0 : i32
      %dma_wait3A_97 = tpu.memref_slice %arg11[%mul3A_83, %dma_wait3A_96] : memref<10112x128xf32, #tpu.memory_space<vmem_shared>> -> memref<624x128xf32, #tpu.memory_space<vmem_shared>>
      tpu.wait_dma2 semaphore(%run_scoped3A : memref<!tpu.dma_semaphore, #tpu.memory_space<semaphore_mem>>) src(%dma_wait3A_97 : memref<624x128xf32, #tpu.memory_space<vmem_shared>>) dst(%dma_wait3A_95 : memref<624x128xf32, #tpu.memory_space<hbm>>)
      tpu.yield
    }) : () -> ()
    %eq3A = arith.constant 15 : i32
    %eq3A_89 = arith.cmpi eq, %arg1, %eq3A : i32
    %convert_element_type3A = arith.extui %eq3A_89 : i1 to i32
    %cond3A = arith.constant 0 : i32
    %cond3A_90 = arith.cmpi ne, %convert_element_type3A, %cond3A : i32
    scf.if %cond3A_90 {
      %mul3A_91 = arith.constant 10000 : i32
      %mul3A_92 = arith.muli %arg0, %mul3A_91 : i32
      %add3A_93 = arith.constant 9984 : i32
      %add3A_94 = arith.addi %mul3A_92, %add3A_93 : i32
      "tpu.region"() ({
        %run_scoped3A = tpu.sem_alloc : memref<!tpu.dma_semaphore, #tpu.memory_space<semaphore_mem>>
        %dma_start3A_95 = arith.constant 0 : i32
        %dma_start3A_96 = tpu.memref_slice %arg6[%add3A_94, %dma_start3A_95] : memref<20000x128xf32, #tpu.memory_space<hbm>> -> memref<16x128xf32, #tpu.memory_space<hbm>>
        %dma_start3A_97 = arith.constant 9984 : i32
        %dma_start3A_98 = arith.constant 0 : i32
        %dma_start3A_99 = tpu.memref_slice %arg11[%dma_start3A_97, %dma_start3A_98] : memref<10112x128xf32, #tpu.memory_space<vmem_shared>> -> memref<16x128xf32, #tpu.memory_space<vmem_shared>>
        tpu.enqueue_dma source(%dma_start3A_99 : memref<16x128xf32, #tpu.memory_space<vmem_shared>>) target(%dma_start3A_96 : memref<16x128xf32, #tpu.memory_space<hbm>>) target_semaphore(%run_scoped3A : memref<!tpu.dma_semaphore, #tpu.memory_space<semaphore_mem>>)
        %dma_wait3A = arith.constant 0 : i32
        %dma_wait3A_100 = tpu.memref_slice %arg6[%add3A_94, %dma_wait3A] : memref<20000x128xf32, #tpu.memory_space<hbm>> -> memref<16x128xf32, #tpu.memory_space<hbm>>
        %dma_wait3A_101 = arith.constant 9984 : i32
        %dma_wait3A_102 = arith.constant 0 : i32
        %dma_wait3A_103 = tpu.memref_slice %arg11[%dma_wait3A_101, %dma_wait3A_102] : memref<10112x128xf32, #tpu.memory_space<vmem_shared>> -> memref<16x128xf32, #tpu.memory_space<vmem_shared>>
        tpu.wait_dma2 semaphore(%run_scoped3A : memref<!tpu.dma_semaphore, #tpu.memory_space<semaphore_mem>>) src(%dma_wait3A_103 : memref<16x128xf32, #tpu.memory_space<vmem_shared>>) dst(%dma_wait3A_100 : memref<16x128xf32, #tpu.memory_space<hbm>>)
        tpu.yield
      }) : () -> ()
    } else {
    }
    return
  }
}

#map = affine_map<(d0, d1) -> (0, 0)>
module attributes {stable_mosaic.version = 14 : i64} {
  func.func @agg(%arg0: i32, %arg1: i32, %arg2: memref<20000x128xf32, #tpu.memory_space<hbm>>, %arg3: memref<5120x128xi32, #tpu.memory_space<hbm>>, %arg4: memref<5120x128xi32, #tpu.memory_space<hbm>>, %arg5: memref<1264x128xf32, #tpu.memory_space<hbm>>, %arg6: memref<20000x128xf32, #tpu.memory_space<hbm>>, %arg7: memref<40x128xi32, #tpu.memory_space<vmem>>, %arg8: memref<40x128xi32, #tpu.memory_space<vmem>>, %arg9: memref<128x128xf32, #tpu.memory_space<vmem>>, %arg10: memref<128x128xf32, #tpu.memory_space<vmem>>, %arg11: memref<10112x128xf32, #tpu.memory_space<vmem_shared>>, %arg12: memref<2x!tpu.dma_semaphore, #tpu.memory_space<semaphore_mem>>, %arg13: memref<2x!tpu.dma_semaphore, #tpu.memory_space<semaphore_mem>>) attributes {dimension_semantics = [#tpu.dimension_semantics<core_parallel>, #tpu.dimension_semantics<subcore_parallel>], iteration_bounds = array<i64: 2, 16>, scalar_prefetch = 0 : i64, scratch_operands = 7 : i64, tpu.core_type = #tpu.core_type<sc_vector_subcore>, window_params = [{transform_indices = #map}, {transform_indices = #map}, {transform_indices = #map}, {transform_indices = #map}, {transform_indices = #map}]} {
    %mul3A = arith.constant 2 : i32
    %mul3A_0 = arith.muli %arg1, %mul3A : i32
    %add3A = arith.addi %mul3A_0, %arg0 : i32
    %mul3A_1 = arith.constant 632 : i32
    %mul3A_2 = arith.muli %arg0, %mul3A_1 : i32
    %mul3A_3 = arith.constant 632 : i32
    %mul3A_4 = arith.muli %arg1, %mul3A_3 : i32
    "tpu.region"() ({
      %run_scoped3A = tpu.sem_alloc : memref<!tpu.dma_semaphore, #tpu.memory_space<semaphore_mem>>
      %dma_start3A_169 = arith.constant 0 : i32
      %dma_start3A_170 = tpu.memref_slice %arg11[%mul3A_4, %dma_start3A_169] : memref<10112x128xf32, #tpu.memory_space<vmem_shared>> -> memref<632x128xf32, #tpu.memory_space<vmem_shared>>
      %dma_start3A_171 = arith.constant 0 : i32
      %dma_start3A_172 = tpu.memref_slice %arg5[%mul3A_2, %dma_start3A_171] : memref<1264x128xf32, #tpu.memory_space<hbm>> -> memref<632x128xf32, #tpu.memory_space<hbm>>
      tpu.enqueue_dma source(%dma_start3A_172 : memref<632x128xf32, #tpu.memory_space<hbm>>) target(%dma_start3A_170 : memref<632x128xf32, #tpu.memory_space<vmem_shared>>) target_semaphore(%run_scoped3A : memref<!tpu.dma_semaphore, #tpu.memory_space<semaphore_mem>>)
      %dma_wait3A = arith.constant 0 : i32
      %dma_wait3A_173 = tpu.memref_slice %arg11[%mul3A_4, %dma_wait3A] : memref<10112x128xf32, #tpu.memory_space<vmem_shared>> -> memref<632x128xf32, #tpu.memory_space<vmem_shared>>
      %dma_wait3A_174 = arith.constant 0 : i32
      %dma_wait3A_175 = tpu.memref_slice %arg5[%mul3A_2, %dma_wait3A_174] : memref<1264x128xf32, #tpu.memory_space<hbm>> -> memref<632x128xf32, #tpu.memory_space<hbm>>
      tpu.wait_dma2 semaphore(%run_scoped3A : memref<!tpu.dma_semaphore, #tpu.memory_space<semaphore_mem>>) src(%dma_wait3A_175 : memref<632x128xf32, #tpu.memory_space<hbm>>) dst(%dma_wait3A_173 : memref<632x128xf32, #tpu.memory_space<vmem_shared>>)
      tpu.yield
    }) : () -> ()
    %barrier3A = arith.constant 0 : index
    tpu.barrier barrier_id(%barrier3A)
    %mul3A_5 = arith.constant 160 : i32
    %mul3A_6 = arith.muli %add3A, %mul3A_5 : i32
    %add3A_7 = arith.constant 0 : i32
    %add3A_8 = arith.addi %mul3A_6, %add3A_7 : i32
    "tpu.region"() ({
      %run_scoped3A = tpu.sem_alloc : memref<!tpu.dma_semaphore, #tpu.memory_space<semaphore_mem>>
      %dma_start3A_169 = arith.constant 0 : i32
      %dma_start3A_170 = tpu.memref_slice %arg3[%add3A_8, %dma_start3A_169] : memref<5120x128xi32, #tpu.memory_space<hbm>> -> memref<40x128xi32, #tpu.memory_space<hbm>>
      %dma_start3A_171 = arith.constant 0 : i32
      %dma_start3A_172 = tpu.memref_slice %arg3[%add3A_8, %dma_start3A_171] : memref<5120x128xi32, #tpu.memory_space<hbm>> -> memref<40x128xi32, #tpu.memory_space<hbm>>
      tpu.enqueue_dma source(%dma_start3A_172 : memref<40x128xi32, #tpu.memory_space<hbm>>) target(%arg7 : memref<40x128xi32, #tpu.memory_space<vmem>>) target_semaphore(%run_scoped3A : memref<!tpu.dma_semaphore, #tpu.memory_space<semaphore_mem>>)
      %dma_wait3A = arith.constant 0 : i32
      %dma_wait3A_173 = tpu.memref_slice %arg3[%add3A_8, %dma_wait3A] : memref<5120x128xi32, #tpu.memory_space<hbm>> -> memref<40x128xi32, #tpu.memory_space<hbm>>
      %dma_wait3A_174 = arith.constant 0 : i32
      %dma_wait3A_175 = tpu.memref_slice %arg3[%add3A_8, %dma_wait3A_174] : memref<5120x128xi32, #tpu.memory_space<hbm>> -> memref<40x128xi32, #tpu.memory_space<hbm>>
      tpu.wait_dma2 semaphore(%run_scoped3A : memref<!tpu.dma_semaphore, #tpu.memory_space<semaphore_mem>>) src(%dma_wait3A_175 : memref<40x128xi32, #tpu.memory_space<hbm>>) dst(%arg7 : memref<40x128xi32, #tpu.memory_space<vmem>>)
      tpu.yield
    }) : () -> ()
    "tpu.region"() ({
      %run_scoped3A = tpu.sem_alloc : memref<!tpu.dma_semaphore, #tpu.memory_space<semaphore_mem>>
      %dma_start3A_169 = arith.constant 0 : i32
      %dma_start3A_170 = tpu.memref_slice %arg4[%add3A_8, %dma_start3A_169] : memref<5120x128xi32, #tpu.memory_space<hbm>> -> memref<40x128xi32, #tpu.memory_space<hbm>>
      %dma_start3A_171 = arith.constant 0 : i32
      %dma_start3A_172 = tpu.memref_slice %arg4[%add3A_8, %dma_start3A_171] : memref<5120x128xi32, #tpu.memory_space<hbm>> -> memref<40x128xi32, #tpu.memory_space<hbm>>
      tpu.enqueue_dma source(%dma_start3A_172 : memref<40x128xi32, #tpu.memory_space<hbm>>) target(%arg8 : memref<40x128xi32, #tpu.memory_space<vmem>>) target_semaphore(%run_scoped3A : memref<!tpu.dma_semaphore, #tpu.memory_space<semaphore_mem>>)
      %dma_wait3A = arith.constant 0 : i32
      %dma_wait3A_173 = tpu.memref_slice %arg4[%add3A_8, %dma_wait3A] : memref<5120x128xi32, #tpu.memory_space<hbm>> -> memref<40x128xi32, #tpu.memory_space<hbm>>
      %dma_wait3A_174 = arith.constant 0 : i32
      %dma_wait3A_175 = tpu.memref_slice %arg4[%add3A_8, %dma_wait3A_174] : memref<5120x128xi32, #tpu.memory_space<hbm>> -> memref<40x128xi32, #tpu.memory_space<hbm>>
      tpu.wait_dma2 semaphore(%run_scoped3A : memref<!tpu.dma_semaphore, #tpu.memory_space<semaphore_mem>>) src(%dma_wait3A_175 : memref<40x128xi32, #tpu.memory_space<hbm>>) dst(%arg8 : memref<40x128xi32, #tpu.memory_space<vmem>>)
      tpu.yield
    }) : () -> ()
    %dma_start3A = arith.constant 0 : i32
    %dma_start3A_9 = arith.constant 0 : i32
    %dma_start3A_10 = arith.constant 0 : i32
    %dma_start3A_11 = arith.constant 0 : i32
    %dma_start3A_12 = tpu.memref_slice %arg9[%dma_start3A_10, %dma_start3A_11] : memref<128x128xf32, #tpu.memory_space<vmem>> -> memref<64x128xf32, #tpu.memory_space<vmem>>
    %dma_start3A_13 = arith.constant 0 : i32
    %dma_start3A_14 = tpu.memref_slice %arg7[%dma_start3A, %dma_start3A_13] : memref<40x128xi32, #tpu.memory_space<vmem>> -> memref<1x128xi32, #tpu.memory_space<vmem>>
    %dma_start3A_15 = tpu.memref_squeeze %dma_start3A_14 : memref<1x128xi32, #tpu.memory_space<vmem>> -> memref<128xi32, #tpu.memory_space<vmem>>
    %dma_start3A_16 = arith.constant 0 : i32
    %dma_start3A_17 = tpu.memref_slice %dma_start3A_15[%dma_start3A_16] : memref<128xi32, #tpu.memory_space<vmem>> -> memref<64xi32, #tpu.memory_space<vmem>>
    %dma_start3A_18 = arith.constant 0 : i32
    %dma_start3A_19 = arith.constant 0 : i32
    %dma_start3A_20 = tpu.memref_slice %arg2[%dma_start3A_18, %dma_start3A_19] : memref<20000x128xf32, #tpu.memory_space<hbm>> -> memref<20000x128xf32, #tpu.memory_space<hbm>>
    %dma_start3A_21 = tpu.memref_slice %arg12[%dma_start3A_9] : memref<2x!tpu.dma_semaphore, #tpu.memory_space<semaphore_mem>> -> memref<1x!tpu.dma_semaphore, #tpu.memory_space<semaphore_mem>>
    %dma_start3A_22 = tpu.memref_squeeze %dma_start3A_21 : memref<1x!tpu.dma_semaphore, #tpu.memory_space<semaphore_mem>> -> memref<!tpu.dma_semaphore, #tpu.memory_space<semaphore_mem>>
    tpu.enqueue_indirect_dma source(%dma_start3A_20 : memref<20000x128xf32, #tpu.memory_space<hbm>>) target(%dma_start3A_12 : memref<64x128xf32, #tpu.memory_space<vmem>>) offsets(%dma_start3A_17 : memref<64xi32, #tpu.memory_space<vmem>>) semaphore(%dma_start3A_22 : memref<!tpu.dma_semaphore, #tpu.memory_space<semaphore_mem>>)
    %dma_start3A_23 = arith.constant 0 : i32
    %dma_start3A_24 = arith.constant 1 : i32
    %dma_start3A_25 = arith.constant 64 : i32
    %dma_start3A_26 = arith.constant 0 : i32
    %dma_start3A_27 = tpu.memref_slice %arg9[%dma_start3A_25, %dma_start3A_26] : memref<128x128xf32, #tpu.memory_space<vmem>> -> memref<64x128xf32, #tpu.memory_space<vmem>>
    %dma_start3A_28 = arith.constant 0 : i32
    %dma_start3A_29 = tpu.memref_slice %arg7[%dma_start3A_23, %dma_start3A_28] : memref<40x128xi32, #tpu.memory_space<vmem>> -> memref<1x128xi32, #tpu.memory_space<vmem>>
    %dma_start3A_30 = tpu.memref_squeeze %dma_start3A_29 : memref<1x128xi32, #tpu.memory_space<vmem>> -> memref<128xi32, #tpu.memory_space<vmem>>
    %dma_start3A_31 = arith.constant 64 : i32
    %dma_start3A_32 = tpu.memref_slice %dma_start3A_30[%dma_start3A_31] : memref<128xi32, #tpu.memory_space<vmem>> -> memref<64xi32, #tpu.memory_space<vmem>>
    %dma_start3A_33 = arith.constant 0 : i32
    %dma_start3A_34 = arith.constant 0 : i32
    %dma_start3A_35 = tpu.memref_slice %arg2[%dma_start3A_33, %dma_start3A_34] : memref<20000x128xf32, #tpu.memory_space<hbm>> -> memref<20000x128xf32, #tpu.memory_space<hbm>>
    %dma_start3A_36 = tpu.memref_slice %arg12[%dma_start3A_24] : memref<2x!tpu.dma_semaphore, #tpu.memory_space<semaphore_mem>> -> memref<1x!tpu.dma_semaphore, #tpu.memory_space<semaphore_mem>>
    %dma_start3A_37 = tpu.memref_squeeze %dma_start3A_36 : memref<1x!tpu.dma_semaphore, #tpu.memory_space<semaphore_mem>> -> memref<!tpu.dma_semaphore, #tpu.memory_space<semaphore_mem>>
    tpu.enqueue_indirect_dma source(%dma_start3A_35 : memref<20000x128xf32, #tpu.memory_space<hbm>>) target(%dma_start3A_27 : memref<64x128xf32, #tpu.memory_space<vmem>>) offsets(%dma_start3A_32 : memref<64xi32, #tpu.memory_space<vmem>>) semaphore(%dma_start3A_37 : memref<!tpu.dma_semaphore, #tpu.memory_space<semaphore_mem>>)
    %scan3A = arith.constant 0 : i32
    %scan3A_38 = arith.constant 20 : i32
    %scan3A_39 = arith.addi %scan3A, %scan3A_38 : i32
    %scan3A_40 = arith.constant 1 : i32
    scf.for %scan3A_169 = %scan3A to %scan3A_39 step %scan3A_40  : i32 {
      %mul3A_170 = arith.constant 2 : i32
      %mul3A_171 = arith.muli %scan3A_169, %mul3A_170 : i32
      %add3A_172 = arith.constant 0 : i32
      %add3A_173 = arith.addi %add3A_172, %mul3A_171 : i32
      %dma_wait3A = arith.constant 0 : i32
      %dma_wait3A_174 = arith.constant 0 : i32
      %dma_wait3A_175 = arith.constant 0 : i32
      %dma_wait3A_176 = tpu.memref_slice %arg9[%dma_wait3A_174, %dma_wait3A_175] : memref<128x128xf32, #tpu.memory_space<vmem>> -> memref<64x128xf32, #tpu.memory_space<vmem>>
      %dma_wait3A_177 = arith.constant 0 : i32
      %dma_wait3A_178 = tpu.memref_slice %arg7[%add3A_173, %dma_wait3A_177] : memref<40x128xi32, #tpu.memory_space<vmem>> -> memref<1x128xi32, #tpu.memory_space<vmem>>
      %dma_wait3A_179 = tpu.memref_squeeze %dma_wait3A_178 : memref<1x128xi32, #tpu.memory_space<vmem>> -> memref<128xi32, #tpu.memory_space<vmem>>
      %dma_wait3A_180 = arith.constant 0 : i32
      %dma_wait3A_181 = tpu.memref_slice %dma_wait3A_179[%dma_wait3A_180] : memref<128xi32, #tpu.memory_space<vmem>> -> memref<64xi32, #tpu.memory_space<vmem>>
      %dma_wait3A_182 = arith.constant 0 : i32
      %dma_wait3A_183 = arith.constant 0 : i32
      %dma_wait3A_184 = tpu.memref_slice %arg2[%dma_wait3A_182, %dma_wait3A_183] : memref<20000x128xf32, #tpu.memory_space<hbm>> -> memref<20000x128xf32, #tpu.memory_space<hbm>>
      %dma_wait3A_185 = tpu.memref_slice %arg12[%dma_wait3A] : memref<2x!tpu.dma_semaphore, #tpu.memory_space<semaphore_mem>> -> memref<1x!tpu.dma_semaphore, #tpu.memory_space<semaphore_mem>>
      %dma_wait3A_186 = tpu.memref_squeeze %dma_wait3A_185 : memref<1x!tpu.dma_semaphore, #tpu.memory_space<semaphore_mem>> -> memref<!tpu.dma_semaphore, #tpu.memory_space<semaphore_mem>>
      tpu.wait_indirect_dma semaphore(%dma_wait3A_186 : memref<!tpu.dma_semaphore, #tpu.memory_space<semaphore_mem>>) src(%dma_wait3A_184 : memref<20000x128xf32, #tpu.memory_space<hbm>>) dst(%dma_wait3A_176 : memref<64x128xf32, #tpu.memory_space<vmem>>)
      %dma_wait3A_187 = arith.constant 1 : i32
      %dma_wait3A_188 = arith.constant 64 : i32
      %dma_wait3A_189 = arith.constant 0 : i32
      %dma_wait3A_190 = tpu.memref_slice %arg9[%dma_wait3A_188, %dma_wait3A_189] : memref<128x128xf32, #tpu.memory_space<vmem>> -> memref<64x128xf32, #tpu.memory_space<vmem>>
      %dma_wait3A_191 = arith.constant 0 : i32
      %dma_wait3A_192 = tpu.memref_slice %arg7[%add3A_173, %dma_wait3A_191] : memref<40x128xi32, #tpu.memory_space<vmem>> -> memref<1x128xi32, #tpu.memory_space<vmem>>
      %dma_wait3A_193 = tpu.memref_squeeze %dma_wait3A_192 : memref<1x128xi32, #tpu.memory_space<vmem>> -> memref<128xi32, #tpu.memory_space<vmem>>
      %dma_wait3A_194 = arith.constant 64 : i32
      %dma_wait3A_195 = tpu.memref_slice %dma_wait3A_193[%dma_wait3A_194] : memref<128xi32, #tpu.memory_space<vmem>> -> memref<64xi32, #tpu.memory_space<vmem>>
      %dma_wait3A_196 = arith.constant 0 : i32
      %dma_wait3A_197 = arith.constant 0 : i32
      %dma_wait3A_198 = tpu.memref_slice %arg2[%dma_wait3A_196, %dma_wait3A_197] : memref<20000x128xf32, #tpu.memory_space<hbm>> -> memref<20000x128xf32, #tpu.memory_space<hbm>>
      %dma_wait3A_199 = tpu.memref_slice %arg12[%dma_wait3A_187] : memref<2x!tpu.dma_semaphore, #tpu.memory_space<semaphore_mem>> -> memref<1x!tpu.dma_semaphore, #tpu.memory_space<semaphore_mem>>
      %dma_wait3A_200 = tpu.memref_squeeze %dma_wait3A_199 : memref<1x!tpu.dma_semaphore, #tpu.memory_space<semaphore_mem>> -> memref<!tpu.dma_semaphore, #tpu.memory_space<semaphore_mem>>
      tpu.wait_indirect_dma semaphore(%dma_wait3A_200 : memref<!tpu.dma_semaphore, #tpu.memory_space<semaphore_mem>>) src(%dma_wait3A_198 : memref<20000x128xf32, #tpu.memory_space<hbm>>) dst(%dma_wait3A_190 : memref<64x128xf32, #tpu.memory_space<vmem>>)
      %add3A_201 = arith.constant 1 : i32
      %add3A_202 = arith.addi %add3A_173, %add3A_201 : i32
      %dma_start3A_203 = arith.constant 0 : i32
      %dma_start3A_204 = arith.constant 0 : i32
      %dma_start3A_205 = arith.constant 0 : i32
      %dma_start3A_206 = tpu.memref_slice %arg10[%dma_start3A_204, %dma_start3A_205] : memref<128x128xf32, #tpu.memory_space<vmem>> -> memref<64x128xf32, #tpu.memory_space<vmem>>
      %dma_start3A_207 = arith.constant 0 : i32
      %dma_start3A_208 = tpu.memref_slice %arg7[%add3A_202, %dma_start3A_207] : memref<40x128xi32, #tpu.memory_space<vmem>> -> memref<1x128xi32, #tpu.memory_space<vmem>>
      %dma_start3A_209 = tpu.memref_squeeze %dma_start3A_208 : memref<1x128xi32, #tpu.memory_space<vmem>> -> memref<128xi32, #tpu.memory_space<vmem>>
      %dma_start3A_210 = arith.constant 0 : i32
      %dma_start3A_211 = tpu.memref_slice %dma_start3A_209[%dma_start3A_210] : memref<128xi32, #tpu.memory_space<vmem>> -> memref<64xi32, #tpu.memory_space<vmem>>
      %dma_start3A_212 = arith.constant 0 : i32
      %dma_start3A_213 = arith.constant 0 : i32
      %dma_start3A_214 = tpu.memref_slice %arg2[%dma_start3A_212, %dma_start3A_213] : memref<20000x128xf32, #tpu.memory_space<hbm>> -> memref<20000x128xf32, #tpu.memory_space<hbm>>
      %dma_start3A_215 = tpu.memref_slice %arg13[%dma_start3A_203] : memref<2x!tpu.dma_semaphore, #tpu.memory_space<semaphore_mem>> -> memref<1x!tpu.dma_semaphore, #tpu.memory_space<semaphore_mem>>
      %dma_start3A_216 = tpu.memref_squeeze %dma_start3A_215 : memref<1x!tpu.dma_semaphore, #tpu.memory_space<semaphore_mem>> -> memref<!tpu.dma_semaphore, #tpu.memory_space<semaphore_mem>>
      tpu.enqueue_indirect_dma source(%dma_start3A_214 : memref<20000x128xf32, #tpu.memory_space<hbm>>) target(%dma_start3A_206 : memref<64x128xf32, #tpu.memory_space<vmem>>) offsets(%dma_start3A_211 : memref<64xi32, #tpu.memory_space<vmem>>) semaphore(%dma_start3A_216 : memref<!tpu.dma_semaphore, #tpu.memory_space<semaphore_mem>>)
      %dma_start3A_217 = arith.constant 1 : i32
      %dma_start3A_218 = arith.constant 64 : i32
      %dma_start3A_219 = arith.constant 0 : i32
      %dma_start3A_220 = tpu.memref_slice %arg10[%dma_start3A_218, %dma_start3A_219] : memref<128x128xf32, #tpu.memory_space<vmem>> -> memref<64x128xf32, #tpu.memory_space<vmem>>
      %dma_start3A_221 = arith.constant 0 : i32
      %dma_start3A_222 = tpu.memref_slice %arg7[%add3A_202, %dma_start3A_221] : memref<40x128xi32, #tpu.memory_space<vmem>> -> memref<1x128xi32, #tpu.memory_space<vmem>>
      %dma_start3A_223 = tpu.memref_squeeze %dma_start3A_222 : memref<1x128xi32, #tpu.memory_space<vmem>> -> memref<128xi32, #tpu.memory_space<vmem>>
      %dma_start3A_224 = arith.constant 64 : i32
      %dma_start3A_225 = tpu.memref_slice %dma_start3A_223[%dma_start3A_224] : memref<128xi32, #tpu.memory_space<vmem>> -> memref<64xi32, #tpu.memory_space<vmem>>
      %dma_start3A_226 = arith.constant 0 : i32
      %dma_start3A_227 = arith.constant 0 : i32
      %dma_start3A_228 = tpu.memref_slice %arg2[%dma_start3A_226, %dma_start3A_227] : memref<20000x128xf32, #tpu.memory_space<hbm>> -> memref<20000x128xf32, #tpu.memory_space<hbm>>
      %dma_start3A_229 = tpu.memref_slice %arg13[%dma_start3A_217] : memref<2x!tpu.dma_semaphore, #tpu.memory_space<semaphore_mem>> -> memref<1x!tpu.dma_semaphore, #tpu.memory_space<semaphore_mem>>
      %dma_start3A_230 = tpu.memref_squeeze %dma_start3A_229 : memref<1x!tpu.dma_semaphore, #tpu.memory_space<semaphore_mem>> -> memref<!tpu.dma_semaphore, #tpu.memory_space<semaphore_mem>>
      tpu.enqueue_indirect_dma source(%dma_start3A_228 : memref<20000x128xf32, #tpu.memory_space<hbm>>) target(%dma_start3A_220 : memref<64x128xf32, #tpu.memory_space<vmem>>) offsets(%dma_start3A_225 : memref<64xi32, #tpu.memory_space<vmem>>) semaphore(%dma_start3A_230 : memref<!tpu.dma_semaphore, #tpu.memory_space<semaphore_mem>>)
      "tpu.region"() ({
        %run_scoped3A = tpu.sem_alloc : memref<!tpu.dma_semaphore, #tpu.memory_space<semaphore_mem>>
        %dma_start3A_269 = arith.constant 0 : i32
        %dma_start3A_270 = tpu.memref_slice %arg8[%add3A_173, %dma_start3A_269] : memref<40x128xi32, #tpu.memory_space<vmem>> -> memref<1x128xi32, #tpu.memory_space<vmem>>
        %dma_start3A_271 = tpu.memref_squeeze %dma_start3A_270 : memref<1x128xi32, #tpu.memory_space<vmem>> -> memref<128xi32, #tpu.memory_space<vmem>>
        %dma_start3A_272 = arith.constant 0 : i32
        %dma_start3A_273 = arith.constant 0 : i32
        %dma_start3A_274 = tpu.memref_slice %arg11[%dma_start3A_272, %dma_start3A_273] : memref<10112x128xf32, #tpu.memory_space<vmem_shared>> -> memref<10112x128xf32, #tpu.memory_space<vmem_shared>>
        tpu.enqueue_indirect_dma source(%arg9 : memref<128x128xf32, #tpu.memory_space<vmem>>) target(%dma_start3A_274 : memref<10112x128xf32, #tpu.memory_space<vmem_shared>>) offsets(%dma_start3A_271 : memref<128xi32, #tpu.memory_space<vmem>>) semaphore(%run_scoped3A : memref<!tpu.dma_semaphore, #tpu.memory_space<semaphore_mem>>) {add = true}
        %dma_wait3A_275 = arith.constant 0 : i32
        %dma_wait3A_276 = tpu.memref_slice %arg8[%add3A_173, %dma_wait3A_275] : memref<40x128xi32, #tpu.memory_space<vmem>> -> memref<1x128xi32, #tpu.memory_space<vmem>>
        %dma_wait3A_277 = tpu.memref_squeeze %dma_wait3A_276 : memref<1x128xi32, #tpu.memory_space<vmem>> -> memref<128xi32, #tpu.memory_space<vmem>>
        %dma_wait3A_278 = arith.constant 0 : i32
        %dma_wait3A_279 = arith.constant 0 : i32
        %dma_wait3A_280 = tpu.memref_slice %arg11[%dma_wait3A_278, %dma_wait3A_279] : memref<10112x128xf32, #tpu.memory_space<vmem_shared>> -> memref<10112x128xf32, #tpu.memory_space<vmem_shared>>
        tpu.wait_indirect_dma semaphore(%run_scoped3A : memref<!tpu.dma_semaphore, #tpu.memory_space<semaphore_mem>>) src(%arg9 : memref<128x128xf32, #tpu.memory_space<vmem>>) dst(%dma_wait3A_280 : memref<10112x128xf32, #tpu.memory_space<vmem_shared>>)
        tpu.yield
      }) : () -> ()
      %add3A_231 = arith.constant 1 : i32
      %add3A_232 = arith.addi %add3A_173, %add3A_231 : i32
      %dma_wait3A_233 = arith.constant 0 : i32
      %dma_wait3A_234 = arith.constant 0 : i32
      %dma_wait3A_235 = arith.constant 0 : i32
      %dma_wait3A_236 = tpu.memref_slice %arg10[%dma_wait3A_234, %dma_wait3A_235] : memref<128x128xf32, #tpu.memory_space<vmem>> -> memref<64x128xf32, #tpu.memory_space<vmem>>
      %dma_wait3A_237 = arith.constant 0 : i32
      %dma_wait3A_238 = tpu.memref_slice %arg7[%add3A_232, %dma_wait3A_237] : memref<40x128xi32, #tpu.memory_space<vmem>> -> memref<1x128xi32, #tpu.memory_space<vmem>>
      %dma_wait3A_239 = tpu.memref_squeeze %dma_wait3A_238 : memref<1x128xi32, #tpu.memory_space<vmem>> -> memref<128xi32, #tpu.memory_space<vmem>>
      %dma_wait3A_240 = arith.constant 0 : i32
      %dma_wait3A_241 = tpu.memref_slice %dma_wait3A_239[%dma_wait3A_240] : memref<128xi32, #tpu.memory_space<vmem>> -> memref<64xi32, #tpu.memory_space<vmem>>
      %dma_wait3A_242 = arith.constant 0 : i32
      %dma_wait3A_243 = arith.constant 0 : i32
      %dma_wait3A_244 = tpu.memref_slice %arg2[%dma_wait3A_242, %dma_wait3A_243] : memref<20000x128xf32, #tpu.memory_space<hbm>> -> memref<20000x128xf32, #tpu.memory_space<hbm>>
      %dma_wait3A_245 = tpu.memref_slice %arg13[%dma_wait3A_233] : memref<2x!tpu.dma_semaphore, #tpu.memory_space<semaphore_mem>> -> memref<1x!tpu.dma_semaphore, #tpu.memory_space<semaphore_mem>>
      %dma_wait3A_246 = tpu.memref_squeeze %dma_wait3A_245 : memref<1x!tpu.dma_semaphore, #tpu.memory_space<semaphore_mem>> -> memref<!tpu.dma_semaphore, #tpu.memory_space<semaphore_mem>>
      tpu.wait_indirect_dma semaphore(%dma_wait3A_246 : memref<!tpu.dma_semaphore, #tpu.memory_space<semaphore_mem>>) src(%dma_wait3A_244 : memref<20000x128xf32, #tpu.memory_space<hbm>>) dst(%dma_wait3A_236 : memref<64x128xf32, #tpu.memory_space<vmem>>)
      %dma_wait3A_247 = arith.constant 1 : i32
      %dma_wait3A_248 = arith.constant 64 : i32
      %dma_wait3A_249 = arith.constant 0 : i32
      %dma_wait3A_250 = tpu.memref_slice %arg10[%dma_wait3A_248, %dma_wait3A_249] : memref<128x128xf32, #tpu.memory_space<vmem>> -> memref<64x128xf32, #tpu.memory_space<vmem>>
      %dma_wait3A_251 = arith.constant 0 : i32
      %dma_wait3A_252 = tpu.memref_slice %arg7[%add3A_232, %dma_wait3A_251] : memref<40x128xi32, #tpu.memory_space<vmem>> -> memref<1x128xi32, #tpu.memory_space<vmem>>
      %dma_wait3A_253 = tpu.memref_squeeze %dma_wait3A_252 : memref<1x128xi32, #tpu.memory_space<vmem>> -> memref<128xi32, #tpu.memory_space<vmem>>
      %dma_wait3A_254 = arith.constant 64 : i32
      %dma_wait3A_255 = tpu.memref_slice %dma_wait3A_253[%dma_wait3A_254] : memref<128xi32, #tpu.memory_space<vmem>> -> memref<64xi32, #tpu.memory_space<vmem>>
      %dma_wait3A_256 = arith.constant 0 : i32
      %dma_wait3A_257 = arith.constant 0 : i32
      %dma_wait3A_258 = tpu.memref_slice %arg2[%dma_wait3A_256, %dma_wait3A_257] : memref<20000x128xf32, #tpu.memory_space<hbm>> -> memref<20000x128xf32, #tpu.memory_space<hbm>>
      %dma_wait3A_259 = tpu.memref_slice %arg13[%dma_wait3A_247] : memref<2x!tpu.dma_semaphore, #tpu.memory_space<semaphore_mem>> -> memref<1x!tpu.dma_semaphore, #tpu.memory_space<semaphore_mem>>
      %dma_wait3A_260 = tpu.memref_squeeze %dma_wait3A_259 : memref<1x!tpu.dma_semaphore, #tpu.memory_space<semaphore_mem>> -> memref<!tpu.dma_semaphore, #tpu.memory_space<semaphore_mem>>
      tpu.wait_indirect_dma semaphore(%dma_wait3A_260 : memref<!tpu.dma_semaphore, #tpu.memory_space<semaphore_mem>>) src(%dma_wait3A_258 : memref<20000x128xf32, #tpu.memory_space<hbm>>) dst(%dma_wait3A_250 : memref<64x128xf32, #tpu.memory_space<vmem>>)
      %add3A_261 = arith.constant 2 : i32
      %add3A_262 = arith.addi %add3A_173, %add3A_261 : i32
      %lt3A = arith.constant 40 : i32
      %lt3A_263 = arith.cmpi slt, %add3A_262, %lt3A : i32
      %convert_element_type3A_264 = arith.extui %lt3A_263 : i1 to i32
      %cond3A_265 = arith.constant 0 : i32
      %cond3A_266 = arith.cmpi ne, %convert_element_type3A_264, %cond3A_265 : i32
      scf.if %cond3A_266 {
        %add3A_269 = arith.constant 2 : i32
        %add3A_270 = arith.addi %add3A_173, %add3A_269 : i32
        %dma_start3A_271 = arith.constant 0 : i32
        %dma_start3A_272 = arith.constant 0 : i32
        %dma_start3A_273 = arith.constant 0 : i32
        %dma_start3A_274 = tpu.memref_slice %arg9[%dma_start3A_272, %dma_start3A_273] : memref<128x128xf32, #tpu.memory_space<vmem>> -> memref<64x128xf32, #tpu.memory_space<vmem>>
        %dma_start3A_275 = arith.constant 0 : i32
        %dma_start3A_276 = tpu.memref_slice %arg7[%add3A_270, %dma_start3A_275] : memref<40x128xi32, #tpu.memory_space<vmem>> -> memref<1x128xi32, #tpu.memory_space<vmem>>
        %dma_start3A_277 = tpu.memref_squeeze %dma_start3A_276 : memref<1x128xi32, #tpu.memory_space<vmem>> -> memref<128xi32, #tpu.memory_space<vmem>>
        %dma_start3A_278 = arith.constant 0 : i32
        %dma_start3A_279 = tpu.memref_slice %dma_start3A_277[%dma_start3A_278] : memref<128xi32, #tpu.memory_space<vmem>> -> memref<64xi32, #tpu.memory_space<vmem>>
        %dma_start3A_280 = arith.constant 0 : i32
        %dma_start3A_281 = arith.constant 0 : i32
        %dma_start3A_282 = tpu.memref_slice %arg2[%dma_start3A_280, %dma_start3A_281] : memref<20000x128xf32, #tpu.memory_space<hbm>> -> memref<20000x128xf32, #tpu.memory_space<hbm>>
        %dma_start3A_283 = tpu.memref_slice %arg12[%dma_start3A_271] : memref<2x!tpu.dma_semaphore, #tpu.memory_space<semaphore_mem>> -> memref<1x!tpu.dma_semaphore, #tpu.memory_space<semaphore_mem>>
        %dma_start3A_284 = tpu.memref_squeeze %dma_start3A_283 : memref<1x!tpu.dma_semaphore, #tpu.memory_space<semaphore_mem>> -> memref<!tpu.dma_semaphore, #tpu.memory_space<semaphore_mem>>
        tpu.enqueue_indirect_dma source(%dma_start3A_282 : memref<20000x128xf32, #tpu.memory_space<hbm>>) target(%dma_start3A_274 : memref<64x128xf32, #tpu.memory_space<vmem>>) offsets(%dma_start3A_279 : memref<64xi32, #tpu.memory_space<vmem>>) semaphore(%dma_start3A_284 : memref<!tpu.dma_semaphore, #tpu.memory_space<semaphore_mem>>)
        %dma_start3A_285 = arith.constant 1 : i32
        %dma_start3A_286 = arith.constant 64 : i32
        %dma_start3A_287 = arith.constant 0 : i32
        %dma_start3A_288 = tpu.memref_slice %arg9[%dma_start3A_286, %dma_start3A_287] : memref<128x128xf32, #tpu.memory_space<vmem>> -> memref<64x128xf32, #tpu.memory_space<vmem>>
        %dma_start3A_289 = arith.constant 0 : i32
        %dma_start3A_290 = tpu.memref_slice %arg7[%add3A_270, %dma_start3A_289] : memref<40x128xi32, #tpu.memory_space<vmem>> -> memref<1x128xi32, #tpu.memory_space<vmem>>
        %dma_start3A_291 = tpu.memref_squeeze %dma_start3A_290 : memref<1x128xi32, #tpu.memory_space<vmem>> -> memref<128xi32, #tpu.memory_space<vmem>>
        %dma_start3A_292 = arith.constant 64 : i32
        %dma_start3A_293 = tpu.memref_slice %dma_start3A_291[%dma_start3A_292] : memref<128xi32, #tpu.memory_space<vmem>> -> memref<64xi32, #tpu.memory_space<vmem>>
        %dma_start3A_294 = arith.constant 0 : i32
        %dma_start3A_295 = arith.constant 0 : i32
        %dma_start3A_296 = tpu.memref_slice %arg2[%dma_start3A_294, %dma_start3A_295] : memref<20000x128xf32, #tpu.memory_space<hbm>> -> memref<20000x128xf32, #tpu.memory_space<hbm>>
        %dma_start3A_297 = tpu.memref_slice %arg12[%dma_start3A_285] : memref<2x!tpu.dma_semaphore, #tpu.memory_space<semaphore_mem>> -> memref<1x!tpu.dma_semaphore, #tpu.memory_space<semaphore_mem>>
        %dma_start3A_298 = tpu.memref_squeeze %dma_start3A_297 : memref<1x!tpu.dma_semaphore, #tpu.memory_space<semaphore_mem>> -> memref<!tpu.dma_semaphore, #tpu.memory_space<semaphore_mem>>
        tpu.enqueue_indirect_dma source(%dma_start3A_296 : memref<20000x128xf32, #tpu.memory_space<hbm>>) target(%dma_start3A_288 : memref<64x128xf32, #tpu.memory_space<vmem>>) offsets(%dma_start3A_293 : memref<64xi32, #tpu.memory_space<vmem>>) semaphore(%dma_start3A_298 : memref<!tpu.dma_semaphore, #tpu.memory_space<semaphore_mem>>)
      } else {
      }
      %add3A_267 = arith.constant 1 : i32
      %add3A_268 = arith.addi %add3A_173, %add3A_267 : i32
      "tpu.region"() ({
        %run_scoped3A = tpu.sem_alloc : memref<!tpu.dma_semaphore, #tpu.memory_space<semaphore_mem>>
        %dma_start3A_269 = arith.constant 0 : i32
        %dma_start3A_270 = tpu.memref_slice %arg8[%add3A_268, %dma_start3A_269] : memref<40x128xi32, #tpu.memory_space<vmem>> -> memref<1x128xi32, #tpu.memory_space<vmem>>
        %dma_start3A_271 = tpu.memref_squeeze %dma_start3A_270 : memref<1x128xi32, #tpu.memory_space<vmem>> -> memref<128xi32, #tpu.memory_space<vmem>>
        %dma_start3A_272 = arith.constant 0 : i32
        %dma_start3A_273 = arith.constant 0 : i32
        %dma_start3A_274 = tpu.memref_slice %arg11[%dma_start3A_272, %dma_start3A_273] : memref<10112x128xf32, #tpu.memory_space<vmem_shared>> -> memref<10112x128xf32, #tpu.memory_space<vmem_shared>>
        tpu.enqueue_indirect_dma source(%arg10 : memref<128x128xf32, #tpu.memory_space<vmem>>) target(%dma_start3A_274 : memref<10112x128xf32, #tpu.memory_space<vmem_shared>>) offsets(%dma_start3A_271 : memref<128xi32, #tpu.memory_space<vmem>>) semaphore(%run_scoped3A : memref<!tpu.dma_semaphore, #tpu.memory_space<semaphore_mem>>) {add = true}
        %dma_wait3A_275 = arith.constant 0 : i32
        %dma_wait3A_276 = tpu.memref_slice %arg8[%add3A_268, %dma_wait3A_275] : memref<40x128xi32, #tpu.memory_space<vmem>> -> memref<1x128xi32, #tpu.memory_space<vmem>>
        %dma_wait3A_277 = tpu.memref_squeeze %dma_wait3A_276 : memref<1x128xi32, #tpu.memory_space<vmem>> -> memref<128xi32, #tpu.memory_space<vmem>>
        %dma_wait3A_278 = arith.constant 0 : i32
        %dma_wait3A_279 = arith.constant 0 : i32
        %dma_wait3A_280 = tpu.memref_slice %arg11[%dma_wait3A_278, %dma_wait3A_279] : memref<10112x128xf32, #tpu.memory_space<vmem_shared>> -> memref<10112x128xf32, #tpu.memory_space<vmem_shared>>
        tpu.wait_indirect_dma semaphore(%run_scoped3A : memref<!tpu.dma_semaphore, #tpu.memory_space<semaphore_mem>>) src(%arg10 : memref<128x128xf32, #tpu.memory_space<vmem>>) dst(%dma_wait3A_280 : memref<10112x128xf32, #tpu.memory_space<vmem_shared>>)
        tpu.yield
      }) : () -> ()
    }
    %scan3A_41 = arith.constant 20 : i32
    %mul3A_42 = arith.constant 160 : i32
    %mul3A_43 = arith.muli %add3A, %mul3A_42 : i32
    %add3A_44 = arith.constant 40 : i32
    %add3A_45 = arith.addi %mul3A_43, %add3A_44 : i32
    "tpu.region"() ({
      %run_scoped3A = tpu.sem_alloc : memref<!tpu.dma_semaphore, #tpu.memory_space<semaphore_mem>>
      %dma_start3A_169 = arith.constant 0 : i32
      %dma_start3A_170 = tpu.memref_slice %arg3[%add3A_45, %dma_start3A_169] : memref<5120x128xi32, #tpu.memory_space<hbm>> -> memref<40x128xi32, #tpu.memory_space<hbm>>
      %dma_start3A_171 = arith.constant 0 : i32
      %dma_start3A_172 = tpu.memref_slice %arg3[%add3A_45, %dma_start3A_171] : memref<5120x128xi32, #tpu.memory_space<hbm>> -> memref<40x128xi32, #tpu.memory_space<hbm>>
      tpu.enqueue_dma source(%dma_start3A_172 : memref<40x128xi32, #tpu.memory_space<hbm>>) target(%arg7 : memref<40x128xi32, #tpu.memory_space<vmem>>) target_semaphore(%run_scoped3A : memref<!tpu.dma_semaphore, #tpu.memory_space<semaphore_mem>>)
      %dma_wait3A = arith.constant 0 : i32
      %dma_wait3A_173 = tpu.memref_slice %arg3[%add3A_45, %dma_wait3A] : memref<5120x128xi32, #tpu.memory_space<hbm>> -> memref<40x128xi32, #tpu.memory_space<hbm>>
      %dma_wait3A_174 = arith.constant 0 : i32
      %dma_wait3A_175 = tpu.memref_slice %arg3[%add3A_45, %dma_wait3A_174] : memref<5120x128xi32, #tpu.memory_space<hbm>> -> memref<40x128xi32, #tpu.memory_space<hbm>>
      tpu.wait_dma2 semaphore(%run_scoped3A : memref<!tpu.dma_semaphore, #tpu.memory_space<semaphore_mem>>) src(%dma_wait3A_175 : memref<40x128xi32, #tpu.memory_space<hbm>>) dst(%arg7 : memref<40x128xi32, #tpu.memory_space<vmem>>)
      tpu.yield
    }) : () -> ()
    "tpu.region"() ({
      %run_scoped3A = tpu.sem_alloc : memref<!tpu.dma_semaphore, #tpu.memory_space<semaphore_mem>>
      %dma_start3A_169 = arith.constant 0 : i32
      %dma_start3A_170 = tpu.memref_slice %arg4[%add3A_45, %dma_start3A_169] : memref<5120x128xi32, #tpu.memory_space<hbm>> -> memref<40x128xi32, #tpu.memory_space<hbm>>
      %dma_start3A_171 = arith.constant 0 : i32
      %dma_start3A_172 = tpu.memref_slice %arg4[%add3A_45, %dma_start3A_171] : memref<5120x128xi32, #tpu.memory_space<hbm>> -> memref<40x128xi32, #tpu.memory_space<hbm>>
      tpu.enqueue_dma source(%dma_start3A_172 : memref<40x128xi32, #tpu.memory_space<hbm>>) target(%arg8 : memref<40x128xi32, #tpu.memory_space<vmem>>) target_semaphore(%run_scoped3A : memref<!tpu.dma_semaphore, #tpu.memory_space<semaphore_mem>>)
      %dma_wait3A = arith.constant 0 : i32
      %dma_wait3A_173 = tpu.memref_slice %arg4[%add3A_45, %dma_wait3A] : memref<5120x128xi32, #tpu.memory_space<hbm>> -> memref<40x128xi32, #tpu.memory_space<hbm>>
      %dma_wait3A_174 = arith.constant 0 : i32
      %dma_wait3A_175 = tpu.memref_slice %arg4[%add3A_45, %dma_wait3A_174] : memref<5120x128xi32, #tpu.memory_space<hbm>> -> memref<40x128xi32, #tpu.memory_space<hbm>>
      tpu.wait_dma2 semaphore(%run_scoped3A : memref<!tpu.dma_semaphore, #tpu.memory_space<semaphore_mem>>) src(%dma_wait3A_175 : memref<40x128xi32, #tpu.memory_space<hbm>>) dst(%arg8 : memref<40x128xi32, #tpu.memory_space<vmem>>)
      tpu.yield
    }) : () -> ()
    %dma_start3A_46 = arith.constant 0 : i32
    %dma_start3A_47 = arith.constant 0 : i32
    %dma_start3A_48 = arith.constant 0 : i32
    %dma_start3A_49 = arith.constant 0 : i32
    %dma_start3A_50 = tpu.memref_slice %arg9[%dma_start3A_48, %dma_start3A_49] : memref<128x128xf32, #tpu.memory_space<vmem>> -> memref<64x128xf32, #tpu.memory_space<vmem>>
    %dma_start3A_51 = arith.constant 0 : i32
    %dma_start3A_52 = tpu.memref_slice %arg7[%dma_start3A_46, %dma_start3A_51] : memref<40x128xi32, #tpu.memory_space<vmem>> -> memref<1x128xi32, #tpu.memory_space<vmem>>
    %dma_start3A_53 = tpu.memref_squeeze %dma_start3A_52 : memref<1x128xi32, #tpu.memory_space<vmem>> -> memref<128xi32, #tpu.memory_space<vmem>>
    %dma_start3A_54 = arith.constant 0 : i32
    %dma_start3A_55 = tpu.memref_slice %dma_start3A_53[%dma_start3A_54] : memref<128xi32, #tpu.memory_space<vmem>> -> memref<64xi32, #tpu.memory_space<vmem>>
    %dma_start3A_56 = arith.constant 0 : i32
    %dma_start3A_57 = arith.constant 0 : i32
    %dma_start3A_58 = tpu.memref_slice %arg2[%dma_start3A_56, %dma_start3A_57] : memref<20000x128xf32, #tpu.memory_space<hbm>> -> memref<20000x128xf32, #tpu.memory_space<hbm>>
    %dma_start3A_59 = tpu.memref_slice %arg12[%dma_start3A_47] : memref<2x!tpu.dma_semaphore, #tpu.memory_space<semaphore_mem>> -> memref<1x!tpu.dma_semaphore, #tpu.memory_space<semaphore_mem>>
    %dma_start3A_60 = tpu.memref_squeeze %dma_start3A_59 : memref<1x!tpu.dma_semaphore, #tpu.memory_space<semaphore_mem>> -> memref<!tpu.dma_semaphore, #tpu.memory_space<semaphore_mem>>
    tpu.enqueue_indirect_dma source(%dma_start3A_58 : memref<20000x128xf32, #tpu.memory_space<hbm>>) target(%dma_start3A_50 : memref<64x128xf32, #tpu.memory_space<vmem>>) offsets(%dma_start3A_55 : memref<64xi32, #tpu.memory_space<vmem>>) semaphore(%dma_start3A_60 : memref<!tpu.dma_semaphore, #tpu.memory_space<semaphore_mem>>)
    %dma_start3A_61 = arith.constant 0 : i32
    %dma_start3A_62 = arith.constant 1 : i32
    %dma_start3A_63 = arith.constant 64 : i32
    %dma_start3A_64 = arith.constant 0 : i32
    %dma_start3A_65 = tpu.memref_slice %arg9[%dma_start3A_63, %dma_start3A_64] : memref<128x128xf32, #tpu.memory_space<vmem>> -> memref<64x128xf32, #tpu.memory_space<vmem>>
    %dma_start3A_66 = arith.constant 0 : i32
    %dma_start3A_67 = tpu.memref_slice %arg7[%dma_start3A_61, %dma_start3A_66] : memref<40x128xi32, #tpu.memory_space<vmem>> -> memref<1x128xi32, #tpu.memory_space<vmem>>
    %dma_start3A_68 = tpu.memref_squeeze %dma_start3A_67 : memref<1x128xi32, #tpu.memory_space<vmem>> -> memref<128xi32, #tpu.memory_space<vmem>>
    %dma_start3A_69 = arith.constant 64 : i32
    %dma_start3A_70 = tpu.memref_slice %dma_start3A_68[%dma_start3A_69] : memref<128xi32, #tpu.memory_space<vmem>> -> memref<64xi32, #tpu.memory_space<vmem>>
    %dma_start3A_71 = arith.constant 0 : i32
    %dma_start3A_72 = arith.constant 0 : i32
    %dma_start3A_73 = tpu.memref_slice %arg2[%dma_start3A_71, %dma_start3A_72] : memref<20000x128xf32, #tpu.memory_space<hbm>> -> memref<20000x128xf32, #tpu.memory_space<hbm>>
    %dma_start3A_74 = tpu.memref_slice %arg12[%dma_start3A_62] : memref<2x!tpu.dma_semaphore, #tpu.memory_space<semaphore_mem>> -> memref<1x!tpu.dma_semaphore, #tpu.memory_space<semaphore_mem>>
    %dma_start3A_75 = tpu.memref_squeeze %dma_start3A_74 : memref<1x!tpu.dma_semaphore, #tpu.memory_space<semaphore_mem>> -> memref<!tpu.dma_semaphore, #tpu.memory_space<semaphore_mem>>
    tpu.enqueue_indirect_dma source(%dma_start3A_73 : memref<20000x128xf32, #tpu.memory_space<hbm>>) target(%dma_start3A_65 : memref<64x128xf32, #tpu.memory_space<vmem>>) offsets(%dma_start3A_70 : memref<64xi32, #tpu.memory_space<vmem>>) semaphore(%dma_start3A_75 : memref<!tpu.dma_semaphore, #tpu.memory_space<semaphore_mem>>)
    %scan3A_76 = arith.constant 0 : i32
    %scan3A_77 = arith.constant 20 : i32
    %scan3A_78 = arith.addi %scan3A_76, %scan3A_77 : i32
    %scan3A_79 = arith.constant 1 : i32
    scf.for %scan3A_169 = %scan3A_76 to %scan3A_78 step %scan3A_79  : i32 {
      %mul3A_170 = arith.constant 2 : i32
      %mul3A_171 = arith.muli %scan3A_169, %mul3A_170 : i32
      %add3A_172 = arith.constant 0 : i32
      %add3A_173 = arith.addi %add3A_172, %mul3A_171 : i32
      %dma_wait3A = arith.constant 0 : i32
      %dma_wait3A_174 = arith.constant 0 : i32
      %dma_wait3A_175 = arith.constant 0 : i32
      %dma_wait3A_176 = tpu.memref_slice %arg9[%dma_wait3A_174, %dma_wait3A_175] : memref<128x128xf32, #tpu.memory_space<vmem>> -> memref<64x128xf32, #tpu.memory_space<vmem>>
      %dma_wait3A_177 = arith.constant 0 : i32
      %dma_wait3A_178 = tpu.memref_slice %arg7[%add3A_173, %dma_wait3A_177] : memref<40x128xi32, #tpu.memory_space<vmem>> -> memref<1x128xi32, #tpu.memory_space<vmem>>
      %dma_wait3A_179 = tpu.memref_squeeze %dma_wait3A_178 : memref<1x128xi32, #tpu.memory_space<vmem>> -> memref<128xi32, #tpu.memory_space<vmem>>
      %dma_wait3A_180 = arith.constant 0 : i32
      %dma_wait3A_181 = tpu.memref_slice %dma_wait3A_179[%dma_wait3A_180] : memref<128xi32, #tpu.memory_space<vmem>> -> memref<64xi32, #tpu.memory_space<vmem>>
      %dma_wait3A_182 = arith.constant 0 : i32
      %dma_wait3A_183 = arith.constant 0 : i32
      %dma_wait3A_184 = tpu.memref_slice %arg2[%dma_wait3A_182, %dma_wait3A_183] : memref<20000x128xf32, #tpu.memory_space<hbm>> -> memref<20000x128xf32, #tpu.memory_space<hbm>>
      %dma_wait3A_185 = tpu.memref_slice %arg12[%dma_wait3A] : memref<2x!tpu.dma_semaphore, #tpu.memory_space<semaphore_mem>> -> memref<1x!tpu.dma_semaphore, #tpu.memory_space<semaphore_mem>>
      %dma_wait3A_186 = tpu.memref_squeeze %dma_wait3A_185 : memref<1x!tpu.dma_semaphore, #tpu.memory_space<semaphore_mem>> -> memref<!tpu.dma_semaphore, #tpu.memory_space<semaphore_mem>>
      tpu.wait_indirect_dma semaphore(%dma_wait3A_186 : memref<!tpu.dma_semaphore, #tpu.memory_space<semaphore_mem>>) src(%dma_wait3A_184 : memref<20000x128xf32, #tpu.memory_space<hbm>>) dst(%dma_wait3A_176 : memref<64x128xf32, #tpu.memory_space<vmem>>)
      %dma_wait3A_187 = arith.constant 1 : i32
      %dma_wait3A_188 = arith.constant 64 : i32
      %dma_wait3A_189 = arith.constant 0 : i32
      %dma_wait3A_190 = tpu.memref_slice %arg9[%dma_wait3A_188, %dma_wait3A_189] : memref<128x128xf32, #tpu.memory_space<vmem>> -> memref<64x128xf32, #tpu.memory_space<vmem>>
      %dma_wait3A_191 = arith.constant 0 : i32
      %dma_wait3A_192 = tpu.memref_slice %arg7[%add3A_173, %dma_wait3A_191] : memref<40x128xi32, #tpu.memory_space<vmem>> -> memref<1x128xi32, #tpu.memory_space<vmem>>
      %dma_wait3A_193 = tpu.memref_squeeze %dma_wait3A_192 : memref<1x128xi32, #tpu.memory_space<vmem>> -> memref<128xi32, #tpu.memory_space<vmem>>
      %dma_wait3A_194 = arith.constant 64 : i32
      %dma_wait3A_195 = tpu.memref_slice %dma_wait3A_193[%dma_wait3A_194] : memref<128xi32, #tpu.memory_space<vmem>> -> memref<64xi32, #tpu.memory_space<vmem>>
      %dma_wait3A_196 = arith.constant 0 : i32
      %dma_wait3A_197 = arith.constant 0 : i32
      %dma_wait3A_198 = tpu.memref_slice %arg2[%dma_wait3A_196, %dma_wait3A_197] : memref<20000x128xf32, #tpu.memory_space<hbm>> -> memref<20000x128xf32, #tpu.memory_space<hbm>>
      %dma_wait3A_199 = tpu.memref_slice %arg12[%dma_wait3A_187] : memref<2x!tpu.dma_semaphore, #tpu.memory_space<semaphore_mem>> -> memref<1x!tpu.dma_semaphore, #tpu.memory_space<semaphore_mem>>
      %dma_wait3A_200 = tpu.memref_squeeze %dma_wait3A_199 : memref<1x!tpu.dma_semaphore, #tpu.memory_space<semaphore_mem>> -> memref<!tpu.dma_semaphore, #tpu.memory_space<semaphore_mem>>
      tpu.wait_indirect_dma semaphore(%dma_wait3A_200 : memref<!tpu.dma_semaphore, #tpu.memory_space<semaphore_mem>>) src(%dma_wait3A_198 : memref<20000x128xf32, #tpu.memory_space<hbm>>) dst(%dma_wait3A_190 : memref<64x128xf32, #tpu.memory_space<vmem>>)
      %add3A_201 = arith.constant 1 : i32
      %add3A_202 = arith.addi %add3A_173, %add3A_201 : i32
      %dma_start3A_203 = arith.constant 0 : i32
      %dma_start3A_204 = arith.constant 0 : i32
      %dma_start3A_205 = arith.constant 0 : i32
      %dma_start3A_206 = tpu.memref_slice %arg10[%dma_start3A_204, %dma_start3A_205] : memref<128x128xf32, #tpu.memory_space<vmem>> -> memref<64x128xf32, #tpu.memory_space<vmem>>
      %dma_start3A_207 = arith.constant 0 : i32
      %dma_start3A_208 = tpu.memref_slice %arg7[%add3A_202, %dma_start3A_207] : memref<40x128xi32, #tpu.memory_space<vmem>> -> memref<1x128xi32, #tpu.memory_space<vmem>>
      %dma_start3A_209 = tpu.memref_squeeze %dma_start3A_208 : memref<1x128xi32, #tpu.memory_space<vmem>> -> memref<128xi32, #tpu.memory_space<vmem>>
      %dma_start3A_210 = arith.constant 0 : i32
      %dma_start3A_211 = tpu.memref_slice %dma_start3A_209[%dma_start3A_210] : memref<128xi32, #tpu.memory_space<vmem>> -> memref<64xi32, #tpu.memory_space<vmem>>
      %dma_start3A_212 = arith.constant 0 : i32
      %dma_start3A_213 = arith.constant 0 : i32
      %dma_start3A_214 = tpu.memref_slice %arg2[%dma_start3A_212, %dma_start3A_213] : memref<20000x128xf32, #tpu.memory_space<hbm>> -> memref<20000x128xf32, #tpu.memory_space<hbm>>
      %dma_start3A_215 = tpu.memref_slice %arg13[%dma_start3A_203] : memref<2x!tpu.dma_semaphore, #tpu.memory_space<semaphore_mem>> -> memref<1x!tpu.dma_semaphore, #tpu.memory_space<semaphore_mem>>
      %dma_start3A_216 = tpu.memref_squeeze %dma_start3A_215 : memref<1x!tpu.dma_semaphore, #tpu.memory_space<semaphore_mem>> -> memref<!tpu.dma_semaphore, #tpu.memory_space<semaphore_mem>>
      tpu.enqueue_indirect_dma source(%dma_start3A_214 : memref<20000x128xf32, #tpu.memory_space<hbm>>) target(%dma_start3A_206 : memref<64x128xf32, #tpu.memory_space<vmem>>) offsets(%dma_start3A_211 : memref<64xi32, #tpu.memory_space<vmem>>) semaphore(%dma_start3A_216 : memref<!tpu.dma_semaphore, #tpu.memory_space<semaphore_mem>>)
      %dma_start3A_217 = arith.constant 1 : i32
      %dma_start3A_218 = arith.constant 64 : i32
      %dma_start3A_219 = arith.constant 0 : i32
      %dma_start3A_220 = tpu.memref_slice %arg10[%dma_start3A_218, %dma_start3A_219] : memref<128x128xf32, #tpu.memory_space<vmem>> -> memref<64x128xf32, #tpu.memory_space<vmem>>
      %dma_start3A_221 = arith.constant 0 : i32
      %dma_start3A_222 = tpu.memref_slice %arg7[%add3A_202, %dma_start3A_221] : memref<40x128xi32, #tpu.memory_space<vmem>> -> memref<1x128xi32, #tpu.memory_space<vmem>>
      %dma_start3A_223 = tpu.memref_squeeze %dma_start3A_222 : memref<1x128xi32, #tpu.memory_space<vmem>> -> memref<128xi32, #tpu.memory_space<vmem>>
      %dma_start3A_224 = arith.constant 64 : i32
      %dma_start3A_225 = tpu.memref_slice %dma_start3A_223[%dma_start3A_224] : memref<128xi32, #tpu.memory_space<vmem>> -> memref<64xi32, #tpu.memory_space<vmem>>
      %dma_start3A_226 = arith.constant 0 : i32
      %dma_start3A_227 = arith.constant 0 : i32
      %dma_start3A_228 = tpu.memref_slice %arg2[%dma_start3A_226, %dma_start3A_227] : memref<20000x128xf32, #tpu.memory_space<hbm>> -> memref<20000x128xf32, #tpu.memory_space<hbm>>
      %dma_start3A_229 = tpu.memref_slice %arg13[%dma_start3A_217] : memref<2x!tpu.dma_semaphore, #tpu.memory_space<semaphore_mem>> -> memref<1x!tpu.dma_semaphore, #tpu.memory_space<semaphore_mem>>
      %dma_start3A_230 = tpu.memref_squeeze %dma_start3A_229 : memref<1x!tpu.dma_semaphore, #tpu.memory_space<semaphore_mem>> -> memref<!tpu.dma_semaphore, #tpu.memory_space<semaphore_mem>>
      tpu.enqueue_indirect_dma source(%dma_start3A_228 : memref<20000x128xf32, #tpu.memory_space<hbm>>) target(%dma_start3A_220 : memref<64x128xf32, #tpu.memory_space<vmem>>) offsets(%dma_start3A_225 : memref<64xi32, #tpu.memory_space<vmem>>) semaphore(%dma_start3A_230 : memref<!tpu.dma_semaphore, #tpu.memory_space<semaphore_mem>>)
      "tpu.region"() ({
        %run_scoped3A = tpu.sem_alloc : memref<!tpu.dma_semaphore, #tpu.memory_space<semaphore_mem>>
        %dma_start3A_269 = arith.constant 0 : i32
        %dma_start3A_270 = tpu.memref_slice %arg8[%add3A_173, %dma_start3A_269] : memref<40x128xi32, #tpu.memory_space<vmem>> -> memref<1x128xi32, #tpu.memory_space<vmem>>
        %dma_start3A_271 = tpu.memref_squeeze %dma_start3A_270 : memref<1x128xi32, #tpu.memory_space<vmem>> -> memref<128xi32, #tpu.memory_space<vmem>>
        %dma_start3A_272 = arith.constant 0 : i32
        %dma_start3A_273 = arith.constant 0 : i32
        %dma_start3A_274 = tpu.memref_slice %arg11[%dma_start3A_272, %dma_start3A_273] : memref<10112x128xf32, #tpu.memory_space<vmem_shared>> -> memref<10112x128xf32, #tpu.memory_space<vmem_shared>>
        tpu.enqueue_indirect_dma source(%arg9 : memref<128x128xf32, #tpu.memory_space<vmem>>) target(%dma_start3A_274 : memref<10112x128xf32, #tpu.memory_space<vmem_shared>>) offsets(%dma_start3A_271 : memref<128xi32, #tpu.memory_space<vmem>>) semaphore(%run_scoped3A : memref<!tpu.dma_semaphore, #tpu.memory_space<semaphore_mem>>) {add = true}
        %dma_wait3A_275 = arith.constant 0 : i32
        %dma_wait3A_276 = tpu.memref_slice %arg8[%add3A_173, %dma_wait3A_275] : memref<40x128xi32, #tpu.memory_space<vmem>> -> memref<1x128xi32, #tpu.memory_space<vmem>>
        %dma_wait3A_277 = tpu.memref_squeeze %dma_wait3A_276 : memref<1x128xi32, #tpu.memory_space<vmem>> -> memref<128xi32, #tpu.memory_space<vmem>>
        %dma_wait3A_278 = arith.constant 0 : i32
        %dma_wait3A_279 = arith.constant 0 : i32
        %dma_wait3A_280 = tpu.memref_slice %arg11[%dma_wait3A_278, %dma_wait3A_279] : memref<10112x128xf32, #tpu.memory_space<vmem_shared>> -> memref<10112x128xf32, #tpu.memory_space<vmem_shared>>
        tpu.wait_indirect_dma semaphore(%run_scoped3A : memref<!tpu.dma_semaphore, #tpu.memory_space<semaphore_mem>>) src(%arg9 : memref<128x128xf32, #tpu.memory_space<vmem>>) dst(%dma_wait3A_280 : memref<10112x128xf32, #tpu.memory_space<vmem_shared>>)
        tpu.yield
      }) : () -> ()
      %add3A_231 = arith.constant 1 : i32
      %add3A_232 = arith.addi %add3A_173, %add3A_231 : i32
      %dma_wait3A_233 = arith.constant 0 : i32
      %dma_wait3A_234 = arith.constant 0 : i32
      %dma_wait3A_235 = arith.constant 0 : i32
      %dma_wait3A_236 = tpu.memref_slice %arg10[%dma_wait3A_234, %dma_wait3A_235] : memref<128x128xf32, #tpu.memory_space<vmem>> -> memref<64x128xf32, #tpu.memory_space<vmem>>
      %dma_wait3A_237 = arith.constant 0 : i32
      %dma_wait3A_238 = tpu.memref_slice %arg7[%add3A_232, %dma_wait3A_237] : memref<40x128xi32, #tpu.memory_space<vmem>> -> memref<1x128xi32, #tpu.memory_space<vmem>>
      %dma_wait3A_239 = tpu.memref_squeeze %dma_wait3A_238 : memref<1x128xi32, #tpu.memory_space<vmem>> -> memref<128xi32, #tpu.memory_space<vmem>>
      %dma_wait3A_240 = arith.constant 0 : i32
      %dma_wait3A_241 = tpu.memref_slice %dma_wait3A_239[%dma_wait3A_240] : memref<128xi32, #tpu.memory_space<vmem>> -> memref<64xi32, #tpu.memory_space<vmem>>
      %dma_wait3A_242 = arith.constant 0 : i32
      %dma_wait3A_243 = arith.constant 0 : i32
      %dma_wait3A_244 = tpu.memref_slice %arg2[%dma_wait3A_242, %dma_wait3A_243] : memref<20000x128xf32, #tpu.memory_space<hbm>> -> memref<20000x128xf32, #tpu.memory_space<hbm>>
      %dma_wait3A_245 = tpu.memref_slice %arg13[%dma_wait3A_233] : memref<2x!tpu.dma_semaphore, #tpu.memory_space<semaphore_mem>> -> memref<1x!tpu.dma_semaphore, #tpu.memory_space<semaphore_mem>>
      %dma_wait3A_246 = tpu.memref_squeeze %dma_wait3A_245 : memref<1x!tpu.dma_semaphore, #tpu.memory_space<semaphore_mem>> -> memref<!tpu.dma_semaphore, #tpu.memory_space<semaphore_mem>>
      tpu.wait_indirect_dma semaphore(%dma_wait3A_246 : memref<!tpu.dma_semaphore, #tpu.memory_space<semaphore_mem>>) src(%dma_wait3A_244 : memref<20000x128xf32, #tpu.memory_space<hbm>>) dst(%dma_wait3A_236 : memref<64x128xf32, #tpu.memory_space<vmem>>)
      %dma_wait3A_247 = arith.constant 1 : i32
      %dma_wait3A_248 = arith.constant 64 : i32
      %dma_wait3A_249 = arith.constant 0 : i32
      %dma_wait3A_250 = tpu.memref_slice %arg10[%dma_wait3A_248, %dma_wait3A_249] : memref<128x128xf32, #tpu.memory_space<vmem>> -> memref<64x128xf32, #tpu.memory_space<vmem>>
      %dma_wait3A_251 = arith.constant 0 : i32
      %dma_wait3A_252 = tpu.memref_slice %arg7[%add3A_232, %dma_wait3A_251] : memref<40x128xi32, #tpu.memory_space<vmem>> -> memref<1x128xi32, #tpu.memory_space<vmem>>
      %dma_wait3A_253 = tpu.memref_squeeze %dma_wait3A_252 : memref<1x128xi32, #tpu.memory_space<vmem>> -> memref<128xi32, #tpu.memory_space<vmem>>
      %dma_wait3A_254 = arith.constant 64 : i32
      %dma_wait3A_255 = tpu.memref_slice %dma_wait3A_253[%dma_wait3A_254] : memref<128xi32, #tpu.memory_space<vmem>> -> memref<64xi32, #tpu.memory_space<vmem>>
      %dma_wait3A_256 = arith.constant 0 : i32
      %dma_wait3A_257 = arith.constant 0 : i32
      %dma_wait3A_258 = tpu.memref_slice %arg2[%dma_wait3A_256, %dma_wait3A_257] : memref<20000x128xf32, #tpu.memory_space<hbm>> -> memref<20000x128xf32, #tpu.memory_space<hbm>>
      %dma_wait3A_259 = tpu.memref_slice %arg13[%dma_wait3A_247] : memref<2x!tpu.dma_semaphore, #tpu.memory_space<semaphore_mem>> -> memref<1x!tpu.dma_semaphore, #tpu.memory_space<semaphore_mem>>
      %dma_wait3A_260 = tpu.memref_squeeze %dma_wait3A_259 : memref<1x!tpu.dma_semaphore, #tpu.memory_space<semaphore_mem>> -> memref<!tpu.dma_semaphore, #tpu.memory_space<semaphore_mem>>
      tpu.wait_indirect_dma semaphore(%dma_wait3A_260 : memref<!tpu.dma_semaphore, #tpu.memory_space<semaphore_mem>>) src(%dma_wait3A_258 : memref<20000x128xf32, #tpu.memory_space<hbm>>) dst(%dma_wait3A_250 : memref<64x128xf32, #tpu.memory_space<vmem>>)
      %add3A_261 = arith.constant 2 : i32
      %add3A_262 = arith.addi %add3A_173, %add3A_261 : i32
      %lt3A = arith.constant 40 : i32
      %lt3A_263 = arith.cmpi slt, %add3A_262, %lt3A : i32
      %convert_element_type3A_264 = arith.extui %lt3A_263 : i1 to i32
      %cond3A_265 = arith.constant 0 : i32
      %cond3A_266 = arith.cmpi ne, %convert_element_type3A_264, %cond3A_265 : i32
      scf.if %cond3A_266 {
        %add3A_269 = arith.constant 2 : i32
        %add3A_270 = arith.addi %add3A_173, %add3A_269 : i32
        %dma_start3A_271 = arith.constant 0 : i32
        %dma_start3A_272 = arith.constant 0 : i32
        %dma_start3A_273 = arith.constant 0 : i32
        %dma_start3A_274 = tpu.memref_slice %arg9[%dma_start3A_272, %dma_start3A_273] : memref<128x128xf32, #tpu.memory_space<vmem>> -> memref<64x128xf32, #tpu.memory_space<vmem>>
        %dma_start3A_275 = arith.constant 0 : i32
        %dma_start3A_276 = tpu.memref_slice %arg7[%add3A_270, %dma_start3A_275] : memref<40x128xi32, #tpu.memory_space<vmem>> -> memref<1x128xi32, #tpu.memory_space<vmem>>
        %dma_start3A_277 = tpu.memref_squeeze %dma_start3A_276 : memref<1x128xi32, #tpu.memory_space<vmem>> -> memref<128xi32, #tpu.memory_space<vmem>>
        %dma_start3A_278 = arith.constant 0 : i32
        %dma_start3A_279 = tpu.memref_slice %dma_start3A_277[%dma_start3A_278] : memref<128xi32, #tpu.memory_space<vmem>> -> memref<64xi32, #tpu.memory_space<vmem>>
        %dma_start3A_280 = arith.constant 0 : i32
        %dma_start3A_281 = arith.constant 0 : i32
        %dma_start3A_282 = tpu.memref_slice %arg2[%dma_start3A_280, %dma_start3A_281] : memref<20000x128xf32, #tpu.memory_space<hbm>> -> memref<20000x128xf32, #tpu.memory_space<hbm>>
        %dma_start3A_283 = tpu.memref_slice %arg12[%dma_start3A_271] : memref<2x!tpu.dma_semaphore, #tpu.memory_space<semaphore_mem>> -> memref<1x!tpu.dma_semaphore, #tpu.memory_space<semaphore_mem>>
        %dma_start3A_284 = tpu.memref_squeeze %dma_start3A_283 : memref<1x!tpu.dma_semaphore, #tpu.memory_space<semaphore_mem>> -> memref<!tpu.dma_semaphore, #tpu.memory_space<semaphore_mem>>
        tpu.enqueue_indirect_dma source(%dma_start3A_282 : memref<20000x128xf32, #tpu.memory_space<hbm>>) target(%dma_start3A_274 : memref<64x128xf32, #tpu.memory_space<vmem>>) offsets(%dma_start3A_279 : memref<64xi32, #tpu.memory_space<vmem>>) semaphore(%dma_start3A_284 : memref<!tpu.dma_semaphore, #tpu.memory_space<semaphore_mem>>)
        %dma_start3A_285 = arith.constant 1 : i32
        %dma_start3A_286 = arith.constant 64 : i32
        %dma_start3A_287 = arith.constant 0 : i32
        %dma_start3A_288 = tpu.memref_slice %arg9[%dma_start3A_286, %dma_start3A_287] : memref<128x128xf32, #tpu.memory_space<vmem>> -> memref<64x128xf32, #tpu.memory_space<vmem>>
        %dma_start3A_289 = arith.constant 0 : i32
        %dma_start3A_290 = tpu.memref_slice %arg7[%add3A_270, %dma_start3A_289] : memref<40x128xi32, #tpu.memory_space<vmem>> -> memref<1x128xi32, #tpu.memory_space<vmem>>
        %dma_start3A_291 = tpu.memref_squeeze %dma_start3A_290 : memref<1x128xi32, #tpu.memory_space<vmem>> -> memref<128xi32, #tpu.memory_space<vmem>>
        %dma_start3A_292 = arith.constant 64 : i32
        %dma_start3A_293 = tpu.memref_slice %dma_start3A_291[%dma_start3A_292] : memref<128xi32, #tpu.memory_space<vmem>> -> memref<64xi32, #tpu.memory_space<vmem>>
        %dma_start3A_294 = arith.constant 0 : i32
        %dma_start3A_295 = arith.constant 0 : i32
        %dma_start3A_296 = tpu.memref_slice %arg2[%dma_start3A_294, %dma_start3A_295] : memref<20000x128xf32, #tpu.memory_space<hbm>> -> memref<20000x128xf32, #tpu.memory_space<hbm>>
        %dma_start3A_297 = tpu.memref_slice %arg12[%dma_start3A_285] : memref<2x!tpu.dma_semaphore, #tpu.memory_space<semaphore_mem>> -> memref<1x!tpu.dma_semaphore, #tpu.memory_space<semaphore_mem>>
        %dma_start3A_298 = tpu.memref_squeeze %dma_start3A_297 : memref<1x!tpu.dma_semaphore, #tpu.memory_space<semaphore_mem>> -> memref<!tpu.dma_semaphore, #tpu.memory_space<semaphore_mem>>
        tpu.enqueue_indirect_dma source(%dma_start3A_296 : memref<20000x128xf32, #tpu.memory_space<hbm>>) target(%dma_start3A_288 : memref<64x128xf32, #tpu.memory_space<vmem>>) offsets(%dma_start3A_293 : memref<64xi32, #tpu.memory_space<vmem>>) semaphore(%dma_start3A_298 : memref<!tpu.dma_semaphore, #tpu.memory_space<semaphore_mem>>)
      } else {
      }
      %add3A_267 = arith.constant 1 : i32
      %add3A_268 = arith.addi %add3A_173, %add3A_267 : i32
      "tpu.region"() ({
        %run_scoped3A = tpu.sem_alloc : memref<!tpu.dma_semaphore, #tpu.memory_space<semaphore_mem>>
        %dma_start3A_269 = arith.constant 0 : i32
        %dma_start3A_270 = tpu.memref_slice %arg8[%add3A_268, %dma_start3A_269] : memref<40x128xi32, #tpu.memory_space<vmem>> -> memref<1x128xi32, #tpu.memory_space<vmem>>
        %dma_start3A_271 = tpu.memref_squeeze %dma_start3A_270 : memref<1x128xi32, #tpu.memory_space<vmem>> -> memref<128xi32, #tpu.memory_space<vmem>>
        %dma_start3A_272 = arith.constant 0 : i32
        %dma_start3A_273 = arith.constant 0 : i32
        %dma_start3A_274 = tpu.memref_slice %arg11[%dma_start3A_272, %dma_start3A_273] : memref<10112x128xf32, #tpu.memory_space<vmem_shared>> -> memref<10112x128xf32, #tpu.memory_space<vmem_shared>>
        tpu.enqueue_indirect_dma source(%arg10 : memref<128x128xf32, #tpu.memory_space<vmem>>) target(%dma_start3A_274 : memref<10112x128xf32, #tpu.memory_space<vmem_shared>>) offsets(%dma_start3A_271 : memref<128xi32, #tpu.memory_space<vmem>>) semaphore(%run_scoped3A : memref<!tpu.dma_semaphore, #tpu.memory_space<semaphore_mem>>) {add = true}
        %dma_wait3A_275 = arith.constant 0 : i32
        %dma_wait3A_276 = tpu.memref_slice %arg8[%add3A_268, %dma_wait3A_275] : memref<40x128xi32, #tpu.memory_space<vmem>> -> memref<1x128xi32, #tpu.memory_space<vmem>>
        %dma_wait3A_277 = tpu.memref_squeeze %dma_wait3A_276 : memref<1x128xi32, #tpu.memory_space<vmem>> -> memref<128xi32, #tpu.memory_space<vmem>>
        %dma_wait3A_278 = arith.constant 0 : i32
        %dma_wait3A_279 = arith.constant 0 : i32
        %dma_wait3A_280 = tpu.memref_slice %arg11[%dma_wait3A_278, %dma_wait3A_279] : memref<10112x128xf32, #tpu.memory_space<vmem_shared>> -> memref<10112x128xf32, #tpu.memory_space<vmem_shared>>
        tpu.wait_indirect_dma semaphore(%run_scoped3A : memref<!tpu.dma_semaphore, #tpu.memory_space<semaphore_mem>>) src(%arg10 : memref<128x128xf32, #tpu.memory_space<vmem>>) dst(%dma_wait3A_280 : memref<10112x128xf32, #tpu.memory_space<vmem_shared>>)
        tpu.yield
      }) : () -> ()
    }
    %scan3A_80 = arith.constant 20 : i32
    %mul3A_81 = arith.constant 160 : i32
    %mul3A_82 = arith.muli %add3A, %mul3A_81 : i32
    %add3A_83 = arith.constant 80 : i32
    %add3A_84 = arith.addi %mul3A_82, %add3A_83 : i32
    "tpu.region"() ({
      %run_scoped3A = tpu.sem_alloc : memref<!tpu.dma_semaphore, #tpu.memory_space<semaphore_mem>>
      %dma_start3A_169 = arith.constant 0 : i32
      %dma_start3A_170 = tpu.memref_slice %arg3[%add3A_84, %dma_start3A_169] : memref<5120x128xi32, #tpu.memory_space<hbm>> -> memref<40x128xi32, #tpu.memory_space<hbm>>
      %dma_start3A_171 = arith.constant 0 : i32
      %dma_start3A_172 = tpu.memref_slice %arg3[%add3A_84, %dma_start3A_171] : memref<5120x128xi32, #tpu.memory_space<hbm>> -> memref<40x128xi32, #tpu.memory_space<hbm>>
      tpu.enqueue_dma source(%dma_start3A_172 : memref<40x128xi32, #tpu.memory_space<hbm>>) target(%arg7 : memref<40x128xi32, #tpu.memory_space<vmem>>) target_semaphore(%run_scoped3A : memref<!tpu.dma_semaphore, #tpu.memory_space<semaphore_mem>>)
      %dma_wait3A = arith.constant 0 : i32
      %dma_wait3A_173 = tpu.memref_slice %arg3[%add3A_84, %dma_wait3A] : memref<5120x128xi32, #tpu.memory_space<hbm>> -> memref<40x128xi32, #tpu.memory_space<hbm>>
      %dma_wait3A_174 = arith.constant 0 : i32
      %dma_wait3A_175 = tpu.memref_slice %arg3[%add3A_84, %dma_wait3A_174] : memref<5120x128xi32, #tpu.memory_space<hbm>> -> memref<40x128xi32, #tpu.memory_space<hbm>>
      tpu.wait_dma2 semaphore(%run_scoped3A : memref<!tpu.dma_semaphore, #tpu.memory_space<semaphore_mem>>) src(%dma_wait3A_175 : memref<40x128xi32, #tpu.memory_space<hbm>>) dst(%arg7 : memref<40x128xi32, #tpu.memory_space<vmem>>)
      tpu.yield
    }) : () -> ()
    "tpu.region"() ({
      %run_scoped3A = tpu.sem_alloc : memref<!tpu.dma_semaphore, #tpu.memory_space<semaphore_mem>>
      %dma_start3A_169 = arith.constant 0 : i32
      %dma_start3A_170 = tpu.memref_slice %arg4[%add3A_84, %dma_start3A_169] : memref<5120x128xi32, #tpu.memory_space<hbm>> -> memref<40x128xi32, #tpu.memory_space<hbm>>
      %dma_start3A_171 = arith.constant 0 : i32
      %dma_start3A_172 = tpu.memref_slice %arg4[%add3A_84, %dma_start3A_171] : memref<5120x128xi32, #tpu.memory_space<hbm>> -> memref<40x128xi32, #tpu.memory_space<hbm>>
      tpu.enqueue_dma source(%dma_start3A_172 : memref<40x128xi32, #tpu.memory_space<hbm>>) target(%arg8 : memref<40x128xi32, #tpu.memory_space<vmem>>) target_semaphore(%run_scoped3A : memref<!tpu.dma_semaphore, #tpu.memory_space<semaphore_mem>>)
      %dma_wait3A = arith.constant 0 : i32
      %dma_wait3A_173 = tpu.memref_slice %arg4[%add3A_84, %dma_wait3A] : memref<5120x128xi32, #tpu.memory_space<hbm>> -> memref<40x128xi32, #tpu.memory_space<hbm>>
      %dma_wait3A_174 = arith.constant 0 : i32
      %dma_wait3A_175 = tpu.memref_slice %arg4[%add3A_84, %dma_wait3A_174] : memref<5120x128xi32, #tpu.memory_space<hbm>> -> memref<40x128xi32, #tpu.memory_space<hbm>>
      tpu.wait_dma2 semaphore(%run_scoped3A : memref<!tpu.dma_semaphore, #tpu.memory_space<semaphore_mem>>) src(%dma_wait3A_175 : memref<40x128xi32, #tpu.memory_space<hbm>>) dst(%arg8 : memref<40x128xi32, #tpu.memory_space<vmem>>)
      tpu.yield
    }) : () -> ()
    %dma_start3A_85 = arith.constant 0 : i32
    %dma_start3A_86 = arith.constant 0 : i32
    %dma_start3A_87 = arith.constant 0 : i32
    %dma_start3A_88 = arith.constant 0 : i32
    %dma_start3A_89 = tpu.memref_slice %arg9[%dma_start3A_87, %dma_start3A_88] : memref<128x128xf32, #tpu.memory_space<vmem>> -> memref<64x128xf32, #tpu.memory_space<vmem>>
    %dma_start3A_90 = arith.constant 0 : i32
    %dma_start3A_91 = tpu.memref_slice %arg7[%dma_start3A_85, %dma_start3A_90] : memref<40x128xi32, #tpu.memory_space<vmem>> -> memref<1x128xi32, #tpu.memory_space<vmem>>
    %dma_start3A_92 = tpu.memref_squeeze %dma_start3A_91 : memref<1x128xi32, #tpu.memory_space<vmem>> -> memref<128xi32, #tpu.memory_space<vmem>>
    %dma_start3A_93 = arith.constant 0 : i32
    %dma_start3A_94 = tpu.memref_slice %dma_start3A_92[%dma_start3A_93] : memref<128xi32, #tpu.memory_space<vmem>> -> memref<64xi32, #tpu.memory_space<vmem>>
    %dma_start3A_95 = arith.constant 0 : i32
    %dma_start3A_96 = arith.constant 0 : i32
    %dma_start3A_97 = tpu.memref_slice %arg2[%dma_start3A_95, %dma_start3A_96] : memref<20000x128xf32, #tpu.memory_space<hbm>> -> memref<20000x128xf32, #tpu.memory_space<hbm>>
    %dma_start3A_98 = tpu.memref_slice %arg12[%dma_start3A_86] : memref<2x!tpu.dma_semaphore, #tpu.memory_space<semaphore_mem>> -> memref<1x!tpu.dma_semaphore, #tpu.memory_space<semaphore_mem>>
    %dma_start3A_99 = tpu.memref_squeeze %dma_start3A_98 : memref<1x!tpu.dma_semaphore, #tpu.memory_space<semaphore_mem>> -> memref<!tpu.dma_semaphore, #tpu.memory_space<semaphore_mem>>
    tpu.enqueue_indirect_dma source(%dma_start3A_97 : memref<20000x128xf32, #tpu.memory_space<hbm>>) target(%dma_start3A_89 : memref<64x128xf32, #tpu.memory_space<vmem>>) offsets(%dma_start3A_94 : memref<64xi32, #tpu.memory_space<vmem>>) semaphore(%dma_start3A_99 : memref<!tpu.dma_semaphore, #tpu.memory_space<semaphore_mem>>)
    %dma_start3A_100 = arith.constant 0 : i32
    %dma_start3A_101 = arith.constant 1 : i32
    %dma_start3A_102 = arith.constant 64 : i32
    %dma_start3A_103 = arith.constant 0 : i32
    %dma_start3A_104 = tpu.memref_slice %arg9[%dma_start3A_102, %dma_start3A_103] : memref<128x128xf32, #tpu.memory_space<vmem>> -> memref<64x128xf32, #tpu.memory_space<vmem>>
    %dma_start3A_105 = arith.constant 0 : i32
    %dma_start3A_106 = tpu.memref_slice %arg7[%dma_start3A_100, %dma_start3A_105] : memref<40x128xi32, #tpu.memory_space<vmem>> -> memref<1x128xi32, #tpu.memory_space<vmem>>
    %dma_start3A_107 = tpu.memref_squeeze %dma_start3A_106 : memref<1x128xi32, #tpu.memory_space<vmem>> -> memref<128xi32, #tpu.memory_space<vmem>>
    %dma_start3A_108 = arith.constant 64 : i32
    %dma_start3A_109 = tpu.memref_slice %dma_start3A_107[%dma_start3A_108] : memref<128xi32, #tpu.memory_space<vmem>> -> memref<64xi32, #tpu.memory_space<vmem>>
    %dma_start3A_110 = arith.constant 0 : i32
    %dma_start3A_111 = arith.constant 0 : i32
    %dma_start3A_112 = tpu.memref_slice %arg2[%dma_start3A_110, %dma_start3A_111] : memref<20000x128xf32, #tpu.memory_space<hbm>> -> memref<20000x128xf32, #tpu.memory_space<hbm>>
    %dma_start3A_113 = tpu.memref_slice %arg12[%dma_start3A_101] : memref<2x!tpu.dma_semaphore, #tpu.memory_space<semaphore_mem>> -> memref<1x!tpu.dma_semaphore, #tpu.memory_space<semaphore_mem>>
    %dma_start3A_114 = tpu.memref_squeeze %dma_start3A_113 : memref<1x!tpu.dma_semaphore, #tpu.memory_space<semaphore_mem>> -> memref<!tpu.dma_semaphore, #tpu.memory_space<semaphore_mem>>
    tpu.enqueue_indirect_dma source(%dma_start3A_112 : memref<20000x128xf32, #tpu.memory_space<hbm>>) target(%dma_start3A_104 : memref<64x128xf32, #tpu.memory_space<vmem>>) offsets(%dma_start3A_109 : memref<64xi32, #tpu.memory_space<vmem>>) semaphore(%dma_start3A_114 : memref<!tpu.dma_semaphore, #tpu.memory_space<semaphore_mem>>)
    %scan3A_115 = arith.constant 0 : i32
    %scan3A_116 = arith.constant 20 : i32
    %scan3A_117 = arith.addi %scan3A_115, %scan3A_116 : i32
    %scan3A_118 = arith.constant 1 : i32
    scf.for %scan3A_169 = %scan3A_115 to %scan3A_117 step %scan3A_118  : i32 {
      %mul3A_170 = arith.constant 2 : i32
      %mul3A_171 = arith.muli %scan3A_169, %mul3A_170 : i32
      %add3A_172 = arith.constant 0 : i32
      %add3A_173 = arith.addi %add3A_172, %mul3A_171 : i32
      %dma_wait3A = arith.constant 0 : i32
      %dma_wait3A_174 = arith.constant 0 : i32
      %dma_wait3A_175 = arith.constant 0 : i32
      %dma_wait3A_176 = tpu.memref_slice %arg9[%dma_wait3A_174, %dma_wait3A_175] : memref<128x128xf32, #tpu.memory_space<vmem>> -> memref<64x128xf32, #tpu.memory_space<vmem>>
      %dma_wait3A_177 = arith.constant 0 : i32
      %dma_wait3A_178 = tpu.memref_slice %arg7[%add3A_173, %dma_wait3A_177] : memref<40x128xi32, #tpu.memory_space<vmem>> -> memref<1x128xi32, #tpu.memory_space<vmem>>
      %dma_wait3A_179 = tpu.memref_squeeze %dma_wait3A_178 : memref<1x128xi32, #tpu.memory_space<vmem>> -> memref<128xi32, #tpu.memory_space<vmem>>
      %dma_wait3A_180 = arith.constant 0 : i32
      %dma_wait3A_181 = tpu.memref_slice %dma_wait3A_179[%dma_wait3A_180] : memref<128xi32, #tpu.memory_space<vmem>> -> memref<64xi32, #tpu.memory_space<vmem>>
      %dma_wait3A_182 = arith.constant 0 : i32
      %dma_wait3A_183 = arith.constant 0 : i32
      %dma_wait3A_184 = tpu.memref_slice %arg2[%dma_wait3A_182, %dma_wait3A_183] : memref<20000x128xf32, #tpu.memory_space<hbm>> -> memref<20000x128xf32, #tpu.memory_space<hbm>>
      %dma_wait3A_185 = tpu.memref_slice %arg12[%dma_wait3A] : memref<2x!tpu.dma_semaphore, #tpu.memory_space<semaphore_mem>> -> memref<1x!tpu.dma_semaphore, #tpu.memory_space<semaphore_mem>>
      %dma_wait3A_186 = tpu.memref_squeeze %dma_wait3A_185 : memref<1x!tpu.dma_semaphore, #tpu.memory_space<semaphore_mem>> -> memref<!tpu.dma_semaphore, #tpu.memory_space<semaphore_mem>>
      tpu.wait_indirect_dma semaphore(%dma_wait3A_186 : memref<!tpu.dma_semaphore, #tpu.memory_space<semaphore_mem>>) src(%dma_wait3A_184 : memref<20000x128xf32, #tpu.memory_space<hbm>>) dst(%dma_wait3A_176 : memref<64x128xf32, #tpu.memory_space<vmem>>)
      %dma_wait3A_187 = arith.constant 1 : i32
      %dma_wait3A_188 = arith.constant 64 : i32
      %dma_wait3A_189 = arith.constant 0 : i32
      %dma_wait3A_190 = tpu.memref_slice %arg9[%dma_wait3A_188, %dma_wait3A_189] : memref<128x128xf32, #tpu.memory_space<vmem>> -> memref<64x128xf32, #tpu.memory_space<vmem>>
      %dma_wait3A_191 = arith.constant 0 : i32
      %dma_wait3A_192 = tpu.memref_slice %arg7[%add3A_173, %dma_wait3A_191] : memref<40x128xi32, #tpu.memory_space<vmem>> -> memref<1x128xi32, #tpu.memory_space<vmem>>
      %dma_wait3A_193 = tpu.memref_squeeze %dma_wait3A_192 : memref<1x128xi32, #tpu.memory_space<vmem>> -> memref<128xi32, #tpu.memory_space<vmem>>
      %dma_wait3A_194 = arith.constant 64 : i32
      %dma_wait3A_195 = tpu.memref_slice %dma_wait3A_193[%dma_wait3A_194] : memref<128xi32, #tpu.memory_space<vmem>> -> memref<64xi32, #tpu.memory_space<vmem>>
      %dma_wait3A_196 = arith.constant 0 : i32
      %dma_wait3A_197 = arith.constant 0 : i32
      %dma_wait3A_198 = tpu.memref_slice %arg2[%dma_wait3A_196, %dma_wait3A_197] : memref<20000x128xf32, #tpu.memory_space<hbm>> -> memref<20000x128xf32, #tpu.memory_space<hbm>>
      %dma_wait3A_199 = tpu.memref_slice %arg12[%dma_wait3A_187] : memref<2x!tpu.dma_semaphore, #tpu.memory_space<semaphore_mem>> -> memref<1x!tpu.dma_semaphore, #tpu.memory_space<semaphore_mem>>
      %dma_wait3A_200 = tpu.memref_squeeze %dma_wait3A_199 : memref<1x!tpu.dma_semaphore, #tpu.memory_space<semaphore_mem>> -> memref<!tpu.dma_semaphore, #tpu.memory_space<semaphore_mem>>
      tpu.wait_indirect_dma semaphore(%dma_wait3A_200 : memref<!tpu.dma_semaphore, #tpu.memory_space<semaphore_mem>>) src(%dma_wait3A_198 : memref<20000x128xf32, #tpu.memory_space<hbm>>) dst(%dma_wait3A_190 : memref<64x128xf32, #tpu.memory_space<vmem>>)
      %add3A_201 = arith.constant 1 : i32
      %add3A_202 = arith.addi %add3A_173, %add3A_201 : i32
      %dma_start3A_203 = arith.constant 0 : i32
      %dma_start3A_204 = arith.constant 0 : i32
      %dma_start3A_205 = arith.constant 0 : i32
      %dma_start3A_206 = tpu.memref_slice %arg10[%dma_start3A_204, %dma_start3A_205] : memref<128x128xf32, #tpu.memory_space<vmem>> -> memref<64x128xf32, #tpu.memory_space<vmem>>
      %dma_start3A_207 = arith.constant 0 : i32
      %dma_start3A_208 = tpu.memref_slice %arg7[%add3A_202, %dma_start3A_207] : memref<40x128xi32, #tpu.memory_space<vmem>> -> memref<1x128xi32, #tpu.memory_space<vmem>>
      %dma_start3A_209 = tpu.memref_squeeze %dma_start3A_208 : memref<1x128xi32, #tpu.memory_space<vmem>> -> memref<128xi32, #tpu.memory_space<vmem>>
      %dma_start3A_210 = arith.constant 0 : i32
      %dma_start3A_211 = tpu.memref_slice %dma_start3A_209[%dma_start3A_210] : memref<128xi32, #tpu.memory_space<vmem>> -> memref<64xi32, #tpu.memory_space<vmem>>
      %dma_start3A_212 = arith.constant 0 : i32
      %dma_start3A_213 = arith.constant 0 : i32
      %dma_start3A_214 = tpu.memref_slice %arg2[%dma_start3A_212, %dma_start3A_213] : memref<20000x128xf32, #tpu.memory_space<hbm>> -> memref<20000x128xf32, #tpu.memory_space<hbm>>
      %dma_start3A_215 = tpu.memref_slice %arg13[%dma_start3A_203] : memref<2x!tpu.dma_semaphore, #tpu.memory_space<semaphore_mem>> -> memref<1x!tpu.dma_semaphore, #tpu.memory_space<semaphore_mem>>
      %dma_start3A_216 = tpu.memref_squeeze %dma_start3A_215 : memref<1x!tpu.dma_semaphore, #tpu.memory_space<semaphore_mem>> -> memref<!tpu.dma_semaphore, #tpu.memory_space<semaphore_mem>>
      tpu.enqueue_indirect_dma source(%dma_start3A_214 : memref<20000x128xf32, #tpu.memory_space<hbm>>) target(%dma_start3A_206 : memref<64x128xf32, #tpu.memory_space<vmem>>) offsets(%dma_start3A_211 : memref<64xi32, #tpu.memory_space<vmem>>) semaphore(%dma_start3A_216 : memref<!tpu.dma_semaphore, #tpu.memory_space<semaphore_mem>>)
      %dma_start3A_217 = arith.constant 1 : i32
      %dma_start3A_218 = arith.constant 64 : i32
      %dma_start3A_219 = arith.constant 0 : i32
      %dma_start3A_220 = tpu.memref_slice %arg10[%dma_start3A_218, %dma_start3A_219] : memref<128x128xf32, #tpu.memory_space<vmem>> -> memref<64x128xf32, #tpu.memory_space<vmem>>
      %dma_start3A_221 = arith.constant 0 : i32
      %dma_start3A_222 = tpu.memref_slice %arg7[%add3A_202, %dma_start3A_221] : memref<40x128xi32, #tpu.memory_space<vmem>> -> memref<1x128xi32, #tpu.memory_space<vmem>>
      %dma_start3A_223 = tpu.memref_squeeze %dma_start3A_222 : memref<1x128xi32, #tpu.memory_space<vmem>> -> memref<128xi32, #tpu.memory_space<vmem>>
      %dma_start3A_224 = arith.constant 64 : i32
      %dma_start3A_225 = tpu.memref_slice %dma_start3A_223[%dma_start3A_224] : memref<128xi32, #tpu.memory_space<vmem>> -> memref<64xi32, #tpu.memory_space<vmem>>
      %dma_start3A_226 = arith.constant 0 : i32
      %dma_start3A_227 = arith.constant 0 : i32
      %dma_start3A_228 = tpu.memref_slice %arg2[%dma_start3A_226, %dma_start3A_227] : memref<20000x128xf32, #tpu.memory_space<hbm>> -> memref<20000x128xf32, #tpu.memory_space<hbm>>
      %dma_start3A_229 = tpu.memref_slice %arg13[%dma_start3A_217] : memref<2x!tpu.dma_semaphore, #tpu.memory_space<semaphore_mem>> -> memref<1x!tpu.dma_semaphore, #tpu.memory_space<semaphore_mem>>
      %dma_start3A_230 = tpu.memref_squeeze %dma_start3A_229 : memref<1x!tpu.dma_semaphore, #tpu.memory_space<semaphore_mem>> -> memref<!tpu.dma_semaphore, #tpu.memory_space<semaphore_mem>>
      tpu.enqueue_indirect_dma source(%dma_start3A_228 : memref<20000x128xf32, #tpu.memory_space<hbm>>) target(%dma_start3A_220 : memref<64x128xf32, #tpu.memory_space<vmem>>) offsets(%dma_start3A_225 : memref<64xi32, #tpu.memory_space<vmem>>) semaphore(%dma_start3A_230 : memref<!tpu.dma_semaphore, #tpu.memory_space<semaphore_mem>>)
      "tpu.region"() ({
        %run_scoped3A = tpu.sem_alloc : memref<!tpu.dma_semaphore, #tpu.memory_space<semaphore_mem>>
        %dma_start3A_269 = arith.constant 0 : i32
        %dma_start3A_270 = tpu.memref_slice %arg8[%add3A_173, %dma_start3A_269] : memref<40x128xi32, #tpu.memory_space<vmem>> -> memref<1x128xi32, #tpu.memory_space<vmem>>
        %dma_start3A_271 = tpu.memref_squeeze %dma_start3A_270 : memref<1x128xi32, #tpu.memory_space<vmem>> -> memref<128xi32, #tpu.memory_space<vmem>>
        %dma_start3A_272 = arith.constant 0 : i32
        %dma_start3A_273 = arith.constant 0 : i32
        %dma_start3A_274 = tpu.memref_slice %arg11[%dma_start3A_272, %dma_start3A_273] : memref<10112x128xf32, #tpu.memory_space<vmem_shared>> -> memref<10112x128xf32, #tpu.memory_space<vmem_shared>>
        tpu.enqueue_indirect_dma source(%arg9 : memref<128x128xf32, #tpu.memory_space<vmem>>) target(%dma_start3A_274 : memref<10112x128xf32, #tpu.memory_space<vmem_shared>>) offsets(%dma_start3A_271 : memref<128xi32, #tpu.memory_space<vmem>>) semaphore(%run_scoped3A : memref<!tpu.dma_semaphore, #tpu.memory_space<semaphore_mem>>) {add = true}
        %dma_wait3A_275 = arith.constant 0 : i32
        %dma_wait3A_276 = tpu.memref_slice %arg8[%add3A_173, %dma_wait3A_275] : memref<40x128xi32, #tpu.memory_space<vmem>> -> memref<1x128xi32, #tpu.memory_space<vmem>>
        %dma_wait3A_277 = tpu.memref_squeeze %dma_wait3A_276 : memref<1x128xi32, #tpu.memory_space<vmem>> -> memref<128xi32, #tpu.memory_space<vmem>>
        %dma_wait3A_278 = arith.constant 0 : i32
        %dma_wait3A_279 = arith.constant 0 : i32
        %dma_wait3A_280 = tpu.memref_slice %arg11[%dma_wait3A_278, %dma_wait3A_279] : memref<10112x128xf32, #tpu.memory_space<vmem_shared>> -> memref<10112x128xf32, #tpu.memory_space<vmem_shared>>
        tpu.wait_indirect_dma semaphore(%run_scoped3A : memref<!tpu.dma_semaphore, #tpu.memory_space<semaphore_mem>>) src(%arg9 : memref<128x128xf32, #tpu.memory_space<vmem>>) dst(%dma_wait3A_280 : memref<10112x128xf32, #tpu.memory_space<vmem_shared>>)
        tpu.yield
      }) : () -> ()
      %add3A_231 = arith.constant 1 : i32
      %add3A_232 = arith.addi %add3A_173, %add3A_231 : i32
      %dma_wait3A_233 = arith.constant 0 : i32
      %dma_wait3A_234 = arith.constant 0 : i32
      %dma_wait3A_235 = arith.constant 0 : i32
      %dma_wait3A_236 = tpu.memref_slice %arg10[%dma_wait3A_234, %dma_wait3A_235] : memref<128x128xf32, #tpu.memory_space<vmem>> -> memref<64x128xf32, #tpu.memory_space<vmem>>
      %dma_wait3A_237 = arith.constant 0 : i32
      %dma_wait3A_238 = tpu.memref_slice %arg7[%add3A_232, %dma_wait3A_237] : memref<40x128xi32, #tpu.memory_space<vmem>> -> memref<1x128xi32, #tpu.memory_space<vmem>>
      %dma_wait3A_239 = tpu.memref_squeeze %dma_wait3A_238 : memref<1x128xi32, #tpu.memory_space<vmem>> -> memref<128xi32, #tpu.memory_space<vmem>>
      %dma_wait3A_240 = arith.constant 0 : i32
      %dma_wait3A_241 = tpu.memref_slice %dma_wait3A_239[%dma_wait3A_240] : memref<128xi32, #tpu.memory_space<vmem>> -> memref<64xi32, #tpu.memory_space<vmem>>
      %dma_wait3A_242 = arith.constant 0 : i32
      %dma_wait3A_243 = arith.constant 0 : i32
      %dma_wait3A_244 = tpu.memref_slice %arg2[%dma_wait3A_242, %dma_wait3A_243] : memref<20000x128xf32, #tpu.memory_space<hbm>> -> memref<20000x128xf32, #tpu.memory_space<hbm>>
      %dma_wait3A_245 = tpu.memref_slice %arg13[%dma_wait3A_233] : memref<2x!tpu.dma_semaphore, #tpu.memory_space<semaphore_mem>> -> memref<1x!tpu.dma_semaphore, #tpu.memory_space<semaphore_mem>>
      %dma_wait3A_246 = tpu.memref_squeeze %dma_wait3A_245 : memref<1x!tpu.dma_semaphore, #tpu.memory_space<semaphore_mem>> -> memref<!tpu.dma_semaphore, #tpu.memory_space<semaphore_mem>>
      tpu.wait_indirect_dma semaphore(%dma_wait3A_246 : memref<!tpu.dma_semaphore, #tpu.memory_space<semaphore_mem>>) src(%dma_wait3A_244 : memref<20000x128xf32, #tpu.memory_space<hbm>>) dst(%dma_wait3A_236 : memref<64x128xf32, #tpu.memory_space<vmem>>)
      %dma_wait3A_247 = arith.constant 1 : i32
      %dma_wait3A_248 = arith.constant 64 : i32
      %dma_wait3A_249 = arith.constant 0 : i32
      %dma_wait3A_250 = tpu.memref_slice %arg10[%dma_wait3A_248, %dma_wait3A_249] : memref<128x128xf32, #tpu.memory_space<vmem>> -> memref<64x128xf32, #tpu.memory_space<vmem>>
      %dma_wait3A_251 = arith.constant 0 : i32
      %dma_wait3A_252 = tpu.memref_slice %arg7[%add3A_232, %dma_wait3A_251] : memref<40x128xi32, #tpu.memory_space<vmem>> -> memref<1x128xi32, #tpu.memory_space<vmem>>
      %dma_wait3A_253 = tpu.memref_squeeze %dma_wait3A_252 : memref<1x128xi32, #tpu.memory_space<vmem>> -> memref<128xi32, #tpu.memory_space<vmem>>
      %dma_wait3A_254 = arith.constant 64 : i32
      %dma_wait3A_255 = tpu.memref_slice %dma_wait3A_253[%dma_wait3A_254] : memref<128xi32, #tpu.memory_space<vmem>> -> memref<64xi32, #tpu.memory_space<vmem>>
      %dma_wait3A_256 = arith.constant 0 : i32
      %dma_wait3A_257 = arith.constant 0 : i32
      %dma_wait3A_258 = tpu.memref_slice %arg2[%dma_wait3A_256, %dma_wait3A_257] : memref<20000x128xf32, #tpu.memory_space<hbm>> -> memref<20000x128xf32, #tpu.memory_space<hbm>>
      %dma_wait3A_259 = tpu.memref_slice %arg13[%dma_wait3A_247] : memref<2x!tpu.dma_semaphore, #tpu.memory_space<semaphore_mem>> -> memref<1x!tpu.dma_semaphore, #tpu.memory_space<semaphore_mem>>
      %dma_wait3A_260 = tpu.memref_squeeze %dma_wait3A_259 : memref<1x!tpu.dma_semaphore, #tpu.memory_space<semaphore_mem>> -> memref<!tpu.dma_semaphore, #tpu.memory_space<semaphore_mem>>
      tpu.wait_indirect_dma semaphore(%dma_wait3A_260 : memref<!tpu.dma_semaphore, #tpu.memory_space<semaphore_mem>>) src(%dma_wait3A_258 : memref<20000x128xf32, #tpu.memory_space<hbm>>) dst(%dma_wait3A_250 : memref<64x128xf32, #tpu.memory_space<vmem>>)
      %add3A_261 = arith.constant 2 : i32
      %add3A_262 = arith.addi %add3A_173, %add3A_261 : i32
      %lt3A = arith.constant 40 : i32
      %lt3A_263 = arith.cmpi slt, %add3A_262, %lt3A : i32
      %convert_element_type3A_264 = arith.extui %lt3A_263 : i1 to i32
      %cond3A_265 = arith.constant 0 : i32
      %cond3A_266 = arith.cmpi ne, %convert_element_type3A_264, %cond3A_265 : i32
      scf.if %cond3A_266 {
        %add3A_269 = arith.constant 2 : i32
        %add3A_270 = arith.addi %add3A_173, %add3A_269 : i32
        %dma_start3A_271 = arith.constant 0 : i32
        %dma_start3A_272 = arith.constant 0 : i32
        %dma_start3A_273 = arith.constant 0 : i32
        %dma_start3A_274 = tpu.memref_slice %arg9[%dma_start3A_272, %dma_start3A_273] : memref<128x128xf32, #tpu.memory_space<vmem>> -> memref<64x128xf32, #tpu.memory_space<vmem>>
        %dma_start3A_275 = arith.constant 0 : i32
        %dma_start3A_276 = tpu.memref_slice %arg7[%add3A_270, %dma_start3A_275] : memref<40x128xi32, #tpu.memory_space<vmem>> -> memref<1x128xi32, #tpu.memory_space<vmem>>
        %dma_start3A_277 = tpu.memref_squeeze %dma_start3A_276 : memref<1x128xi32, #tpu.memory_space<vmem>> -> memref<128xi32, #tpu.memory_space<vmem>>
        %dma_start3A_278 = arith.constant 0 : i32
        %dma_start3A_279 = tpu.memref_slice %dma_start3A_277[%dma_start3A_278] : memref<128xi32, #tpu.memory_space<vmem>> -> memref<64xi32, #tpu.memory_space<vmem>>
        %dma_start3A_280 = arith.constant 0 : i32
        %dma_start3A_281 = arith.constant 0 : i32
        %dma_start3A_282 = tpu.memref_slice %arg2[%dma_start3A_280, %dma_start3A_281] : memref<20000x128xf32, #tpu.memory_space<hbm>> -> memref<20000x128xf32, #tpu.memory_space<hbm>>
        %dma_start3A_283 = tpu.memref_slice %arg12[%dma_start3A_271] : memref<2x!tpu.dma_semaphore, #tpu.memory_space<semaphore_mem>> -> memref<1x!tpu.dma_semaphore, #tpu.memory_space<semaphore_mem>>
        %dma_start3A_284 = tpu.memref_squeeze %dma_start3A_283 : memref<1x!tpu.dma_semaphore, #tpu.memory_space<semaphore_mem>> -> memref<!tpu.dma_semaphore, #tpu.memory_space<semaphore_mem>>
        tpu.enqueue_indirect_dma source(%dma_start3A_282 : memref<20000x128xf32, #tpu.memory_space<hbm>>) target(%dma_start3A_274 : memref<64x128xf32, #tpu.memory_space<vmem>>) offsets(%dma_start3A_279 : memref<64xi32, #tpu.memory_space<vmem>>) semaphore(%dma_start3A_284 : memref<!tpu.dma_semaphore, #tpu.memory_space<semaphore_mem>>)
        %dma_start3A_285 = arith.constant 1 : i32
        %dma_start3A_286 = arith.constant 64 : i32
        %dma_start3A_287 = arith.constant 0 : i32
        %dma_start3A_288 = tpu.memref_slice %arg9[%dma_start3A_286, %dma_start3A_287] : memref<128x128xf32, #tpu.memory_space<vmem>> -> memref<64x128xf32, #tpu.memory_space<vmem>>
        %dma_start3A_289 = arith.constant 0 : i32
        %dma_start3A_290 = tpu.memref_slice %arg7[%add3A_270, %dma_start3A_289] : memref<40x128xi32, #tpu.memory_space<vmem>> -> memref<1x128xi32, #tpu.memory_space<vmem>>
        %dma_start3A_291 = tpu.memref_squeeze %dma_start3A_290 : memref<1x128xi32, #tpu.memory_space<vmem>> -> memref<128xi32, #tpu.memory_space<vmem>>
        %dma_start3A_292 = arith.constant 64 : i32
        %dma_start3A_293 = tpu.memref_slice %dma_start3A_291[%dma_start3A_292] : memref<128xi32, #tpu.memory_space<vmem>> -> memref<64xi32, #tpu.memory_space<vmem>>
        %dma_start3A_294 = arith.constant 0 : i32
        %dma_start3A_295 = arith.constant 0 : i32
        %dma_start3A_296 = tpu.memref_slice %arg2[%dma_start3A_294, %dma_start3A_295] : memref<20000x128xf32, #tpu.memory_space<hbm>> -> memref<20000x128xf32, #tpu.memory_space<hbm>>
        %dma_start3A_297 = tpu.memref_slice %arg12[%dma_start3A_285] : memref<2x!tpu.dma_semaphore, #tpu.memory_space<semaphore_mem>> -> memref<1x!tpu.dma_semaphore, #tpu.memory_space<semaphore_mem>>
        %dma_start3A_298 = tpu.memref_squeeze %dma_start3A_297 : memref<1x!tpu.dma_semaphore, #tpu.memory_space<semaphore_mem>> -> memref<!tpu.dma_semaphore, #tpu.memory_space<semaphore_mem>>
        tpu.enqueue_indirect_dma source(%dma_start3A_296 : memref<20000x128xf32, #tpu.memory_space<hbm>>) target(%dma_start3A_288 : memref<64x128xf32, #tpu.memory_space<vmem>>) offsets(%dma_start3A_293 : memref<64xi32, #tpu.memory_space<vmem>>) semaphore(%dma_start3A_298 : memref<!tpu.dma_semaphore, #tpu.memory_space<semaphore_mem>>)
      } else {
      }
      %add3A_267 = arith.constant 1 : i32
      %add3A_268 = arith.addi %add3A_173, %add3A_267 : i32
      "tpu.region"() ({
        %run_scoped3A = tpu.sem_alloc : memref<!tpu.dma_semaphore, #tpu.memory_space<semaphore_mem>>
        %dma_start3A_269 = arith.constant 0 : i32
        %dma_start3A_270 = tpu.memref_slice %arg8[%add3A_268, %dma_start3A_269] : memref<40x128xi32, #tpu.memory_space<vmem>> -> memref<1x128xi32, #tpu.memory_space<vmem>>
        %dma_start3A_271 = tpu.memref_squeeze %dma_start3A_270 : memref<1x128xi32, #tpu.memory_space<vmem>> -> memref<128xi32, #tpu.memory_space<vmem>>
        %dma_start3A_272 = arith.constant 0 : i32
        %dma_start3A_273 = arith.constant 0 : i32
        %dma_start3A_274 = tpu.memref_slice %arg11[%dma_start3A_272, %dma_start3A_273] : memref<10112x128xf32, #tpu.memory_space<vmem_shared>> -> memref<10112x128xf32, #tpu.memory_space<vmem_shared>>
        tpu.enqueue_indirect_dma source(%arg10 : memref<128x128xf32, #tpu.memory_space<vmem>>) target(%dma_start3A_274 : memref<10112x128xf32, #tpu.memory_space<vmem_shared>>) offsets(%dma_start3A_271 : memref<128xi32, #tpu.memory_space<vmem>>) semaphore(%run_scoped3A : memref<!tpu.dma_semaphore, #tpu.memory_space<semaphore_mem>>) {add = true}
        %dma_wait3A_275 = arith.constant 0 : i32
        %dma_wait3A_276 = tpu.memref_slice %arg8[%add3A_268, %dma_wait3A_275] : memref<40x128xi32, #tpu.memory_space<vmem>> -> memref<1x128xi32, #tpu.memory_space<vmem>>
        %dma_wait3A_277 = tpu.memref_squeeze %dma_wait3A_276 : memref<1x128xi32, #tpu.memory_space<vmem>> -> memref<128xi32, #tpu.memory_space<vmem>>
        %dma_wait3A_278 = arith.constant 0 : i32
        %dma_wait3A_279 = arith.constant 0 : i32
        %dma_wait3A_280 = tpu.memref_slice %arg11[%dma_wait3A_278, %dma_wait3A_279] : memref<10112x128xf32, #tpu.memory_space<vmem_shared>> -> memref<10112x128xf32, #tpu.memory_space<vmem_shared>>
        tpu.wait_indirect_dma semaphore(%run_scoped3A : memref<!tpu.dma_semaphore, #tpu.memory_space<semaphore_mem>>) src(%arg10 : memref<128x128xf32, #tpu.memory_space<vmem>>) dst(%dma_wait3A_280 : memref<10112x128xf32, #tpu.memory_space<vmem_shared>>)
        tpu.yield
      }) : () -> ()
    }
    %scan3A_119 = arith.constant 20 : i32
    %mul3A_120 = arith.constant 160 : i32
    %mul3A_121 = arith.muli %add3A, %mul3A_120 : i32
    %add3A_122 = arith.constant 120 : i32
    %add3A_123 = arith.addi %mul3A_121, %add3A_122 : i32
    "tpu.region"() ({
      %run_scoped3A = tpu.sem_alloc : memref<!tpu.dma_semaphore, #tpu.memory_space<semaphore_mem>>
      %dma_start3A_169 = arith.constant 0 : i32
      %dma_start3A_170 = tpu.memref_slice %arg3[%add3A_123, %dma_start3A_169] : memref<5120x128xi32, #tpu.memory_space<hbm>> -> memref<40x128xi32, #tpu.memory_space<hbm>>
      %dma_start3A_171 = arith.constant 0 : i32
      %dma_start3A_172 = tpu.memref_slice %arg3[%add3A_123, %dma_start3A_171] : memref<5120x128xi32, #tpu.memory_space<hbm>> -> memref<40x128xi32, #tpu.memory_space<hbm>>
      tpu.enqueue_dma source(%dma_start3A_172 : memref<40x128xi32, #tpu.memory_space<hbm>>) target(%arg7 : memref<40x128xi32, #tpu.memory_space<vmem>>) target_semaphore(%run_scoped3A : memref<!tpu.dma_semaphore, #tpu.memory_space<semaphore_mem>>)
      %dma_wait3A = arith.constant 0 : i32
      %dma_wait3A_173 = tpu.memref_slice %arg3[%add3A_123, %dma_wait3A] : memref<5120x128xi32, #tpu.memory_space<hbm>> -> memref<40x128xi32, #tpu.memory_space<hbm>>
      %dma_wait3A_174 = arith.constant 0 : i32
      %dma_wait3A_175 = tpu.memref_slice %arg3[%add3A_123, %dma_wait3A_174] : memref<5120x128xi32, #tpu.memory_space<hbm>> -> memref<40x128xi32, #tpu.memory_space<hbm>>
      tpu.wait_dma2 semaphore(%run_scoped3A : memref<!tpu.dma_semaphore, #tpu.memory_space<semaphore_mem>>) src(%dma_wait3A_175 : memref<40x128xi32, #tpu.memory_space<hbm>>) dst(%arg7 : memref<40x128xi32, #tpu.memory_space<vmem>>)
      tpu.yield
    }) : () -> ()
    "tpu.region"() ({
      %run_scoped3A = tpu.sem_alloc : memref<!tpu.dma_semaphore, #tpu.memory_space<semaphore_mem>>
      %dma_start3A_169 = arith.constant 0 : i32
      %dma_start3A_170 = tpu.memref_slice %arg4[%add3A_123, %dma_start3A_169] : memref<5120x128xi32, #tpu.memory_space<hbm>> -> memref<40x128xi32, #tpu.memory_space<hbm>>
      %dma_start3A_171 = arith.constant 0 : i32
      %dma_start3A_172 = tpu.memref_slice %arg4[%add3A_123, %dma_start3A_171] : memref<5120x128xi32, #tpu.memory_space<hbm>> -> memref<40x128xi32, #tpu.memory_space<hbm>>
      tpu.enqueue_dma source(%dma_start3A_172 : memref<40x128xi32, #tpu.memory_space<hbm>>) target(%arg8 : memref<40x128xi32, #tpu.memory_space<vmem>>) target_semaphore(%run_scoped3A : memref<!tpu.dma_semaphore, #tpu.memory_space<semaphore_mem>>)
      %dma_wait3A = arith.constant 0 : i32
      %dma_wait3A_173 = tpu.memref_slice %arg4[%add3A_123, %dma_wait3A] : memref<5120x128xi32, #tpu.memory_space<hbm>> -> memref<40x128xi32, #tpu.memory_space<hbm>>
      %dma_wait3A_174 = arith.constant 0 : i32
      %dma_wait3A_175 = tpu.memref_slice %arg4[%add3A_123, %dma_wait3A_174] : memref<5120x128xi32, #tpu.memory_space<hbm>> -> memref<40x128xi32, #tpu.memory_space<hbm>>
      tpu.wait_dma2 semaphore(%run_scoped3A : memref<!tpu.dma_semaphore, #tpu.memory_space<semaphore_mem>>) src(%dma_wait3A_175 : memref<40x128xi32, #tpu.memory_space<hbm>>) dst(%arg8 : memref<40x128xi32, #tpu.memory_space<vmem>>)
      tpu.yield
    }) : () -> ()
    %dma_start3A_124 = arith.constant 0 : i32
    %dma_start3A_125 = arith.constant 0 : i32
    %dma_start3A_126 = arith.constant 0 : i32
    %dma_start3A_127 = arith.constant 0 : i32
    %dma_start3A_128 = tpu.memref_slice %arg9[%dma_start3A_126, %dma_start3A_127] : memref<128x128xf32, #tpu.memory_space<vmem>> -> memref<64x128xf32, #tpu.memory_space<vmem>>
    %dma_start3A_129 = arith.constant 0 : i32
    %dma_start3A_130 = tpu.memref_slice %arg7[%dma_start3A_124, %dma_start3A_129] : memref<40x128xi32, #tpu.memory_space<vmem>> -> memref<1x128xi32, #tpu.memory_space<vmem>>
    %dma_start3A_131 = tpu.memref_squeeze %dma_start3A_130 : memref<1x128xi32, #tpu.memory_space<vmem>> -> memref<128xi32, #tpu.memory_space<vmem>>
    %dma_start3A_132 = arith.constant 0 : i32
    %dma_start3A_133 = tpu.memref_slice %dma_start3A_131[%dma_start3A_132] : memref<128xi32, #tpu.memory_space<vmem>> -> memref<64xi32, #tpu.memory_space<vmem>>
    %dma_start3A_134 = arith.constant 0 : i32
    %dma_start3A_135 = arith.constant 0 : i32
    %dma_start3A_136 = tpu.memref_slice %arg2[%dma_start3A_134, %dma_start3A_135] : memref<20000x128xf32, #tpu.memory_space<hbm>> -> memref<20000x128xf32, #tpu.memory_space<hbm>>
    %dma_start3A_137 = tpu.memref_slice %arg12[%dma_start3A_125] : memref<2x!tpu.dma_semaphore, #tpu.memory_space<semaphore_mem>> -> memref<1x!tpu.dma_semaphore, #tpu.memory_space<semaphore_mem>>
    %dma_start3A_138 = tpu.memref_squeeze %dma_start3A_137 : memref<1x!tpu.dma_semaphore, #tpu.memory_space<semaphore_mem>> -> memref<!tpu.dma_semaphore, #tpu.memory_space<semaphore_mem>>
    tpu.enqueue_indirect_dma source(%dma_start3A_136 : memref<20000x128xf32, #tpu.memory_space<hbm>>) target(%dma_start3A_128 : memref<64x128xf32, #tpu.memory_space<vmem>>) offsets(%dma_start3A_133 : memref<64xi32, #tpu.memory_space<vmem>>) semaphore(%dma_start3A_138 : memref<!tpu.dma_semaphore, #tpu.memory_space<semaphore_mem>>)
    %dma_start3A_139 = arith.constant 0 : i32
    %dma_start3A_140 = arith.constant 1 : i32
    %dma_start3A_141 = arith.constant 64 : i32
    %dma_start3A_142 = arith.constant 0 : i32
    %dma_start3A_143 = tpu.memref_slice %arg9[%dma_start3A_141, %dma_start3A_142] : memref<128x128xf32, #tpu.memory_space<vmem>> -> memref<64x128xf32, #tpu.memory_space<vmem>>
    %dma_start3A_144 = arith.constant 0 : i32
    %dma_start3A_145 = tpu.memref_slice %arg7[%dma_start3A_139, %dma_start3A_144] : memref<40x128xi32, #tpu.memory_space<vmem>> -> memref<1x128xi32, #tpu.memory_space<vmem>>
    %dma_start3A_146 = tpu.memref_squeeze %dma_start3A_145 : memref<1x128xi32, #tpu.memory_space<vmem>> -> memref<128xi32, #tpu.memory_space<vmem>>
    %dma_start3A_147 = arith.constant 64 : i32
    %dma_start3A_148 = tpu.memref_slice %dma_start3A_146[%dma_start3A_147] : memref<128xi32, #tpu.memory_space<vmem>> -> memref<64xi32, #tpu.memory_space<vmem>>
    %dma_start3A_149 = arith.constant 0 : i32
    %dma_start3A_150 = arith.constant 0 : i32
    %dma_start3A_151 = tpu.memref_slice %arg2[%dma_start3A_149, %dma_start3A_150] : memref<20000x128xf32, #tpu.memory_space<hbm>> -> memref<20000x128xf32, #tpu.memory_space<hbm>>
    %dma_start3A_152 = tpu.memref_slice %arg12[%dma_start3A_140] : memref<2x!tpu.dma_semaphore, #tpu.memory_space<semaphore_mem>> -> memref<1x!tpu.dma_semaphore, #tpu.memory_space<semaphore_mem>>
    %dma_start3A_153 = tpu.memref_squeeze %dma_start3A_152 : memref<1x!tpu.dma_semaphore, #tpu.memory_space<semaphore_mem>> -> memref<!tpu.dma_semaphore, #tpu.memory_space<semaphore_mem>>
    tpu.enqueue_indirect_dma source(%dma_start3A_151 : memref<20000x128xf32, #tpu.memory_space<hbm>>) target(%dma_start3A_143 : memref<64x128xf32, #tpu.memory_space<vmem>>) offsets(%dma_start3A_148 : memref<64xi32, #tpu.memory_space<vmem>>) semaphore(%dma_start3A_153 : memref<!tpu.dma_semaphore, #tpu.memory_space<semaphore_mem>>)
    %scan3A_154 = arith.constant 0 : i32
    %scan3A_155 = arith.constant 20 : i32
    %scan3A_156 = arith.addi %scan3A_154, %scan3A_155 : i32
    %scan3A_157 = arith.constant 1 : i32
    scf.for %scan3A_169 = %scan3A_154 to %scan3A_156 step %scan3A_157  : i32 {
      %mul3A_170 = arith.constant 2 : i32
      %mul3A_171 = arith.muli %scan3A_169, %mul3A_170 : i32
      %add3A_172 = arith.constant 0 : i32
      %add3A_173 = arith.addi %add3A_172, %mul3A_171 : i32
      %dma_wait3A = arith.constant 0 : i32
      %dma_wait3A_174 = arith.constant 0 : i32
      %dma_wait3A_175 = arith.constant 0 : i32
      %dma_wait3A_176 = tpu.memref_slice %arg9[%dma_wait3A_174, %dma_wait3A_175] : memref<128x128xf32, #tpu.memory_space<vmem>> -> memref<64x128xf32, #tpu.memory_space<vmem>>
      %dma_wait3A_177 = arith.constant 0 : i32
      %dma_wait3A_178 = tpu.memref_slice %arg7[%add3A_173, %dma_wait3A_177] : memref<40x128xi32, #tpu.memory_space<vmem>> -> memref<1x128xi32, #tpu.memory_space<vmem>>
      %dma_wait3A_179 = tpu.memref_squeeze %dma_wait3A_178 : memref<1x128xi32, #tpu.memory_space<vmem>> -> memref<128xi32, #tpu.memory_space<vmem>>
      %dma_wait3A_180 = arith.constant 0 : i32
      %dma_wait3A_181 = tpu.memref_slice %dma_wait3A_179[%dma_wait3A_180] : memref<128xi32, #tpu.memory_space<vmem>> -> memref<64xi32, #tpu.memory_space<vmem>>
      %dma_wait3A_182 = arith.constant 0 : i32
      %dma_wait3A_183 = arith.constant 0 : i32
      %dma_wait3A_184 = tpu.memref_slice %arg2[%dma_wait3A_182, %dma_wait3A_183] : memref<20000x128xf32, #tpu.memory_space<hbm>> -> memref<20000x128xf32, #tpu.memory_space<hbm>>
      %dma_wait3A_185 = tpu.memref_slice %arg12[%dma_wait3A] : memref<2x!tpu.dma_semaphore, #tpu.memory_space<semaphore_mem>> -> memref<1x!tpu.dma_semaphore, #tpu.memory_space<semaphore_mem>>
      %dma_wait3A_186 = tpu.memref_squeeze %dma_wait3A_185 : memref<1x!tpu.dma_semaphore, #tpu.memory_space<semaphore_mem>> -> memref<!tpu.dma_semaphore, #tpu.memory_space<semaphore_mem>>
      tpu.wait_indirect_dma semaphore(%dma_wait3A_186 : memref<!tpu.dma_semaphore, #tpu.memory_space<semaphore_mem>>) src(%dma_wait3A_184 : memref<20000x128xf32, #tpu.memory_space<hbm>>) dst(%dma_wait3A_176 : memref<64x128xf32, #tpu.memory_space<vmem>>)
      %dma_wait3A_187 = arith.constant 1 : i32
      %dma_wait3A_188 = arith.constant 64 : i32
      %dma_wait3A_189 = arith.constant 0 : i32
      %dma_wait3A_190 = tpu.memref_slice %arg9[%dma_wait3A_188, %dma_wait3A_189] : memref<128x128xf32, #tpu.memory_space<vmem>> -> memref<64x128xf32, #tpu.memory_space<vmem>>
      %dma_wait3A_191 = arith.constant 0 : i32
      %dma_wait3A_192 = tpu.memref_slice %arg7[%add3A_173, %dma_wait3A_191] : memref<40x128xi32, #tpu.memory_space<vmem>> -> memref<1x128xi32, #tpu.memory_space<vmem>>
      %dma_wait3A_193 = tpu.memref_squeeze %dma_wait3A_192 : memref<1x128xi32, #tpu.memory_space<vmem>> -> memref<128xi32, #tpu.memory_space<vmem>>
      %dma_wait3A_194 = arith.constant 64 : i32
      %dma_wait3A_195 = tpu.memref_slice %dma_wait3A_193[%dma_wait3A_194] : memref<128xi32, #tpu.memory_space<vmem>> -> memref<64xi32, #tpu.memory_space<vmem>>
      %dma_wait3A_196 = arith.constant 0 : i32
      %dma_wait3A_197 = arith.constant 0 : i32
      %dma_wait3A_198 = tpu.memref_slice %arg2[%dma_wait3A_196, %dma_wait3A_197] : memref<20000x128xf32, #tpu.memory_space<hbm>> -> memref<20000x128xf32, #tpu.memory_space<hbm>>
      %dma_wait3A_199 = tpu.memref_slice %arg12[%dma_wait3A_187] : memref<2x!tpu.dma_semaphore, #tpu.memory_space<semaphore_mem>> -> memref<1x!tpu.dma_semaphore, #tpu.memory_space<semaphore_mem>>
      %dma_wait3A_200 = tpu.memref_squeeze %dma_wait3A_199 : memref<1x!tpu.dma_semaphore, #tpu.memory_space<semaphore_mem>> -> memref<!tpu.dma_semaphore, #tpu.memory_space<semaphore_mem>>
      tpu.wait_indirect_dma semaphore(%dma_wait3A_200 : memref<!tpu.dma_semaphore, #tpu.memory_space<semaphore_mem>>) src(%dma_wait3A_198 : memref<20000x128xf32, #tpu.memory_space<hbm>>) dst(%dma_wait3A_190 : memref<64x128xf32, #tpu.memory_space<vmem>>)
      %add3A_201 = arith.constant 1 : i32
      %add3A_202 = arith.addi %add3A_173, %add3A_201 : i32
      %dma_start3A_203 = arith.constant 0 : i32
      %dma_start3A_204 = arith.constant 0 : i32
      %dma_start3A_205 = arith.constant 0 : i32
      %dma_start3A_206 = tpu.memref_slice %arg10[%dma_start3A_204, %dma_start3A_205] : memref<128x128xf32, #tpu.memory_space<vmem>> -> memref<64x128xf32, #tpu.memory_space<vmem>>
      %dma_start3A_207 = arith.constant 0 : i32
      %dma_start3A_208 = tpu.memref_slice %arg7[%add3A_202, %dma_start3A_207] : memref<40x128xi32, #tpu.memory_space<vmem>> -> memref<1x128xi32, #tpu.memory_space<vmem>>
      %dma_start3A_209 = tpu.memref_squeeze %dma_start3A_208 : memref<1x128xi32, #tpu.memory_space<vmem>> -> memref<128xi32, #tpu.memory_space<vmem>>
      %dma_start3A_210 = arith.constant 0 : i32
      %dma_start3A_211 = tpu.memref_slice %dma_start3A_209[%dma_start3A_210] : memref<128xi32, #tpu.memory_space<vmem>> -> memref<64xi32, #tpu.memory_space<vmem>>
      %dma_start3A_212 = arith.constant 0 : i32
      %dma_start3A_213 = arith.constant 0 : i32
      %dma_start3A_214 = tpu.memref_slice %arg2[%dma_start3A_212, %dma_start3A_213] : memref<20000x128xf32, #tpu.memory_space<hbm>> -> memref<20000x128xf32, #tpu.memory_space<hbm>>
      %dma_start3A_215 = tpu.memref_slice %arg13[%dma_start3A_203] : memref<2x!tpu.dma_semaphore, #tpu.memory_space<semaphore_mem>> -> memref<1x!tpu.dma_semaphore, #tpu.memory_space<semaphore_mem>>
      %dma_start3A_216 = tpu.memref_squeeze %dma_start3A_215 : memref<1x!tpu.dma_semaphore, #tpu.memory_space<semaphore_mem>> -> memref<!tpu.dma_semaphore, #tpu.memory_space<semaphore_mem>>
      tpu.enqueue_indirect_dma source(%dma_start3A_214 : memref<20000x128xf32, #tpu.memory_space<hbm>>) target(%dma_start3A_206 : memref<64x128xf32, #tpu.memory_space<vmem>>) offsets(%dma_start3A_211 : memref<64xi32, #tpu.memory_space<vmem>>) semaphore(%dma_start3A_216 : memref<!tpu.dma_semaphore, #tpu.memory_space<semaphore_mem>>)
      %dma_start3A_217 = arith.constant 1 : i32
      %dma_start3A_218 = arith.constant 64 : i32
      %dma_start3A_219 = arith.constant 0 : i32
      %dma_start3A_220 = tpu.memref_slice %arg10[%dma_start3A_218, %dma_start3A_219] : memref<128x128xf32, #tpu.memory_space<vmem>> -> memref<64x128xf32, #tpu.memory_space<vmem>>
      %dma_start3A_221 = arith.constant 0 : i32
      %dma_start3A_222 = tpu.memref_slice %arg7[%add3A_202, %dma_start3A_221] : memref<40x128xi32, #tpu.memory_space<vmem>> -> memref<1x128xi32, #tpu.memory_space<vmem>>
      %dma_start3A_223 = tpu.memref_squeeze %dma_start3A_222 : memref<1x128xi32, #tpu.memory_space<vmem>> -> memref<128xi32, #tpu.memory_space<vmem>>
      %dma_start3A_224 = arith.constant 64 : i32
      %dma_start3A_225 = tpu.memref_slice %dma_start3A_223[%dma_start3A_224] : memref<128xi32, #tpu.memory_space<vmem>> -> memref<64xi32, #tpu.memory_space<vmem>>
      %dma_start3A_226 = arith.constant 0 : i32
      %dma_start3A_227 = arith.constant 0 : i32
      %dma_start3A_228 = tpu.memref_slice %arg2[%dma_start3A_226, %dma_start3A_227] : memref<20000x128xf32, #tpu.memory_space<hbm>> -> memref<20000x128xf32, #tpu.memory_space<hbm>>
      %dma_start3A_229 = tpu.memref_slice %arg13[%dma_start3A_217] : memref<2x!tpu.dma_semaphore, #tpu.memory_space<semaphore_mem>> -> memref<1x!tpu.dma_semaphore, #tpu.memory_space<semaphore_mem>>
      %dma_start3A_230 = tpu.memref_squeeze %dma_start3A_229 : memref<1x!tpu.dma_semaphore, #tpu.memory_space<semaphore_mem>> -> memref<!tpu.dma_semaphore, #tpu.memory_space<semaphore_mem>>
      tpu.enqueue_indirect_dma source(%dma_start3A_228 : memref<20000x128xf32, #tpu.memory_space<hbm>>) target(%dma_start3A_220 : memref<64x128xf32, #tpu.memory_space<vmem>>) offsets(%dma_start3A_225 : memref<64xi32, #tpu.memory_space<vmem>>) semaphore(%dma_start3A_230 : memref<!tpu.dma_semaphore, #tpu.memory_space<semaphore_mem>>)
      "tpu.region"() ({
        %run_scoped3A = tpu.sem_alloc : memref<!tpu.dma_semaphore, #tpu.memory_space<semaphore_mem>>
        %dma_start3A_269 = arith.constant 0 : i32
        %dma_start3A_270 = tpu.memref_slice %arg8[%add3A_173, %dma_start3A_269] : memref<40x128xi32, #tpu.memory_space<vmem>> -> memref<1x128xi32, #tpu.memory_space<vmem>>
        %dma_start3A_271 = tpu.memref_squeeze %dma_start3A_270 : memref<1x128xi32, #tpu.memory_space<vmem>> -> memref<128xi32, #tpu.memory_space<vmem>>
        %dma_start3A_272 = arith.constant 0 : i32
        %dma_start3A_273 = arith.constant 0 : i32
        %dma_start3A_274 = tpu.memref_slice %arg11[%dma_start3A_272, %dma_start3A_273] : memref<10112x128xf32, #tpu.memory_space<vmem_shared>> -> memref<10112x128xf32, #tpu.memory_space<vmem_shared>>
        tpu.enqueue_indirect_dma source(%arg9 : memref<128x128xf32, #tpu.memory_space<vmem>>) target(%dma_start3A_274 : memref<10112x128xf32, #tpu.memory_space<vmem_shared>>) offsets(%dma_start3A_271 : memref<128xi32, #tpu.memory_space<vmem>>) semaphore(%run_scoped3A : memref<!tpu.dma_semaphore, #tpu.memory_space<semaphore_mem>>) {add = true}
        %dma_wait3A_275 = arith.constant 0 : i32
        %dma_wait3A_276 = tpu.memref_slice %arg8[%add3A_173, %dma_wait3A_275] : memref<40x128xi32, #tpu.memory_space<vmem>> -> memref<1x128xi32, #tpu.memory_space<vmem>>
        %dma_wait3A_277 = tpu.memref_squeeze %dma_wait3A_276 : memref<1x128xi32, #tpu.memory_space<vmem>> -> memref<128xi32, #tpu.memory_space<vmem>>
        %dma_wait3A_278 = arith.constant 0 : i32
        %dma_wait3A_279 = arith.constant 0 : i32
        %dma_wait3A_280 = tpu.memref_slice %arg11[%dma_wait3A_278, %dma_wait3A_279] : memref<10112x128xf32, #tpu.memory_space<vmem_shared>> -> memref<10112x128xf32, #tpu.memory_space<vmem_shared>>
        tpu.wait_indirect_dma semaphore(%run_scoped3A : memref<!tpu.dma_semaphore, #tpu.memory_space<semaphore_mem>>) src(%arg9 : memref<128x128xf32, #tpu.memory_space<vmem>>) dst(%dma_wait3A_280 : memref<10112x128xf32, #tpu.memory_space<vmem_shared>>)
        tpu.yield
      }) : () -> ()
      %add3A_231 = arith.constant 1 : i32
      %add3A_232 = arith.addi %add3A_173, %add3A_231 : i32
      %dma_wait3A_233 = arith.constant 0 : i32
      %dma_wait3A_234 = arith.constant 0 : i32
      %dma_wait3A_235 = arith.constant 0 : i32
      %dma_wait3A_236 = tpu.memref_slice %arg10[%dma_wait3A_234, %dma_wait3A_235] : memref<128x128xf32, #tpu.memory_space<vmem>> -> memref<64x128xf32, #tpu.memory_space<vmem>>
      %dma_wait3A_237 = arith.constant 0 : i32
      %dma_wait3A_238 = tpu.memref_slice %arg7[%add3A_232, %dma_wait3A_237] : memref<40x128xi32, #tpu.memory_space<vmem>> -> memref<1x128xi32, #tpu.memory_space<vmem>>
      %dma_wait3A_239 = tpu.memref_squeeze %dma_wait3A_238 : memref<1x128xi32, #tpu.memory_space<vmem>> -> memref<128xi32, #tpu.memory_space<vmem>>
      %dma_wait3A_240 = arith.constant 0 : i32
      %dma_wait3A_241 = tpu.memref_slice %dma_wait3A_239[%dma_wait3A_240] : memref<128xi32, #tpu.memory_space<vmem>> -> memref<64xi32, #tpu.memory_space<vmem>>
      %dma_wait3A_242 = arith.constant 0 : i32
      %dma_wait3A_243 = arith.constant 0 : i32
      %dma_wait3A_244 = tpu.memref_slice %arg2[%dma_wait3A_242, %dma_wait3A_243] : memref<20000x128xf32, #tpu.memory_space<hbm>> -> memref<20000x128xf32, #tpu.memory_space<hbm>>
      %dma_wait3A_245 = tpu.memref_slice %arg13[%dma_wait3A_233] : memref<2x!tpu.dma_semaphore, #tpu.memory_space<semaphore_mem>> -> memref<1x!tpu.dma_semaphore, #tpu.memory_space<semaphore_mem>>
      %dma_wait3A_246 = tpu.memref_squeeze %dma_wait3A_245 : memref<1x!tpu.dma_semaphore, #tpu.memory_space<semaphore_mem>> -> memref<!tpu.dma_semaphore, #tpu.memory_space<semaphore_mem>>
      tpu.wait_indirect_dma semaphore(%dma_wait3A_246 : memref<!tpu.dma_semaphore, #tpu.memory_space<semaphore_mem>>) src(%dma_wait3A_244 : memref<20000x128xf32, #tpu.memory_space<hbm>>) dst(%dma_wait3A_236 : memref<64x128xf32, #tpu.memory_space<vmem>>)
      %dma_wait3A_247 = arith.constant 1 : i32
      %dma_wait3A_248 = arith.constant 64 : i32
      %dma_wait3A_249 = arith.constant 0 : i32
      %dma_wait3A_250 = tpu.memref_slice %arg10[%dma_wait3A_248, %dma_wait3A_249] : memref<128x128xf32, #tpu.memory_space<vmem>> -> memref<64x128xf32, #tpu.memory_space<vmem>>
      %dma_wait3A_251 = arith.constant 0 : i32
      %dma_wait3A_252 = tpu.memref_slice %arg7[%add3A_232, %dma_wait3A_251] : memref<40x128xi32, #tpu.memory_space<vmem>> -> memref<1x128xi32, #tpu.memory_space<vmem>>
      %dma_wait3A_253 = tpu.memref_squeeze %dma_wait3A_252 : memref<1x128xi32, #tpu.memory_space<vmem>> -> memref<128xi32, #tpu.memory_space<vmem>>
      %dma_wait3A_254 = arith.constant 64 : i32
      %dma_wait3A_255 = tpu.memref_slice %dma_wait3A_253[%dma_wait3A_254] : memref<128xi32, #tpu.memory_space<vmem>> -> memref<64xi32, #tpu.memory_space<vmem>>
      %dma_wait3A_256 = arith.constant 0 : i32
      %dma_wait3A_257 = arith.constant 0 : i32
      %dma_wait3A_258 = tpu.memref_slice %arg2[%dma_wait3A_256, %dma_wait3A_257] : memref<20000x128xf32, #tpu.memory_space<hbm>> -> memref<20000x128xf32, #tpu.memory_space<hbm>>
      %dma_wait3A_259 = tpu.memref_slice %arg13[%dma_wait3A_247] : memref<2x!tpu.dma_semaphore, #tpu.memory_space<semaphore_mem>> -> memref<1x!tpu.dma_semaphore, #tpu.memory_space<semaphore_mem>>
      %dma_wait3A_260 = tpu.memref_squeeze %dma_wait3A_259 : memref<1x!tpu.dma_semaphore, #tpu.memory_space<semaphore_mem>> -> memref<!tpu.dma_semaphore, #tpu.memory_space<semaphore_mem>>
      tpu.wait_indirect_dma semaphore(%dma_wait3A_260 : memref<!tpu.dma_semaphore, #tpu.memory_space<semaphore_mem>>) src(%dma_wait3A_258 : memref<20000x128xf32, #tpu.memory_space<hbm>>) dst(%dma_wait3A_250 : memref<64x128xf32, #tpu.memory_space<vmem>>)
      %add3A_261 = arith.constant 2 : i32
      %add3A_262 = arith.addi %add3A_173, %add3A_261 : i32
      %lt3A = arith.constant 40 : i32
      %lt3A_263 = arith.cmpi slt, %add3A_262, %lt3A : i32
      %convert_element_type3A_264 = arith.extui %lt3A_263 : i1 to i32
      %cond3A_265 = arith.constant 0 : i32
      %cond3A_266 = arith.cmpi ne, %convert_element_type3A_264, %cond3A_265 : i32
      scf.if %cond3A_266 {
        %add3A_269 = arith.constant 2 : i32
        %add3A_270 = arith.addi %add3A_173, %add3A_269 : i32
        %dma_start3A_271 = arith.constant 0 : i32
        %dma_start3A_272 = arith.constant 0 : i32
        %dma_start3A_273 = arith.constant 0 : i32
        %dma_start3A_274 = tpu.memref_slice %arg9[%dma_start3A_272, %dma_start3A_273] : memref<128x128xf32, #tpu.memory_space<vmem>> -> memref<64x128xf32, #tpu.memory_space<vmem>>
        %dma_start3A_275 = arith.constant 0 : i32
        %dma_start3A_276 = tpu.memref_slice %arg7[%add3A_270, %dma_start3A_275] : memref<40x128xi32, #tpu.memory_space<vmem>> -> memref<1x128xi32, #tpu.memory_space<vmem>>
        %dma_start3A_277 = tpu.memref_squeeze %dma_start3A_276 : memref<1x128xi32, #tpu.memory_space<vmem>> -> memref<128xi32, #tpu.memory_space<vmem>>
        %dma_start3A_278 = arith.constant 0 : i32
        %dma_start3A_279 = tpu.memref_slice %dma_start3A_277[%dma_start3A_278] : memref<128xi32, #tpu.memory_space<vmem>> -> memref<64xi32, #tpu.memory_space<vmem>>
        %dma_start3A_280 = arith.constant 0 : i32
        %dma_start3A_281 = arith.constant 0 : i32
        %dma_start3A_282 = tpu.memref_slice %arg2[%dma_start3A_280, %dma_start3A_281] : memref<20000x128xf32, #tpu.memory_space<hbm>> -> memref<20000x128xf32, #tpu.memory_space<hbm>>
        %dma_start3A_283 = tpu.memref_slice %arg12[%dma_start3A_271] : memref<2x!tpu.dma_semaphore, #tpu.memory_space<semaphore_mem>> -> memref<1x!tpu.dma_semaphore, #tpu.memory_space<semaphore_mem>>
        %dma_start3A_284 = tpu.memref_squeeze %dma_start3A_283 : memref<1x!tpu.dma_semaphore, #tpu.memory_space<semaphore_mem>> -> memref<!tpu.dma_semaphore, #tpu.memory_space<semaphore_mem>>
        tpu.enqueue_indirect_dma source(%dma_start3A_282 : memref<20000x128xf32, #tpu.memory_space<hbm>>) target(%dma_start3A_274 : memref<64x128xf32, #tpu.memory_space<vmem>>) offsets(%dma_start3A_279 : memref<64xi32, #tpu.memory_space<vmem>>) semaphore(%dma_start3A_284 : memref<!tpu.dma_semaphore, #tpu.memory_space<semaphore_mem>>)
        %dma_start3A_285 = arith.constant 1 : i32
        %dma_start3A_286 = arith.constant 64 : i32
        %dma_start3A_287 = arith.constant 0 : i32
        %dma_start3A_288 = tpu.memref_slice %arg9[%dma_start3A_286, %dma_start3A_287] : memref<128x128xf32, #tpu.memory_space<vmem>> -> memref<64x128xf32, #tpu.memory_space<vmem>>
        %dma_start3A_289 = arith.constant 0 : i32
        %dma_start3A_290 = tpu.memref_slice %arg7[%add3A_270, %dma_start3A_289] : memref<40x128xi32, #tpu.memory_space<vmem>> -> memref<1x128xi32, #tpu.memory_space<vmem>>
        %dma_start3A_291 = tpu.memref_squeeze %dma_start3A_290 : memref<1x128xi32, #tpu.memory_space<vmem>> -> memref<128xi32, #tpu.memory_space<vmem>>
        %dma_start3A_292 = arith.constant 64 : i32
        %dma_start3A_293 = tpu.memref_slice %dma_start3A_291[%dma_start3A_292] : memref<128xi32, #tpu.memory_space<vmem>> -> memref<64xi32, #tpu.memory_space<vmem>>
        %dma_start3A_294 = arith.constant 0 : i32
        %dma_start3A_295 = arith.constant 0 : i32
        %dma_start3A_296 = tpu.memref_slice %arg2[%dma_start3A_294, %dma_start3A_295] : memref<20000x128xf32, #tpu.memory_space<hbm>> -> memref<20000x128xf32, #tpu.memory_space<hbm>>
        %dma_start3A_297 = tpu.memref_slice %arg12[%dma_start3A_285] : memref<2x!tpu.dma_semaphore, #tpu.memory_space<semaphore_mem>> -> memref<1x!tpu.dma_semaphore, #tpu.memory_space<semaphore_mem>>
        %dma_start3A_298 = tpu.memref_squeeze %dma_start3A_297 : memref<1x!tpu.dma_semaphore, #tpu.memory_space<semaphore_mem>> -> memref<!tpu.dma_semaphore, #tpu.memory_space<semaphore_mem>>
        tpu.enqueue_indirect_dma source(%dma_start3A_296 : memref<20000x128xf32, #tpu.memory_space<hbm>>) target(%dma_start3A_288 : memref<64x128xf32, #tpu.memory_space<vmem>>) offsets(%dma_start3A_293 : memref<64xi32, #tpu.memory_space<vmem>>) semaphore(%dma_start3A_298 : memref<!tpu.dma_semaphore, #tpu.memory_space<semaphore_mem>>)
      } else {
      }
      %add3A_267 = arith.constant 1 : i32
      %add3A_268 = arith.addi %add3A_173, %add3A_267 : i32
      "tpu.region"() ({
        %run_scoped3A = tpu.sem_alloc : memref<!tpu.dma_semaphore, #tpu.memory_space<semaphore_mem>>
        %dma_start3A_269 = arith.constant 0 : i32
        %dma_start3A_270 = tpu.memref_slice %arg8[%add3A_268, %dma_start3A_269] : memref<40x128xi32, #tpu.memory_space<vmem>> -> memref<1x128xi32, #tpu.memory_space<vmem>>
        %dma_start3A_271 = tpu.memref_squeeze %dma_start3A_270 : memref<1x128xi32, #tpu.memory_space<vmem>> -> memref<128xi32, #tpu.memory_space<vmem>>
        %dma_start3A_272 = arith.constant 0 : i32
        %dma_start3A_273 = arith.constant 0 : i32
        %dma_start3A_274 = tpu.memref_slice %arg11[%dma_start3A_272, %dma_start3A_273] : memref<10112x128xf32, #tpu.memory_space<vmem_shared>> -> memref<10112x128xf32, #tpu.memory_space<vmem_shared>>
        tpu.enqueue_indirect_dma source(%arg10 : memref<128x128xf32, #tpu.memory_space<vmem>>) target(%dma_start3A_274 : memref<10112x128xf32, #tpu.memory_space<vmem_shared>>) offsets(%dma_start3A_271 : memref<128xi32, #tpu.memory_space<vmem>>) semaphore(%run_scoped3A : memref<!tpu.dma_semaphore, #tpu.memory_space<semaphore_mem>>) {add = true}
        %dma_wait3A_275 = arith.constant 0 : i32
        %dma_wait3A_276 = tpu.memref_slice %arg8[%add3A_268, %dma_wait3A_275] : memref<40x128xi32, #tpu.memory_space<vmem>> -> memref<1x128xi32, #tpu.memory_space<vmem>>
        %dma_wait3A_277 = tpu.memref_squeeze %dma_wait3A_276 : memref<1x128xi32, #tpu.memory_space<vmem>> -> memref<128xi32, #tpu.memory_space<vmem>>
        %dma_wait3A_278 = arith.constant 0 : i32
        %dma_wait3A_279 = arith.constant 0 : i32
        %dma_wait3A_280 = tpu.memref_slice %arg11[%dma_wait3A_278, %dma_wait3A_279] : memref<10112x128xf32, #tpu.memory_space<vmem_shared>> -> memref<10112x128xf32, #tpu.memory_space<vmem_shared>>
        tpu.wait_indirect_dma semaphore(%run_scoped3A : memref<!tpu.dma_semaphore, #tpu.memory_space<semaphore_mem>>) src(%arg10 : memref<128x128xf32, #tpu.memory_space<vmem>>) dst(%dma_wait3A_280 : memref<10112x128xf32, #tpu.memory_space<vmem_shared>>)
        tpu.yield
      }) : () -> ()
    }
    %scan3A_158 = arith.constant 20 : i32
    %barrier3A_159 = arith.constant 0 : index
    tpu.barrier barrier_id(%barrier3A_159)
    %mul3A_160 = arith.constant 624 : i32
    %mul3A_161 = arith.muli %arg1, %mul3A_160 : i32
    %mul3A_162 = arith.constant 10000 : i32
    %mul3A_163 = arith.muli %arg0, %mul3A_162 : i32
    %mul3A_164 = arith.constant 624 : i32
    %mul3A_165 = arith.muli %arg1, %mul3A_164 : i32
    %add3A_166 = arith.addi %mul3A_163, %mul3A_165 : i32
    "tpu.region"() ({
      %run_scoped3A = tpu.sem_alloc : memref<!tpu.dma_semaphore, #tpu.memory_space<semaphore_mem>>
      %dma_start3A_169 = arith.constant 0 : i32
      %dma_start3A_170 = tpu.memref_slice %arg6[%add3A_166, %dma_start3A_169] : memref<20000x128xf32, #tpu.memory_space<hbm>> -> memref<624x128xf32, #tpu.memory_space<hbm>>
      %dma_start3A_171 = arith.constant 0 : i32
      %dma_start3A_172 = tpu.memref_slice %arg11[%mul3A_161, %dma_start3A_171] : memref<10112x128xf32, #tpu.memory_space<vmem_shared>> -> memref<624x128xf32, #tpu.memory_space<vmem_shared>>
      tpu.enqueue_dma source(%dma_start3A_172 : memref<624x128xf32, #tpu.memory_space<vmem_shared>>) target(%dma_start3A_170 : memref<624x128xf32, #tpu.memory_space<hbm>>) target_semaphore(%run_scoped3A : memref<!tpu.dma_semaphore, #tpu.memory_space<semaphore_mem>>)
      %dma_wait3A = arith.constant 0 : i32
      %dma_wait3A_173 = tpu.memref_slice %arg6[%add3A_166, %dma_wait3A] : memref<20000x128xf32, #tpu.memory_space<hbm>> -> memref<624x128xf32, #tpu.memory_space<hbm>>
      %dma_wait3A_174 = arith.constant 0 : i32
      %dma_wait3A_175 = tpu.memref_slice %arg11[%mul3A_161, %dma_wait3A_174] : memref<10112x128xf32, #tpu.memory_space<vmem_shared>> -> memref<624x128xf32, #tpu.memory_space<vmem_shared>>
      tpu.wait_dma2 semaphore(%run_scoped3A : memref<!tpu.dma_semaphore, #tpu.memory_space<semaphore_mem>>) src(%dma_wait3A_175 : memref<624x128xf32, #tpu.memory_space<vmem_shared>>) dst(%dma_wait3A_173 : memref<624x128xf32, #tpu.memory_space<hbm>>)
      tpu.yield
    }) : () -> ()
    %eq3A = arith.constant 15 : i32
    %eq3A_167 = arith.cmpi eq, %arg1, %eq3A : i32
    %convert_element_type3A = arith.extui %eq3A_167 : i1 to i32
    %cond3A = arith.constant 0 : i32
    %cond3A_168 = arith.cmpi ne, %convert_element_type3A, %cond3A : i32
    scf.if %cond3A_168 {
      %mul3A_169 = arith.constant 10000 : i32
      %mul3A_170 = arith.muli %arg0, %mul3A_169 : i32
      %add3A_171 = arith.constant 9984 : i32
      %add3A_172 = arith.addi %mul3A_170, %add3A_171 : i32
      "tpu.region"() ({
        %run_scoped3A = tpu.sem_alloc : memref<!tpu.dma_semaphore, #tpu.memory_space<semaphore_mem>>
        %dma_start3A_173 = arith.constant 0 : i32
        %dma_start3A_174 = tpu.memref_slice %arg6[%add3A_172, %dma_start3A_173] : memref<20000x128xf32, #tpu.memory_space<hbm>> -> memref<16x128xf32, #tpu.memory_space<hbm>>
        %dma_start3A_175 = arith.constant 9984 : i32
        %dma_start3A_176 = arith.constant 0 : i32
        %dma_start3A_177 = tpu.memref_slice %arg11[%dma_start3A_175, %dma_start3A_176] : memref<10112x128xf32, #tpu.memory_space<vmem_shared>> -> memref<16x128xf32, #tpu.memory_space<vmem_shared>>
        tpu.enqueue_dma source(%dma_start3A_177 : memref<16x128xf32, #tpu.memory_space<vmem_shared>>) target(%dma_start3A_174 : memref<16x128xf32, #tpu.memory_space<hbm>>) target_semaphore(%run_scoped3A : memref<!tpu.dma_semaphore, #tpu.memory_space<semaphore_mem>>)
        %dma_wait3A = arith.constant 0 : i32
        %dma_wait3A_178 = tpu.memref_slice %arg6[%add3A_172, %dma_wait3A] : memref<20000x128xf32, #tpu.memory_space<hbm>> -> memref<16x128xf32, #tpu.memory_space<hbm>>
        %dma_wait3A_179 = arith.constant 9984 : i32
        %dma_wait3A_180 = arith.constant 0 : i32
        %dma_wait3A_181 = tpu.memref_slice %arg11[%dma_wait3A_179, %dma_wait3A_180] : memref<10112x128xf32, #tpu.memory_space<vmem_shared>> -> memref<16x128xf32, #tpu.memory_space<vmem_shared>>
        tpu.wait_dma2 semaphore(%run_scoped3A : memref<!tpu.dma_semaphore, #tpu.memory_space<semaphore_mem>>) src(%dma_wait3A_181 : memref<16x128xf32, #tpu.memory_space<vmem_shared>>) dst(%dma_wait3A_178 : memref<16x128xf32, #tpu.memory_space<hbm>>)
        tpu.yield
      }) : () -> ()
    } else {
    }
    return
  }
}

#map = affine_map<(d0, d1) -> (0, 0)>
module attributes {stable_mosaic.version = 14 : i64} {
  func.func @agg(%arg0: i32, %arg1: i32, %arg2: memref<10000x128xf32, #tpu.memory_space<hbm>>, %arg3: memref<2560x128xi32, #tpu.memory_space<hbm>>, %arg4: memref<2560x128xi32, #tpu.memory_space<hbm>>, %arg5: memref<1264x128xf32, #tpu.memory_space<hbm>>, %arg6: memref<20000x128xf32, #tpu.memory_space<hbm>>, %arg7: memref<40x128xi32, #tpu.memory_space<vmem>>, %arg8: memref<40x128xi32, #tpu.memory_space<vmem>>, %arg9: memref<128x128xf32, #tpu.memory_space<vmem>>, %arg10: memref<128x128xf32, #tpu.memory_space<vmem>>, %arg11: memref<10112x128xf32, #tpu.memory_space<vmem_shared>>, %arg12: memref<2x!tpu.dma_semaphore, #tpu.memory_space<semaphore_mem>>, %arg13: memref<2x!tpu.dma_semaphore, #tpu.memory_space<semaphore_mem>>) attributes {dimension_semantics = [#tpu.dimension_semantics<core_parallel>, #tpu.dimension_semantics<subcore_parallel>], iteration_bounds = array<i64: 2, 16>, scalar_prefetch = 0 : i64, scratch_operands = 7 : i64, tpu.core_type = #tpu.core_type<sc_vector_subcore>, window_params = [{transform_indices = #map}, {transform_indices = #map}, {transform_indices = #map}, {transform_indices = #map}, {transform_indices = #map}]} {
    %mul3A = arith.constant 2 : i32
    %mul3A_0 = arith.muli %arg1, %mul3A : i32
    %add3A = arith.addi %mul3A_0, %arg0 : i32
    %mul3A_1 = arith.constant 632 : i32
    %mul3A_2 = arith.muli %arg0, %mul3A_1 : i32
    %mul3A_3 = arith.constant 632 : i32
    %mul3A_4 = arith.muli %arg1, %mul3A_3 : i32
    "tpu.region"() ({
      %run_scoped3A = tpu.sem_alloc : memref<!tpu.dma_semaphore, #tpu.memory_space<semaphore_mem>>
      %dma_start3A_91 = arith.constant 0 : i32
      %dma_start3A_92 = tpu.memref_slice %arg11[%mul3A_4, %dma_start3A_91] : memref<10112x128xf32, #tpu.memory_space<vmem_shared>> -> memref<632x128xf32, #tpu.memory_space<vmem_shared>>
      %dma_start3A_93 = arith.constant 0 : i32
      %dma_start3A_94 = tpu.memref_slice %arg5[%mul3A_2, %dma_start3A_93] : memref<1264x128xf32, #tpu.memory_space<hbm>> -> memref<632x128xf32, #tpu.memory_space<hbm>>
      tpu.enqueue_dma source(%dma_start3A_94 : memref<632x128xf32, #tpu.memory_space<hbm>>) target(%dma_start3A_92 : memref<632x128xf32, #tpu.memory_space<vmem_shared>>) target_semaphore(%run_scoped3A : memref<!tpu.dma_semaphore, #tpu.memory_space<semaphore_mem>>)
      %dma_wait3A = arith.constant 0 : i32
      %dma_wait3A_95 = tpu.memref_slice %arg11[%mul3A_4, %dma_wait3A] : memref<10112x128xf32, #tpu.memory_space<vmem_shared>> -> memref<632x128xf32, #tpu.memory_space<vmem_shared>>
      %dma_wait3A_96 = arith.constant 0 : i32
      %dma_wait3A_97 = tpu.memref_slice %arg5[%mul3A_2, %dma_wait3A_96] : memref<1264x128xf32, #tpu.memory_space<hbm>> -> memref<632x128xf32, #tpu.memory_space<hbm>>
      tpu.wait_dma2 semaphore(%run_scoped3A : memref<!tpu.dma_semaphore, #tpu.memory_space<semaphore_mem>>) src(%dma_wait3A_97 : memref<632x128xf32, #tpu.memory_space<hbm>>) dst(%dma_wait3A_95 : memref<632x128xf32, #tpu.memory_space<vmem_shared>>)
      tpu.yield
    }) : () -> ()
    %barrier3A = arith.constant 0 : index
    tpu.barrier barrier_id(%barrier3A)
    %mul3A_5 = arith.constant 80 : i32
    %mul3A_6 = arith.muli %add3A, %mul3A_5 : i32
    %add3A_7 = arith.constant 0 : i32
    %add3A_8 = arith.addi %mul3A_6, %add3A_7 : i32
    "tpu.region"() ({
      %run_scoped3A = tpu.sem_alloc : memref<!tpu.dma_semaphore, #tpu.memory_space<semaphore_mem>>
      %dma_start3A_91 = arith.constant 0 : i32
      %dma_start3A_92 = tpu.memref_slice %arg3[%add3A_8, %dma_start3A_91] : memref<2560x128xi32, #tpu.memory_space<hbm>> -> memref<40x128xi32, #tpu.memory_space<hbm>>
      %dma_start3A_93 = arith.constant 0 : i32
      %dma_start3A_94 = tpu.memref_slice %arg3[%add3A_8, %dma_start3A_93] : memref<2560x128xi32, #tpu.memory_space<hbm>> -> memref<40x128xi32, #tpu.memory_space<hbm>>
      tpu.enqueue_dma source(%dma_start3A_94 : memref<40x128xi32, #tpu.memory_space<hbm>>) target(%arg7 : memref<40x128xi32, #tpu.memory_space<vmem>>) target_semaphore(%run_scoped3A : memref<!tpu.dma_semaphore, #tpu.memory_space<semaphore_mem>>)
      %dma_wait3A = arith.constant 0 : i32
      %dma_wait3A_95 = tpu.memref_slice %arg3[%add3A_8, %dma_wait3A] : memref<2560x128xi32, #tpu.memory_space<hbm>> -> memref<40x128xi32, #tpu.memory_space<hbm>>
      %dma_wait3A_96 = arith.constant 0 : i32
      %dma_wait3A_97 = tpu.memref_slice %arg3[%add3A_8, %dma_wait3A_96] : memref<2560x128xi32, #tpu.memory_space<hbm>> -> memref<40x128xi32, #tpu.memory_space<hbm>>
      tpu.wait_dma2 semaphore(%run_scoped3A : memref<!tpu.dma_semaphore, #tpu.memory_space<semaphore_mem>>) src(%dma_wait3A_97 : memref<40x128xi32, #tpu.memory_space<hbm>>) dst(%arg7 : memref<40x128xi32, #tpu.memory_space<vmem>>)
      tpu.yield
    }) : () -> ()
    "tpu.region"() ({
      %run_scoped3A = tpu.sem_alloc : memref<!tpu.dma_semaphore, #tpu.memory_space<semaphore_mem>>
      %dma_start3A_91 = arith.constant 0 : i32
      %dma_start3A_92 = tpu.memref_slice %arg4[%add3A_8, %dma_start3A_91] : memref<2560x128xi32, #tpu.memory_space<hbm>> -> memref<40x128xi32, #tpu.memory_space<hbm>>
      %dma_start3A_93 = arith.constant 0 : i32
      %dma_start3A_94 = tpu.memref_slice %arg4[%add3A_8, %dma_start3A_93] : memref<2560x128xi32, #tpu.memory_space<hbm>> -> memref<40x128xi32, #tpu.memory_space<hbm>>
      tpu.enqueue_dma source(%dma_start3A_94 : memref<40x128xi32, #tpu.memory_space<hbm>>) target(%arg8 : memref<40x128xi32, #tpu.memory_space<vmem>>) target_semaphore(%run_scoped3A : memref<!tpu.dma_semaphore, #tpu.memory_space<semaphore_mem>>)
      %dma_wait3A = arith.constant 0 : i32
      %dma_wait3A_95 = tpu.memref_slice %arg4[%add3A_8, %dma_wait3A] : memref<2560x128xi32, #tpu.memory_space<hbm>> -> memref<40x128xi32, #tpu.memory_space<hbm>>
      %dma_wait3A_96 = arith.constant 0 : i32
      %dma_wait3A_97 = tpu.memref_slice %arg4[%add3A_8, %dma_wait3A_96] : memref<2560x128xi32, #tpu.memory_space<hbm>> -> memref<40x128xi32, #tpu.memory_space<hbm>>
      tpu.wait_dma2 semaphore(%run_scoped3A : memref<!tpu.dma_semaphore, #tpu.memory_space<semaphore_mem>>) src(%dma_wait3A_97 : memref<40x128xi32, #tpu.memory_space<hbm>>) dst(%arg8 : memref<40x128xi32, #tpu.memory_space<vmem>>)
      tpu.yield
    }) : () -> ()
    %dma_start3A = arith.constant 0 : i32
    %dma_start3A_9 = arith.constant 0 : i32
    %dma_start3A_10 = arith.constant 0 : i32
    %dma_start3A_11 = arith.constant 0 : i32
    %dma_start3A_12 = tpu.memref_slice %arg9[%dma_start3A_10, %dma_start3A_11] : memref<128x128xf32, #tpu.memory_space<vmem>> -> memref<64x128xf32, #tpu.memory_space<vmem>>
    %dma_start3A_13 = arith.constant 0 : i32
    %dma_start3A_14 = tpu.memref_slice %arg7[%dma_start3A, %dma_start3A_13] : memref<40x128xi32, #tpu.memory_space<vmem>> -> memref<1x128xi32, #tpu.memory_space<vmem>>
    %dma_start3A_15 = tpu.memref_squeeze %dma_start3A_14 : memref<1x128xi32, #tpu.memory_space<vmem>> -> memref<128xi32, #tpu.memory_space<vmem>>
    %dma_start3A_16 = arith.constant 0 : i32
    %dma_start3A_17 = tpu.memref_slice %dma_start3A_15[%dma_start3A_16] : memref<128xi32, #tpu.memory_space<vmem>> -> memref<64xi32, #tpu.memory_space<vmem>>
    %dma_start3A_18 = arith.constant 0 : i32
    %dma_start3A_19 = arith.constant 0 : i32
    %dma_start3A_20 = tpu.memref_slice %arg2[%dma_start3A_18, %dma_start3A_19] : memref<10000x128xf32, #tpu.memory_space<hbm>> -> memref<10000x128xf32, #tpu.memory_space<hbm>>
    %dma_start3A_21 = tpu.memref_slice %arg12[%dma_start3A_9] : memref<2x!tpu.dma_semaphore, #tpu.memory_space<semaphore_mem>> -> memref<1x!tpu.dma_semaphore, #tpu.memory_space<semaphore_mem>>
    %dma_start3A_22 = tpu.memref_squeeze %dma_start3A_21 : memref<1x!tpu.dma_semaphore, #tpu.memory_space<semaphore_mem>> -> memref<!tpu.dma_semaphore, #tpu.memory_space<semaphore_mem>>
    tpu.enqueue_indirect_dma source(%dma_start3A_20 : memref<10000x128xf32, #tpu.memory_space<hbm>>) target(%dma_start3A_12 : memref<64x128xf32, #tpu.memory_space<vmem>>) offsets(%dma_start3A_17 : memref<64xi32, #tpu.memory_space<vmem>>) semaphore(%dma_start3A_22 : memref<!tpu.dma_semaphore, #tpu.memory_space<semaphore_mem>>)
    %dma_start3A_23 = arith.constant 0 : i32
    %dma_start3A_24 = arith.constant 1 : i32
    %dma_start3A_25 = arith.constant 64 : i32
    %dma_start3A_26 = arith.constant 0 : i32
    %dma_start3A_27 = tpu.memref_slice %arg9[%dma_start3A_25, %dma_start3A_26] : memref<128x128xf32, #tpu.memory_space<vmem>> -> memref<64x128xf32, #tpu.memory_space<vmem>>
    %dma_start3A_28 = arith.constant 0 : i32
    %dma_start3A_29 = tpu.memref_slice %arg7[%dma_start3A_23, %dma_start3A_28] : memref<40x128xi32, #tpu.memory_space<vmem>> -> memref<1x128xi32, #tpu.memory_space<vmem>>
    %dma_start3A_30 = tpu.memref_squeeze %dma_start3A_29 : memref<1x128xi32, #tpu.memory_space<vmem>> -> memref<128xi32, #tpu.memory_space<vmem>>
    %dma_start3A_31 = arith.constant 64 : i32
    %dma_start3A_32 = tpu.memref_slice %dma_start3A_30[%dma_start3A_31] : memref<128xi32, #tpu.memory_space<vmem>> -> memref<64xi32, #tpu.memory_space<vmem>>
    %dma_start3A_33 = arith.constant 0 : i32
    %dma_start3A_34 = arith.constant 0 : i32
    %dma_start3A_35 = tpu.memref_slice %arg2[%dma_start3A_33, %dma_start3A_34] : memref<10000x128xf32, #tpu.memory_space<hbm>> -> memref<10000x128xf32, #tpu.memory_space<hbm>>
    %dma_start3A_36 = tpu.memref_slice %arg12[%dma_start3A_24] : memref<2x!tpu.dma_semaphore, #tpu.memory_space<semaphore_mem>> -> memref<1x!tpu.dma_semaphore, #tpu.memory_space<semaphore_mem>>
    %dma_start3A_37 = tpu.memref_squeeze %dma_start3A_36 : memref<1x!tpu.dma_semaphore, #tpu.memory_space<semaphore_mem>> -> memref<!tpu.dma_semaphore, #tpu.memory_space<semaphore_mem>>
    tpu.enqueue_indirect_dma source(%dma_start3A_35 : memref<10000x128xf32, #tpu.memory_space<hbm>>) target(%dma_start3A_27 : memref<64x128xf32, #tpu.memory_space<vmem>>) offsets(%dma_start3A_32 : memref<64xi32, #tpu.memory_space<vmem>>) semaphore(%dma_start3A_37 : memref<!tpu.dma_semaphore, #tpu.memory_space<semaphore_mem>>)
    %scan3A = arith.constant 0 : i32
    %scan3A_38 = arith.constant 20 : i32
    %scan3A_39 = arith.addi %scan3A, %scan3A_38 : i32
    %scan3A_40 = arith.constant 1 : i32
    scf.for %scan3A_91 = %scan3A to %scan3A_39 step %scan3A_40  : i32 {
      %mul3A_92 = arith.constant 2 : i32
      %mul3A_93 = arith.muli %scan3A_91, %mul3A_92 : i32
      %add3A_94 = arith.constant 0 : i32
      %add3A_95 = arith.addi %add3A_94, %mul3A_93 : i32
      %dma_wait3A = arith.constant 0 : i32
      %dma_wait3A_96 = arith.constant 0 : i32
      %dma_wait3A_97 = arith.constant 0 : i32
      %dma_wait3A_98 = tpu.memref_slice %arg9[%dma_wait3A_96, %dma_wait3A_97] : memref<128x128xf32, #tpu.memory_space<vmem>> -> memref<64x128xf32, #tpu.memory_space<vmem>>
      %dma_wait3A_99 = arith.constant 0 : i32
      %dma_wait3A_100 = tpu.memref_slice %arg7[%add3A_95, %dma_wait3A_99] : memref<40x128xi32, #tpu.memory_space<vmem>> -> memref<1x128xi32, #tpu.memory_space<vmem>>
      %dma_wait3A_101 = tpu.memref_squeeze %dma_wait3A_100 : memref<1x128xi32, #tpu.memory_space<vmem>> -> memref<128xi32, #tpu.memory_space<vmem>>
      %dma_wait3A_102 = arith.constant 0 : i32
      %dma_wait3A_103 = tpu.memref_slice %dma_wait3A_101[%dma_wait3A_102] : memref<128xi32, #tpu.memory_space<vmem>> -> memref<64xi32, #tpu.memory_space<vmem>>
      %dma_wait3A_104 = arith.constant 0 : i32
      %dma_wait3A_105 = arith.constant 0 : i32
      %dma_wait3A_106 = tpu.memref_slice %arg2[%dma_wait3A_104, %dma_wait3A_105] : memref<10000x128xf32, #tpu.memory_space<hbm>> -> memref<10000x128xf32, #tpu.memory_space<hbm>>
      %dma_wait3A_107 = tpu.memref_slice %arg12[%dma_wait3A] : memref<2x!tpu.dma_semaphore, #tpu.memory_space<semaphore_mem>> -> memref<1x!tpu.dma_semaphore, #tpu.memory_space<semaphore_mem>>
      %dma_wait3A_108 = tpu.memref_squeeze %dma_wait3A_107 : memref<1x!tpu.dma_semaphore, #tpu.memory_space<semaphore_mem>> -> memref<!tpu.dma_semaphore, #tpu.memory_space<semaphore_mem>>
      tpu.wait_indirect_dma semaphore(%dma_wait3A_108 : memref<!tpu.dma_semaphore, #tpu.memory_space<semaphore_mem>>) src(%dma_wait3A_106 : memref<10000x128xf32, #tpu.memory_space<hbm>>) dst(%dma_wait3A_98 : memref<64x128xf32, #tpu.memory_space<vmem>>)
      %dma_wait3A_109 = arith.constant 1 : i32
      %dma_wait3A_110 = arith.constant 64 : i32
      %dma_wait3A_111 = arith.constant 0 : i32
      %dma_wait3A_112 = tpu.memref_slice %arg9[%dma_wait3A_110, %dma_wait3A_111] : memref<128x128xf32, #tpu.memory_space<vmem>> -> memref<64x128xf32, #tpu.memory_space<vmem>>
      %dma_wait3A_113 = arith.constant 0 : i32
      %dma_wait3A_114 = tpu.memref_slice %arg7[%add3A_95, %dma_wait3A_113] : memref<40x128xi32, #tpu.memory_space<vmem>> -> memref<1x128xi32, #tpu.memory_space<vmem>>
      %dma_wait3A_115 = tpu.memref_squeeze %dma_wait3A_114 : memref<1x128xi32, #tpu.memory_space<vmem>> -> memref<128xi32, #tpu.memory_space<vmem>>
      %dma_wait3A_116 = arith.constant 64 : i32
      %dma_wait3A_117 = tpu.memref_slice %dma_wait3A_115[%dma_wait3A_116] : memref<128xi32, #tpu.memory_space<vmem>> -> memref<64xi32, #tpu.memory_space<vmem>>
      %dma_wait3A_118 = arith.constant 0 : i32
      %dma_wait3A_119 = arith.constant 0 : i32
      %dma_wait3A_120 = tpu.memref_slice %arg2[%dma_wait3A_118, %dma_wait3A_119] : memref<10000x128xf32, #tpu.memory_space<hbm>> -> memref<10000x128xf32, #tpu.memory_space<hbm>>
      %dma_wait3A_121 = tpu.memref_slice %arg12[%dma_wait3A_109] : memref<2x!tpu.dma_semaphore, #tpu.memory_space<semaphore_mem>> -> memref<1x!tpu.dma_semaphore, #tpu.memory_space<semaphore_mem>>
      %dma_wait3A_122 = tpu.memref_squeeze %dma_wait3A_121 : memref<1x!tpu.dma_semaphore, #tpu.memory_space<semaphore_mem>> -> memref<!tpu.dma_semaphore, #tpu.memory_space<semaphore_mem>>
      tpu.wait_indirect_dma semaphore(%dma_wait3A_122 : memref<!tpu.dma_semaphore, #tpu.memory_space<semaphore_mem>>) src(%dma_wait3A_120 : memref<10000x128xf32, #tpu.memory_space<hbm>>) dst(%dma_wait3A_112 : memref<64x128xf32, #tpu.memory_space<vmem>>)
      %add3A_123 = arith.constant 1 : i32
      %add3A_124 = arith.addi %add3A_95, %add3A_123 : i32
      %dma_start3A_125 = arith.constant 0 : i32
      %dma_start3A_126 = arith.constant 0 : i32
      %dma_start3A_127 = arith.constant 0 : i32
      %dma_start3A_128 = tpu.memref_slice %arg10[%dma_start3A_126, %dma_start3A_127] : memref<128x128xf32, #tpu.memory_space<vmem>> -> memref<64x128xf32, #tpu.memory_space<vmem>>
      %dma_start3A_129 = arith.constant 0 : i32
      %dma_start3A_130 = tpu.memref_slice %arg7[%add3A_124, %dma_start3A_129] : memref<40x128xi32, #tpu.memory_space<vmem>> -> memref<1x128xi32, #tpu.memory_space<vmem>>
      %dma_start3A_131 = tpu.memref_squeeze %dma_start3A_130 : memref<1x128xi32, #tpu.memory_space<vmem>> -> memref<128xi32, #tpu.memory_space<vmem>>
      %dma_start3A_132 = arith.constant 0 : i32
      %dma_start3A_133 = tpu.memref_slice %dma_start3A_131[%dma_start3A_132] : memref<128xi32, #tpu.memory_space<vmem>> -> memref<64xi32, #tpu.memory_space<vmem>>
      %dma_start3A_134 = arith.constant 0 : i32
      %dma_start3A_135 = arith.constant 0 : i32
      %dma_start3A_136 = tpu.memref_slice %arg2[%dma_start3A_134, %dma_start3A_135] : memref<10000x128xf32, #tpu.memory_space<hbm>> -> memref<10000x128xf32, #tpu.memory_space<hbm>>
      %dma_start3A_137 = tpu.memref_slice %arg13[%dma_start3A_125] : memref<2x!tpu.dma_semaphore, #tpu.memory_space<semaphore_mem>> -> memref<1x!tpu.dma_semaphore, #tpu.memory_space<semaphore_mem>>
      %dma_start3A_138 = tpu.memref_squeeze %dma_start3A_137 : memref<1x!tpu.dma_semaphore, #tpu.memory_space<semaphore_mem>> -> memref<!tpu.dma_semaphore, #tpu.memory_space<semaphore_mem>>
      tpu.enqueue_indirect_dma source(%dma_start3A_136 : memref<10000x128xf32, #tpu.memory_space<hbm>>) target(%dma_start3A_128 : memref<64x128xf32, #tpu.memory_space<vmem>>) offsets(%dma_start3A_133 : memref<64xi32, #tpu.memory_space<vmem>>) semaphore(%dma_start3A_138 : memref<!tpu.dma_semaphore, #tpu.memory_space<semaphore_mem>>)
      %dma_start3A_139 = arith.constant 1 : i32
      %dma_start3A_140 = arith.constant 64 : i32
      %dma_start3A_141 = arith.constant 0 : i32
      %dma_start3A_142 = tpu.memref_slice %arg10[%dma_start3A_140, %dma_start3A_141] : memref<128x128xf32, #tpu.memory_space<vmem>> -> memref<64x128xf32, #tpu.memory_space<vmem>>
      %dma_start3A_143 = arith.constant 0 : i32
      %dma_start3A_144 = tpu.memref_slice %arg7[%add3A_124, %dma_start3A_143] : memref<40x128xi32, #tpu.memory_space<vmem>> -> memref<1x128xi32, #tpu.memory_space<vmem>>
      %dma_start3A_145 = tpu.memref_squeeze %dma_start3A_144 : memref<1x128xi32, #tpu.memory_space<vmem>> -> memref<128xi32, #tpu.memory_space<vmem>>
      %dma_start3A_146 = arith.constant 64 : i32
      %dma_start3A_147 = tpu.memref_slice %dma_start3A_145[%dma_start3A_146] : memref<128xi32, #tpu.memory_space<vmem>> -> memref<64xi32, #tpu.memory_space<vmem>>
      %dma_start3A_148 = arith.constant 0 : i32
      %dma_start3A_149 = arith.constant 0 : i32
      %dma_start3A_150 = tpu.memref_slice %arg2[%dma_start3A_148, %dma_start3A_149] : memref<10000x128xf32, #tpu.memory_space<hbm>> -> memref<10000x128xf32, #tpu.memory_space<hbm>>
      %dma_start3A_151 = tpu.memref_slice %arg13[%dma_start3A_139] : memref<2x!tpu.dma_semaphore, #tpu.memory_space<semaphore_mem>> -> memref<1x!tpu.dma_semaphore, #tpu.memory_space<semaphore_mem>>
      %dma_start3A_152 = tpu.memref_squeeze %dma_start3A_151 : memref<1x!tpu.dma_semaphore, #tpu.memory_space<semaphore_mem>> -> memref<!tpu.dma_semaphore, #tpu.memory_space<semaphore_mem>>
      tpu.enqueue_indirect_dma source(%dma_start3A_150 : memref<10000x128xf32, #tpu.memory_space<hbm>>) target(%dma_start3A_142 : memref<64x128xf32, #tpu.memory_space<vmem>>) offsets(%dma_start3A_147 : memref<64xi32, #tpu.memory_space<vmem>>) semaphore(%dma_start3A_152 : memref<!tpu.dma_semaphore, #tpu.memory_space<semaphore_mem>>)
      "tpu.region"() ({
        %run_scoped3A = tpu.sem_alloc : memref<!tpu.dma_semaphore, #tpu.memory_space<semaphore_mem>>
        %dma_start3A_191 = arith.constant 0 : i32
        %dma_start3A_192 = tpu.memref_slice %arg8[%add3A_95, %dma_start3A_191] : memref<40x128xi32, #tpu.memory_space<vmem>> -> memref<1x128xi32, #tpu.memory_space<vmem>>
        %dma_start3A_193 = tpu.memref_squeeze %dma_start3A_192 : memref<1x128xi32, #tpu.memory_space<vmem>> -> memref<128xi32, #tpu.memory_space<vmem>>
        %dma_start3A_194 = arith.constant 0 : i32
        %dma_start3A_195 = arith.constant 0 : i32
        %dma_start3A_196 = tpu.memref_slice %arg11[%dma_start3A_194, %dma_start3A_195] : memref<10112x128xf32, #tpu.memory_space<vmem_shared>> -> memref<10112x128xf32, #tpu.memory_space<vmem_shared>>
        tpu.enqueue_indirect_dma source(%arg9 : memref<128x128xf32, #tpu.memory_space<vmem>>) target(%dma_start3A_196 : memref<10112x128xf32, #tpu.memory_space<vmem_shared>>) offsets(%dma_start3A_193 : memref<128xi32, #tpu.memory_space<vmem>>) semaphore(%run_scoped3A : memref<!tpu.dma_semaphore, #tpu.memory_space<semaphore_mem>>) {add = true}
        %dma_wait3A_197 = arith.constant 0 : i32
        %dma_wait3A_198 = tpu.memref_slice %arg8[%add3A_95, %dma_wait3A_197] : memref<40x128xi32, #tpu.memory_space<vmem>> -> memref<1x128xi32, #tpu.memory_space<vmem>>
        %dma_wait3A_199 = tpu.memref_squeeze %dma_wait3A_198 : memref<1x128xi32, #tpu.memory_space<vmem>> -> memref<128xi32, #tpu.memory_space<vmem>>
        %dma_wait3A_200 = arith.constant 0 : i32
        %dma_wait3A_201 = arith.constant 0 : i32
        %dma_wait3A_202 = tpu.memref_slice %arg11[%dma_wait3A_200, %dma_wait3A_201] : memref<10112x128xf32, #tpu.memory_space<vmem_shared>> -> memref<10112x128xf32, #tpu.memory_space<vmem_shared>>
        tpu.wait_indirect_dma semaphore(%run_scoped3A : memref<!tpu.dma_semaphore, #tpu.memory_space<semaphore_mem>>) src(%arg9 : memref<128x128xf32, #tpu.memory_space<vmem>>) dst(%dma_wait3A_202 : memref<10112x128xf32, #tpu.memory_space<vmem_shared>>)
        tpu.yield
      }) : () -> ()
      %add3A_153 = arith.constant 1 : i32
      %add3A_154 = arith.addi %add3A_95, %add3A_153 : i32
      %dma_wait3A_155 = arith.constant 0 : i32
      %dma_wait3A_156 = arith.constant 0 : i32
      %dma_wait3A_157 = arith.constant 0 : i32
      %dma_wait3A_158 = tpu.memref_slice %arg10[%dma_wait3A_156, %dma_wait3A_157] : memref<128x128xf32, #tpu.memory_space<vmem>> -> memref<64x128xf32, #tpu.memory_space<vmem>>
      %dma_wait3A_159 = arith.constant 0 : i32
      %dma_wait3A_160 = tpu.memref_slice %arg7[%add3A_154, %dma_wait3A_159] : memref<40x128xi32, #tpu.memory_space<vmem>> -> memref<1x128xi32, #tpu.memory_space<vmem>>
      %dma_wait3A_161 = tpu.memref_squeeze %dma_wait3A_160 : memref<1x128xi32, #tpu.memory_space<vmem>> -> memref<128xi32, #tpu.memory_space<vmem>>
      %dma_wait3A_162 = arith.constant 0 : i32
      %dma_wait3A_163 = tpu.memref_slice %dma_wait3A_161[%dma_wait3A_162] : memref<128xi32, #tpu.memory_space<vmem>> -> memref<64xi32, #tpu.memory_space<vmem>>
      %dma_wait3A_164 = arith.constant 0 : i32
      %dma_wait3A_165 = arith.constant 0 : i32
      %dma_wait3A_166 = tpu.memref_slice %arg2[%dma_wait3A_164, %dma_wait3A_165] : memref<10000x128xf32, #tpu.memory_space<hbm>> -> memref<10000x128xf32, #tpu.memory_space<hbm>>
      %dma_wait3A_167 = tpu.memref_slice %arg13[%dma_wait3A_155] : memref<2x!tpu.dma_semaphore, #tpu.memory_space<semaphore_mem>> -> memref<1x!tpu.dma_semaphore, #tpu.memory_space<semaphore_mem>>
      %dma_wait3A_168 = tpu.memref_squeeze %dma_wait3A_167 : memref<1x!tpu.dma_semaphore, #tpu.memory_space<semaphore_mem>> -> memref<!tpu.dma_semaphore, #tpu.memory_space<semaphore_mem>>
      tpu.wait_indirect_dma semaphore(%dma_wait3A_168 : memref<!tpu.dma_semaphore, #tpu.memory_space<semaphore_mem>>) src(%dma_wait3A_166 : memref<10000x128xf32, #tpu.memory_space<hbm>>) dst(%dma_wait3A_158 : memref<64x128xf32, #tpu.memory_space<vmem>>)
      %dma_wait3A_169 = arith.constant 1 : i32
      %dma_wait3A_170 = arith.constant 64 : i32
      %dma_wait3A_171 = arith.constant 0 : i32
      %dma_wait3A_172 = tpu.memref_slice %arg10[%dma_wait3A_170, %dma_wait3A_171] : memref<128x128xf32, #tpu.memory_space<vmem>> -> memref<64x128xf32, #tpu.memory_space<vmem>>
      %dma_wait3A_173 = arith.constant 0 : i32
      %dma_wait3A_174 = tpu.memref_slice %arg7[%add3A_154, %dma_wait3A_173] : memref<40x128xi32, #tpu.memory_space<vmem>> -> memref<1x128xi32, #tpu.memory_space<vmem>>
      %dma_wait3A_175 = tpu.memref_squeeze %dma_wait3A_174 : memref<1x128xi32, #tpu.memory_space<vmem>> -> memref<128xi32, #tpu.memory_space<vmem>>
      %dma_wait3A_176 = arith.constant 64 : i32
      %dma_wait3A_177 = tpu.memref_slice %dma_wait3A_175[%dma_wait3A_176] : memref<128xi32, #tpu.memory_space<vmem>> -> memref<64xi32, #tpu.memory_space<vmem>>
      %dma_wait3A_178 = arith.constant 0 : i32
      %dma_wait3A_179 = arith.constant 0 : i32
      %dma_wait3A_180 = tpu.memref_slice %arg2[%dma_wait3A_178, %dma_wait3A_179] : memref<10000x128xf32, #tpu.memory_space<hbm>> -> memref<10000x128xf32, #tpu.memory_space<hbm>>
      %dma_wait3A_181 = tpu.memref_slice %arg13[%dma_wait3A_169] : memref<2x!tpu.dma_semaphore, #tpu.memory_space<semaphore_mem>> -> memref<1x!tpu.dma_semaphore, #tpu.memory_space<semaphore_mem>>
      %dma_wait3A_182 = tpu.memref_squeeze %dma_wait3A_181 : memref<1x!tpu.dma_semaphore, #tpu.memory_space<semaphore_mem>> -> memref<!tpu.dma_semaphore, #tpu.memory_space<semaphore_mem>>
      tpu.wait_indirect_dma semaphore(%dma_wait3A_182 : memref<!tpu.dma_semaphore, #tpu.memory_space<semaphore_mem>>) src(%dma_wait3A_180 : memref<10000x128xf32, #tpu.memory_space<hbm>>) dst(%dma_wait3A_172 : memref<64x128xf32, #tpu.memory_space<vmem>>)
      %add3A_183 = arith.constant 2 : i32
      %add3A_184 = arith.addi %add3A_95, %add3A_183 : i32
      %lt3A = arith.constant 40 : i32
      %lt3A_185 = arith.cmpi slt, %add3A_184, %lt3A : i32
      %convert_element_type3A_186 = arith.extui %lt3A_185 : i1 to i32
      %cond3A_187 = arith.constant 0 : i32
      %cond3A_188 = arith.cmpi ne, %convert_element_type3A_186, %cond3A_187 : i32
      scf.if %cond3A_188 {
        %add3A_191 = arith.constant 2 : i32
        %add3A_192 = arith.addi %add3A_95, %add3A_191 : i32
        %dma_start3A_193 = arith.constant 0 : i32
        %dma_start3A_194 = arith.constant 0 : i32
        %dma_start3A_195 = arith.constant 0 : i32
        %dma_start3A_196 = tpu.memref_slice %arg9[%dma_start3A_194, %dma_start3A_195] : memref<128x128xf32, #tpu.memory_space<vmem>> -> memref<64x128xf32, #tpu.memory_space<vmem>>
        %dma_start3A_197 = arith.constant 0 : i32
        %dma_start3A_198 = tpu.memref_slice %arg7[%add3A_192, %dma_start3A_197] : memref<40x128xi32, #tpu.memory_space<vmem>> -> memref<1x128xi32, #tpu.memory_space<vmem>>
        %dma_start3A_199 = tpu.memref_squeeze %dma_start3A_198 : memref<1x128xi32, #tpu.memory_space<vmem>> -> memref<128xi32, #tpu.memory_space<vmem>>
        %dma_start3A_200 = arith.constant 0 : i32
        %dma_start3A_201 = tpu.memref_slice %dma_start3A_199[%dma_start3A_200] : memref<128xi32, #tpu.memory_space<vmem>> -> memref<64xi32, #tpu.memory_space<vmem>>
        %dma_start3A_202 = arith.constant 0 : i32
        %dma_start3A_203 = arith.constant 0 : i32
        %dma_start3A_204 = tpu.memref_slice %arg2[%dma_start3A_202, %dma_start3A_203] : memref<10000x128xf32, #tpu.memory_space<hbm>> -> memref<10000x128xf32, #tpu.memory_space<hbm>>
        %dma_start3A_205 = tpu.memref_slice %arg12[%dma_start3A_193] : memref<2x!tpu.dma_semaphore, #tpu.memory_space<semaphore_mem>> -> memref<1x!tpu.dma_semaphore, #tpu.memory_space<semaphore_mem>>
        %dma_start3A_206 = tpu.memref_squeeze %dma_start3A_205 : memref<1x!tpu.dma_semaphore, #tpu.memory_space<semaphore_mem>> -> memref<!tpu.dma_semaphore, #tpu.memory_space<semaphore_mem>>
        tpu.enqueue_indirect_dma source(%dma_start3A_204 : memref<10000x128xf32, #tpu.memory_space<hbm>>) target(%dma_start3A_196 : memref<64x128xf32, #tpu.memory_space<vmem>>) offsets(%dma_start3A_201 : memref<64xi32, #tpu.memory_space<vmem>>) semaphore(%dma_start3A_206 : memref<!tpu.dma_semaphore, #tpu.memory_space<semaphore_mem>>)
        %dma_start3A_207 = arith.constant 1 : i32
        %dma_start3A_208 = arith.constant 64 : i32
        %dma_start3A_209 = arith.constant 0 : i32
        %dma_start3A_210 = tpu.memref_slice %arg9[%dma_start3A_208, %dma_start3A_209] : memref<128x128xf32, #tpu.memory_space<vmem>> -> memref<64x128xf32, #tpu.memory_space<vmem>>
        %dma_start3A_211 = arith.constant 0 : i32
        %dma_start3A_212 = tpu.memref_slice %arg7[%add3A_192, %dma_start3A_211] : memref<40x128xi32, #tpu.memory_space<vmem>> -> memref<1x128xi32, #tpu.memory_space<vmem>>
        %dma_start3A_213 = tpu.memref_squeeze %dma_start3A_212 : memref<1x128xi32, #tpu.memory_space<vmem>> -> memref<128xi32, #tpu.memory_space<vmem>>
        %dma_start3A_214 = arith.constant 64 : i32
        %dma_start3A_215 = tpu.memref_slice %dma_start3A_213[%dma_start3A_214] : memref<128xi32, #tpu.memory_space<vmem>> -> memref<64xi32, #tpu.memory_space<vmem>>
        %dma_start3A_216 = arith.constant 0 : i32
        %dma_start3A_217 = arith.constant 0 : i32
        %dma_start3A_218 = tpu.memref_slice %arg2[%dma_start3A_216, %dma_start3A_217] : memref<10000x128xf32, #tpu.memory_space<hbm>> -> memref<10000x128xf32, #tpu.memory_space<hbm>>
        %dma_start3A_219 = tpu.memref_slice %arg12[%dma_start3A_207] : memref<2x!tpu.dma_semaphore, #tpu.memory_space<semaphore_mem>> -> memref<1x!tpu.dma_semaphore, #tpu.memory_space<semaphore_mem>>
        %dma_start3A_220 = tpu.memref_squeeze %dma_start3A_219 : memref<1x!tpu.dma_semaphore, #tpu.memory_space<semaphore_mem>> -> memref<!tpu.dma_semaphore, #tpu.memory_space<semaphore_mem>>
        tpu.enqueue_indirect_dma source(%dma_start3A_218 : memref<10000x128xf32, #tpu.memory_space<hbm>>) target(%dma_start3A_210 : memref<64x128xf32, #tpu.memory_space<vmem>>) offsets(%dma_start3A_215 : memref<64xi32, #tpu.memory_space<vmem>>) semaphore(%dma_start3A_220 : memref<!tpu.dma_semaphore, #tpu.memory_space<semaphore_mem>>)
      } else {
      }
      %add3A_189 = arith.constant 1 : i32
      %add3A_190 = arith.addi %add3A_95, %add3A_189 : i32
      "tpu.region"() ({
        %run_scoped3A = tpu.sem_alloc : memref<!tpu.dma_semaphore, #tpu.memory_space<semaphore_mem>>
        %dma_start3A_191 = arith.constant 0 : i32
        %dma_start3A_192 = tpu.memref_slice %arg8[%add3A_190, %dma_start3A_191] : memref<40x128xi32, #tpu.memory_space<vmem>> -> memref<1x128xi32, #tpu.memory_space<vmem>>
        %dma_start3A_193 = tpu.memref_squeeze %dma_start3A_192 : memref<1x128xi32, #tpu.memory_space<vmem>> -> memref<128xi32, #tpu.memory_space<vmem>>
        %dma_start3A_194 = arith.constant 0 : i32
        %dma_start3A_195 = arith.constant 0 : i32
        %dma_start3A_196 = tpu.memref_slice %arg11[%dma_start3A_194, %dma_start3A_195] : memref<10112x128xf32, #tpu.memory_space<vmem_shared>> -> memref<10112x128xf32, #tpu.memory_space<vmem_shared>>
        tpu.enqueue_indirect_dma source(%arg10 : memref<128x128xf32, #tpu.memory_space<vmem>>) target(%dma_start3A_196 : memref<10112x128xf32, #tpu.memory_space<vmem_shared>>) offsets(%dma_start3A_193 : memref<128xi32, #tpu.memory_space<vmem>>) semaphore(%run_scoped3A : memref<!tpu.dma_semaphore, #tpu.memory_space<semaphore_mem>>) {add = true}
        %dma_wait3A_197 = arith.constant 0 : i32
        %dma_wait3A_198 = tpu.memref_slice %arg8[%add3A_190, %dma_wait3A_197] : memref<40x128xi32, #tpu.memory_space<vmem>> -> memref<1x128xi32, #tpu.memory_space<vmem>>
        %dma_wait3A_199 = tpu.memref_squeeze %dma_wait3A_198 : memref<1x128xi32, #tpu.memory_space<vmem>> -> memref<128xi32, #tpu.memory_space<vmem>>
        %dma_wait3A_200 = arith.constant 0 : i32
        %dma_wait3A_201 = arith.constant 0 : i32
        %dma_wait3A_202 = tpu.memref_slice %arg11[%dma_wait3A_200, %dma_wait3A_201] : memref<10112x128xf32, #tpu.memory_space<vmem_shared>> -> memref<10112x128xf32, #tpu.memory_space<vmem_shared>>
        tpu.wait_indirect_dma semaphore(%run_scoped3A : memref<!tpu.dma_semaphore, #tpu.memory_space<semaphore_mem>>) src(%arg10 : memref<128x128xf32, #tpu.memory_space<vmem>>) dst(%dma_wait3A_202 : memref<10112x128xf32, #tpu.memory_space<vmem_shared>>)
        tpu.yield
      }) : () -> ()
    }
    %scan3A_41 = arith.constant 20 : i32
    %mul3A_42 = arith.constant 80 : i32
    %mul3A_43 = arith.muli %add3A, %mul3A_42 : i32
    %add3A_44 = arith.constant 40 : i32
    %add3A_45 = arith.addi %mul3A_43, %add3A_44 : i32
    "tpu.region"() ({
      %run_scoped3A = tpu.sem_alloc : memref<!tpu.dma_semaphore, #tpu.memory_space<semaphore_mem>>
      %dma_start3A_91 = arith.constant 0 : i32
      %dma_start3A_92 = tpu.memref_slice %arg3[%add3A_45, %dma_start3A_91] : memref<2560x128xi32, #tpu.memory_space<hbm>> -> memref<40x128xi32, #tpu.memory_space<hbm>>
      %dma_start3A_93 = arith.constant 0 : i32
      %dma_start3A_94 = tpu.memref_slice %arg3[%add3A_45, %dma_start3A_93] : memref<2560x128xi32, #tpu.memory_space<hbm>> -> memref<40x128xi32, #tpu.memory_space<hbm>>
      tpu.enqueue_dma source(%dma_start3A_94 : memref<40x128xi32, #tpu.memory_space<hbm>>) target(%arg7 : memref<40x128xi32, #tpu.memory_space<vmem>>) target_semaphore(%run_scoped3A : memref<!tpu.dma_semaphore, #tpu.memory_space<semaphore_mem>>)
      %dma_wait3A = arith.constant 0 : i32
      %dma_wait3A_95 = tpu.memref_slice %arg3[%add3A_45, %dma_wait3A] : memref<2560x128xi32, #tpu.memory_space<hbm>> -> memref<40x128xi32, #tpu.memory_space<hbm>>
      %dma_wait3A_96 = arith.constant 0 : i32
      %dma_wait3A_97 = tpu.memref_slice %arg3[%add3A_45, %dma_wait3A_96] : memref<2560x128xi32, #tpu.memory_space<hbm>> -> memref<40x128xi32, #tpu.memory_space<hbm>>
      tpu.wait_dma2 semaphore(%run_scoped3A : memref<!tpu.dma_semaphore, #tpu.memory_space<semaphore_mem>>) src(%dma_wait3A_97 : memref<40x128xi32, #tpu.memory_space<hbm>>) dst(%arg7 : memref<40x128xi32, #tpu.memory_space<vmem>>)
      tpu.yield
    }) : () -> ()
    "tpu.region"() ({
      %run_scoped3A = tpu.sem_alloc : memref<!tpu.dma_semaphore, #tpu.memory_space<semaphore_mem>>
      %dma_start3A_91 = arith.constant 0 : i32
      %dma_start3A_92 = tpu.memref_slice %arg4[%add3A_45, %dma_start3A_91] : memref<2560x128xi32, #tpu.memory_space<hbm>> -> memref<40x128xi32, #tpu.memory_space<hbm>>
      %dma_start3A_93 = arith.constant 0 : i32
      %dma_start3A_94 = tpu.memref_slice %arg4[%add3A_45, %dma_start3A_93] : memref<2560x128xi32, #tpu.memory_space<hbm>> -> memref<40x128xi32, #tpu.memory_space<hbm>>
      tpu.enqueue_dma source(%dma_start3A_94 : memref<40x128xi32, #tpu.memory_space<hbm>>) target(%arg8 : memref<40x128xi32, #tpu.memory_space<vmem>>) target_semaphore(%run_scoped3A : memref<!tpu.dma_semaphore, #tpu.memory_space<semaphore_mem>>)
      %dma_wait3A = arith.constant 0 : i32
      %dma_wait3A_95 = tpu.memref_slice %arg4[%add3A_45, %dma_wait3A] : memref<2560x128xi32, #tpu.memory_space<hbm>> -> memref<40x128xi32, #tpu.memory_space<hbm>>
      %dma_wait3A_96 = arith.constant 0 : i32
      %dma_wait3A_97 = tpu.memref_slice %arg4[%add3A_45, %dma_wait3A_96] : memref<2560x128xi32, #tpu.memory_space<hbm>> -> memref<40x128xi32, #tpu.memory_space<hbm>>
      tpu.wait_dma2 semaphore(%run_scoped3A : memref<!tpu.dma_semaphore, #tpu.memory_space<semaphore_mem>>) src(%dma_wait3A_97 : memref<40x128xi32, #tpu.memory_space<hbm>>) dst(%arg8 : memref<40x128xi32, #tpu.memory_space<vmem>>)
      tpu.yield
    }) : () -> ()
    %dma_start3A_46 = arith.constant 0 : i32
    %dma_start3A_47 = arith.constant 0 : i32
    %dma_start3A_48 = arith.constant 0 : i32
    %dma_start3A_49 = arith.constant 0 : i32
    %dma_start3A_50 = tpu.memref_slice %arg9[%dma_start3A_48, %dma_start3A_49] : memref<128x128xf32, #tpu.memory_space<vmem>> -> memref<64x128xf32, #tpu.memory_space<vmem>>
    %dma_start3A_51 = arith.constant 0 : i32
    %dma_start3A_52 = tpu.memref_slice %arg7[%dma_start3A_46, %dma_start3A_51] : memref<40x128xi32, #tpu.memory_space<vmem>> -> memref<1x128xi32, #tpu.memory_space<vmem>>
    %dma_start3A_53 = tpu.memref_squeeze %dma_start3A_52 : memref<1x128xi32, #tpu.memory_space<vmem>> -> memref<128xi32, #tpu.memory_space<vmem>>
    %dma_start3A_54 = arith.constant 0 : i32
    %dma_start3A_55 = tpu.memref_slice %dma_start3A_53[%dma_start3A_54] : memref<128xi32, #tpu.memory_space<vmem>> -> memref<64xi32, #tpu.memory_space<vmem>>
    %dma_start3A_56 = arith.constant 0 : i32
    %dma_start3A_57 = arith.constant 0 : i32
    %dma_start3A_58 = tpu.memref_slice %arg2[%dma_start3A_56, %dma_start3A_57] : memref<10000x128xf32, #tpu.memory_space<hbm>> -> memref<10000x128xf32, #tpu.memory_space<hbm>>
    %dma_start3A_59 = tpu.memref_slice %arg12[%dma_start3A_47] : memref<2x!tpu.dma_semaphore, #tpu.memory_space<semaphore_mem>> -> memref<1x!tpu.dma_semaphore, #tpu.memory_space<semaphore_mem>>
    %dma_start3A_60 = tpu.memref_squeeze %dma_start3A_59 : memref<1x!tpu.dma_semaphore, #tpu.memory_space<semaphore_mem>> -> memref<!tpu.dma_semaphore, #tpu.memory_space<semaphore_mem>>
    tpu.enqueue_indirect_dma source(%dma_start3A_58 : memref<10000x128xf32, #tpu.memory_space<hbm>>) target(%dma_start3A_50 : memref<64x128xf32, #tpu.memory_space<vmem>>) offsets(%dma_start3A_55 : memref<64xi32, #tpu.memory_space<vmem>>) semaphore(%dma_start3A_60 : memref<!tpu.dma_semaphore, #tpu.memory_space<semaphore_mem>>)
    %dma_start3A_61 = arith.constant 0 : i32
    %dma_start3A_62 = arith.constant 1 : i32
    %dma_start3A_63 = arith.constant 64 : i32
    %dma_start3A_64 = arith.constant 0 : i32
    %dma_start3A_65 = tpu.memref_slice %arg9[%dma_start3A_63, %dma_start3A_64] : memref<128x128xf32, #tpu.memory_space<vmem>> -> memref<64x128xf32, #tpu.memory_space<vmem>>
    %dma_start3A_66 = arith.constant 0 : i32
    %dma_start3A_67 = tpu.memref_slice %arg7[%dma_start3A_61, %dma_start3A_66] : memref<40x128xi32, #tpu.memory_space<vmem>> -> memref<1x128xi32, #tpu.memory_space<vmem>>
    %dma_start3A_68 = tpu.memref_squeeze %dma_start3A_67 : memref<1x128xi32, #tpu.memory_space<vmem>> -> memref<128xi32, #tpu.memory_space<vmem>>
    %dma_start3A_69 = arith.constant 64 : i32
    %dma_start3A_70 = tpu.memref_slice %dma_start3A_68[%dma_start3A_69] : memref<128xi32, #tpu.memory_space<vmem>> -> memref<64xi32, #tpu.memory_space<vmem>>
    %dma_start3A_71 = arith.constant 0 : i32
    %dma_start3A_72 = arith.constant 0 : i32
    %dma_start3A_73 = tpu.memref_slice %arg2[%dma_start3A_71, %dma_start3A_72] : memref<10000x128xf32, #tpu.memory_space<hbm>> -> memref<10000x128xf32, #tpu.memory_space<hbm>>
    %dma_start3A_74 = tpu.memref_slice %arg12[%dma_start3A_62] : memref<2x!tpu.dma_semaphore, #tpu.memory_space<semaphore_mem>> -> memref<1x!tpu.dma_semaphore, #tpu.memory_space<semaphore_mem>>
    %dma_start3A_75 = tpu.memref_squeeze %dma_start3A_74 : memref<1x!tpu.dma_semaphore, #tpu.memory_space<semaphore_mem>> -> memref<!tpu.dma_semaphore, #tpu.memory_space<semaphore_mem>>
    tpu.enqueue_indirect_dma source(%dma_start3A_73 : memref<10000x128xf32, #tpu.memory_space<hbm>>) target(%dma_start3A_65 : memref<64x128xf32, #tpu.memory_space<vmem>>) offsets(%dma_start3A_70 : memref<64xi32, #tpu.memory_space<vmem>>) semaphore(%dma_start3A_75 : memref<!tpu.dma_semaphore, #tpu.memory_space<semaphore_mem>>)
    %scan3A_76 = arith.constant 0 : i32
    %scan3A_77 = arith.constant 20 : i32
    %scan3A_78 = arith.addi %scan3A_76, %scan3A_77 : i32
    %scan3A_79 = arith.constant 1 : i32
    scf.for %scan3A_91 = %scan3A_76 to %scan3A_78 step %scan3A_79  : i32 {
      %mul3A_92 = arith.constant 2 : i32
      %mul3A_93 = arith.muli %scan3A_91, %mul3A_92 : i32
      %add3A_94 = arith.constant 0 : i32
      %add3A_95 = arith.addi %add3A_94, %mul3A_93 : i32
      %dma_wait3A = arith.constant 0 : i32
      %dma_wait3A_96 = arith.constant 0 : i32
      %dma_wait3A_97 = arith.constant 0 : i32
      %dma_wait3A_98 = tpu.memref_slice %arg9[%dma_wait3A_96, %dma_wait3A_97] : memref<128x128xf32, #tpu.memory_space<vmem>> -> memref<64x128xf32, #tpu.memory_space<vmem>>
      %dma_wait3A_99 = arith.constant 0 : i32
      %dma_wait3A_100 = tpu.memref_slice %arg7[%add3A_95, %dma_wait3A_99] : memref<40x128xi32, #tpu.memory_space<vmem>> -> memref<1x128xi32, #tpu.memory_space<vmem>>
      %dma_wait3A_101 = tpu.memref_squeeze %dma_wait3A_100 : memref<1x128xi32, #tpu.memory_space<vmem>> -> memref<128xi32, #tpu.memory_space<vmem>>
      %dma_wait3A_102 = arith.constant 0 : i32
      %dma_wait3A_103 = tpu.memref_slice %dma_wait3A_101[%dma_wait3A_102] : memref<128xi32, #tpu.memory_space<vmem>> -> memref<64xi32, #tpu.memory_space<vmem>>
      %dma_wait3A_104 = arith.constant 0 : i32
      %dma_wait3A_105 = arith.constant 0 : i32
      %dma_wait3A_106 = tpu.memref_slice %arg2[%dma_wait3A_104, %dma_wait3A_105] : memref<10000x128xf32, #tpu.memory_space<hbm>> -> memref<10000x128xf32, #tpu.memory_space<hbm>>
      %dma_wait3A_107 = tpu.memref_slice %arg12[%dma_wait3A] : memref<2x!tpu.dma_semaphore, #tpu.memory_space<semaphore_mem>> -> memref<1x!tpu.dma_semaphore, #tpu.memory_space<semaphore_mem>>
      %dma_wait3A_108 = tpu.memref_squeeze %dma_wait3A_107 : memref<1x!tpu.dma_semaphore, #tpu.memory_space<semaphore_mem>> -> memref<!tpu.dma_semaphore, #tpu.memory_space<semaphore_mem>>
      tpu.wait_indirect_dma semaphore(%dma_wait3A_108 : memref<!tpu.dma_semaphore, #tpu.memory_space<semaphore_mem>>) src(%dma_wait3A_106 : memref<10000x128xf32, #tpu.memory_space<hbm>>) dst(%dma_wait3A_98 : memref<64x128xf32, #tpu.memory_space<vmem>>)
      %dma_wait3A_109 = arith.constant 1 : i32
      %dma_wait3A_110 = arith.constant 64 : i32
      %dma_wait3A_111 = arith.constant 0 : i32
      %dma_wait3A_112 = tpu.memref_slice %arg9[%dma_wait3A_110, %dma_wait3A_111] : memref<128x128xf32, #tpu.memory_space<vmem>> -> memref<64x128xf32, #tpu.memory_space<vmem>>
      %dma_wait3A_113 = arith.constant 0 : i32
      %dma_wait3A_114 = tpu.memref_slice %arg7[%add3A_95, %dma_wait3A_113] : memref<40x128xi32, #tpu.memory_space<vmem>> -> memref<1x128xi32, #tpu.memory_space<vmem>>
      %dma_wait3A_115 = tpu.memref_squeeze %dma_wait3A_114 : memref<1x128xi32, #tpu.memory_space<vmem>> -> memref<128xi32, #tpu.memory_space<vmem>>
      %dma_wait3A_116 = arith.constant 64 : i32
      %dma_wait3A_117 = tpu.memref_slice %dma_wait3A_115[%dma_wait3A_116] : memref<128xi32, #tpu.memory_space<vmem>> -> memref<64xi32, #tpu.memory_space<vmem>>
      %dma_wait3A_118 = arith.constant 0 : i32
      %dma_wait3A_119 = arith.constant 0 : i32
      %dma_wait3A_120 = tpu.memref_slice %arg2[%dma_wait3A_118, %dma_wait3A_119] : memref<10000x128xf32, #tpu.memory_space<hbm>> -> memref<10000x128xf32, #tpu.memory_space<hbm>>
      %dma_wait3A_121 = tpu.memref_slice %arg12[%dma_wait3A_109] : memref<2x!tpu.dma_semaphore, #tpu.memory_space<semaphore_mem>> -> memref<1x!tpu.dma_semaphore, #tpu.memory_space<semaphore_mem>>
      %dma_wait3A_122 = tpu.memref_squeeze %dma_wait3A_121 : memref<1x!tpu.dma_semaphore, #tpu.memory_space<semaphore_mem>> -> memref<!tpu.dma_semaphore, #tpu.memory_space<semaphore_mem>>
      tpu.wait_indirect_dma semaphore(%dma_wait3A_122 : memref<!tpu.dma_semaphore, #tpu.memory_space<semaphore_mem>>) src(%dma_wait3A_120 : memref<10000x128xf32, #tpu.memory_space<hbm>>) dst(%dma_wait3A_112 : memref<64x128xf32, #tpu.memory_space<vmem>>)
      %add3A_123 = arith.constant 1 : i32
      %add3A_124 = arith.addi %add3A_95, %add3A_123 : i32
      %dma_start3A_125 = arith.constant 0 : i32
      %dma_start3A_126 = arith.constant 0 : i32
      %dma_start3A_127 = arith.constant 0 : i32
      %dma_start3A_128 = tpu.memref_slice %arg10[%dma_start3A_126, %dma_start3A_127] : memref<128x128xf32, #tpu.memory_space<vmem>> -> memref<64x128xf32, #tpu.memory_space<vmem>>
      %dma_start3A_129 = arith.constant 0 : i32
      %dma_start3A_130 = tpu.memref_slice %arg7[%add3A_124, %dma_start3A_129] : memref<40x128xi32, #tpu.memory_space<vmem>> -> memref<1x128xi32, #tpu.memory_space<vmem>>
      %dma_start3A_131 = tpu.memref_squeeze %dma_start3A_130 : memref<1x128xi32, #tpu.memory_space<vmem>> -> memref<128xi32, #tpu.memory_space<vmem>>
      %dma_start3A_132 = arith.constant 0 : i32
      %dma_start3A_133 = tpu.memref_slice %dma_start3A_131[%dma_start3A_132] : memref<128xi32, #tpu.memory_space<vmem>> -> memref<64xi32, #tpu.memory_space<vmem>>
      %dma_start3A_134 = arith.constant 0 : i32
      %dma_start3A_135 = arith.constant 0 : i32
      %dma_start3A_136 = tpu.memref_slice %arg2[%dma_start3A_134, %dma_start3A_135] : memref<10000x128xf32, #tpu.memory_space<hbm>> -> memref<10000x128xf32, #tpu.memory_space<hbm>>
      %dma_start3A_137 = tpu.memref_slice %arg13[%dma_start3A_125] : memref<2x!tpu.dma_semaphore, #tpu.memory_space<semaphore_mem>> -> memref<1x!tpu.dma_semaphore, #tpu.memory_space<semaphore_mem>>
      %dma_start3A_138 = tpu.memref_squeeze %dma_start3A_137 : memref<1x!tpu.dma_semaphore, #tpu.memory_space<semaphore_mem>> -> memref<!tpu.dma_semaphore, #tpu.memory_space<semaphore_mem>>
      tpu.enqueue_indirect_dma source(%dma_start3A_136 : memref<10000x128xf32, #tpu.memory_space<hbm>>) target(%dma_start3A_128 : memref<64x128xf32, #tpu.memory_space<vmem>>) offsets(%dma_start3A_133 : memref<64xi32, #tpu.memory_space<vmem>>) semaphore(%dma_start3A_138 : memref<!tpu.dma_semaphore, #tpu.memory_space<semaphore_mem>>)
      %dma_start3A_139 = arith.constant 1 : i32
      %dma_start3A_140 = arith.constant 64 : i32
      %dma_start3A_141 = arith.constant 0 : i32
      %dma_start3A_142 = tpu.memref_slice %arg10[%dma_start3A_140, %dma_start3A_141] : memref<128x128xf32, #tpu.memory_space<vmem>> -> memref<64x128xf32, #tpu.memory_space<vmem>>
      %dma_start3A_143 = arith.constant 0 : i32
      %dma_start3A_144 = tpu.memref_slice %arg7[%add3A_124, %dma_start3A_143] : memref<40x128xi32, #tpu.memory_space<vmem>> -> memref<1x128xi32, #tpu.memory_space<vmem>>
      %dma_start3A_145 = tpu.memref_squeeze %dma_start3A_144 : memref<1x128xi32, #tpu.memory_space<vmem>> -> memref<128xi32, #tpu.memory_space<vmem>>
      %dma_start3A_146 = arith.constant 64 : i32
      %dma_start3A_147 = tpu.memref_slice %dma_start3A_145[%dma_start3A_146] : memref<128xi32, #tpu.memory_space<vmem>> -> memref<64xi32, #tpu.memory_space<vmem>>
      %dma_start3A_148 = arith.constant 0 : i32
      %dma_start3A_149 = arith.constant 0 : i32
      %dma_start3A_150 = tpu.memref_slice %arg2[%dma_start3A_148, %dma_start3A_149] : memref<10000x128xf32, #tpu.memory_space<hbm>> -> memref<10000x128xf32, #tpu.memory_space<hbm>>
      %dma_start3A_151 = tpu.memref_slice %arg13[%dma_start3A_139] : memref<2x!tpu.dma_semaphore, #tpu.memory_space<semaphore_mem>> -> memref<1x!tpu.dma_semaphore, #tpu.memory_space<semaphore_mem>>
      %dma_start3A_152 = tpu.memref_squeeze %dma_start3A_151 : memref<1x!tpu.dma_semaphore, #tpu.memory_space<semaphore_mem>> -> memref<!tpu.dma_semaphore, #tpu.memory_space<semaphore_mem>>
      tpu.enqueue_indirect_dma source(%dma_start3A_150 : memref<10000x128xf32, #tpu.memory_space<hbm>>) target(%dma_start3A_142 : memref<64x128xf32, #tpu.memory_space<vmem>>) offsets(%dma_start3A_147 : memref<64xi32, #tpu.memory_space<vmem>>) semaphore(%dma_start3A_152 : memref<!tpu.dma_semaphore, #tpu.memory_space<semaphore_mem>>)
      "tpu.region"() ({
        %run_scoped3A = tpu.sem_alloc : memref<!tpu.dma_semaphore, #tpu.memory_space<semaphore_mem>>
        %dma_start3A_191 = arith.constant 0 : i32
        %dma_start3A_192 = tpu.memref_slice %arg8[%add3A_95, %dma_start3A_191] : memref<40x128xi32, #tpu.memory_space<vmem>> -> memref<1x128xi32, #tpu.memory_space<vmem>>
        %dma_start3A_193 = tpu.memref_squeeze %dma_start3A_192 : memref<1x128xi32, #tpu.memory_space<vmem>> -> memref<128xi32, #tpu.memory_space<vmem>>
        %dma_start3A_194 = arith.constant 0 : i32
        %dma_start3A_195 = arith.constant 0 : i32
        %dma_start3A_196 = tpu.memref_slice %arg11[%dma_start3A_194, %dma_start3A_195] : memref<10112x128xf32, #tpu.memory_space<vmem_shared>> -> memref<10112x128xf32, #tpu.memory_space<vmem_shared>>
        tpu.enqueue_indirect_dma source(%arg9 : memref<128x128xf32, #tpu.memory_space<vmem>>) target(%dma_start3A_196 : memref<10112x128xf32, #tpu.memory_space<vmem_shared>>) offsets(%dma_start3A_193 : memref<128xi32, #tpu.memory_space<vmem>>) semaphore(%run_scoped3A : memref<!tpu.dma_semaphore, #tpu.memory_space<semaphore_mem>>) {add = true}
        %dma_wait3A_197 = arith.constant 0 : i32
        %dma_wait3A_198 = tpu.memref_slice %arg8[%add3A_95, %dma_wait3A_197] : memref<40x128xi32, #tpu.memory_space<vmem>> -> memref<1x128xi32, #tpu.memory_space<vmem>>
        %dma_wait3A_199 = tpu.memref_squeeze %dma_wait3A_198 : memref<1x128xi32, #tpu.memory_space<vmem>> -> memref<128xi32, #tpu.memory_space<vmem>>
        %dma_wait3A_200 = arith.constant 0 : i32
        %dma_wait3A_201 = arith.constant 0 : i32
        %dma_wait3A_202 = tpu.memref_slice %arg11[%dma_wait3A_200, %dma_wait3A_201] : memref<10112x128xf32, #tpu.memory_space<vmem_shared>> -> memref<10112x128xf32, #tpu.memory_space<vmem_shared>>
        tpu.wait_indirect_dma semaphore(%run_scoped3A : memref<!tpu.dma_semaphore, #tpu.memory_space<semaphore_mem>>) src(%arg9 : memref<128x128xf32, #tpu.memory_space<vmem>>) dst(%dma_wait3A_202 : memref<10112x128xf32, #tpu.memory_space<vmem_shared>>)
        tpu.yield
      }) : () -> ()
      %add3A_153 = arith.constant 1 : i32
      %add3A_154 = arith.addi %add3A_95, %add3A_153 : i32
      %dma_wait3A_155 = arith.constant 0 : i32
      %dma_wait3A_156 = arith.constant 0 : i32
      %dma_wait3A_157 = arith.constant 0 : i32
      %dma_wait3A_158 = tpu.memref_slice %arg10[%dma_wait3A_156, %dma_wait3A_157] : memref<128x128xf32, #tpu.memory_space<vmem>> -> memref<64x128xf32, #tpu.memory_space<vmem>>
      %dma_wait3A_159 = arith.constant 0 : i32
      %dma_wait3A_160 = tpu.memref_slice %arg7[%add3A_154, %dma_wait3A_159] : memref<40x128xi32, #tpu.memory_space<vmem>> -> memref<1x128xi32, #tpu.memory_space<vmem>>
      %dma_wait3A_161 = tpu.memref_squeeze %dma_wait3A_160 : memref<1x128xi32, #tpu.memory_space<vmem>> -> memref<128xi32, #tpu.memory_space<vmem>>
      %dma_wait3A_162 = arith.constant 0 : i32
      %dma_wait3A_163 = tpu.memref_slice %dma_wait3A_161[%dma_wait3A_162] : memref<128xi32, #tpu.memory_space<vmem>> -> memref<64xi32, #tpu.memory_space<vmem>>
      %dma_wait3A_164 = arith.constant 0 : i32
      %dma_wait3A_165 = arith.constant 0 : i32
      %dma_wait3A_166 = tpu.memref_slice %arg2[%dma_wait3A_164, %dma_wait3A_165] : memref<10000x128xf32, #tpu.memory_space<hbm>> -> memref<10000x128xf32, #tpu.memory_space<hbm>>
      %dma_wait3A_167 = tpu.memref_slice %arg13[%dma_wait3A_155] : memref<2x!tpu.dma_semaphore, #tpu.memory_space<semaphore_mem>> -> memref<1x!tpu.dma_semaphore, #tpu.memory_space<semaphore_mem>>
      %dma_wait3A_168 = tpu.memref_squeeze %dma_wait3A_167 : memref<1x!tpu.dma_semaphore, #tpu.memory_space<semaphore_mem>> -> memref<!tpu.dma_semaphore, #tpu.memory_space<semaphore_mem>>
      tpu.wait_indirect_dma semaphore(%dma_wait3A_168 : memref<!tpu.dma_semaphore, #tpu.memory_space<semaphore_mem>>) src(%dma_wait3A_166 : memref<10000x128xf32, #tpu.memory_space<hbm>>) dst(%dma_wait3A_158 : memref<64x128xf32, #tpu.memory_space<vmem>>)
      %dma_wait3A_169 = arith.constant 1 : i32
      %dma_wait3A_170 = arith.constant 64 : i32
      %dma_wait3A_171 = arith.constant 0 : i32
      %dma_wait3A_172 = tpu.memref_slice %arg10[%dma_wait3A_170, %dma_wait3A_171] : memref<128x128xf32, #tpu.memory_space<vmem>> -> memref<64x128xf32, #tpu.memory_space<vmem>>
      %dma_wait3A_173 = arith.constant 0 : i32
      %dma_wait3A_174 = tpu.memref_slice %arg7[%add3A_154, %dma_wait3A_173] : memref<40x128xi32, #tpu.memory_space<vmem>> -> memref<1x128xi32, #tpu.memory_space<vmem>>
      %dma_wait3A_175 = tpu.memref_squeeze %dma_wait3A_174 : memref<1x128xi32, #tpu.memory_space<vmem>> -> memref<128xi32, #tpu.memory_space<vmem>>
      %dma_wait3A_176 = arith.constant 64 : i32
      %dma_wait3A_177 = tpu.memref_slice %dma_wait3A_175[%dma_wait3A_176] : memref<128xi32, #tpu.memory_space<vmem>> -> memref<64xi32, #tpu.memory_space<vmem>>
      %dma_wait3A_178 = arith.constant 0 : i32
      %dma_wait3A_179 = arith.constant 0 : i32
      %dma_wait3A_180 = tpu.memref_slice %arg2[%dma_wait3A_178, %dma_wait3A_179] : memref<10000x128xf32, #tpu.memory_space<hbm>> -> memref<10000x128xf32, #tpu.memory_space<hbm>>
      %dma_wait3A_181 = tpu.memref_slice %arg13[%dma_wait3A_169] : memref<2x!tpu.dma_semaphore, #tpu.memory_space<semaphore_mem>> -> memref<1x!tpu.dma_semaphore, #tpu.memory_space<semaphore_mem>>
      %dma_wait3A_182 = tpu.memref_squeeze %dma_wait3A_181 : memref<1x!tpu.dma_semaphore, #tpu.memory_space<semaphore_mem>> -> memref<!tpu.dma_semaphore, #tpu.memory_space<semaphore_mem>>
      tpu.wait_indirect_dma semaphore(%dma_wait3A_182 : memref<!tpu.dma_semaphore, #tpu.memory_space<semaphore_mem>>) src(%dma_wait3A_180 : memref<10000x128xf32, #tpu.memory_space<hbm>>) dst(%dma_wait3A_172 : memref<64x128xf32, #tpu.memory_space<vmem>>)
      %add3A_183 = arith.constant 2 : i32
      %add3A_184 = arith.addi %add3A_95, %add3A_183 : i32
      %lt3A = arith.constant 40 : i32
      %lt3A_185 = arith.cmpi slt, %add3A_184, %lt3A : i32
      %convert_element_type3A_186 = arith.extui %lt3A_185 : i1 to i32
      %cond3A_187 = arith.constant 0 : i32
      %cond3A_188 = arith.cmpi ne, %convert_element_type3A_186, %cond3A_187 : i32
      scf.if %cond3A_188 {
        %add3A_191 = arith.constant 2 : i32
        %add3A_192 = arith.addi %add3A_95, %add3A_191 : i32
        %dma_start3A_193 = arith.constant 0 : i32
        %dma_start3A_194 = arith.constant 0 : i32
        %dma_start3A_195 = arith.constant 0 : i32
        %dma_start3A_196 = tpu.memref_slice %arg9[%dma_start3A_194, %dma_start3A_195] : memref<128x128xf32, #tpu.memory_space<vmem>> -> memref<64x128xf32, #tpu.memory_space<vmem>>
        %dma_start3A_197 = arith.constant 0 : i32
        %dma_start3A_198 = tpu.memref_slice %arg7[%add3A_192, %dma_start3A_197] : memref<40x128xi32, #tpu.memory_space<vmem>> -> memref<1x128xi32, #tpu.memory_space<vmem>>
        %dma_start3A_199 = tpu.memref_squeeze %dma_start3A_198 : memref<1x128xi32, #tpu.memory_space<vmem>> -> memref<128xi32, #tpu.memory_space<vmem>>
        %dma_start3A_200 = arith.constant 0 : i32
        %dma_start3A_201 = tpu.memref_slice %dma_start3A_199[%dma_start3A_200] : memref<128xi32, #tpu.memory_space<vmem>> -> memref<64xi32, #tpu.memory_space<vmem>>
        %dma_start3A_202 = arith.constant 0 : i32
        %dma_start3A_203 = arith.constant 0 : i32
        %dma_start3A_204 = tpu.memref_slice %arg2[%dma_start3A_202, %dma_start3A_203] : memref<10000x128xf32, #tpu.memory_space<hbm>> -> memref<10000x128xf32, #tpu.memory_space<hbm>>
        %dma_start3A_205 = tpu.memref_slice %arg12[%dma_start3A_193] : memref<2x!tpu.dma_semaphore, #tpu.memory_space<semaphore_mem>> -> memref<1x!tpu.dma_semaphore, #tpu.memory_space<semaphore_mem>>
        %dma_start3A_206 = tpu.memref_squeeze %dma_start3A_205 : memref<1x!tpu.dma_semaphore, #tpu.memory_space<semaphore_mem>> -> memref<!tpu.dma_semaphore, #tpu.memory_space<semaphore_mem>>
        tpu.enqueue_indirect_dma source(%dma_start3A_204 : memref<10000x128xf32, #tpu.memory_space<hbm>>) target(%dma_start3A_196 : memref<64x128xf32, #tpu.memory_space<vmem>>) offsets(%dma_start3A_201 : memref<64xi32, #tpu.memory_space<vmem>>) semaphore(%dma_start3A_206 : memref<!tpu.dma_semaphore, #tpu.memory_space<semaphore_mem>>)
        %dma_start3A_207 = arith.constant 1 : i32
        %dma_start3A_208 = arith.constant 64 : i32
        %dma_start3A_209 = arith.constant 0 : i32
        %dma_start3A_210 = tpu.memref_slice %arg9[%dma_start3A_208, %dma_start3A_209] : memref<128x128xf32, #tpu.memory_space<vmem>> -> memref<64x128xf32, #tpu.memory_space<vmem>>
        %dma_start3A_211 = arith.constant 0 : i32
        %dma_start3A_212 = tpu.memref_slice %arg7[%add3A_192, %dma_start3A_211] : memref<40x128xi32, #tpu.memory_space<vmem>> -> memref<1x128xi32, #tpu.memory_space<vmem>>
        %dma_start3A_213 = tpu.memref_squeeze %dma_start3A_212 : memref<1x128xi32, #tpu.memory_space<vmem>> -> memref<128xi32, #tpu.memory_space<vmem>>
        %dma_start3A_214 = arith.constant 64 : i32
        %dma_start3A_215 = tpu.memref_slice %dma_start3A_213[%dma_start3A_214] : memref<128xi32, #tpu.memory_space<vmem>> -> memref<64xi32, #tpu.memory_space<vmem>>
        %dma_start3A_216 = arith.constant 0 : i32
        %dma_start3A_217 = arith.constant 0 : i32
        %dma_start3A_218 = tpu.memref_slice %arg2[%dma_start3A_216, %dma_start3A_217] : memref<10000x128xf32, #tpu.memory_space<hbm>> -> memref<10000x128xf32, #tpu.memory_space<hbm>>
        %dma_start3A_219 = tpu.memref_slice %arg12[%dma_start3A_207] : memref<2x!tpu.dma_semaphore, #tpu.memory_space<semaphore_mem>> -> memref<1x!tpu.dma_semaphore, #tpu.memory_space<semaphore_mem>>
        %dma_start3A_220 = tpu.memref_squeeze %dma_start3A_219 : memref<1x!tpu.dma_semaphore, #tpu.memory_space<semaphore_mem>> -> memref<!tpu.dma_semaphore, #tpu.memory_space<semaphore_mem>>
        tpu.enqueue_indirect_dma source(%dma_start3A_218 : memref<10000x128xf32, #tpu.memory_space<hbm>>) target(%dma_start3A_210 : memref<64x128xf32, #tpu.memory_space<vmem>>) offsets(%dma_start3A_215 : memref<64xi32, #tpu.memory_space<vmem>>) semaphore(%dma_start3A_220 : memref<!tpu.dma_semaphore, #tpu.memory_space<semaphore_mem>>)
      } else {
      }
      %add3A_189 = arith.constant 1 : i32
      %add3A_190 = arith.addi %add3A_95, %add3A_189 : i32
      "tpu.region"() ({
        %run_scoped3A = tpu.sem_alloc : memref<!tpu.dma_semaphore, #tpu.memory_space<semaphore_mem>>
        %dma_start3A_191 = arith.constant 0 : i32
        %dma_start3A_192 = tpu.memref_slice %arg8[%add3A_190, %dma_start3A_191] : memref<40x128xi32, #tpu.memory_space<vmem>> -> memref<1x128xi32, #tpu.memory_space<vmem>>
        %dma_start3A_193 = tpu.memref_squeeze %dma_start3A_192 : memref<1x128xi32, #tpu.memory_space<vmem>> -> memref<128xi32, #tpu.memory_space<vmem>>
        %dma_start3A_194 = arith.constant 0 : i32
        %dma_start3A_195 = arith.constant 0 : i32
        %dma_start3A_196 = tpu.memref_slice %arg11[%dma_start3A_194, %dma_start3A_195] : memref<10112x128xf32, #tpu.memory_space<vmem_shared>> -> memref<10112x128xf32, #tpu.memory_space<vmem_shared>>
        tpu.enqueue_indirect_dma source(%arg10 : memref<128x128xf32, #tpu.memory_space<vmem>>) target(%dma_start3A_196 : memref<10112x128xf32, #tpu.memory_space<vmem_shared>>) offsets(%dma_start3A_193 : memref<128xi32, #tpu.memory_space<vmem>>) semaphore(%run_scoped3A : memref<!tpu.dma_semaphore, #tpu.memory_space<semaphore_mem>>) {add = true}
        %dma_wait3A_197 = arith.constant 0 : i32
        %dma_wait3A_198 = tpu.memref_slice %arg8[%add3A_190, %dma_wait3A_197] : memref<40x128xi32, #tpu.memory_space<vmem>> -> memref<1x128xi32, #tpu.memory_space<vmem>>
        %dma_wait3A_199 = tpu.memref_squeeze %dma_wait3A_198 : memref<1x128xi32, #tpu.memory_space<vmem>> -> memref<128xi32, #tpu.memory_space<vmem>>
        %dma_wait3A_200 = arith.constant 0 : i32
        %dma_wait3A_201 = arith.constant 0 : i32
        %dma_wait3A_202 = tpu.memref_slice %arg11[%dma_wait3A_200, %dma_wait3A_201] : memref<10112x128xf32, #tpu.memory_space<vmem_shared>> -> memref<10112x128xf32, #tpu.memory_space<vmem_shared>>
        tpu.wait_indirect_dma semaphore(%run_scoped3A : memref<!tpu.dma_semaphore, #tpu.memory_space<semaphore_mem>>) src(%arg10 : memref<128x128xf32, #tpu.memory_space<vmem>>) dst(%dma_wait3A_202 : memref<10112x128xf32, #tpu.memory_space<vmem_shared>>)
        tpu.yield
      }) : () -> ()
    }
    %scan3A_80 = arith.constant 20 : i32
    %barrier3A_81 = arith.constant 0 : index
    tpu.barrier barrier_id(%barrier3A_81)
    %mul3A_82 = arith.constant 624 : i32
    %mul3A_83 = arith.muli %arg1, %mul3A_82 : i32
    %mul3A_84 = arith.constant 10000 : i32
    %mul3A_85 = arith.muli %arg0, %mul3A_84 : i32
    %mul3A_86 = arith.constant 624 : i32
    %mul3A_87 = arith.muli %arg1, %mul3A_86 : i32
    %add3A_88 = arith.addi %mul3A_85, %mul3A_87 : i32
    "tpu.region"() ({
      %run_scoped3A = tpu.sem_alloc : memref<!tpu.dma_semaphore, #tpu.memory_space<semaphore_mem>>
      %dma_start3A_91 = arith.constant 0 : i32
      %dma_start3A_92 = tpu.memref_slice %arg6[%add3A_88, %dma_start3A_91] : memref<20000x128xf32, #tpu.memory_space<hbm>> -> memref<624x128xf32, #tpu.memory_space<hbm>>
      %dma_start3A_93 = arith.constant 0 : i32
      %dma_start3A_94 = tpu.memref_slice %arg11[%mul3A_83, %dma_start3A_93] : memref<10112x128xf32, #tpu.memory_space<vmem_shared>> -> memref<624x128xf32, #tpu.memory_space<vmem_shared>>
      tpu.enqueue_dma source(%dma_start3A_94 : memref<624x128xf32, #tpu.memory_space<vmem_shared>>) target(%dma_start3A_92 : memref<624x128xf32, #tpu.memory_space<hbm>>) target_semaphore(%run_scoped3A : memref<!tpu.dma_semaphore, #tpu.memory_space<semaphore_mem>>)
      %dma_wait3A = arith.constant 0 : i32
      %dma_wait3A_95 = tpu.memref_slice %arg6[%add3A_88, %dma_wait3A] : memref<20000x128xf32, #tpu.memory_space<hbm>> -> memref<624x128xf32, #tpu.memory_space<hbm>>
      %dma_wait3A_96 = arith.constant 0 : i32
      %dma_wait3A_97 = tpu.memref_slice %arg11[%mul3A_83, %dma_wait3A_96] : memref<10112x128xf32, #tpu.memory_space<vmem_shared>> -> memref<624x128xf32, #tpu.memory_space<vmem_shared>>
      tpu.wait_dma2 semaphore(%run_scoped3A : memref<!tpu.dma_semaphore, #tpu.memory_space<semaphore_mem>>) src(%dma_wait3A_97 : memref<624x128xf32, #tpu.memory_space<vmem_shared>>) dst(%dma_wait3A_95 : memref<624x128xf32, #tpu.memory_space<hbm>>)
      tpu.yield
    }) : () -> ()
    %eq3A = arith.constant 15 : i32
    %eq3A_89 = arith.cmpi eq, %arg1, %eq3A : i32
    %convert_element_type3A = arith.extui %eq3A_89 : i1 to i32
    %cond3A = arith.constant 0 : i32
    %cond3A_90 = arith.cmpi ne, %convert_element_type3A, %cond3A : i32
    scf.if %cond3A_90 {
      %mul3A_91 = arith.constant 10000 : i32
      %mul3A_92 = arith.muli %arg0, %mul3A_91 : i32
      %add3A_93 = arith.constant 9984 : i32
      %add3A_94 = arith.addi %mul3A_92, %add3A_93 : i32
      "tpu.region"() ({
        %run_scoped3A = tpu.sem_alloc : memref<!tpu.dma_semaphore, #tpu.memory_space<semaphore_mem>>
        %dma_start3A_95 = arith.constant 0 : i32
        %dma_start3A_96 = tpu.memref_slice %arg6[%add3A_94, %dma_start3A_95] : memref<20000x128xf32, #tpu.memory_space<hbm>> -> memref<16x128xf32, #tpu.memory_space<hbm>>
        %dma_start3A_97 = arith.constant 9984 : i32
        %dma_start3A_98 = arith.constant 0 : i32
        %dma_start3A_99 = tpu.memref_slice %arg11[%dma_start3A_97, %dma_start3A_98] : memref<10112x128xf32, #tpu.memory_space<vmem_shared>> -> memref<16x128xf32, #tpu.memory_space<vmem_shared>>
        tpu.enqueue_dma source(%dma_start3A_99 : memref<16x128xf32, #tpu.memory_space<vmem_shared>>) target(%dma_start3A_96 : memref<16x128xf32, #tpu.memory_space<hbm>>) target_semaphore(%run_scoped3A : memref<!tpu.dma_semaphore, #tpu.memory_space<semaphore_mem>>)
        %dma_wait3A = arith.constant 0 : i32
        %dma_wait3A_100 = tpu.memref_slice %arg6[%add3A_94, %dma_wait3A] : memref<20000x128xf32, #tpu.memory_space<hbm>> -> memref<16x128xf32, #tpu.memory_space<hbm>>
        %dma_wait3A_101 = arith.constant 9984 : i32
        %dma_wait3A_102 = arith.constant 0 : i32
        %dma_wait3A_103 = tpu.memref_slice %arg11[%dma_wait3A_101, %dma_wait3A_102] : memref<10112x128xf32, #tpu.memory_space<vmem_shared>> -> memref<16x128xf32, #tpu.memory_space<vmem_shared>>
        tpu.wait_dma2 semaphore(%run_scoped3A : memref<!tpu.dma_semaphore, #tpu.memory_space<semaphore_mem>>) src(%dma_wait3A_103 : memref<16x128xf32, #tpu.memory_space<vmem_shared>>) dst(%dma_wait3A_100 : memref<16x128xf32, #tpu.memory_space<hbm>>)
        tpu.yield
      }) : () -> ()
    } else {
    }
    return
  }
}

module attributes {stable_mosaic.version = 14 : i64} {
  func.func @body(%arg0: i32, %arg1: memref<2x2000x128xf32, #tpu.memory_space<vmem>>, %arg2: memref<128x256xf32, #tpu.memory_space<vmem>>, %arg3: memref<1x256xf32, #tpu.memory_space<vmem>>, %arg4: memref<256x256xf32, #tpu.memory_space<vmem>>, %arg5: memref<2x2000x128xf32, #tpu.memory_space<vmem>>) attributes {dimension_semantics = [#tpu.dimension_semantics<arbitrary>], iteration_bounds = array<i64: 5>, scalar_prefetch = 0 : i64, scratch_operands = 0 : i64, tpu.core_type = #tpu.core_type<tc>, window_params = [{transform_indices = @transform_0, window_bounds = array<i64: 2, 2000, 128>}, {pipeline_mode = #tpu.pipeline_mode<synchronous>, transform_indices = @transform_1, window_bounds = array<i64: 128, 256>}, {pipeline_mode = #tpu.pipeline_mode<synchronous>, transform_indices = @transform_2, window_bounds = array<i64: 1, 256>}, {pipeline_mode = #tpu.pipeline_mode<synchronous>, transform_indices = @transform_3, window_bounds = array<i64: 256, 256>}, {transform_indices = @transform_4, window_bounds = array<i64: 2, 2000, 128>}]} {
    %get3A = arith.constant 0 : index
    %get3A_0 = arith.constant 0 : index
    %get3A_1 = arith.constant 0 : index
    %get3A_2 = vector.load %arg1[%get3A, %get3A_0, %get3A_1] : memref<2x2000x128xf32, #tpu.memory_space<vmem>>, vector<1x2000x128xf32>
    %get3A_3 = vector.shape_cast %get3A_2 : vector<1x2000x128xf32> to vector<2000x128xf32>
    %get3A_4 = arith.constant 1 : index
    %get3A_5 = arith.constant 0 : index
    %get3A_6 = arith.constant 0 : index
    %get3A_7 = vector.load %arg1[%get3A_4, %get3A_5, %get3A_6] : memref<2x2000x128xf32, #tpu.memory_space<vmem>>, vector<1x2000x128xf32>
    %get3A_8 = vector.shape_cast %get3A_7 : vector<1x2000x128xf32> to vector<2000x128xf32>
    %add3A = arith.addf %get3A_3, %get3A_8 : vector<2000x128xf32>
    %get3A_9 = arith.constant 0 : index
    %get3A_10 = arith.constant 0 : index
    %get3A_11 = vector.load %arg2[%get3A_9, %get3A_10] : memref<128x256xf32, #tpu.memory_space<vmem>>, vector<128x256xf32>
    %dot_general3A = arith.constant dense<0.000000e+00> : vector<2000x256xf32>
    %dot_general3A_12 = tpu.matmul %add3A, %get3A_11, %dot_general3A {dimension_numbers = #tpu.dot_dimension_numbers<[1], [0], [0], [1], [0, 0, 1, 1], [], []>, transpose_lhs_hint = false} : vector<2000x128xf32>, vector<128x256xf32>, vector<2000x256xf32> -> vector<2000x256xf32>
    %get3A_13 = arith.constant 0 : index
    %get3A_14 = arith.constant 0 : index
    %get3A_15 = vector.load %arg3[%get3A_13, %get3A_14] : memref<1x256xf32, #tpu.memory_space<vmem>>, vector<1x256xf32>
    %add3A_16 = vector.broadcast %get3A_15 : vector<1x256xf32> to vector<2000x256xf32>
    %add3A_17 = arith.addf %dot_general3A_12, %add3A_16 : vector<2000x256xf32>
    %max3A = arith.constant 0.000000e+00 : f32
    %max3A_18 = vector.broadcast %max3A : f32 to vector<2000x256xf32>
    %max3A_19 = arith.maximumf %add3A_17, %max3A_18 : vector<2000x256xf32>
    %get3A_20 = arith.constant 0 : index
    %get3A_21 = arith.constant 0 : index
    %get3A_22 = vector.load %arg4[%get3A_20, %get3A_21] : memref<256x256xf32, #tpu.memory_space<vmem>>, vector<256x256xf32>
    %dot_general3A_23 = arith.constant dense<0.000000e+00> : vector<2000x256xf32>
    %dot_general3A_24 = tpu.matmul %max3A_19, %get3A_22, %dot_general3A_23 {dimension_numbers = #tpu.dot_dimension_numbers<[1], [0], [0], [1], [0, 0, 1, 1], [], []>, transpose_lhs_hint = false} : vector<2000x256xf32>, vector<256x256xf32>, vector<2000x256xf32> -> vector<2000x256xf32>
    %slice3A = vector.extract_strided_slice %dot_general3A_24 {offsets = [0, 0], sizes = [2000, 128], strides = [1, 1]} : vector<2000x256xf32> to vector<2000x128xf32>
    %swap3A = arith.constant 0 : index
    %swap3A_25 = arith.constant 0 : index
    %swap3A_26 = arith.constant 0 : index
    %swap3A_27 = vector.load %arg5[%swap3A, %swap3A_25, %swap3A_26] : memref<2x2000x128xf32, #tpu.memory_space<vmem>>, vector<1x2000x128xf32>
    %swap3A_28 = vector.shape_cast %swap3A_27 : vector<1x2000x128xf32> to vector<2000x128xf32>
    %swap3A_29 = vector.shape_cast %slice3A : vector<2000x128xf32> to vector<1x2000x128xf32>
    tpu.vector_store %arg5[%swap3A, %swap3A_25, %swap3A_26], %swap3A_29 {strides = array<i32>} : memref<2x2000x128xf32, #tpu.memory_space<vmem>>, vector<1x2000x128xf32>,
    %slice3A_30 = vector.extract_strided_slice %dot_general3A_24 {offsets = [0, 128], sizes = [2000, 128], strides = [1, 1]} : vector<2000x256xf32> to vector<2000x128xf32>
    %swap3A_31 = arith.constant 1 : index
    %swap3A_32 = arith.constant 0 : index
    %swap3A_33 = arith.constant 0 : index
    %swap3A_34 = vector.load %arg5[%swap3A_31, %swap3A_32, %swap3A_33] : memref<2x2000x128xf32, #tpu.memory_space<vmem>>, vector<1x2000x128xf32>
    %swap3A_35 = vector.shape_cast %swap3A_34 : vector<1x2000x128xf32> to vector<2000x128xf32>
    %swap3A_36 = vector.shape_cast %slice3A_30 : vector<2000x128xf32> to vector<1x2000x128xf32>
    tpu.vector_store %arg5[%swap3A_31, %swap3A_32, %swap3A_33], %swap3A_36 {strides = array<i32>} : memref<2x2000x128xf32, #tpu.memory_space<vmem>>, vector<1x2000x128xf32>,
    return
  }
  func.func @transform_0(%arg0: i32) -> (i32, i32, i32) {
    %c0_i32 = arith.constant 0 : i32
    %c0_i32_0 = arith.constant 0 : i32
    %c0_i32_1 = arith.constant 0 : i32
    return %c0_i32, %arg0, %c0_i32_0 : i32, i32, i32
  }
  func.func @transform_1(%arg0: i32) -> (i32, i32) {
    %c0_i32 = arith.constant 0 : i32
    %c0_i32_0 = arith.constant 0 : i32
    %c0_i32_1 = arith.constant 0 : i32
    return %c0_i32, %c0_i32_0 : i32, i32
  }
  func.func @transform_2(%arg0: i32) -> (i32, i32) {
    %c0_i32 = arith.constant 0 : i32
    %c0_i32_0 = arith.constant 0 : i32
    %c0_i32_1 = arith.constant 0 : i32
    return %c0_i32, %c0_i32_0 : i32, i32
  }
  func.func @transform_3(%arg0: i32) -> (i32, i32) {
    %c0_i32 = arith.constant 0 : i32
    %c0_i32_0 = arith.constant 0 : i32
    %c0_i32_1 = arith.constant 0 : i32
    return %c0_i32, %c0_i32_0 : i32, i32
  }
  func.func @transform_4(%arg0: i32) -> (i32, i32, i32) {
    %c0_i32 = arith.constant 0 : i32
    %c0_i32_0 = arith.constant 0 : i32
    %c0_i32_1 = arith.constant 0 : i32
    return %c0_i32, %arg0, %c0_i32_0 : i32, i32, i32
  }
}

module attributes {stable_mosaic.version = 14 : i64} {
  func.func @body(%arg0: i32, %arg1: memref<2x2000x128xf32, #tpu.memory_space<vmem>>, %arg2: memref<2000x128xf32, #tpu.memory_space<vmem>>) attributes {dimension_semantics = [#tpu.dimension_semantics<arbitrary>], iteration_bounds = array<i64: 5>, scalar_prefetch = 0 : i64, scratch_operands = 0 : i64, tpu.core_type = #tpu.core_type<tc>, window_params = [{transform_indices = @transform_0, window_bounds = array<i64: 2, 2000, 128>}, {transform_indices = @transform_1, window_bounds = array<i64: 2000, 128>}]} {
    %get3A = arith.constant 0 : index
    %get3A_0 = arith.constant 0 : index
    %get3A_1 = arith.constant 0 : index
    %get3A_2 = vector.load %arg1[%get3A, %get3A_0, %get3A_1] : memref<2x2000x128xf32, #tpu.memory_space<vmem>>, vector<1x2000x128xf32>
    %get3A_3 = vector.shape_cast %get3A_2 : vector<1x2000x128xf32> to vector<2000x128xf32>
    %get3A_4 = arith.constant 1 : index
    %get3A_5 = arith.constant 0 : index
    %get3A_6 = arith.constant 0 : index
    %get3A_7 = vector.load %arg1[%get3A_4, %get3A_5, %get3A_6] : memref<2x2000x128xf32, #tpu.memory_space<vmem>>, vector<1x2000x128xf32>
    %get3A_8 = vector.shape_cast %get3A_7 : vector<1x2000x128xf32> to vector<2000x128xf32>
    %add3A = arith.addf %get3A_3, %get3A_8 : vector<2000x128xf32>
    %reduce_max3A = arith.constant dense<0xFF800000> : vector<2000xf32>
    %reduce_max3A_9 = vector.multi_reduction <maximumf>, %add3A, %reduce_max3A [1] : vector<2000x128xf32> to vector<2000xf32>
    %broadcast_in_dim3A = vector.shape_cast %reduce_max3A_9 : vector<2000xf32> to vector<2000x1xf32>
    %sub3A = vector.broadcast %broadcast_in_dim3A : vector<2000x1xf32> to vector<2000x128xf32>
    %sub3A_10 = arith.subf %add3A, %sub3A : vector<2000x128xf32>
    %exp3A = math.exp %sub3A_10 : vector<2000x128xf32>
    %reduce_sum3A = arith.constant dense<0.000000e+00> : vector<2000xf32>
    %reduce_sum3A_11 = vector.multi_reduction <add>, %exp3A, %reduce_sum3A [1] : vector<2000x128xf32> to vector<2000xf32>
    %broadcast_in_dim3A_12 = vector.shape_cast %reduce_sum3A_11 : vector<2000xf32> to vector<2000x1xf32>
    %log3A = math.log %broadcast_in_dim3A_12 : vector<2000x1xf32>
    %sub3A_13 = vector.broadcast %broadcast_in_dim3A : vector<2000x1xf32> to vector<2000x128xf32>
    %sub3A_14 = arith.subf %add3A, %sub3A_13 : vector<2000x128xf32>
    %sub3A_15 = vector.broadcast %log3A : vector<2000x1xf32> to vector<2000x128xf32>
    %sub3A_16 = arith.subf %sub3A_14, %sub3A_15 : vector<2000x128xf32>
    %swap3A = arith.constant 0 : index
    %swap3A_17 = arith.constant 0 : index
    %swap3A_18 = vector.load %arg2[%swap3A, %swap3A_17] : memref<2000x128xf32, #tpu.memory_space<vmem>>, vector<2000x128xf32>
    tpu.vector_store %arg2[%swap3A, %swap3A_17], %sub3A_16 {strides = array<i32>} : memref<2000x128xf32, #tpu.memory_space<vmem>>, vector<2000x128xf32>,
    return
  }
  func.func @transform_0(%arg0: i32) -> (i32, i32, i32) {
    %c0_i32 = arith.constant 0 : i32
    %c0_i32_0 = arith.constant 0 : i32
    %c0_i32_1 = arith.constant 0 : i32
    return %c0_i32, %arg0, %c0_i32_0 : i32, i32, i32
  }
  func.func @transform_1(%arg0: i32) -> (i32, i32) {
    %c0_i32 = arith.constant 0 : i32
    %c0_i32_0 = arith.constant 0 : i32
    return %arg0, %c0_i32 : i32, i32
  }
}

module attributes {stable_mosaic.version = 14 : i64} {
  func.func @body(%arg0: i32, %arg1: memref<2x2000x128xf32, #tpu.memory_space<vmem>>, %arg2: memref<256x128xf32, #tpu.memory_space<vmem>>, %arg3: memref<2000x128xf32, #tpu.memory_space<vmem>>) attributes {dimension_semantics = [#tpu.dimension_semantics<arbitrary>], iteration_bounds = array<i64: 5>, scalar_prefetch = 0 : i64, scratch_operands = 0 : i64, tpu.core_type = #tpu.core_type<tc>, window_params = [{transform_indices = @transform_0, window_bounds = array<i64: 2, 2000, 128>}, {pipeline_mode = #tpu.pipeline_mode<synchronous>, transform_indices = @transform_1, window_bounds = array<i64: 256, 128>}, {transform_indices = @transform_2, window_bounds = array<i64: 2000, 128>}]} {
    %get3A = arith.constant 0 : index
    %get3A_0 = arith.constant 0 : index
    %get3A_1 = arith.constant 0 : index
    %get3A_2 = vector.load %arg1[%get3A, %get3A_0, %get3A_1] : memref<2x2000x128xf32, #tpu.memory_space<vmem>>, vector<1x2000x128xf32>
    %get3A_3 = vector.shape_cast %get3A_2 : vector<1x2000x128xf32> to vector<2000x128xf32>
    %get3A_4 = arith.constant 1 : index
    %get3A_5 = arith.constant 0 : index
    %get3A_6 = arith.constant 0 : index
    %get3A_7 = vector.load %arg1[%get3A_4, %get3A_5, %get3A_6] : memref<2x2000x128xf32, #tpu.memory_space<vmem>>, vector<1x2000x128xf32>
    %get3A_8 = vector.shape_cast %get3A_7 : vector<1x2000x128xf32> to vector<2000x128xf32>
    %concatenate3A = tpu.concatenate %get3A_3, %get3A_8 in 1 : vector<2000x128xf32>, vector<2000x128xf32> -> vector<2000x256xf32>
    %max3A = arith.constant 0.000000e+00 : f32
    %max3A_9 = vector.broadcast %max3A : f32 to vector<2000x256xf32>
    %max3A_10 = arith.maximumf %concatenate3A, %max3A_9 : vector<2000x256xf32>
    %get3A_11 = arith.constant 0 : index
    %get3A_12 = arith.constant 0 : index
    %get3A_13 = vector.load %arg2[%get3A_11, %get3A_12] : memref<256x128xf32, #tpu.memory_space<vmem>>, vector<256x128xf32>
    %dot_general3A = arith.constant dense<0.000000e+00> : vector<2000x128xf32>
    %dot_general3A_14 = tpu.matmul %max3A_10, %get3A_13, %dot_general3A {dimension_numbers = #tpu.dot_dimension_numbers<[1], [0], [0], [1], [0, 0, 1, 1], [], []>, transpose_lhs_hint = false} : vector<2000x256xf32>, vector<256x128xf32>, vector<2000x128xf32> -> vector<2000x128xf32>
    %swap3A = arith.constant 0 : index
    %swap3A_15 = arith.constant 0 : index
    %swap3A_16 = vector.load %arg3[%swap3A, %swap3A_15] : memref<2000x128xf32, #tpu.memory_space<vmem>>, vector<2000x128xf32>
    tpu.vector_store %arg3[%swap3A, %swap3A_15], %dot_general3A_14 {strides = array<i32>} : memref<2000x128xf32, #tpu.memory_space<vmem>>, vector<2000x128xf32>,
    return
  }
  func.func @transform_0(%arg0: i32) -> (i32, i32, i32) {
    %c0_i32 = arith.constant 0 : i32
    %c0_i32_0 = arith.constant 0 : i32
    %c0_i32_1 = arith.constant 0 : i32
    return %c0_i32, %arg0, %c0_i32_0 : i32, i32, i32
  }
  func.func @transform_1(%arg0: i32) -> (i32, i32) {
    %c0_i32 = arith.constant 0 : i32
    %c0_i32_0 = arith.constant 0 : i32
    %c0_i32_1 = arith.constant 0 : i32
    return %c0_i32, %c0_i32_0 : i32, i32
  }
  func.func @transform_2(%arg0: i32) -> (i32, i32) {
    %c0_i32 = arith.constant 0 : i32
    %c0_i32_0 = arith.constant 0 : i32
    return %arg0, %c0_i32 : i32, i32
  }
}

</mosaic_0001>

<sc_bundles>
// kernel: kernel.11.cloned.1.call-start
scs
__scs_entry_jumppad:
0x0: {  	(pc) =	sbr.rel $0x88, $3  }
0x1: {  	(tag) =	ssettag $0x0;
	lr =	simm.s32 $0x1  }
0x2: {  	[smem:$0x3F99] =	sst lr;
	_ =	strace $0xD0000000  }
0x3: {  	_ = 	snop  }
0x4: {  	_ = 	snop  }
0x5: {  	_ = 	snop  }
0x6: {  	_ = 	snop  }
0x7: {  	_ = 	snop  }
__scs_overlays_trampoline_lowered:
0x8: {  	[smem:$0x3FA8] =	sst s0  }
0x9: {  	[smem:$0x3FA9] =	sst s1  }
0xa: {  	[smem:$0x3FAA] =	sst s2  }
0xb: {  	[smem:$0x3FAB] =	sst s3  }
0xc: {  	[smem:$0x3FAC] =	sst s4  }
0xd: {  	[smem:$0x3FAD] =	sst s5  }
0xe: {  	[smem:$0x3FAE] =	sst s6  }
0xf: {  	[smem:$0x3FAF] =	sst s7  }
0x10: {  	[smem:$0x3FB0] =	sst s8  }
0x11: {  	[smem:$0x3FB1] =	sst s9;
	s0 =	simm.s32 @!p0 $0x0  }
0x12: {  	s1 =	sld [smem:$0x3F97];
	s0 =	simm.s32 @p0 $0x1  }
0x13: {  	[smem:$0x3FB2] =	sst s0;
	s0 =	simm.s32 @!p1 $0x0  }
0x14: {  	s2 =	sld [smem:$0x3F96];
	s0 =	simm.s32 @p1 $0x1  }
0x15: {  	[smem:$0x3FB3] =	sst s0;
	s0 =	simm.s32 @!p2 $0x0  }
0x16: {  	s3 =	sld [smem:$0x3FDB];
	s0 =	simm.s32 @p2 $0x1  }
0x17: {  	s4 =	simm.s32 $0x1BF5;
	[smem:$0x3FB5] =	sst s0  }
0x18: {  	s0 =	sld [smem:$0x3F98];
	_ =	swait.ge [sflag:s4], $0x0  }
0x19: {  	s7 =	sld [smem:$0x3F99]  }
0x1a: {  	s8 =	sadd.s32 $0xFFFFE003, lr  }
0x1b: {  	s9 =	sadd.s32 $0xFFFFFEF7, lr;
	s5 =	simm.s32 $0xFFFFFFFF;
	p2 =	slt.u32 s8, $0xFFFFF086  }
0x1c: {  	p1 =	slt.u32 s9, $0xF7A;
	s5 =	simm.s32 @!p2 $0x0  }
0x1d: {  	s5 =	simm.s32 @p1 $0x1;
	p0 =	seq.s32 s7, s2  }
0x1e: {  	s7 =	smul.u32 @!p0 $0xF7A, s2;
	p2 =	seq.s32 @!p0 s5, $0x0  }
0x1f: {  	s9 =	smul.u32 $0xF7A, s1;
	s8 =	simm.s32 @!p0 $0x1BF5;
	p2 =	por !p2, p0  }
0x20: {  	[sflag:s8] =	ssyncset.s32 @!p0 $0xFFFFF086;
	s6 =	sadd.s32 @!p0 s3, s7;
	s7 =	simm.s32 @!p0 $0x108  }
0x21: {  	s3 =	sadd.s32 s3, s9;
	s6 =	sadd.s32 @!p0 $0x88, s6;
	s7 =	simm.s32 @p2 $0x1082  }
0x22: {  	[simem:s7], [sflag:s8] =	dma.local @!p0 [hbm:s6], $0xF7A  }
0x23: {  	s9 =	sor.u32 $0xD0000000, s2;
	s6 =	simm.s32 $0x108;
	_ =	swait.ge @!p0 [sflag:s8], $0x0  }
0x24: {  	s3 =	sadd.s32 $0x88, s3;
	s6 =	simm.s32 @!p1 $0x1082;
	[sflag:s4] =	ssyncset.s32 $0xFFFFF086  }
0x25: {  	[simem:s6], [sflag:s4] =	dma.local [hbm:s3], $0xF7A  }
0x26: {  	[smem:$0x3F99] =	sst s1;
	(tag) =	ssettag s2;
	_ =	strace s9  }
0x27: {  	s1 =	sld [smem:$0x3FA9]  }
0x28: {  	s2 =	sld [smem:$0x3FAA]  }
0x29: {  	s4 =	sld [smem:$0x3FAC]  }
0x2a: {  	p0 =	seq.s32 s5, $0x0;
	s5 =	sld [smem:$0x3FAD]  }
0x2b: {  	s6 =	sld [smem:$0x3FAE]  }
0x2c: {  	s7 =	sld [smem:$0x3FAF]  }
0x2d: {  	s3 =	simm.s32 $0x108;
	s8 =	sld [smem:$0x3FB0]  }
0x2e: {  	s3 =	simm.s32 @!p0 $0x1082;
	s9 =	sld [smem:$0x3FB1]  }
0x2f: {  	lr =	sadd.s32 s0, s3;
	s0 =	sld [smem:$0x3FA8]  }
0x30: {  	s3 =	sld [smem:$0x3FAB]  }
0x31: {  	[smem:$0x3FB4] =	sst s10  }
0x32: {  	s10 =	sld [smem:$0x3FB2];
	_ =	sdelay $0x3  }
0x33: {  	p0 =	seq.s32 s10, $0x1;
	s10 =	sld [smem:$0x3FB4];
	_ =	sdelay $0x3  }
0x34: {  	[smem:$0x3FB4] =	sst s10  }
0x35: {  	s10 =	sld [smem:$0x3FB3];
	_ =	sdelay $0x3  }
0x36: {  	p1 =	seq.s32 s10, $0x1;
	s10 =	sld [smem:$0x3FB4];
	_ =	sdelay $0x3  }
0x37: {  	[smem:$0x3FB4] =	sst s10  }
0x38: {  	s10 =	sld [smem:$0x3FB5]  }
0x39: {  	_ = 	snop;
	(pc) =	sbr.ind lr, $3  }
0x3a: {  	_ = 	snop  }
0x3b: {  	_ = 	snop  }
0x3c: {  	p2 =	seq.s32 s10, $0x1;
	s10 =	sld [smem:$0x3FB4]  }
0x3d: {  	_ =	shalt  }
0x3e: {  	_ =	shalt  }
0x3f: {  	_ =	shalt  }
0x40: {  	_ =	shalt  }
0x41: {  	_ =	shalt  }
0x42: {  	_ =	shalt  }
0x43: {  	_ =	shalt  }
0x44: {  	_ =	shalt  }
0x45: {  	_ =	shalt  }
0x46: {  	_ =	shalt  }
0x47: {  	_ =	shalt  }
0x48: {  	_ =	shalt  }
0x49: {  	_ =	shalt  }
0x4a: {  	_ =	shalt  }
0x4b: {  	_ =	shalt  }
0x4c: {  	_ =	shalt  }
0x4d: {  	_ =	shalt  }
0x4e: {  	_ =	shalt  }
0x4f: {  	_ =	shalt  }
0x50: {  	_ =	shalt  }
0x51: {  	_ =	shalt  }
0x52: {  	_ =	shalt  }
0x53: {  	_ =	shalt  }
0x54: {  	_ =	shalt  }
0x55: {  	_ =	shalt  }
0x56: {  	_ =	shalt  }
0x57: {  	_ =	shalt  }
0x58: {  	_ =	shalt  }
0x59: {  	_ =	shalt  }
0x5a: {  	_ =	shalt  }
0x5b: {  	_ =	shalt  }
0x5c: {  	_ =	shalt  }
0x5d: {  	_ =	shalt  }
0x5e: {  	_ =	shalt  }
0x5f: {  	_ =	shalt  }
0x60: {  	_ =	shalt  }
0x61: {  	_ =	shalt  }
0x62: {  	_ =	shalt  }
0x63: {  	_ =	shalt  }
0x64: {  	_ =	shalt  }
0x65: {  	_ =	shalt  }
0x66: {  	_ =	shalt  }
0x67: {  	_ =	shalt  }
0x68: {  	_ =	shalt  }
0x69: {  	_ =	shalt  }
0x6a: {  	_ =	shalt  }
0x6b: {  	_ =	shalt  }
0x6c: {  	_ =	shalt  }
0x6d: {  	_ =	shalt  }
0x6e: {  	_ =	shalt  }
0x6f: {  	_ =	shalt  }
0x70: {  	_ =	shalt  }
0x71: {  	_ =	shalt  }
0x72: {  	_ =	shalt  }
0x73: {  	_ =	shalt  }
0x74: {  	_ =	shalt  }
0x75: {  	_ =	shalt  }
0x76: {  	_ =	shalt  }
0x77: {  	_ =	shalt  }
0x78: {  	_ =	shalt  }
0x79: {  	_ =	shalt  }
0x7a: {  	_ =	shalt  }
0x7b: {  	_ =	shalt  }
0x7c: {  	_ =	shalt  }
0x7d: {  	_ =	shalt  }
0x7e: {  	_ =	shalt  }
0x7f: {  	_ =	shalt  }
0x80: {  	_ =	shalt  }
0x81: {  	_ =	shalt  }
0x82: {  	_ =	shalt  }
0x83: {  	_ =	shalt  }
0x84: {  	_ =	shalt  }
0x85: {  	_ =	shalt  }
0x86: {  	_ =	shalt  }
0x87: {  	_ =	shalt  }
.Lfunc_end0:
.L_simem_size_0:
called_computation.1_lowered:
.L_overlay_start_0:
0x88: {  	s2 =	sld [smem:$0x3FD9]  }
0x89: {  	s3 =	sld [smem:$0x3FFE];
	_ =	sdelay $0x1  }
0x8a: {  	s1 =	srdreg.scid  }
0x8b: {  	s0 =	sand.u32 $0x1, s1  }
0x8c: {  	s17 =	sshll.u32 s0, $0xA;
	s2 =	sadd.s32 s3, s2  }
0x8d: {  	s2 =	sadd.s32 s2, s17  }
0x8e: {  	[smem:$0x3FC0] =	sst s2  }
0x8f: {  	_ = 	snop  }
0x90: {  	s2 =	sld [smem:$0x3FD0];
	(tm) =	ssettm $0x1  }
0x91: {  	s18 =	sld [smem:$0x3FFB];
	_ =	sdelay $0x3  }
0x92: {  	_ =	strace s18  }
0x93: {  	s3 =	sld [smem:$0x3FFC];
	_ =	sdelay $0x3  }
0x94: {  	_ =	strace s3  }
0x95: {  	s3 =	sld [smem:$0x3FFD];
	_ =	sdelay $0x3  }
0x96: {  	_ =	strace s3  }
0x97: {  	_ =	strace $0x8FFFFFFF  }
0x98: {  	s19 =	sld [smem:$0x3FDB];
	_ =	sdelay $0x1  }
0x99: {  	s4 =	simm.s32 $_scs_section_size  }
0x9a: {  	s5 =	simm.s32 $_size__tile_overlayer_lowered;
	s6 =	simm.s32 $_tile_overlayer_lowered  }
0x9b: {  	s22 =	simm.s32 $0x1BFF;
	s21 =	sshll.u32 s6, $0x1;
	s3 =	sadd.s32 s4, s19  }
0x9c: {  	s7 =	simm.s32 $0x0;
	s20 =	sshll.u32 s5, $0x1;
	s5 =	sadd.s32 s21, s3  }
0x9d: {  	[timem:s7], [sflag:s22] =	dma.local [hbm:s5], s20  }
0x9e: {  	_ =	swait.ge [sflag:s22], s20  }
0x9f: {  	s4 =	ssub.s32 $0x0, s20;
	[sflag:s22] =	ssyncset.done $0x0  }
0xa0: {  	[sflag:s22] =	ssyncadd.s32 s4;
	_ =	sdelay $0x1  }
0xa1: {  	s23 =	simm.s32 $0x1B8B  }
0xa2: {  	_ =	swait.ge [sflag:s23], $0x1  }
0xa3: {  	[sflag:s23] =	ssyncset.done $0x0  }
0xa4: {  	s25 =	simm.s32 $0x1B8E;
	s24 =	sld [smem:$0x3FFE];
	[sflag:s23] =	ssyncadd.s32 $0xFFFFFFFF  }
0xa5: {  	s26 =	simm.s32 $execute0_lowered;
	[smem:$0x3FD2] =	sst s25  }
0xa6: {  	s5 =	sshll.u32 s26, $0x1;
	_ =	strace $0x80000049;
	[dreg:$0x1] =	wrdreg $0xFFFFFFFF  }
0xa7: {  	s28 =	simm.s32 $_size_execute0_lowered;
	s3 =	sadd.s32 s3, s5;
	[dreg:$0x0] =	wrdreg $0x0  }
0xa8: {  	s5 =	sshll.u32 s28, $0x1;
	[dreg:$0x2] =	wrdreg s3  }
0xa9: {  	[dreg:$0x3] =	wrdreg s5  }
0xaa: {  	[dreg:$0x4] =	wrdreg $0xC0  }
0xab: {  	_ =	task [dreg:s7], $0x5FFFF  }
0xac: {  	[dreg:$0x1] =	wrdreg $0xFFFFFFFF  }
0xad: {  	[dreg:$0x0] =	wrdreg $0x60  }
0xae: {  	[dreg:$0x2] =	wrdreg s24  }
0xaf: {  	[dreg:$0x3] =	wrdreg s2  }
0xb0: {  	[dreg:$0x4] =	wrdreg $0xA8000  }
0xb1: {  	[dreg:$0x5] =	wrdreg $0x9  }
0xb2: {  	_ =	task.clear_ibuf [dreg:s7], $0x6FFFF;
	_ =	strace $0x90000049  }
0xb3: {  	s29 =	simm.s32 $0x9;
	_ =	strace $0x8000004B  }
0xb4: {  	_ =	swait.ge [sflag:s29], $0x1  }
0xb5: {  	[sflag:s29] =	ssyncadd.s32 $0xFFFFFFFF  }
0xb6: {  	_ =	strace $0x9000004B  }
0xb7: {  	_ =	sfence  }
0xb8: {  	s30 =	sld [smem:$0x0];
	_ =	sdelay $0x2  }
0xb9: {  	s31 =	sshll.u32 s1, $0xD;
	s1 =	sshrl.u32 s1, $0x2  }
0xba: {  	s3 =	sand.u32 $0x4000, s31;
	s1 =	sadd.s32 s1, s30  }
0xbb: {  	s0 =	sor.u32 s3, s0;
	s1 =	sshll.u32 s1, $0x11  }
0xbc: {  	s0 =	sor.u32 s1, s0  }
0xbd: {  	s0 =	sadd.s32 $0x8F2B, s0  }
0xbe: {  	[sflag:s0] =	ssyncadd.remote.s32 $0x1  }
0xbf: {  	_ =	sfence.sel $0xFFFF  }
0xc0: {  	[dreg:$0x0] =	wrdreg $0xFFFFFFFF;
	(pc) =	sbr.abs _section_cstart, $3  }
0xc1: {  	[dreg:$0x1] =	wrdreg $0xFFFFFFFF  }
0xc2: {  	_ =	task.clear_ibuf [dreg:s7], $0x2FFFF;
	_ =	strace $0x9FFFFFFF  }
0xc3: {  	(tm) =	ssettm $0x7FFFFFFF  }
tec
execute0_lowered:
.L_overlay_start_1:
0x0: {  	(tag) =	ssettag $0x1  }
0x1: {  	s0 =	rddreg [dreg:$0x0]  }
0x2: {  	s3 =	rddreg [dreg:$0x1]  }
0x3: {  	s1 =	rddreg [dreg:$0x2]  }
0x4: {  	s4 =	srdreg.scid;
	s2 =	simm.s32 $0x0;
	s13 =	stileid.u32  }
0x5: {  	s28 =	simm.s32 $0x2;
	s29 =	simm.s32 $0x6800;
	s10 =	smul.u32 $0x4F000, s13  }
0x6: {  	s30 =	simm.s32 $0x8800;
	s31 =	simm.s32 $0x80;
	s15 =	smul.u32 $0x4E000, s13  }
0x7: {  	s5 =	sand.u32 $0x1, s4;
	[smem:$0x7FF] =	sst s2;
	s16 =	smul.u32 $0x2700, s13  }
0x8: {  	s4 =	sadd.s32 $0x16000, s0;
	s7 =	sadd.s32 $0x64200, s0;
	s6 =	smul.u32 $0x2780, s5  }
0x9: {  	s9 =	sshll.u32 s13, $0x1;
	s12 =	sshll.u32 s13, $0x6;
	s23 =	smul.u32 $0x27100, s5  }
0xa: {  	s8 =	ssub.s32 $0x2, s5;
	s9 =	sor.u32 s5, s9;
	s5 =	smul.u32 $0x138800, s5  }
0xb: {  	p0 =	sne.s32 s13, $0xF;
	_ =	strace $0x8000004A;
	s19 =	smul.u32 $0x5000, s9  }
0xc: {  	s11 =	sshrl.u32 s8, $0x1;
	s10 =	sshrl.u32 s10, $0x2;
	s9 =	smul.u32 $0xA00, s9  }
0xd: {  	s25 =	sshrl.u32 s15, $0x2;
	s6 =	sadd.s32 s6, s0;
	s0 =	sadd.s32 $0x7D200, s0  }
0xe: {  	s8 =	ssub.s32 s8, s11;
	s10 =	sadd.s32 s10, s1;
	s26 =	sadd.s32 s16, s23  }
0xf: {  	s5 =	sshrl.u32 s5, $0x3;
	s23 =	simm.s32 $0x4800;
	s6 =	sadd.s32 $0x78200, s6  }
0x10: {  	s11 =	sshrl.u32 s19, $0x3;
	s20 =	sadd.s32 s3, s9;
	s9 =	sadd.s32 s7, s9  }
0x11: {  	s15 =	sadd.s32 s0, s26;
	s0 =	sadd.s32 s0, s5;
	s5 =	sadd.s32 $0x138000, s1  }
0x12: {  	s17 =	smax.u32 s8, $0x1;
	s18 =	sshrl.u32 s10, $0x3;
	s19 =	simm.s32 $0x5  }
0x13: {  	s26 =	simm.s32 $0x1;
	s8 =	simm.s32 $0x2700;
	[dreg:$0x4] =	wrdreg s6  }
0x14: {  	s10 =	simm.s32 $0x0;
	s6 =	sor.u32 $0x1C05, s12;
	[dreg:$0x5] =	wrdreg s20  }
0x15: {  	s21 =	sadd.s32 $0x280, s11;
	[dreg:$0x6] =	wrdreg s9;
	s24 =	sadd.s32 $0x500, s11  }
0x16: {  	s11 =	sadd.s32 $0x780, s11;
	s16 =	sadd.s32 $0x27000, s0;
	s22 =	sadd.s32 s3, s21  }
0x17: {  	s20 =	simm.s32 $0x1400;
	s12 =	sadd.s32 s7, s21;
	[dreg:$0x7] =	wrdreg s22  }
0x18: {  	s0 =	simm.s32 $0x3;
	s14 =	sadd.s32 s3, s24;
	[dreg:$0x8] =	wrdreg s12  }
0x19: {  	s9 =	simm.s32 $0x2780;
	s3 =	sadd.s32 s3, s11;
	[dreg:$0x9] =	wrdreg s14  }
0x1a: {  	s21 =	simm.s32 $0x40;
	s12 =	sadd.s32 s7, s24;
	[dreg:$0xb] =	wrdreg s3  }
0x1b: {  	s14 =	sadd.s32 s7, s11;
	s3 =	sadd.s32 s25, s1;
	s22 =	simm.s32 $0x2800  }
0x1c: {  	s25 =	sshrl.u32 @!p0 s5, $0x3;
	s5 =	simm.s32 $0x1380;
	s7 =	simm.s32 $0x13C0  }
0x1d: {  	[dreg:$0xa] =	wrdreg s12;
	s24 =	sshrl.u32 s3, $0x3;
	s3 =	simm.s32 $0x4  }
.LBB2_1:
0x1e: {  	s11 =	rddreg [dreg:$0x4]  }
0x1f: {  	[spmem:s18], [sflag:s6] =	dma.local [hbm:s11], $0x2780  }
0x20: {  	_ =	swait.ge [sflag:s19], $0x2780  }
0x21: {  	[sflag:s19] =	ssyncset.done $0x0  }
0x22: {  	[sflag:s19] =	ssyncadd.s32 $0xFFFFD880  }
0x23: {  	[bflag:$0x0] =	sbarrier.arrive $0xFFFF  }
0x24: {  	s12 =	rddreg [dreg:$0x5]  }
0x25: {  	[tilespmem:s2], [sflag:$0x5] =	stream.linear.gather [hbm4b:s12+s2], $0x1400, $0x38;
	[tilespmem:$0x1E400] =	vst v63  }
0x26: {  	_ =	swait.ge [sflag:s19], $0x1400  }
0x27: {  	[sflag:s19] =	ssyncset.done $0x0  }
0x28: {  	s13 =	rddreg [dreg:$0x6];
	[sflag:s19] =	ssyncadd.s32 $0xFFFFEC00  }
0x29: {  	[tilespmem:s20], [sflag:$0x5] =	stream.linear.gather [hbm4b:s13+s2], $0x1400, $0x38;
	[tilespmem:$0x1E400] =	vst v63  }
0x2a: {  	_ =	swait.ge [sflag:s19], $0x1400  }
0x2b: {  	[sflag:s19] =	ssyncset.done $0x0  }
0x2c: {  	[sflag:s19] =	ssyncadd.s32 $0xFFFFEC00  }
0x2d: {  	[tilespmem:s22], [sflag:$0x1] =	stream.indirect.gather [hbm4b:s4+s21], $0x80, s2, s21, $0xb8;
	[tilespmem:$0x1E400] =	vst v63  }
0x2e: {  	_ = 	snop  }
0x2f: {  	[tilespmem:s23], [sflag:$0x2] =	stream.indirect.gather [hbm4b:s4+s21], $0x80, s21, s21, $0xb8;
	[tilespmem:$0x1E400] =	vst v63  }
0x30: {  	_ =	swait.ge [sflag:s26], $0x2000  }
0x31: {  	[sflag:s26] =	ssyncset.done $0x0  }
0x32: {  	[sflag:s26] =	ssyncadd.s32 $0xFFFFE000  }
0x33: {  	_ =	swait.ge [sflag:s28], $0x2000  }
0x34: {  	[sflag:s28] =	ssyncset.done $0x0  }
0x35: {  	s12 =	simm.s32 $0x80;
	[sflag:s28] =	ssyncadd.s32 $0xFFFFE000  }
0x36: {  	[tilespmem:s29], [sflag:$0x3] =	stream.indirect.gather [hbm4b:s4+s21], $0x80, s12, s21, $0xb8;
	[tilespmem:$0x1E400] =	vst v63  }
0x37: {  	s13 =	simm.s32 $0xC0  }
0x38: {  	[tilespmem:s30], [sflag:$0x4] =	stream.indirect.gather [hbm4b:s4+s21], $0x80, s13, s21, $0xb8;
	[tilespmem:$0x1E400] =	vst v63  }
0x39: {  	s12 =	simm.s32 $0x1400  }
0x3a: {  	[spmem:s1] =	stream.indirect.scatter.add.f32 [tilespmem:s22], [sflag:$0x5], $0x80, s12, s31, $0xb8;
	[tilespmem:$0x1E400] =	vst v63  }
0x3b: {  	_ =	swait.ge [sflag:s19], $0x4000  }
0x3c: {  	[sflag:s19] =	ssyncset.done $0x0  }
0x3d: {  	[sflag:s19] =	ssyncadd.s32 $0xFFFFC000  }
0x3e: {  	_ =	swait.ge [sflag:s0], $0x2000  }
0x3f: {  	[sflag:s0] =	ssyncset.done $0x0  }
0x40: {  	[sflag:s0] =	ssyncadd.s32 $0xFFFFE000  }
0x41: {  	_ =	swait.ge [sflag:s3], $0x2000  }
0x42: {  	[sflag:s3] =	ssyncset.done $0x0  }
0x43: {  	s13 =	simm.s32 $0x100;
	[sflag:s3] =	ssyncadd.s32 $0xFFFFE000  }
0x44: {  	[tilespmem:s22], [sflag:$0x1] =	stream.indirect.gather [hbm4b:s4+s21], $0x80, s13, s21, $0xb8;
	[tilespmem:$0x1E400] =	vst v63  }
0x45: {  	s12 =	simm.s32 $0x140  }
0x46: {  	[tilespmem:s23], [sflag:$0x2] =	stream.indirect.gather [hbm4b:s4+s21], $0x80, s12, s21, $0xb8;
	[tilespmem:$0x1E400] =	vst v63  }
0x47: {  	s13 =	simm.s32 $0x1480  }
0x48: {  	[spmem:s1] =	stream.indirect.scatter.add.f32 [tilespmem:s29], [sflag:$0x5], $0x80, s13, s31, $0xb8;
	[tilespmem:$0x1E400] =	vst v63  }
0x49: {  	_ =	swait.ge [sflag:s19], $0x4000  }
0x4a: {  	s11 =	simm.s32 $0x400;
	[sflag:s19] =	ssyncset.done $0x0  }
.LBB2_2:
0x4b: {  	p1 =	sne.s32 s11, $0x4800  }
0x4c: {  	[sflag:s19] =	ssyncadd.s32 $0xFFFFC000;
	s12 =	smov.u32 s11;
	s11 =	sadd.s32 $0x400, s11  }
0x4d: {  	_ = 	snop  }
0x4e: {  	_ =	swait.ge [sflag:s26], $0x2000  }
0x4f: {  	[sflag:s26] =	ssyncset.done $0x0  }
0x50: {  	[sflag:s26] =	ssyncadd.s32 $0xFFFFE000  }
0x51: {  	_ =	swait.ge [sflag:s28], $0x2000  }
0x52: {  	s12 =	sshra.s32 s12, $0x2;
	[sflag:s28] =	ssyncset.done $0x0  }
0x53: {  	s13 =	sadd.s32 $0x80, s12;
	[sflag:s28] =	ssyncadd.s32 $0xFFFFE000  }
0x54: {  	[tilespmem:s29], [sflag:$0x3] =	stream.indirect.gather [hbm4b:s4+s21], $0x80, s13, s21, $0xb8;
	[tilespmem:$0x1E400] =	vst v63  }
0x55: {  	s13 =	sadd.s32 $0xC0, s12  }
0x56: {  	[tilespmem:s30], [sflag:$0x4] =	stream.indirect.gather [hbm4b:s4+s21], $0x80, s13, s21, $0xb8;
	[tilespmem:$0x1E400] =	vst v63  }
0x57: {  	s13 =	sadd.s32 $0x1400, s12  }
0x58: {  	[spmem:s1] =	stream.indirect.scatter.add.f32 [tilespmem:s22], [sflag:$0x5], $0x80, s13, s31, $0xb8;
	[tilespmem:$0x1E400] =	vst v63  }
0x59: {  	_ =	swait.ge [sflag:s19], $0x4000  }
0x5a: {  	[sflag:s19] =	ssyncset.done $0x0  }
0x5b: {  	[sflag:s19] =	ssyncadd.s32 $0xFFFFC000  }
0x5c: {  	_ =	swait.ge [sflag:s0], $0x2000  }
0x5d: {  	[sflag:s0] =	ssyncset.done $0x0  }
0x5e: {  	[sflag:s0] =	ssyncadd.s32 $0xFFFFE000  }
0x5f: {  	_ =	swait.ge [sflag:s3], $0x2000  }
0x60: {  	[sflag:s3] =	ssyncset.done $0x0  }
0x61: {  	s13 =	sadd.s32 $0x100, s12;
	[sflag:s3] =	ssyncadd.s32 $0xFFFFE000  }
0x62: {  	[tilespmem:s22], [sflag:$0x1] =	stream.indirect.gather [hbm4b:s4+s21], $0x80, s13, s21, $0xb8;
	[tilespmem:$0x1E400] =	vst v63  }
0x63: {  	s13 =	sadd.s32 $0x140, s12  }
0x64: {  	[tilespmem:s23], [sflag:$0x2] =	stream.indirect.gather [hbm4b:s4+s21], $0x80, s13, s21, $0xb8;
	[tilespmem:$0x1E400] =	vst v63  }
.Ltmp0:
0x65: {  	_ = 	snop;
	(pc) =	sbr.rel @p1 .LBB2_2-.Ltmp0, $4  }
0x66: {  	s12 =	sadd.s32 $0x1480, s12  }
0x67: {  	[spmem:s1] =	stream.indirect.scatter.add.f32 [tilespmem:s29], [sflag:$0x5], $0x80, s12, s31, $0xb8;
	[tilespmem:$0x1E400] =	vst v63  }
0x68: {  	_ =	swait.ge [sflag:s19], $0x4000  }
0x69: {  	[sflag:s19] =	ssyncset.done $0x0  }
0x6a: {  	[sflag:s19] =	ssyncadd.s32 $0xFFFFC000  }
0x6b: {  	_ =	swait.ge [sflag:s26], $0x2000  }
0x6c: {  	[sflag:s26] =	ssyncset.done $0x0  }
0x6d: {  	[sflag:s26] =	ssyncadd.s32 $0xFFFFE000  }
0x6e: {  	_ =	swait.ge [sflag:s28], $0x2000  }
0x6f: {  	[sflag:s28] =	ssyncset.done $0x0  }
0x70: {  	[sflag:s28] =	ssyncadd.s32 $0xFFFFE000  }
0x71: {  	[tilespmem:s29], [sflag:$0x3] =	stream.indirect.gather [hbm4b:s4+s21], $0x80, s5, s21, $0xb8;
	[tilespmem:$0x1E400] =	vst v63  }
0x72: {  	_ = 	snop  }
0x73: {  	[tilespmem:s30], [sflag:$0x4] =	stream.indirect.gather [hbm4b:s4+s21], $0x80, s7, s21, $0xb8;
	[tilespmem:$0x1E400] =	vst v63  }
0x74: {  	_ = 	snop  }
0x75: {  	[spmem:s1] =	stream.indirect.scatter.add.f32 [tilespmem:s22], [sflag:$0x5], $0x80, s8, s31, $0xb8;
	[tilespmem:$0x1E400] =	vst v63  }
0x76: {  	_ =	swait.ge [sflag:s19], $0x4000  }
0x77: {  	[sflag:s19] =	ssyncset.done $0x0  }
0x78: {  	[sflag:s19] =	ssyncadd.s32 $0xFFFFC000  }
0x79: {  	_ =	swait.ge [sflag:s0], $0x2000  }
0x7a: {  	[sflag:s0] =	ssyncset.done $0x0  }
0x7b: {  	[sflag:s0] =	ssyncadd.s32 $0xFFFFE000  }
0x7c: {  	_ =	swait.ge [sflag:s3], $0x2000  }
0x7d: {  	[sflag:s3] =	ssyncset.done $0x0  }
0x7e: {  	[sflag:s3] =	ssyncadd.s32 $0xFFFFE000  }
0x7f: {  	[spmem:s1] =	stream.indirect.scatter.add.f32 [tilespmem:s29], [sflag:$0x5], $0x80, s9, s31, $0xb8;
	[tilespmem:$0x1E400] =	vst v63  }
0x80: {  	_ =	swait.ge [sflag:s19], $0x4000  }
0x81: {  	[sflag:s19] =	ssyncset.done $0x0  }
0x82: {  	s11 =	simm.s32 $0x0;
	s12 =	rddreg [dreg:$0x7];
	[sflag:s19] =	ssyncadd.s32 $0xFFFFC000  }
0x83: {  	[tilespmem:s11], [sflag:$0x5] =	stream.linear.gather [hbm4b:s12+s11], $0x1400, $0x38;
	[tilespmem:$0x1E400] =	vst v63  }
0x84: {  	_ =	swait.ge [sflag:s19], $0x1400  }
0x85: {  	[sflag:s19] =	ssyncset.done $0x0  }
0x86: {  	s13 =	rddreg [dreg:$0x8];
	[sflag:s19] =	ssyncadd.s32 $0xFFFFEC00  }
0x87: {  	[tilespmem:s20], [sflag:$0x5] =	stream.linear.gather [hbm4b:s13+s11], $0x1400, $0x38;
	[tilespmem:$0x1E400] =	vst v63  }
0x88: {  	_ =	swait.ge [sflag:s19], $0x1400  }
0x89: {  	[sflag:s19] =	ssyncset.done $0x0  }
0x8a: {  	[sflag:s19] =	ssyncadd.s32 $0xFFFFEC00  }
0x8b: {  	[tilespmem:s22], [sflag:$0x1] =	stream.indirect.gather [hbm4b:s4+s21], $0x80, s11, s21, $0xb8;
	[tilespmem:$0x1E400] =	vst v63  }
0x8c: {  	_ = 	snop  }
0x8d: {  	[tilespmem:s23], [sflag:$0x2] =	stream.indirect.gather [hbm4b:s4+s21], $0x80, s21, s21, $0xb8;
	[tilespmem:$0x1E400] =	vst v63  }
0x8e: {  	_ =	swait.ge [sflag:s26], $0x2000  }
0x8f: {  	[sflag:s26] =	ssyncset.done $0x0  }
0x90: {  	[sflag:s26] =	ssyncadd.s32 $0xFFFFE000  }
0x91: {  	_ =	swait.ge [sflag:s28], $0x2000  }
0x92: {  	[sflag:s28] =	ssyncset.done $0x0  }
0x93: {  	s12 =	simm.s32 $0x80;
	[sflag:s28] =	ssyncadd.s32 $0xFFFFE000  }
0x94: {  	[tilespmem:s29], [sflag:$0x3] =	stream.indirect.gather [hbm4b:s4+s21], $0x80, s12, s21, $0xb8;
	[tilespmem:$0x1E400] =	vst v63  }
0x95: {  	s13 =	simm.s32 $0xC0  }
0x96: {  	[tilespmem:s30], [sflag:$0x4] =	stream.indirect.gather [hbm4b:s4+s21], $0x80, s13, s21, $0xb8;
	[tilespmem:$0x1E400] =	vst v63  }
0x97: {  	s12 =	simm.s32 $0x1400  }
0x98: {  	[spmem:s1] =	stream.indirect.scatter.add.f32 [tilespmem:s22], [sflag:$0x5], $0x80, s12, s31, $0xb8;
	[tilespmem:$0x1E400] =	vst v63  }
0x99: {  	_ =	swait.ge [sflag:s19], $0x4000  }
0x9a: {  	[sflag:s19] =	ssyncset.done $0x0  }
0x9b: {  	[sflag:s19] =	ssyncadd.s32 $0xFFFFC000  }
0x9c: {  	_ =	swait.ge [sflag:s0], $0x2000  }
0x9d: {  	[sflag:s0] =	ssyncset.done $0x0  }
0x9e: {  	[sflag:s0] =	ssyncadd.s32 $0xFFFFE000  }
0x9f: {  	_ =	swait.ge [sflag:s3], $0x2000  }
0xa0: {  	[sflag:s3] =	ssyncset.done $0x0  }
0xa1: {  	s13 =	simm.s32 $0x100;
	[sflag:s3] =	ssyncadd.s32 $0xFFFFE000  }
0xa2: {  	[tilespmem:s22], [sflag:$0x1] =	stream.indirect.gather [hbm4b:s4+s21], $0x80, s13, s21, $0xb8;
	[tilespmem:$0x1E400] =	vst v63  }
0xa3: {  	s12 =	simm.s32 $0x140  }
0xa4: {  	[tilespmem:s23], [sflag:$0x2] =	stream.indirect.gather [hbm4b:s4+s21], $0x80, s12, s21, $0xb8;
	[tilespmem:$0x1E400] =	vst v63  }
0xa5: {  	s13 =	simm.s32 $0x1480  }
0xa6: {  	[spmem:s1] =	stream.indirect.scatter.add.f32 [tilespmem:s29], [sflag:$0x5], $0x80, s13, s31, $0xb8;
	[tilespmem:$0x1E400] =	vst v63  }
0xa7: {  	_ =	swait.ge [sflag:s19], $0x4000  }
0xa8: {  	s11 =	simm.s32 $0x400;
	[sflag:s19] =	ssyncset.done $0x0  }
.LBB2_4:
0xa9: {  	p1 =	sne.s32 s11, $0x4800  }
0xaa: {  	[sflag:s19] =	ssyncadd.s32 $0xFFFFC000;
	s12 =	smov.u32 s11;
	s11 =	sadd.s32 $0x400, s11  }
0xab: {  	_ = 	snop  }
0xac: {  	_ =	swait.ge [sflag:s26], $0x2000  }
0xad: {  	[sflag:s26] =	ssyncset.done $0x0  }
0xae: {  	[sflag:s26] =	ssyncadd.s32 $0xFFFFE000  }
0xaf: {  	_ =	swait.ge [sflag:s28], $0x2000  }
0xb0: {  	s12 =	sshra.s32 s12, $0x2;
	[sflag:s28] =	ssyncset.done $0x0  }
0xb1: {  	s13 =	sadd.s32 $0x80, s12;
	[sflag:s28] =	ssyncadd.s32 $0xFFFFE000  }
0xb2: {  	[tilespmem:s29], [sflag:$0x3] =	stream.indirect.gather [hbm4b:s4+s21], $0x80, s13, s21, $0xb8;
	[tilespmem:$0x1E400] =	vst v63  }
0xb3: {  	s13 =	sadd.s32 $0xC0, s12  }
0xb4: {  	[tilespmem:s30], [sflag:$0x4] =	stream.indirect.gather [hbm4b:s4+s21], $0x80, s13, s21, $0xb8;
	[tilespmem:$0x1E400] =	vst v63  }
0xb5: {  	s13 =	sadd.s32 $0x1400, s12  }
0xb6: {  	[spmem:s1] =	stream.indirect.scatter.add.f32 [tilespmem:s22], [sflag:$0x5], $0x80, s13, s31, $0xb8;
	[tilespmem:$0x1E400] =	vst v63  }
0xb7: {  	_ =	swait.ge [sflag:s19], $0x4000  }
0xb8: {  	[sflag:s19] =	ssyncset.done $0x0  }
0xb9: {  	[sflag:s19] =	ssyncadd.s32 $0xFFFFC000  }
0xba: {  	_ =	swait.ge [sflag:s0], $0x2000  }
0xbb: {  	[sflag:s0] =	ssyncset.done $0x0  }
0xbc: {  	[sflag:s0] =	ssyncadd.s32 $0xFFFFE000  }
0xbd: {  	_ =	swait.ge [sflag:s3], $0x2000  }
0xbe: {  	[sflag:s3] =	ssyncset.done $0x0  }
0xbf: {  	s13 =	sadd.s32 $0x100, s12;
	[sflag:s3] =	ssyncadd.s32 $0xFFFFE000  }
0xc0: {  	[tilespmem:s22], [sflag:$0x1] =	stream.indirect.gather [hbm4b:s4+s21], $0x80, s13, s21, $0xb8;
	[tilespmem:$0x1E400] =	vst v63  }
0xc1: {  	s13 =	sadd.s32 $0x140, s12  }
0xc2: {  	[tilespmem:s23], [sflag:$0x2] =	stream.indirect.gather [hbm4b:s4+s21], $0x80, s13, s21, $0xb8;
	[tilespmem:$0x1E400] =	vst v63  }
.Ltmp1:
0xc3: {  	_ = 	snop;
	(pc) =	sbr.rel @p1 .LBB2_4-.Ltmp1, $4  }
0xc4: {  	s12 =	sadd.s32 $0x1480, s12  }
0xc5: {  	[spmem:s1] =	stream.indirect.scatter.add.f32 [tilespmem:s29], [sflag:$0x5], $0x80, s12, s31, $0xb8;
	[tilespmem:$0x1E400] =	vst v63  }
0xc6: {  	_ =	swait.ge [sflag:s19], $0x4000  }
0xc7: {  	[sflag:s19] =	ssyncset.done $0x0  }
0xc8: {  	[sflag:s19] =	ssyncadd.s32 $0xFFFFC000  }
0xc9: {  	_ =	swait.ge [sflag:s26], $0x2000  }
0xca: {  	[sflag:s26] =	ssyncset.done $0x0  }
0xcb: {  	[sflag:s26] =	ssyncadd.s32 $0xFFFFE000  }
0xcc: {  	_ =	swait.ge [sflag:s28], $0x2000  }
0xcd: {  	[sflag:s28] =	ssyncset.done $0x0  }
0xce: {  	[sflag:s28] =	ssyncadd.s32 $0xFFFFE000  }
0xcf: {  	[tilespmem:s29], [sflag:$0x3] =	stream.indirect.gather [hbm4b:s4+s21], $0x80, s5, s21, $0xb8;
	[tilespmem:$0x1E400] =	vst v63  }
0xd0: {  	_ = 	snop  }
0xd1: {  	[tilespmem:s30], [sflag:$0x4] =	stream.indirect.gather [hbm4b:s4+s21], $0x80, s7, s21, $0xb8;
	[tilespmem:$0x1E400] =	vst v63  }
0xd2: {  	_ = 	snop  }
0xd3: {  	[spmem:s1] =	stream.indirect.scatter.add.f32 [tilespmem:s22], [sflag:$0x5], $0x80, s8, s31, $0xb8;
	[tilespmem:$0x1E400] =	vst v63  }
0xd4: {  	_ =	swait.ge [sflag:s19], $0x4000  }
0xd5: {  	[sflag:s19] =	ssyncset.done $0x0  }
0xd6: {  	[sflag:s19] =	ssyncadd.s32 $0xFFFFC000  }
0xd7: {  	_ =	swait.ge [sflag:s0], $0x2000  }
0xd8: {  	[sflag:s0] =	ssyncset.done $0x0  }
0xd9: {  	[sflag:s0] =	ssyncadd.s32 $0xFFFFE000  }
0xda: {  	_ =	swait.ge [sflag:s3], $0x2000  }
0xdb: {  	[sflag:s3] =	ssyncset.done $0x0  }
0xdc: {  	[sflag:s3] =	ssyncadd.s32 $0xFFFFE000  }
0xdd: {  	[spmem:s1] =	stream.indirect.scatter.add.f32 [tilespmem:s29], [sflag:$0x5], $0x80, s9, s31, $0xb8;
	[tilespmem:$0x1E400] =	vst v63  }
0xde: {  	_ =	swait.ge [sflag:s19], $0x4000  }
0xdf: {  	[sflag:s19] =	ssyncset.done $0x0  }
0xe0: {  	s11 =	simm.s32 $0x0;
	s12 =	rddreg [dreg:$0x9];
	[sflag:s19] =	ssyncadd.s32 $0xFFFFC000  }
0xe1: {  	[tilespmem:s11], [sflag:$0x5] =	stream.linear.gather [hbm4b:s12+s11], $0x1400, $0x38;
	[tilespmem:$0x1E400] =	vst v63  }
0xe2: {  	_ =	swait.ge [sflag:s19], $0x1400  }
0xe3: {  	[sflag:s19] =	ssyncset.done $0x0  }
0xe4: {  	s13 =	rddreg [dreg:$0xa];
	[sflag:s19] =	ssyncadd.s32 $0xFFFFEC00  }
0xe5: {  	[tilespmem:s20], [sflag:$0x5] =	stream.linear.gather [hbm4b:s13+s11], $0x1400, $0x38;
	[tilespmem:$0x1E400] =	vst v63  }
0xe6: {  	_ =	swait.ge [sflag:s19], $0x1400  }
0xe7: {  	[sflag:s19] =	ssyncset.done $0x0  }
0xe8: {  	[sflag:s19] =	ssyncadd.s32 $0xFFFFEC00  }
0xe9: {  	[tilespmem:s22], [sflag:$0x1] =	stream.indirect.gather [hbm4b:s4+s21], $0x80, s11, s21, $0xb8;
	[tilespmem:$0x1E400] =	vst v63  }
0xea: {  	_ = 	snop  }
0xeb: {  	[tilespmem:s23], [sflag:$0x2] =	stream.indirect.gather [hbm4b:s4+s21], $0x80, s21, s21, $0xb8;
	[tilespmem:$0x1E400] =	vst v63  }
0xec: {  	_ =	swait.ge [sflag:s26], $0x2000  }
0xed: {  	[sflag:s26] =	ssyncset.done $0x0  }
0xee: {  	[sflag:s26] =	ssyncadd.s32 $0xFFFFE000  }
0xef: {  	_ =	swait.ge [sflag:s28], $0x2000  }
0xf0: {  	[sflag:s28] =	ssyncset.done $0x0  }
0xf1: {  	s12 =	simm.s32 $0x80;
	[sflag:s28] =	ssyncadd.s32 $0xFFFFE000  }
0xf2: {  	[tilespmem:s29], [sflag:$0x3] =	stream.indirect.gather [hbm4b:s4+s21], $0x80, s12, s21, $0xb8;
	[tilespmem:$0x1E400] =	vst v63  }
0xf3: {  	s13 =	simm.s32 $0xC0  }
0xf4: {  	[tilespmem:s30], [sflag:$0x4] =	stream.indirect.gather [hbm4b:s4+s21], $0x80, s13, s21, $0xb8;
	[tilespmem:$0x1E400] =	vst v63  }
0xf5: {  	s12 =	simm.s32 $0x1400  }
0xf6: {  	[spmem:s1] =	stream.indirect.scatter.add.f32 [tilespmem:s22], [sflag:$0x5], $0x80, s12, s31, $0xb8;
	[tilespmem:$0x1E400] =	vst v63  }
0xf7: {  	_ =	swait.ge [sflag:s19], $0x4000  }
0xf8: {  	[sflag:s19] =	ssyncset.done $0x0  }
0xf9: {  	[sflag:s19] =	ssyncadd.s32 $0xFFFFC000  }
0xfa: {  	_ =	swait.ge [sflag:s0], $0x2000  }
0xfb: {  	[sflag:s0] =	ssyncset.done $0x0  }
0xfc: {  	[sflag:s0] =	ssyncadd.s32 $0xFFFFE000  }
0xfd: {  	_ =	swait.ge [sflag:s3], $0x2000  }
0xfe: {  	[sflag:s3] =	ssyncset.done $0x0  }
0xff: {  	s13 =	simm.s32 $0x100;
	[sflag:s3] =	ssyncadd.s32 $0xFFFFE000  }
0x100: {  	[tilespmem:s22], [sflag:$0x1] =	stream.indirect.gather [hbm4b:s4+s21], $0x80, s13, s21, $0xb8;
	[tilespmem:$0x1E400] =	vst v63  }
0x101: {  	s12 =	simm.s32 $0x140  }
0x102: {  	[tilespmem:s23], [sflag:$0x2] =	stream.indirect.gather [hbm4b:s4+s21], $0x80, s12, s21, $0xb8;
	[tilespmem:$0x1E400] =	vst v63  }
0x103: {  	s13 =	simm.s32 $0x1480  }
0x104: {  	[spmem:s1] =	stream.indirect.scatter.add.f32 [tilespmem:s29], [sflag:$0x5], $0x80, s13, s31, $0xb8;
	[tilespmem:$0x1E400] =	vst v63  }
0x105: {  	_ =	swait.ge [sflag:s19], $0x4000  }
0x106: {  	s11 =	simm.s32 $0x400;
	[sflag:s19] =	ssyncset.done $0x0  }
.LBB2_6:
0x107: {  	p1 =	sne.s32 s11, $0x4800  }
0x108: {  	[sflag:s19] =	ssyncadd.s32 $0xFFFFC000;
	s12 =	smov.u32 s11;
	s11 =	sadd.s32 $0x400, s11  }
0x109: {  	_ = 	snop  }
0x10a: {  	_ =	swait.ge [sflag:s26], $0x2000  }
0x10b: {  	[sflag:s26] =	ssyncset.done $0x0  }
0x10c: {  	[sflag:s26] =	ssyncadd.s32 $0xFFFFE000  }
0x10d: {  	_ =	swait.ge [sflag:s28], $0x2000  }
0x10e: {  	s12 =	sshra.s32 s12, $0x2;
	[sflag:s28] =	ssyncset.done $0x0  }
0x10f: {  	s13 =	sadd.s32 $0x80, s12;
	[sflag:s28] =	ssyncadd.s32 $0xFFFFE000  }
0x110: {  	[tilespmem:s29], [sflag:$0x3] =	stream.indirect.gather [hbm4b:s4+s21], $0x80, s13, s21, $0xb8;
	[tilespmem:$0x1E400] =	vst v63  }
0x111: {  	s13 =	sadd.s32 $0xC0, s12  }
0x112: {  	[tilespmem:s30], [sflag:$0x4] =	stream.indirect.gather [hbm4b:s4+s21], $0x80, s13, s21, $0xb8;
	[tilespmem:$0x1E400] =	vst v63  }
0x113: {  	s13 =	sadd.s32 $0x1400, s12  }
0x114: {  	[spmem:s1] =	stream.indirect.scatter.add.f32 [tilespmem:s22], [sflag:$0x5], $0x80, s13, s31, $0xb8;
	[tilespmem:$0x1E400] =	vst v63  }
0x115: {  	_ =	swait.ge [sflag:s19], $0x4000  }
0x116: {  	[sflag:s19] =	ssyncset.done $0x0  }
0x117: {  	[sflag:s19] =	ssyncadd.s32 $0xFFFFC000  }
0x118: {  	_ =	swait.ge [sflag:s0], $0x2000  }
0x119: {  	[sflag:s0] =	ssyncset.done $0x0  }
0x11a: {  	[sflag:s0] =	ssyncadd.s32 $0xFFFFE000  }
0x11b: {  	_ =	swait.ge [sflag:s3], $0x2000  }
0x11c: {  	[sflag:s3] =	ssyncset.done $0x0  }
0x11d: {  	s13 =	sadd.s32 $0x100, s12;
	[sflag:s3] =	ssyncadd.s32 $0xFFFFE000  }
0x11e: {  	[tilespmem:s22], [sflag:$0x1] =	stream.indirect.gather [hbm4b:s4+s21], $0x80, s13, s21, $0xb8;
	[tilespmem:$0x1E400] =	vst v63  }
0x11f: {  	s13 =	sadd.s32 $0x140, s12  }
0x120: {  	[tilespmem:s23], [sflag:$0x2] =	stream.indirect.gather [hbm4b:s4+s21], $0x80, s13, s21, $0xb8;
	[tilespmem:$0x1E400] =	vst v63  }
.Ltmp2:
0x121: {  	_ = 	snop;
	(pc) =	sbr.rel @p1 .LBB2_6-.Ltmp2, $4  }
0x122: {  	s12 =	sadd.s32 $0x1480, s12  }
0x123: {  	[spmem:s1] =	stream.indirect.scatter.add.f32 [tilespmem:s29], [sflag:$0x5], $0x80, s12, s31, $0xb8;
	[tilespmem:$0x1E400] =	vst v63  }
0x124: {  	_ =	swait.ge [sflag:s19], $0x4000  }
0x125: {  	[sflag:s19] =	ssyncset.done $0x0  }
0x126: {  	[sflag:s19] =	ssyncadd.s32 $0xFFFFC000  }
0x127: {  	_ =	swait.ge [sflag:s26], $0x2000  }
0x128: {  	[sflag:s26] =	ssyncset.done $0x0  }
0x129: {  	[sflag:s26] =	ssyncadd.s32 $0xFFFFE000  }
0x12a: {  	_ =	swait.ge [sflag:s28], $0x2000  }
0x12b: {  	[sflag:s28] =	ssyncset.done $0x0  }
0x12c: {  	[sflag:s28] =	ssyncadd.s32 $0xFFFFE000  }
0x12d: {  	[tilespmem:s29], [sflag:$0x3] =	stream.indirect.gather [hbm4b:s4+s21], $0x80, s5, s21, $0xb8;
	[tilespmem:$0x1E400] =	vst v63  }
0x12e: {  	_ = 	snop  }
0x12f: {  	[tilespmem:s30], [sflag:$0x4] =	stream.indirect.gather [hbm4b:s4+s21], $0x80, s7, s21, $0xb8;
	[tilespmem:$0x1E400] =	vst v63  }
0x130: {  	_ = 	snop  }
0x131: {  	[spmem:s1] =	stream.indirect.scatter.add.f32 [tilespmem:s22], [sflag:$0x5], $0x80, s8, s31, $0xb8;
	[tilespmem:$0x1E400] =	vst v63  }
0x132: {  	_ =	swait.ge [sflag:s19], $0x4000  }
0x133: {  	[sflag:s19] =	ssyncset.done $0x0  }
0x134: {  	[sflag:s19] =	ssyncadd.s32 $0xFFFFC000  }
0x135: {  	_ =	swait.ge [sflag:s0], $0x2000  }
0x136: {  	[sflag:s0] =	ssyncset.done $0x0  }
0x137: {  	[sflag:s0] =	ssyncadd.s32 $0xFFFFE000  }
0x138: {  	_ =	swait.ge [sflag:s3], $0x2000  }
0x139: {  	[sflag:s3] =	ssyncset.done $0x0  }
0x13a: {  	[sflag:s3] =	ssyncadd.s32 $0xFFFFE000  }
0x13b: {  	[spmem:s1] =	stream.indirect.scatter.add.f32 [tilespmem:s29], [sflag:$0x5], $0x80, s9, s31, $0xb8;
	[tilespmem:$0x1E400] =	vst v63  }
0x13c: {  	_ =	swait.ge [sflag:s19], $0x4000  }
0x13d: {  	[sflag:s19] =	ssyncset.done $0x0  }
0x13e: {  	s11 =	simm.s32 $0x0;
	s12 =	rddreg [dreg:$0xb];
	[sflag:s19] =	ssyncadd.s32 $0xFFFFC000  }
0x13f: {  	[tilespmem:s11], [sflag:$0x5] =	stream.linear.gather [hbm4b:s12+s11], $0x1400, $0x38;
	[tilespmem:$0x1E400] =	vst v63  }
0x140: {  	_ =	swait.ge [sflag:s19], $0x1400  }
0x141: {  	[sflag:s19] =	ssyncset.done $0x0  }
0x142: {  	[sflag:s19] =	ssyncadd.s32 $0xFFFFEC00  }
0x143: {  	[tilespmem:s20], [sflag:$0x5] =	stream.linear.gather [hbm4b:s14+s11], $0x1400, $0x38;
	[tilespmem:$0x1E400] =	vst v63  }
0x144: {  	_ =	swait.ge [sflag:s19], $0x1400  }
0x145: {  	[sflag:s19] =	ssyncset.done $0x0  }
0x146: {  	[sflag:s19] =	ssyncadd.s32 $0xFFFFEC00  }
0x147: {  	[tilespmem:s22], [sflag:$0x1] =	stream.indirect.gather [hbm4b:s4+s21], $0x80, s11, s21, $0xb8;
	[tilespmem:$0x1E400] =	vst v63  }
0x148: {  	_ = 	snop  }
0x149: {  	[tilespmem:s23], [sflag:$0x2] =	stream.indirect.gather [hbm4b:s4+s21], $0x80, s21, s21, $0xb8;
	[tilespmem:$0x1E400] =	vst v63  }
0x14a: {  	_ =	swait.ge [sflag:s26], $0x2000  }
0x14b: {  	[sflag:s26] =	ssyncset.done $0x0  }
0x14c: {  	[sflag:s26] =	ssyncadd.s32 $0xFFFFE000  }
0x14d: {  	_ =	swait.ge [sflag:s28], $0x2000  }
0x14e: {  	[sflag:s28] =	ssyncset.done $0x0  }
0x14f: {  	s12 =	simm.s32 $0x80;
	[sflag:s28] =	ssyncadd.s32 $0xFFFFE000  }
0x150: {  	[tilespmem:s29], [sflag:$0x3] =	stream.indirect.gather [hbm4b:s4+s21], $0x80, s12, s21, $0xb8;
	[tilespmem:$0x1E400] =	vst v63  }
0x151: {  	s13 =	simm.s32 $0xC0  }
0x152: {  	[tilespmem:s30], [sflag:$0x4] =	stream.indirect.gather [hbm4b:s4+s21], $0x80, s13, s21, $0xb8;
	[tilespmem:$0x1E400] =	vst v63  }
0x153: {  	s12 =	simm.s32 $0x1400  }
0x154: {  	[spmem:s1] =	stream.indirect.scatter.add.f32 [tilespmem:s22], [sflag:$0x5], $0x80, s12, s31, $0xb8;
	[tilespmem:$0x1E400] =	vst v63  }
0x155: {  	_ =	swait.ge [sflag:s19], $0x4000  }
0x156: {  	[sflag:s19] =	ssyncset.done $0x0  }
0x157: {  	[sflag:s19] =	ssyncadd.s32 $0xFFFFC000  }
0x158: {  	_ =	swait.ge [sflag:s0], $0x2000  }
0x159: {  	[sflag:s0] =	ssyncset.done $0x0  }
0x15a: {  	[sflag:s0] =	ssyncadd.s32 $0xFFFFE000  }
0x15b: {  	_ =	swait.ge [sflag:s3], $0x2000  }
0x15c: {  	[sflag:s3] =	ssyncset.done $0x0  }
0x15d: {  	s13 =	simm.s32 $0x100;
	[sflag:s3] =	ssyncadd.s32 $0xFFFFE000  }
0x15e: {  	[tilespmem:s22], [sflag:$0x1] =	stream.indirect.gather [hbm4b:s4+s21], $0x80, s13, s21, $0xb8;
	[tilespmem:$0x1E400] =	vst v63  }
0x15f: {  	s12 =	simm.s32 $0x140  }
0x160: {  	[tilespmem:s23], [sflag:$0x2] =	stream.indirect.gather [hbm4b:s4+s21], $0x80, s12, s21, $0xb8;
	[tilespmem:$0x1E400] =	vst v63  }
0x161: {  	s13 =	simm.s32 $0x1480  }
0x162: {  	[spmem:s1] =	stream.indirect.scatter.add.f32 [tilespmem:s29], [sflag:$0x5], $0x80, s13, s31, $0xb8;
	[tilespmem:$0x1E400] =	vst v63  }
0x163: {  	_ =	swait.ge [sflag:s19], $0x4000  }
0x164: {  	s11 =	simm.s32 $0x400;
	[sflag:s19] =	ssyncset.done $0x0  }
.LBB2_8:
0x165: {  	p1 =	sne.s32 s11, $0x4800  }
0x166: {  	[sflag:s19] =	ssyncadd.s32 $0xFFFFC000;
	s12 =	smov.u32 s11;
	s11 =	sadd.s32 $0x400, s11  }
0x167: {  	_ = 	snop  }
0x168: {  	_ =	swait.ge [sflag:s26], $0x2000  }
0x169: {  	[sflag:s26] =	ssyncset.done $0x0  }
0x16a: {  	[sflag:s26] =	ssyncadd.s32 $0xFFFFE000  }
0x16b: {  	_ =	swait.ge [sflag:s28], $0x2000  }
0x16c: {  	s12 =	sshra.s32 s12, $0x2;
	[sflag:s28] =	ssyncset.done $0x0  }
0x16d: {  	s13 =	sadd.s32 $0x80, s12;
	[sflag:s28] =	ssyncadd.s32 $0xFFFFE000  }
0x16e: {  	[tilespmem:s29], [sflag:$0x3] =	stream.indirect.gather [hbm4b:s4+s21], $0x80, s13, s21, $0xb8;
	[tilespmem:$0x1E400] =	vst v63  }
0x16f: {  	s13 =	sadd.s32 $0xC0, s12  }
0x170: {  	[tilespmem:s30], [sflag:$0x4] =	stream.indirect.gather [hbm4b:s4+s21], $0x80, s13, s21, $0xb8;
	[tilespmem:$0x1E400] =	vst v63  }
0x171: {  	s13 =	sadd.s32 $0x1400, s12  }
0x172: {  	[spmem:s1] =	stream.indirect.scatter.add.f32 [tilespmem:s22], [sflag:$0x5], $0x80, s13, s31, $0xb8;
	[tilespmem:$0x1E400] =	vst v63  }
0x173: {  	_ =	swait.ge [sflag:s19], $0x4000  }
0x174: {  	[sflag:s19] =	ssyncset.done $0x0  }
0x175: {  	[sflag:s19] =	ssyncadd.s32 $0xFFFFC000  }
0x176: {  	_ =	swait.ge [sflag:s0], $0x2000  }
0x177: {  	[sflag:s0] =	ssyncset.done $0x0  }
0x178: {  	[sflag:s0] =	ssyncadd.s32 $0xFFFFE000  }
0x179: {  	_ =	swait.ge [sflag:s3], $0x2000  }
0x17a: {  	[sflag:s3] =	ssyncset.done $0x0  }
0x17b: {  	s13 =	sadd.s32 $0x100, s12;
	[sflag:s3] =	ssyncadd.s32 $0xFFFFE000  }
0x17c: {  	[tilespmem:s22], [sflag:$0x1] =	stream.indirect.gather [hbm4b:s4+s21], $0x80, s13, s21, $0xb8;
	[tilespmem:$0x1E400] =	vst v63  }
0x17d: {  	s13 =	sadd.s32 $0x140, s12  }
0x17e: {  	[tilespmem:s23], [sflag:$0x2] =	stream.indirect.gather [hbm4b:s4+s21], $0x80, s13, s21, $0xb8;
	[tilespmem:$0x1E400] =	vst v63  }
.Ltmp3:
0x17f: {  	_ = 	snop;
	(pc) =	sbr.rel @p1 .LBB2_8-.Ltmp3, $4  }
0x180: {  	s12 =	sadd.s32 $0x1480, s12  }
0x181: {  	[spmem:s1] =	stream.indirect.scatter.add.f32 [tilespmem:s29], [sflag:$0x5], $0x80, s12, s31, $0xb8;
	[tilespmem:$0x1E400] =	vst v63  }
0x182: {  	_ =	swait.ge [sflag:s19], $0x4000  }
0x183: {  	[sflag:s19] =	ssyncset.done $0x0  }
0x184: {  	[sflag:s19] =	ssyncadd.s32 $0xFFFFC000  }
0x185: {  	_ =	swait.ge [sflag:s26], $0x2000  }
0x186: {  	[sflag:s26] =	ssyncset.done $0x0  }
0x187: {  	[sflag:s26] =	ssyncadd.s32 $0xFFFFE000  }
0x188: {  	_ =	swait.ge [sflag:s28], $0x2000  }
0x189: {  	[sflag:s28] =	ssyncset.done $0x0  }
0x18a: {  	[sflag:s28] =	ssyncadd.s32 $0xFFFFE000  }
0x18b: {  	[tilespmem:s29], [sflag:$0x3] =	stream.indirect.gather [hbm4b:s4+s21], $0x80, s5, s21, $0xb8;
	[tilespmem:$0x1E400] =	vst v63  }
0x18c: {  	_ = 	snop  }
0x18d: {  	[tilespmem:s30], [sflag:$0x4] =	stream.indirect.gather [hbm4b:s4+s21], $0x80, s7, s21, $0xb8;
	[tilespmem:$0x1E400] =	vst v63  }
0x18e: {  	_ = 	snop  }
0x18f: {  	[spmem:s1] =	stream.indirect.scatter.add.f32 [tilespmem:s22], [sflag:$0x5], $0x80, s8, s31, $0xb8;
	[tilespmem:$0x1E400] =	vst v63  }
0x190: {  	_ =	swait.ge [sflag:s19], $0x4000  }
0x191: {  	[sflag:s19] =	ssyncset.done $0x0  }
0x192: {  	[sflag:s19] =	ssyncadd.s32 $0xFFFFC000  }
0x193: {  	_ =	swait.ge [sflag:s0], $0x2000  }
0x194: {  	[sflag:s0] =	ssyncset.done $0x0  }
0x195: {  	[sflag:s0] =	ssyncadd.s32 $0xFFFFE000  }
0x196: {  	_ =	swait.ge [sflag:s3], $0x2000  }
0x197: {  	[sflag:s3] =	ssyncset.done $0x0  }
0x198: {  	[sflag:s3] =	ssyncadd.s32 $0xFFFFE000  }
0x199: {  	[spmem:s1] =	stream.indirect.scatter.add.f32 [tilespmem:s29], [sflag:$0x5], $0x80, s9, s31, $0xb8;
	[tilespmem:$0x1E400] =	vst v63  }
0x19a: {  	_ =	swait.ge [sflag:s19], $0x4000  }
0x19b: {  	[sflag:s19] =	ssyncset.done $0x0  }
0x19c: {  	[sflag:s19] =	ssyncadd.s32 $0xFFFFC000  }
0x19d: {  	[bflag:$0x0] =	sbarrier.arrive $0xFFFF  }
0x19e: {  	[hbm:s15], [sflag:s6] =	dma.local [spmem:s24], $0x2700  }
0x19f: {  	s10 =	sadd.s32 $0x1, s10;
	_ =	swait.ge [sflag:s19], $0x2700  }
0x1a0: {  	p1 =	sne.s32 s10, s17;
	[sflag:s19] =	ssyncset.done $0x0  }
.Ltmp4:
0x1a1: {  	s11 =	simm.s32 @!p0 $0x5;
	[sflag:s19] =	ssyncadd.s32 $0xFFFFD900;
	(pc) =	sbr.rel @p1 .LBB2_1-.Ltmp4, $4  }
0x1a2: {  	[hbm:s16], [sflag:s6] =	dma.local @!p0 [spmem:s25], $0x100  }
0x1a3: {  	_ =	swait.ge @!p0 [sflag:s11], $0x100  }
0x1a4: {  	[sflag:s11] =	ssyncset.done @!p0 $0x0  }
0x1a5: {  	[sflag:s11] =	ssyncadd.s32 @!p0 $0xFFFFFF00  }
0x1a6: {  	_ =	sfence.sel $0x180000  }
0x1a7: {  	[bflag:$0x0] =	sbarrier.arrive $0xFFFF  }
0x1a8: {  	_ =	strace $0x9000004A  }
0x1a9: {  	s0 =	stileid.u32;
	[bflag:$0x2] =	sbarrier.arrive $0xFFFF  }
0x1aa: {  	p0 =	sne.s32 s0, $0x0;
	s0 =	rddreg [dreg:$0x3]  }
0x1ab: {  	s0 =	sadd.s32 @!p0 $0x100000, s0  }
0x1ac: {  	[sflag:s0] =	ssyncadd.tile.s32 @!p0 $0x1;
	_ =	shalt  }
.Lfunc_end2:
_tile_overlayer_lowered:
.L_overlay_start_2:
0x1ad: {  	(tag) =	ssettag $0x2  }
0x1ae: {  	s0 =	rddreg [dreg:$0x0];
	s2 =	stileid.u32  }
0x1af: {  	s1 =	rddreg [dreg:$0x1];
	p0 =	sne.s32 s2, $0x0  }
0x1b0: {  	s3 =	rddreg [dreg:$0x2];
	[bflag:$0x3] =	sbarrier.arrive $0xFFFF;
	s2 =	simm.s32 @!p0 $0x1C05  }
0x1b1: {  	[timem:s3], [sflag:s2] =	dma.local @!p0 [hbm:s0], s1  }
0x1b2: {  	s0 =	simm.s32 @!p0 $0x5  }
0x1b3: {  	_ =	swait.ge @!p0 [sflag:s0], s1  }
0x1b4: {  	s1 =	ssub.s32 @!p0 $0x0, s1;
	[sflag:s0] =	ssyncset.done @!p0 $0x0  }
0x1b5: {  	[sflag:s0] =	ssyncadd.s32 @!p0 s1  }
0x1b6: {  	[bflag:$0x3] =	sbarrier.arrive $0xFFFF  }
0x1b7: {  	_ =	shalt  }

// kernel: kernel.14.cloned.1.call-start
scs
__scs_entry_jumppad:
0x0: {  	(pc) =	sbr.rel $0x88, $3  }
0x1: {  	(tag) =	ssettag $0x0;
	lr =	simm.s32 $0x1  }
0x2: {  	[smem:$0x3F99] =	sst lr;
	_ =	strace $0xD0000000  }
0x3: {  	_ = 	snop  }
0x4: {  	_ = 	snop  }
0x5: {  	_ = 	snop  }
0x6: {  	_ = 	snop  }
0x7: {  	_ = 	snop  }
__scs_overlays_trampoline_lowered:
0x8: {  	[smem:$0x3FA8] =	sst s0  }
0x9: {  	[smem:$0x3FA9] =	sst s1  }
0xa: {  	[smem:$0x3FAA] =	sst s2  }
0xb: {  	[smem:$0x3FAB] =	sst s3  }
0xc: {  	[smem:$0x3FAC] =	sst s4  }
0xd: {  	[smem:$0x3FAD] =	sst s5  }
0xe: {  	[smem:$0x3FAE] =	sst s6  }
0xf: {  	[smem:$0x3FAF] =	sst s7  }
0x10: {  	[smem:$0x3FB0] =	sst s8  }
0x11: {  	[smem:$0x3FB1] =	sst s9;
	s0 =	simm.s32 @!p0 $0x0  }
0x12: {  	s1 =	sld [smem:$0x3F97];
	s0 =	simm.s32 @p0 $0x1  }
0x13: {  	[smem:$0x3FB2] =	sst s0;
	s0 =	simm.s32 @!p1 $0x0  }
0x14: {  	s2 =	sld [smem:$0x3F96];
	s0 =	simm.s32 @p1 $0x1  }
0x15: {  	[smem:$0x3FB3] =	sst s0;
	s0 =	simm.s32 @!p2 $0x0  }
0x16: {  	s3 =	sld [smem:$0x3FDB];
	s0 =	simm.s32 @p2 $0x1  }
0x17: {  	s4 =	simm.s32 $0x1BF5;
	[smem:$0x3FB5] =	sst s0  }
0x18: {  	s0 =	sld [smem:$0x3F98];
	_ =	swait.ge [sflag:s4], $0x0  }
0x19: {  	s7 =	sld [smem:$0x3F99]  }
0x1a: {  	s8 =	sadd.s32 $0xFFFFE003, lr  }
0x1b: {  	s9 =	sadd.s32 $0xFFFFFEF7, lr;
	s5 =	simm.s32 $0xFFFFFFFF;
	p2 =	slt.u32 s8, $0xFFFFF086  }
0x1c: {  	p1 =	slt.u32 s9, $0xF7A;
	s5 =	simm.s32 @!p2 $0x0  }
0x1d: {  	s5 =	simm.s32 @p1 $0x1;
	p0 =	seq.s32 s7, s2  }
0x1e: {  	s7 =	smul.u32 @!p0 $0xF7A, s2;
	p2 =	seq.s32 @!p0 s5, $0x0  }
0x1f: {  	s9 =	smul.u32 $0xF7A, s1;
	s8 =	simm.s32 @!p0 $0x1BF5;
	p2 =	por !p2, p0  }
0x20: {  	[sflag:s8] =	ssyncset.s32 @!p0 $0xFFFFF086;
	s6 =	sadd.s32 @!p0 s3, s7;
	s7 =	simm.s32 @!p0 $0x108  }
0x21: {  	s3 =	sadd.s32 s3, s9;
	s6 =	sadd.s32 @!p0 $0x88, s6;
	s7 =	simm.s32 @p2 $0x1082  }
0x22: {  	[simem:s7], [sflag:s8] =	dma.local @!p0 [hbm:s6], $0xF7A  }
0x23: {  	s9 =	sor.u32 $0xD0000000, s2;
	s6 =	simm.s32 $0x108;
	_ =	swait.ge @!p0 [sflag:s8], $0x0  }
0x24: {  	s3 =	sadd.s32 $0x88, s3;
	s6 =	simm.s32 @!p1 $0x1082;
	[sflag:s4] =	ssyncset.s32 $0xFFFFF086  }
0x25: {  	[simem:s6], [sflag:s4] =	dma.local [hbm:s3], $0xF7A  }
0x26: {  	[smem:$0x3F99] =	sst s1;
	(tag) =	ssettag s2;
	_ =	strace s9  }
0x27: {  	s1 =	sld [smem:$0x3FA9]  }
0x28: {  	s2 =	sld [smem:$0x3FAA]  }
0x29: {  	s4 =	sld [smem:$0x3FAC]  }
0x2a: {  	p0 =	seq.s32 s5, $0x0;
	s5 =	sld [smem:$0x3FAD]  }
0x2b: {  	s6 =	sld [smem:$0x3FAE]  }
0x2c: {  	s7 =	sld [smem:$0x3FAF]  }
0x2d: {  	s3 =	simm.s32 $0x108;
	s8 =	sld [smem:$0x3FB0]  }
0x2e: {  	s3 =	simm.s32 @!p0 $0x1082;
	s9 =	sld [smem:$0x3FB1]  }
0x2f: {  	lr =	sadd.s32 s0, s3;
	s0 =	sld [smem:$0x3FA8]  }
0x30: {  	s3 =	sld [smem:$0x3FAB]  }
0x31: {  	[smem:$0x3FB4] =	sst s10  }
0x32: {  	s10 =	sld [smem:$0x3FB2];
	_ =	sdelay $0x3  }
0x33: {  	p0 =	seq.s32 s10, $0x1;
	s10 =	sld [smem:$0x3FB4];
	_ =	sdelay $0x3  }
0x34: {  	[smem:$0x3FB4] =	sst s10  }
0x35: {  	s10 =	sld [smem:$0x3FB3];
	_ =	sdelay $0x3  }
0x36: {  	p1 =	seq.s32 s10, $0x1;
	s10 =	sld [smem:$0x3FB4];
	_ =	sdelay $0x3  }
0x37: {  	[smem:$0x3FB4] =	sst s10  }
0x38: {  	s10 =	sld [smem:$0x3FB5]  }
0x39: {  	_ = 	snop;
	(pc) =	sbr.ind lr, $3  }
0x3a: {  	_ = 	snop  }
0x3b: {  	_ = 	snop  }
0x3c: {  	p2 =	seq.s32 s10, $0x1;
	s10 =	sld [smem:$0x3FB4]  }
0x3d: {  	_ =	shalt  }
0x3e: {  	_ =	shalt  }
0x3f: {  	_ =	shalt  }
0x40: {  	_ =	shalt  }
0x41: {  	_ =	shalt  }
0x42: {  	_ =	shalt  }
0x43: {  	_ =	shalt  }
0x44: {  	_ =	shalt  }
0x45: {  	_ =	shalt  }
0x46: {  	_ =	shalt  }
0x47: {  	_ =	shalt  }
0x48: {  	_ =	shalt  }
0x49: {  	_ =	shalt  }
0x4a: {  	_ =	shalt  }
0x4b: {  	_ =	shalt  }
0x4c: {  	_ =	shalt  }
0x4d: {  	_ =	shalt  }
0x4e: {  	_ =	shalt  }
0x4f: {  	_ =	shalt  }
0x50: {  	_ =	shalt  }
0x51: {  	_ =	shalt  }
0x52: {  	_ =	shalt  }
0x53: {  	_ =	shalt  }
0x54: {  	_ =	shalt  }
0x55: {  	_ =	shalt  }
0x56: {  	_ =	shalt  }
0x57: {  	_ =	shalt  }
0x58: {  	_ =	shalt  }
0x59: {  	_ =	shalt  }
0x5a: {  	_ =	shalt  }
0x5b: {  	_ =	shalt  }
0x5c: {  	_ =	shalt  }
0x5d: {  	_ =	shalt  }
0x5e: {  	_ =	shalt  }
0x5f: {  	_ =	shalt  }
0x60: {  	_ =	shalt  }
0x61: {  	_ =	shalt  }
0x62: {  	_ =	shalt  }
0x63: {  	_ =	shalt  }
0x64: {  	_ =	shalt  }
0x65: {  	_ =	shalt  }
0x66: {  	_ =	shalt  }
0x67: {  	_ =	shalt  }
0x68: {  	_ =	shalt  }
0x69: {  	_ =	shalt  }
0x6a: {  	_ =	shalt  }
0x6b: {  	_ =	shalt  }
0x6c: {  	_ =	shalt  }
0x6d: {  	_ =	shalt  }
0x6e: {  	_ =	shalt  }
0x6f: {  	_ =	shalt  }
0x70: {  	_ =	shalt  }
0x71: {  	_ =	shalt  }
0x72: {  	_ =	shalt  }
0x73: {  	_ =	shalt  }
0x74: {  	_ =	shalt  }
0x75: {  	_ =	shalt  }
0x76: {  	_ =	shalt  }
0x77: {  	_ =	shalt  }
0x78: {  	_ =	shalt  }
0x79: {  	_ =	shalt  }
0x7a: {  	_ =	shalt  }
0x7b: {  	_ =	shalt  }
0x7c: {  	_ =	shalt  }
0x7d: {  	_ =	shalt  }
0x7e: {  	_ =	shalt  }
0x7f: {  	_ =	shalt  }
0x80: {  	_ =	shalt  }
0x81: {  	_ =	shalt  }
0x82: {  	_ =	shalt  }
0x83: {  	_ =	shalt  }
0x84: {  	_ =	shalt  }
0x85: {  	_ =	shalt  }
0x86: {  	_ =	shalt  }
0x87: {  	_ =	shalt  }
.Lfunc_end0:
.L_simem_size_0:
called_computation.2_lowered:
.L_overlay_start_0:
0x88: {  	s2 =	sld [smem:$0x3FD9]  }
0x89: {  	s3 =	sld [smem:$0x3FFE];
	_ =	sdelay $0x1  }
0x8a: {  	s1 =	srdreg.scid  }
0x8b: {  	s0 =	sand.u32 $0x1, s1  }
0x8c: {  	s17 =	sshll.u32 s0, $0xA;
	s2 =	sadd.s32 s3, s2  }
0x8d: {  	s2 =	sadd.s32 s2, s17  }
0x8e: {  	[smem:$0x3FC0] =	sst s2  }
0x8f: {  	_ = 	snop  }
0x90: {  	s2 =	sld [smem:$0x3FD0];
	(tm) =	ssettm $0x1  }
0x91: {  	s18 =	sld [smem:$0x3FFB];
	_ =	sdelay $0x3  }
0x92: {  	_ =	strace s18  }
0x93: {  	s3 =	sld [smem:$0x3FFC];
	_ =	sdelay $0x3  }
0x94: {  	_ =	strace s3  }
0x95: {  	s3 =	sld [smem:$0x3FFD];
	_ =	sdelay $0x3  }
0x96: {  	_ =	strace s3  }
0x97: {  	_ =	strace $0x8FFFFFFF  }
0x98: {  	s19 =	sld [smem:$0x3FDB];
	_ =	sdelay $0x1  }
0x99: {  	s4 =	simm.s32 $_scs_section_size  }
0x9a: {  	s5 =	simm.s32 $_size__tile_overlayer_lowered;
	s6 =	simm.s32 $_tile_overlayer_lowered  }
0x9b: {  	s22 =	simm.s32 $0x1BFF;
	s21 =	sshll.u32 s6, $0x1;
	s3 =	sadd.s32 s4, s19  }
0x9c: {  	s7 =	simm.s32 $0x0;
	s20 =	sshll.u32 s5, $0x1;
	s5 =	sadd.s32 s21, s3  }
0x9d: {  	[timem:s7], [sflag:s22] =	dma.local [hbm:s5], s20  }
0x9e: {  	_ =	swait.ge [sflag:s22], s20  }
0x9f: {  	s4 =	ssub.s32 $0x0, s20;
	[sflag:s22] =	ssyncset.done $0x0  }
0xa0: {  	[sflag:s22] =	ssyncadd.s32 s4;
	_ =	sdelay $0x1  }
0xa1: {  	s23 =	simm.s32 $0x1B8B  }
0xa2: {  	_ =	swait.ge [sflag:s23], $0x1  }
0xa3: {  	[sflag:s23] =	ssyncset.done $0x0  }
0xa4: {  	s25 =	simm.s32 $0x1B8E;
	s24 =	sld [smem:$0x3FFE];
	[sflag:s23] =	ssyncadd.s32 $0xFFFFFFFF  }
0xa5: {  	s26 =	simm.s32 $execute0_lowered;
	[smem:$0x3FD2] =	sst s25  }
0xa6: {  	s5 =	sshll.u32 s26, $0x1;
	_ =	strace $0x8000004C;
	[dreg:$0x1] =	wrdreg $0xFFFFFFFF  }
0xa7: {  	s28 =	simm.s32 $_size_execute0_lowered;
	s3 =	sadd.s32 s3, s5;
	[dreg:$0x0] =	wrdreg $0x0  }
0xa8: {  	s5 =	sshll.u32 s28, $0x1;
	[dreg:$0x2] =	wrdreg s3  }
0xa9: {  	[dreg:$0x3] =	wrdreg s5  }
0xaa: {  	[dreg:$0x4] =	wrdreg $0xC0  }
0xab: {  	_ =	task [dreg:s7], $0x5FFFF  }
0xac: {  	[dreg:$0x1] =	wrdreg $0xFFFFFFFF  }
0xad: {  	[dreg:$0x0] =	wrdreg $0x60  }
0xae: {  	[dreg:$0x2] =	wrdreg s2  }
0xaf: {  	[dreg:$0x3] =	wrdreg s24  }
0xb0: {  	[dreg:$0x4] =	wrdreg $0xA8000  }
0xb1: {  	[dreg:$0x5] =	wrdreg $0x9  }
0xb2: {  	_ =	task.clear_ibuf [dreg:s7], $0x6FFFF;
	_ =	strace $0x9000004C  }
0xb3: {  	s29 =	simm.s32 $0x9;
	_ =	strace $0x8000004E  }
0xb4: {  	_ =	swait.ge [sflag:s29], $0x1  }
0xb5: {  	[sflag:s29] =	ssyncadd.s32 $0xFFFFFFFF  }
0xb6: {  	_ =	strace $0x9000004E  }
0xb7: {  	_ =	sfence  }
0xb8: {  	s30 =	sld [smem:$0x0];
	_ =	sdelay $0x2  }
0xb9: {  	s31 =	sshll.u32 s1, $0xD;
	s1 =	sshrl.u32 s1, $0x2  }
0xba: {  	s3 =	sand.u32 $0x4000, s31;
	s1 =	sadd.s32 s1, s30  }
0xbb: {  	s0 =	sor.u32 s3, s0;
	s1 =	sshll.u32 s1, $0x11  }
0xbc: {  	s0 =	sor.u32 s1, s0  }
0xbd: {  	s0 =	sadd.s32 $0x8F2B, s0  }
0xbe: {  	[sflag:s0] =	ssyncadd.remote.s32 $0x1  }
0xbf: {  	_ =	sfence.sel $0xFFFF  }
0xc0: {  	[dreg:$0x0] =	wrdreg $0xFFFFFFFF;
	(pc) =	sbr.abs _section_cstart, $3  }
0xc1: {  	[dreg:$0x1] =	wrdreg $0xFFFFFFFF  }
0xc2: {  	_ =	task.clear_ibuf [dreg:s7], $0x2FFFF;
	_ =	strace $0x9FFFFFFF  }
0xc3: {  	(tm) =	ssettm $0x7FFFFFFF  }
tec
execute0_lowered:
.L_overlay_start_1:
0x0: {  	(tag) =	ssettag $0x1  }
0x1: {  	s1 =	rddreg [dreg:$0x0]  }
0x2: {  	s0 =	rddreg [dreg:$0x1]  }
0x3: {  	s2 =	rddreg [dreg:$0x2];
	s3 =	simm.s32 $0x0;
	s4 =	srdreg.scid  }
0x4: {  	s24 =	stileid.u32;
	s17 =	simm.s32 $0x40;
	s28 =	simm.s32 $0x3  }
0x5: {  	s29 =	simm.s32 $0x4;
	s30 =	simm.s32 $0x1380;
	s8 =	smul.u32 $0x4F000, s24  }
0x6: {  	s31 =	simm.s32 $0x13C0;
	[smem:$0x7FF] =	sst s3;
	s18 =	smul.u32 $0x4E000, s24  }
0x7: {  	s4 =	sand.u32 $0x1, s4;
	s7 =	sadd.s32 $0x2000, s0;
	s21 =	smul.u32 $0x2700, s24  }
0x8: {  	s10 =	sadd.s32 $0xC000, s0;
	s6 =	sshll.u32 s24, $0x1;
	s5 =	smul.u32 $0x2780, s4  }
0x9: {  	s19 =	sshll.u32 s24, $0x6;
	p0 =	sne.s32 s24, $0xF;
	s16 =	smul.u32 $0x27100, s4  }
0xa: {  	s6 =	sor.u32 s4, s6;
	s9 =	ssub.s32 $0x2, s4;
	s4 =	smul.u32 $0x138800, s4  }
0xb: {  	_ =	strace $0x8000004D;
	s11 =	smul.u32 $0x500, s6;
	s12 =	sshrl.u32 s9, $0x1  }
0xc: {  	s8 =	sshrl.u32 s8, $0x2;
	s13 =	smul.u32 $0x2800, s6;
	s6 =	sor.u32 $0x1C05, s19  }
0xd: {  	s25 =	sshrl.u32 s18, $0x2;
	s18 =	simm.s32 $0x2800;
	s19 =	simm.s32 $0x4800  }
0xe: {  	s5 =	sadd.s32 s5, s0;
	s0 =	sadd.s32 $0x16000, s0;
	s14 =	ssub.s32 s9, s12  }
0xf: {  	s15 =	sadd.s32 s8, s2;
	s26 =	sadd.s32 s21, s16;
	s4 =	sshrl.u32 s4, $0x3  }
0x10: {  	s16 =	simm.s32 $0x1400;
	s21 =	simm.s32 $0x2;
	s5 =	sadd.s32 $0xCB400, s5  }
0x11: {  	s20 =	sshrl.u32 s13, $0x3;
	s22 =	sadd.s32 s7, s11;
	s23 =	sadd.s32 s10, s11  }
0x12: {  	s11 =	sadd.s32 s0, s26;
	s0 =	sadd.s32 s0, s4;
	s4 =	sadd.s32 $0x138000, s2  }
0x13: {  	s13 =	smax.u32 s14, $0x1;
	s14 =	sshrl.u32 s15, $0x3;
	[dreg:$0x4] =	wrdreg s5  }
0x14: {  	s15 =	simm.s32 $0x5;
	s26 =	simm.s32 $0x80;
	[dreg:$0x5] =	wrdreg s22  }
0x15: {  	s5 =	sadd.s32 $0x280, s20;
	[dreg:$0x6] =	wrdreg s23;
	s12 =	sadd.s32 $0x27000, s0  }
0x16: {  	s20 =	simm.s32 $0x1;
	s22 =	simm.s32 $0x6800;
	s23 =	simm.s32 $0x8800  }
0x17: {  	s0 =	simm.s32 $0x2700;
	s7 =	sadd.s32 s7, s5;
	s10 =	sadd.s32 s10, s5  }
0x18: {  	s5 =	sadd.s32 s25, s2;
	s25 =	sshrl.u32 @!p0 s4, $0x3;
	s4 =	simm.s32 $0x2780  }
0x19: {  	[dreg:$0x7] =	wrdreg s7;
	s24 =	sshrl.u32 s5, $0x3;
	s5 =	simm.s32 $0x0  }
.LBB2_1:
0x1a: {  	s7 =	rddreg [dreg:$0x4]  }
0x1b: {  	[spmem:s14], [sflag:s6] =	dma.local [hbm:s7], $0x2780  }
0x1c: {  	_ =	swait.ge [sflag:s15], $0x2780  }
0x1d: {  	[sflag:s15] =	ssyncset.done $0x0  }
0x1e: {  	[sflag:s15] =	ssyncadd.s32 $0xFFFFD880  }
0x1f: {  	[bflag:$0x0] =	sbarrier.arrive $0xFFFF  }
0x20: {  	s8 =	rddreg [dreg:$0x5]  }
0x21: {  	[tilespmem:s3], [sflag:$0x5] =	stream.linear.gather [hbm4b:s8+s3], $0x1400, $0x38;
	[tilespmem:$0x1E400] =	vst v63  }
0x22: {  	_ =	swait.ge [sflag:s15], $0x1400  }
0x23: {  	[sflag:s15] =	ssyncset.done $0x0  }
0x24: {  	s9 =	rddreg [dreg:$0x6];
	[sflag:s15] =	ssyncadd.s32 $0xFFFFEC00  }
0x25: {  	[tilespmem:s16], [sflag:$0x5] =	stream.linear.gather [hbm4b:s9+s3], $0x1400, $0x38;
	[tilespmem:$0x1E400] =	vst v63  }
0x26: {  	_ =	swait.ge [sflag:s15], $0x1400  }
0x27: {  	[sflag:s15] =	ssyncset.done $0x0  }
0x28: {  	[sflag:s15] =	ssyncadd.s32 $0xFFFFEC00  }
0x29: {  	[tilespmem:s18], [sflag:$0x1] =	stream.indirect.gather [hbm4b:s1+s17], $0x80, s3, s17, $0xb8;
	[tilespmem:$0x1E400] =	vst v63  }
0x2a: {  	_ = 	snop  }
0x2b: {  	[tilespmem:s19], [sflag:$0x2] =	stream.indirect.gather [hbm4b:s1+s17], $0x80, s17, s17, $0xb8;
	[tilespmem:$0x1E400] =	vst v63  }
0x2c: {  	_ =	swait.ge [sflag:s20], $0x2000  }
0x2d: {  	[sflag:s20] =	ssyncset.done $0x0  }
0x2e: {  	[sflag:s20] =	ssyncadd.s32 $0xFFFFE000  }
0x2f: {  	_ =	swait.ge [sflag:s21], $0x2000  }
0x30: {  	[sflag:s21] =	ssyncset.done $0x0  }
0x31: {  	s8 =	simm.s32 $0x80;
	[sflag:s21] =	ssyncadd.s32 $0xFFFFE000  }
0x32: {  	[tilespmem:s22], [sflag:$0x3] =	stream.indirect.gather [hbm4b:s1+s17], $0x80, s8, s17, $0xb8;
	[tilespmem:$0x1E400] =	vst v63  }
0x33: {  	s9 =	simm.s32 $0xC0  }
0x34: {  	[tilespmem:s23], [sflag:$0x4] =	stream.indirect.gather [hbm4b:s1+s17], $0x80, s9, s17, $0xb8;
	[tilespmem:$0x1E400] =	vst v63  }
0x35: {  	s8 =	simm.s32 $0x1400  }
0x36: {  	[spmem:s2] =	stream.indirect.scatter.add.f32 [tilespmem:s18], [sflag:$0x5], $0x80, s8, s26, $0xb8;
	[tilespmem:$0x1E400] =	vst v63  }
0x37: {  	_ =	swait.ge [sflag:s15], $0x4000  }
0x38: {  	[sflag:s15] =	ssyncset.done $0x0  }
0x39: {  	[sflag:s15] =	ssyncadd.s32 $0xFFFFC000  }
0x3a: {  	_ =	swait.ge [sflag:s28], $0x2000  }
0x3b: {  	[sflag:s28] =	ssyncset.done $0x0  }
0x3c: {  	[sflag:s28] =	ssyncadd.s32 $0xFFFFE000  }
0x3d: {  	_ =	swait.ge [sflag:s29], $0x2000  }
0x3e: {  	[sflag:s29] =	ssyncset.done $0x0  }
0x3f: {  	s9 =	simm.s32 $0x100;
	[sflag:s29] =	ssyncadd.s32 $0xFFFFE000  }
0x40: {  	[tilespmem:s18], [sflag:$0x1] =	stream.indirect.gather [hbm4b:s1+s17], $0x80, s9, s17, $0xb8;
	[tilespmem:$0x1E400] =	vst v63  }
0x41: {  	s8 =	simm.s32 $0x140  }
0x42: {  	[tilespmem:s19], [sflag:$0x2] =	stream.indirect.gather [hbm4b:s1+s17], $0x80, s8, s17, $0xb8;
	[tilespmem:$0x1E400] =	vst v63  }
0x43: {  	s9 =	simm.s32 $0x1480  }
0x44: {  	[spmem:s2] =	stream.indirect.scatter.add.f32 [tilespmem:s22], [sflag:$0x5], $0x80, s9, s26, $0xb8;
	[tilespmem:$0x1E400] =	vst v63  }
0x45: {  	_ =	swait.ge [sflag:s15], $0x4000  }
0x46: {  	s7 =	simm.s32 $0x400;
	[sflag:s15] =	ssyncset.done $0x0  }
.LBB2_2:
0x47: {  	p1 =	sne.s32 s7, $0x4800  }
0x48: {  	[sflag:s15] =	ssyncadd.s32 $0xFFFFC000;
	s8 =	smov.u32 s7;
	s7 =	sadd.s32 $0x400, s7  }
0x49: {  	_ = 	snop  }
0x4a: {  	_ =	swait.ge [sflag:s20], $0x2000  }
0x4b: {  	[sflag:s20] =	ssyncset.done $0x0  }
0x4c: {  	[sflag:s20] =	ssyncadd.s32 $0xFFFFE000  }
0x4d: {  	_ =	swait.ge [sflag:s21], $0x2000  }
0x4e: {  	s8 =	sshra.s32 s8, $0x2;
	[sflag:s21] =	ssyncset.done $0x0  }
0x4f: {  	s9 =	sadd.s32 $0x80, s8;
	[sflag:s21] =	ssyncadd.s32 $0xFFFFE000  }
0x50: {  	[tilespmem:s22], [sflag:$0x3] =	stream.indirect.gather [hbm4b:s1+s17], $0x80, s9, s17, $0xb8;
	[tilespmem:$0x1E400] =	vst v63  }
0x51: {  	s9 =	sadd.s32 $0xC0, s8  }
0x52: {  	[tilespmem:s23], [sflag:$0x4] =	stream.indirect.gather [hbm4b:s1+s17], $0x80, s9, s17, $0xb8;
	[tilespmem:$0x1E400] =	vst v63  }
0x53: {  	s9 =	sadd.s32 $0x1400, s8  }
0x54: {  	[spmem:s2] =	stream.indirect.scatter.add.f32 [tilespmem:s18], [sflag:$0x5], $0x80, s9, s26, $0xb8;
	[tilespmem:$0x1E400] =	vst v63  }
0x55: {  	_ =	swait.ge [sflag:s15], $0x4000  }
0x56: {  	[sflag:s15] =	ssyncset.done $0x0  }
0x57: {  	[sflag:s15] =	ssyncadd.s32 $0xFFFFC000  }
0x58: {  	_ =	swait.ge [sflag:s28], $0x2000  }
0x59: {  	[sflag:s28] =	ssyncset.done $0x0  }
0x5a: {  	[sflag:s28] =	ssyncadd.s32 $0xFFFFE000  }
0x5b: {  	_ =	swait.ge [sflag:s29], $0x2000  }
0x5c: {  	[sflag:s29] =	ssyncset.done $0x0  }
0x5d: {  	s9 =	sadd.s32 $0x100, s8;
	[sflag:s29] =	ssyncadd.s32 $0xFFFFE000  }
0x5e: {  	[tilespmem:s18], [sflag:$0x1] =	stream.indirect.gather [hbm4b:s1+s17], $0x80, s9, s17, $0xb8;
	[tilespmem:$0x1E400] =	vst v63  }
0x5f: {  	s9 =	sadd.s32 $0x140, s8  }
0x60: {  	[tilespmem:s19], [sflag:$0x2] =	stream.indirect.gather [hbm4b:s1+s17], $0x80, s9, s17, $0xb8;
	[tilespmem:$0x1E400] =	vst v63  }
.Ltmp0:
0x61: {  	_ = 	snop;
	(pc) =	sbr.rel @p1 .LBB2_2-.Ltmp0, $4  }
0x62: {  	s8 =	sadd.s32 $0x1480, s8  }
0x63: {  	[spmem:s2] =	stream.indirect.scatter.add.f32 [tilespmem:s22], [sflag:$0x5], $0x80, s8, s26, $0xb8;
	[tilespmem:$0x1E400] =	vst v63  }
0x64: {  	_ =	swait.ge [sflag:s15], $0x4000  }
0x65: {  	[sflag:s15] =	ssyncset.done $0x0  }
0x66: {  	[sflag:s15] =	ssyncadd.s32 $0xFFFFC000  }
0x67: {  	_ =	swait.ge [sflag:s20], $0x2000  }
0x68: {  	[sflag:s20] =	ssyncset.done $0x0  }
0x69: {  	[sflag:s20] =	ssyncadd.s32 $0xFFFFE000  }
0x6a: {  	_ =	swait.ge [sflag:s21], $0x2000  }
0x6b: {  	[sflag:s21] =	ssyncset.done $0x0  }
0x6c: {  	[sflag:s21] =	ssyncadd.s32 $0xFFFFE000  }
0x6d: {  	[tilespmem:s22], [sflag:$0x3] =	stream.indirect.gather [hbm4b:s1+s17], $0x80, s30, s17, $0xb8;
	[tilespmem:$0x1E400] =	vst v63  }
0x6e: {  	_ = 	snop  }
0x6f: {  	[tilespmem:s23], [sflag:$0x4] =	stream.indirect.gather [hbm4b:s1+s17], $0x80, s31, s17, $0xb8;
	[tilespmem:$0x1E400] =	vst v63  }
0x70: {  	_ = 	snop  }
0x71: {  	[spmem:s2] =	stream.indirect.scatter.add.f32 [tilespmem:s18], [sflag:$0x5], $0x80, s0, s26, $0xb8;
	[tilespmem:$0x1E400] =	vst v63  }
0x72: {  	_ =	swait.ge [sflag:s15], $0x4000  }
0x73: {  	[sflag:s15] =	ssyncset.done $0x0  }
0x74: {  	[sflag:s15] =	ssyncadd.s32 $0xFFFFC000  }
0x75: {  	_ =	swait.ge [sflag:s28], $0x2000  }
0x76: {  	[sflag:s28] =	ssyncset.done $0x0  }
0x77: {  	[sflag:s28] =	ssyncadd.s32 $0xFFFFE000  }
0x78: {  	_ =	swait.ge [sflag:s29], $0x2000  }
0x79: {  	[sflag:s29] =	ssyncset.done $0x0  }
0x7a: {  	[sflag:s29] =	ssyncadd.s32 $0xFFFFE000  }
0x7b: {  	[spmem:s2] =	stream.indirect.scatter.add.f32 [tilespmem:s22], [sflag:$0x5], $0x80, s4, s26, $0xb8;
	[tilespmem:$0x1E400] =	vst v63  }
0x7c: {  	_ =	swait.ge [sflag:s15], $0x4000  }
0x7d: {  	[sflag:s15] =	ssyncset.done $0x0  }
0x7e: {  	s7 =	simm.s32 $0x0;
	s8 =	rddreg [dreg:$0x7];
	[sflag:s15] =	ssyncadd.s32 $0xFFFFC000  }
0x7f: {  	[tilespmem:s7], [sflag:$0x5] =	stream.linear.gather [hbm4b:s8+s7], $0x1400, $0x38;
	[tilespmem:$0x1E400] =	vst v63  }
0x80: {  	_ =	swait.ge [sflag:s15], $0x1400  }
0x81: {  	[sflag:s15] =	ssyncset.done $0x0  }
0x82: {  	[sflag:s15] =	ssyncadd.s32 $0xFFFFEC00  }
0x83: {  	[tilespmem:s16], [sflag:$0x5] =	stream.linear.gather [hbm4b:s10+s7], $0x1400, $0x38;
	[tilespmem:$0x1E400] =	vst v63  }
0x84: {  	_ =	swait.ge [sflag:s15], $0x1400  }
0x85: {  	[sflag:s15] =	ssyncset.done $0x0  }
0x86: {  	[sflag:s15] =	ssyncadd.s32 $0xFFFFEC00  }
0x87: {  	[tilespmem:s18], [sflag:$0x1] =	stream.indirect.gather [hbm4b:s1+s17], $0x80, s7, s17, $0xb8;
	[tilespmem:$0x1E400] =	vst v63  }
0x88: {  	_ = 	snop  }
0x89: {  	[tilespmem:s19], [sflag:$0x2] =	stream.indirect.gather [hbm4b:s1+s17], $0x80, s17, s17, $0xb8;
	[tilespmem:$0x1E400] =	vst v63  }
0x8a: {  	_ =	swait.ge [sflag:s20], $0x2000  }
0x8b: {  	[sflag:s20] =	ssyncset.done $0x0  }
0x8c: {  	[sflag:s20] =	ssyncadd.s32 $0xFFFFE000  }
0x8d: {  	_ =	swait.ge [sflag:s21], $0x2000  }
0x8e: {  	[sflag:s21] =	ssyncset.done $0x0  }
0x8f: {  	s8 =	simm.s32 $0x80;
	[sflag:s21] =	ssyncadd.s32 $0xFFFFE000  }
0x90: {  	[tilespmem:s22], [sflag:$0x3] =	stream.indirect.gather [hbm4b:s1+s17], $0x80, s8, s17, $0xb8;
	[tilespmem:$0x1E400] =	vst v63  }
0x91: {  	s9 =	simm.s32 $0xC0  }
0x92: {  	[tilespmem:s23], [sflag:$0x4] =	stream.indirect.gather [hbm4b:s1+s17], $0x80, s9, s17, $0xb8;
	[tilespmem:$0x1E400] =	vst v63  }
0x93: {  	s8 =	simm.s32 $0x1400  }
0x94: {  	[spmem:s2] =	stream.indirect.scatter.add.f32 [tilespmem:s18], [sflag:$0x5], $0x80, s8, s26, $0xb8;
	[tilespmem:$0x1E400] =	vst v63  }
0x95: {  	_ =	swait.ge [sflag:s15], $0x4000  }
0x96: {  	[sflag:s15] =	ssyncset.done $0x0  }
0x97: {  	[sflag:s15] =	ssyncadd.s32 $0xFFFFC000  }
0x98: {  	_ =	swait.ge [sflag:s28], $0x2000  }
0x99: {  	[sflag:s28] =	ssyncset.done $0x0  }
0x9a: {  	[sflag:s28] =	ssyncadd.s32 $0xFFFFE000  }
0x9b: {  	_ =	swait.ge [sflag:s29], $0x2000  }
0x9c: {  	[sflag:s29] =	ssyncset.done $0x0  }
0x9d: {  	s9 =	simm.s32 $0x100;
	[sflag:s29] =	ssyncadd.s32 $0xFFFFE000  }
0x9e: {  	[tilespmem:s18], [sflag:$0x1] =	stream.indirect.gather [hbm4b:s1+s17], $0x80, s9, s17, $0xb8;
	[tilespmem:$0x1E400] =	vst v63  }
0x9f: {  	s8 =	simm.s32 $0x140  }
0xa0: {  	[tilespmem:s19], [sflag:$0x2] =	stream.indirect.gather [hbm4b:s1+s17], $0x80, s8, s17, $0xb8;
	[tilespmem:$0x1E400] =	vst v63  }
0xa1: {  	s9 =	simm.s32 $0x1480  }
0xa2: {  	[spmem:s2] =	stream.indirect.scatter.add.f32 [tilespmem:s22], [sflag:$0x5], $0x80, s9, s26, $0xb8;
	[tilespmem:$0x1E400] =	vst v63  }
0xa3: {  	_ =	swait.ge [sflag:s15], $0x4000  }
0xa4: {  	s7 =	simm.s32 $0x400;
	[sflag:s15] =	ssyncset.done $0x0  }
.LBB2_4:
0xa5: {  	p1 =	sne.s32 s7, $0x4800  }
0xa6: {  	[sflag:s15] =	ssyncadd.s32 $0xFFFFC000;
	s8 =	smov.u32 s7;
	s7 =	sadd.s32 $0x400, s7  }
0xa7: {  	_ = 	snop  }
0xa8: {  	_ =	swait.ge [sflag:s20], $0x2000  }
0xa9: {  	[sflag:s20] =	ssyncset.done $0x0  }
0xaa: {  	[sflag:s20] =	ssyncadd.s32 $0xFFFFE000  }
0xab: {  	_ =	swait.ge [sflag:s21], $0x2000  }
0xac: {  	s8 =	sshra.s32 s8, $0x2;
	[sflag:s21] =	ssyncset.done $0x0  }
0xad: {  	s9 =	sadd.s32 $0x80, s8;
	[sflag:s21] =	ssyncadd.s32 $0xFFFFE000  }
0xae: {  	[tilespmem:s22], [sflag:$0x3] =	stream.indirect.gather [hbm4b:s1+s17], $0x80, s9, s17, $0xb8;
	[tilespmem:$0x1E400] =	vst v63  }
0xaf: {  	s9 =	sadd.s32 $0xC0, s8  }
0xb0: {  	[tilespmem:s23], [sflag:$0x4] =	stream.indirect.gather [hbm4b:s1+s17], $0x80, s9, s17, $0xb8;
	[tilespmem:$0x1E400] =	vst v63  }
0xb1: {  	s9 =	sadd.s32 $0x1400, s8  }
0xb2: {  	[spmem:s2] =	stream.indirect.scatter.add.f32 [tilespmem:s18], [sflag:$0x5], $0x80, s9, s26, $0xb8;
	[tilespmem:$0x1E400] =	vst v63  }
0xb3: {  	_ =	swait.ge [sflag:s15], $0x4000  }
0xb4: {  	[sflag:s15] =	ssyncset.done $0x0  }
0xb5: {  	[sflag:s15] =	ssyncadd.s32 $0xFFFFC000  }
0xb6: {  	_ =	swait.ge [sflag:s28], $0x2000  }
0xb7: {  	[sflag:s28] =	ssyncset.done $0x0  }
0xb8: {  	[sflag:s28] =	ssyncadd.s32 $0xFFFFE000  }
0xb9: {  	_ =	swait.ge [sflag:s29], $0x2000  }
0xba: {  	[sflag:s29] =	ssyncset.done $0x0  }
0xbb: {  	s9 =	sadd.s32 $0x100, s8;
	[sflag:s29] =	ssyncadd.s32 $0xFFFFE000  }
0xbc: {  	[tilespmem:s18], [sflag:$0x1] =	stream.indirect.gather [hbm4b:s1+s17], $0x80, s9, s17, $0xb8;
	[tilespmem:$0x1E400] =	vst v63  }
0xbd: {  	s9 =	sadd.s32 $0x140, s8  }
0xbe: {  	[tilespmem:s19], [sflag:$0x2] =	stream.indirect.gather [hbm4b:s1+s17], $0x80, s9, s17, $0xb8;
	[tilespmem:$0x1E400] =	vst v63  }
.Ltmp1:
0xbf: {  	_ = 	snop;
	(pc) =	sbr.rel @p1 .LBB2_4-.Ltmp1, $4  }
0xc0: {  	s8 =	sadd.s32 $0x1480, s8  }
0xc1: {  	[spmem:s2] =	stream.indirect.scatter.add.f32 [tilespmem:s22], [sflag:$0x5], $0x80, s8, s26, $0xb8;
	[tilespmem:$0x1E400] =	vst v63  }
0xc2: {  	_ =	swait.ge [sflag:s15], $0x4000  }
0xc3: {  	[sflag:s15] =	ssyncset.done $0x0  }
0xc4: {  	[sflag:s15] =	ssyncadd.s32 $0xFFFFC000  }
0xc5: {  	_ =	swait.ge [sflag:s20], $0x2000  }
0xc6: {  	[sflag:s20] =	ssyncset.done $0x0  }
0xc7: {  	[sflag:s20] =	ssyncadd.s32 $0xFFFFE000  }
0xc8: {  	_ =	swait.ge [sflag:s21], $0x2000  }
0xc9: {  	[sflag:s21] =	ssyncset.done $0x0  }
0xca: {  	[sflag:s21] =	ssyncadd.s32 $0xFFFFE000  }
0xcb: {  	[tilespmem:s22], [sflag:$0x3] =	stream.indirect.gather [hbm4b:s1+s17], $0x80, s30, s17, $0xb8;
	[tilespmem:$0x1E400] =	vst v63  }
0xcc: {  	_ = 	snop  }
0xcd: {  	[tilespmem:s23], [sflag:$0x4] =	stream.indirect.gather [hbm4b:s1+s17], $0x80, s31, s17, $0xb8;
	[tilespmem:$0x1E400] =	vst v63  }
0xce: {  	_ = 	snop  }
0xcf: {  	[spmem:s2] =	stream.indirect.scatter.add.f32 [tilespmem:s18], [sflag:$0x5], $0x80, s0, s26, $0xb8;
	[tilespmem:$0x1E400] =	vst v63  }
0xd0: {  	_ =	swait.ge [sflag:s15], $0x4000  }
0xd1: {  	[sflag:s15] =	ssyncset.done $0x0  }
0xd2: {  	[sflag:s15] =	ssyncadd.s32 $0xFFFFC000  }
0xd3: {  	_ =	swait.ge [sflag:s28], $0x2000  }
0xd4: {  	[sflag:s28] =	ssyncset.done $0x0  }
0xd5: {  	[sflag:s28] =	ssyncadd.s32 $0xFFFFE000  }
0xd6: {  	_ =	swait.ge [sflag:s29], $0x2000  }
0xd7: {  	[sflag:s29] =	ssyncset.done $0x0  }
0xd8: {  	[sflag:s29] =	ssyncadd.s32 $0xFFFFE000  }
0xd9: {  	[spmem:s2] =	stream.indirect.scatter.add.f32 [tilespmem:s22], [sflag:$0x5], $0x80, s4, s26, $0xb8;
	[tilespmem:$0x1E400] =	vst v63  }
0xda: {  	_ =	swait.ge [sflag:s15], $0x4000  }
0xdb: {  	[sflag:s15] =	ssyncset.done $0x0  }
0xdc: {  	[sflag:s15] =	ssyncadd.s32 $0xFFFFC000  }
0xdd: {  	[bflag:$0x0] =	sbarrier.arrive $0xFFFF  }
0xde: {  	[hbm:s11], [sflag:s6] =	dma.local [spmem:s24], $0x2700  }
0xdf: {  	s5 =	sadd.s32 $0x1, s5;
	_ =	swait.ge [sflag:s15], $0x2700  }
0xe0: {  	p1 =	sne.s32 s5, s13;
	[sflag:s15] =	ssyncset.done $0x0  }
.Ltmp2:
0xe1: {  	s7 =	simm.s32 @!p0 $0x5;
	[sflag:s15] =	ssyncadd.s32 $0xFFFFD900;
	(pc) =	sbr.rel @p1 .LBB2_1-.Ltmp2, $4  }
0xe2: {  	[hbm:s12], [sflag:s6] =	dma.local @!p0 [spmem:s25], $0x100  }
0xe3: {  	_ =	swait.ge @!p0 [sflag:s7], $0x100  }
0xe4: {  	[sflag:s7] =	ssyncset.done @!p0 $0x0  }
0xe5: {  	[sflag:s7] =	ssyncadd.s32 @!p0 $0xFFFFFF00  }
0xe6: {  	_ =	sfence.sel $0x180000  }
0xe7: {  	[bflag:$0x0] =	sbarrier.arrive $0xFFFF  }
0xe8: {  	_ =	strace $0x9000004D  }
0xe9: {  	s0 =	stileid.u32;
	[bflag:$0x2] =	sbarrier.arrive $0xFFFF  }
0xea: {  	p0 =	sne.s32 s0, $0x0;
	s0 =	rddreg [dreg:$0x3]  }
0xeb: {  	s0 =	sadd.s32 @!p0 $0x100000, s0  }
0xec: {  	[sflag:s0] =	ssyncadd.tile.s32 @!p0 $0x1;
	_ =	shalt  }
.Lfunc_end2:
_tile_overlayer_lowered:
.L_overlay_start_2:
0xed: {  	(tag) =	ssettag $0x2  }
0xee: {  	s0 =	rddreg [dreg:$0x0];
	s2 =	stileid.u32  }
0xef: {  	s1 =	rddreg [dreg:$0x1];
	p0 =	sne.s32 s2, $0x0  }
0xf0: {  	s3 =	rddreg [dreg:$0x2];
	[bflag:$0x3] =	sbarrier.arrive $0xFFFF;
	s2 =	simm.s32 @!p0 $0x1C05  }
0xf1: {  	[timem:s3], [sflag:s2] =	dma.local @!p0 [hbm:s0], s1  }
0xf2: {  	s0 =	simm.s32 @!p0 $0x5  }
0xf3: {  	_ =	swait.ge @!p0 [sflag:s0], s1  }
0xf4: {  	s1 =	ssub.s32 @!p0 $0x0, s1;
	[sflag:s0] =	ssyncset.done @!p0 $0x0  }
0xf5: {  	[sflag:s0] =	ssyncadd.s32 @!p0 s1  }
0xf6: {  	[bflag:$0x3] =	sbarrier.arrive $0xFFFF  }
0xf7: {  	_ =	shalt  }

// kernel: kernel.8.cloned.1.call-start
scs
__scs_entry_jumppad:
0x0: {  	(pc) =	sbr.rel $0x88, $3  }
0x1: {  	(tag) =	ssettag $0x0;
	lr =	simm.s32 $0x1  }
0x2: {  	[smem:$0x3F99] =	sst lr;
	_ =	strace $0xD0000000  }
0x3: {  	_ = 	snop  }
0x4: {  	_ = 	snop  }
0x5: {  	_ = 	snop  }
0x6: {  	_ = 	snop  }
0x7: {  	_ = 	snop  }
__scs_overlays_trampoline_lowered:
0x8: {  	[smem:$0x3FA8] =	sst s0  }
0x9: {  	[smem:$0x3FA9] =	sst s1  }
0xa: {  	[smem:$0x3FAA] =	sst s2  }
0xb: {  	[smem:$0x3FAB] =	sst s3  }
0xc: {  	[smem:$0x3FAC] =	sst s4  }
0xd: {  	[smem:$0x3FAD] =	sst s5  }
0xe: {  	[smem:$0x3FAE] =	sst s6  }
0xf: {  	[smem:$0x3FAF] =	sst s7  }
0x10: {  	[smem:$0x3FB0] =	sst s8  }
0x11: {  	[smem:$0x3FB1] =	sst s9;
	s0 =	simm.s32 @!p0 $0x0  }
0x12: {  	s1 =	sld [smem:$0x3F97];
	s0 =	simm.s32 @p0 $0x1  }
0x13: {  	[smem:$0x3FB2] =	sst s0;
	s0 =	simm.s32 @!p1 $0x0  }
0x14: {  	s2 =	sld [smem:$0x3F96];
	s0 =	simm.s32 @p1 $0x1  }
0x15: {  	[smem:$0x3FB3] =	sst s0;
	s0 =	simm.s32 @!p2 $0x0  }
0x16: {  	s3 =	sld [smem:$0x3FDB];
	s0 =	simm.s32 @p2 $0x1  }
0x17: {  	s4 =	simm.s32 $0x1BF5;
	[smem:$0x3FB5] =	sst s0  }
0x18: {  	s0 =	sld [smem:$0x3F98];
	_ =	swait.ge [sflag:s4], $0x0  }
0x19: {  	s7 =	sld [smem:$0x3F99]  }
0x1a: {  	s8 =	sadd.s32 $0xFFFFE003, lr  }
0x1b: {  	s9 =	sadd.s32 $0xFFFFFEF7, lr;
	s5 =	simm.s32 $0xFFFFFFFF;
	p2 =	slt.u32 s8, $0xFFFFF086  }
0x1c: {  	p1 =	slt.u32 s9, $0xF7A;
	s5 =	simm.s32 @!p2 $0x0  }
0x1d: {  	s5 =	simm.s32 @p1 $0x1;
	p0 =	seq.s32 s7, s2  }
0x1e: {  	s7 =	smul.u32 @!p0 $0xF7A, s2;
	p2 =	seq.s32 @!p0 s5, $0x0  }
0x1f: {  	s9 =	smul.u32 $0xF7A, s1;
	s8 =	simm.s32 @!p0 $0x1BF5;
	p2 =	por !p2, p0  }
0x20: {  	[sflag:s8] =	ssyncset.s32 @!p0 $0xFFFFF086;
	s6 =	sadd.s32 @!p0 s3, s7;
	s7 =	simm.s32 @!p0 $0x108  }
0x21: {  	s3 =	sadd.s32 s3, s9;
	s6 =	sadd.s32 @!p0 $0x88, s6;
	s7 =	simm.s32 @p2 $0x1082  }
0x22: {  	[simem:s7], [sflag:s8] =	dma.local @!p0 [hbm:s6], $0xF7A  }
0x23: {  	s9 =	sor.u32 $0xD0000000, s2;
	s6 =	simm.s32 $0x108;
	_ =	swait.ge @!p0 [sflag:s8], $0x0  }
0x24: {  	s3 =	sadd.s32 $0x88, s3;
	s6 =	simm.s32 @!p1 $0x1082;
	[sflag:s4] =	ssyncset.s32 $0xFFFFF086  }
0x25: {  	[simem:s6], [sflag:s4] =	dma.local [hbm:s3], $0xF7A  }
0x26: {  	[smem:$0x3F99] =	sst s1;
	(tag) =	ssettag s2;
	_ =	strace s9  }
0x27: {  	s1 =	sld [smem:$0x3FA9]  }
0x28: {  	s2 =	sld [smem:$0x3FAA]  }
0x29: {  	s4 =	sld [smem:$0x3FAC]  }
0x2a: {  	p0 =	seq.s32 s5, $0x0;
	s5 =	sld [smem:$0x3FAD]  }
0x2b: {  	s6 =	sld [smem:$0x3FAE]  }
0x2c: {  	s7 =	sld [smem:$0x3FAF]  }
0x2d: {  	s3 =	simm.s32 $0x108;
	s8 =	sld [smem:$0x3FB0]  }
0x2e: {  	s3 =	simm.s32 @!p0 $0x1082;
	s9 =	sld [smem:$0x3FB1]  }
0x2f: {  	lr =	sadd.s32 s0, s3;
	s0 =	sld [smem:$0x3FA8]  }
0x30: {  	s3 =	sld [smem:$0x3FAB]  }
0x31: {  	[smem:$0x3FB4] =	sst s10  }
0x32: {  	s10 =	sld [smem:$0x3FB2];
	_ =	sdelay $0x3  }
0x33: {  	p0 =	seq.s32 s10, $0x1;
	s10 =	sld [smem:$0x3FB4];
	_ =	sdelay $0x3  }
0x34: {  	[smem:$0x3FB4] =	sst s10  }
0x35: {  	s10 =	sld [smem:$0x3FB3];
	_ =	sdelay $0x3  }
0x36: {  	p1 =	seq.s32 s10, $0x1;
	s10 =	sld [smem:$0x3FB4];
	_ =	sdelay $0x3  }
0x37: {  	[smem:$0x3FB4] =	sst s10  }
0x38: {  	s10 =	sld [smem:$0x3FB5]  }
0x39: {  	_ = 	snop;
	(pc) =	sbr.ind lr, $3  }
0x3a: {  	_ = 	snop  }
0x3b: {  	_ = 	snop  }
0x3c: {  	p2 =	seq.s32 s10, $0x1;
	s10 =	sld [smem:$0x3FB4]  }
0x3d: {  	_ =	shalt  }
0x3e: {  	_ =	shalt  }
0x3f: {  	_ =	shalt  }
0x40: {  	_ =	shalt  }
0x41: {  	_ =	shalt  }
0x42: {  	_ =	shalt  }
0x43: {  	_ =	shalt  }
0x44: {  	_ =	shalt  }
0x45: {  	_ =	shalt  }
0x46: {  	_ =	shalt  }
0x47: {  	_ =	shalt  }
0x48: {  	_ =	shalt  }
0x49: {  	_ =	shalt  }
0x4a: {  	_ =	shalt  }
0x4b: {  	_ =	shalt  }
0x4c: {  	_ =	shalt  }
0x4d: {  	_ =	shalt  }
0x4e: {  	_ =	shalt  }
0x4f: {  	_ =	shalt  }
0x50: {  	_ =	shalt  }
0x51: {  	_ =	shalt  }
0x52: {  	_ =	shalt  }
0x53: {  	_ =	shalt  }
0x54: {  	_ =	shalt  }
0x55: {  	_ =	shalt  }
0x56: {  	_ =	shalt  }
0x57: {  	_ =	shalt  }
0x58: {  	_ =	shalt  }
0x59: {  	_ =	shalt  }
0x5a: {  	_ =	shalt  }
0x5b: {  	_ =	shalt  }
0x5c: {  	_ =	shalt  }
0x5d: {  	_ =	shalt  }
0x5e: {  	_ =	shalt  }
0x5f: {  	_ =	shalt  }
0x60: {  	_ =	shalt  }
0x61: {  	_ =	shalt  }
0x62: {  	_ =	shalt  }
0x63: {  	_ =	shalt  }
0x64: {  	_ =	shalt  }
0x65: {  	_ =	shalt  }
0x66: {  	_ =	shalt  }
0x67: {  	_ =	shalt  }
0x68: {  	_ =	shalt  }
0x69: {  	_ =	shalt  }
0x6a: {  	_ =	shalt  }
0x6b: {  	_ =	shalt  }
0x6c: {  	_ =	shalt  }
0x6d: {  	_ =	shalt  }
0x6e: {  	_ =	shalt  }
0x6f: {  	_ =	shalt  }
0x70: {  	_ =	shalt  }
0x71: {  	_ =	shalt  }
0x72: {  	_ =	shalt  }
0x73: {  	_ =	shalt  }
0x74: {  	_ =	shalt  }
0x75: {  	_ =	shalt  }
0x76: {  	_ =	shalt  }
0x77: {  	_ =	shalt  }
0x78: {  	_ =	shalt  }
0x79: {  	_ =	shalt  }
0x7a: {  	_ =	shalt  }
0x7b: {  	_ =	shalt  }
0x7c: {  	_ =	shalt  }
0x7d: {  	_ =	shalt  }
0x7e: {  	_ =	shalt  }
0x7f: {  	_ =	shalt  }
0x80: {  	_ =	shalt  }
0x81: {  	_ =	shalt  }
0x82: {  	_ =	shalt  }
0x83: {  	_ =	shalt  }
0x84: {  	_ =	shalt  }
0x85: {  	_ =	shalt  }
0x86: {  	_ =	shalt  }
0x87: {  	_ =	shalt  }
.Lfunc_end0:
.L_simem_size_0:
called_computation_lowered:
.L_overlay_start_0:
0x88: {  	s2 =	sld [smem:$0x3FD9]  }
0x89: {  	s3 =	sld [smem:$0x3FFE];
	_ =	sdelay $0x1  }
0x8a: {  	s1 =	srdreg.scid  }
0x8b: {  	s0 =	sand.u32 $0x1, s1  }
0x8c: {  	s17 =	sshll.u32 s0, $0xA;
	s2 =	sadd.s32 s3, s2  }
0x8d: {  	s2 =	sadd.s32 s2, s17  }
0x8e: {  	[smem:$0x3FC0] =	sst s2  }
0x8f: {  	_ = 	snop  }
0x90: {  	s2 =	sld [smem:$0x3FC9];
	(tm) =	ssettm $0x1  }
0x91: {  	s18 =	sld [smem:$0x3FFB];
	_ =	sdelay $0x3  }
0x92: {  	_ =	strace s18  }
0x93: {  	s3 =	sld [smem:$0x3FFC];
	_ =	sdelay $0x3  }
0x94: {  	_ =	strace s3  }
0x95: {  	s3 =	sld [smem:$0x3FFD];
	_ =	sdelay $0x3  }
0x96: {  	_ =	strace s3  }
0x97: {  	_ =	strace $0x8FFFFFFF  }
0x98: {  	s19 =	sld [smem:$0x3FDB];
	_ =	sdelay $0x1  }
0x99: {  	s4 =	simm.s32 $_scs_section_size  }
0x9a: {  	s5 =	simm.s32 $_size__tile_overlayer_lowered;
	s6 =	simm.s32 $_tile_overlayer_lowered  }
0x9b: {  	s22 =	simm.s32 $0x1BFF;
	s21 =	sshll.u32 s6, $0x1;
	s3 =	sadd.s32 s4, s19  }
0x9c: {  	s7 =	simm.s32 $0x0;
	s20 =	sshll.u32 s5, $0x1;
	s5 =	sadd.s32 s21, s3  }
0x9d: {  	[timem:s7], [sflag:s22] =	dma.local [hbm:s5], s20  }
0x9e: {  	_ =	swait.ge [sflag:s22], s20  }
0x9f: {  	s4 =	ssub.s32 $0x0, s20;
	[sflag:s22] =	ssyncset.done $0x0  }
0xa0: {  	[sflag:s22] =	ssyncadd.s32 s4;
	_ =	sdelay $0x1  }
0xa1: {  	s23 =	simm.s32 $0x1B8B  }
0xa2: {  	_ =	swait.ge [sflag:s23], $0x1  }
0xa3: {  	[sflag:s23] =	ssyncset.done $0x0  }
0xa4: {  	s25 =	simm.s32 $0x1B8E;
	s24 =	sld [smem:$0x3FFE];
	[sflag:s23] =	ssyncadd.s32 $0xFFFFFFFF  }
0xa5: {  	s26 =	simm.s32 $execute0_lowered;
	[smem:$0x3FD2] =	sst s25  }
0xa6: {  	s5 =	sshll.u32 s26, $0x1;
	_ =	strace $0x80000046;
	[dreg:$0x1] =	wrdreg $0xFFFFFFFF  }
0xa7: {  	s28 =	simm.s32 $_size_execute0_lowered;
	s3 =	sadd.s32 s3, s5;
	[dreg:$0x0] =	wrdreg $0x0  }
0xa8: {  	s5 =	sshll.u32 s28, $0x1;
	[dreg:$0x2] =	wrdreg s3  }
0xa9: {  	[dreg:$0x3] =	wrdreg s5  }
0xaa: {  	[dreg:$0x4] =	wrdreg $0xC0  }
0xab: {  	_ =	task [dreg:s7], $0x5FFFF  }
0xac: {  	[dreg:$0x1] =	wrdreg $0xFFFFFFFF  }
0xad: {  	[dreg:$0x0] =	wrdreg $0x60  }
0xae: {  	[dreg:$0x2] =	wrdreg s2  }
0xaf: {  	[dreg:$0x3] =	wrdreg s24  }
0xb0: {  	[dreg:$0x4] =	wrdreg $0xA8000  }
0xb1: {  	[dreg:$0x5] =	wrdreg $0x9  }
0xb2: {  	_ =	task.clear_ibuf [dreg:s7], $0x6FFFF;
	_ =	strace $0x90000046  }
0xb3: {  	s29 =	simm.s32 $0x9;
	_ =	strace $0x80000048  }
0xb4: {  	_ =	swait.ge [sflag:s29], $0x1  }
0xb5: {  	[sflag:s29] =	ssyncadd.s32 $0xFFFFFFFF  }
0xb6: {  	_ =	strace $0x90000048  }
0xb7: {  	_ =	sfence  }
0xb8: {  	s30 =	sld [smem:$0x0];
	_ =	sdelay $0x2  }
0xb9: {  	s31 =	sshll.u32 s1, $0xD;
	s1 =	sshrl.u32 s1, $0x2  }
0xba: {  	s3 =	sand.u32 $0x4000, s31;
	s1 =	sadd.s32 s1, s30  }
0xbb: {  	s0 =	sor.u32 s3, s0;
	s1 =	sshll.u32 s1, $0x11  }
0xbc: {  	s0 =	sor.u32 s1, s0  }
0xbd: {  	s0 =	sadd.s32 $0x8F2B, s0  }
0xbe: {  	[sflag:s0] =	ssyncadd.remote.s32 $0x1  }
0xbf: {  	_ =	sfence.sel $0xFFFF  }
0xc0: {  	[dreg:$0x0] =	wrdreg $0xFFFFFFFF;
	(pc) =	sbr.abs _section_cstart, $3  }
0xc1: {  	[dreg:$0x1] =	wrdreg $0xFFFFFFFF  }
0xc2: {  	_ =	task.clear_ibuf [dreg:s7], $0x2FFFF;
	_ =	strace $0x9FFFFFFF  }
0xc3: {  	(tm) =	ssettm $0x7FFFFFFF  }
tec
execute0_lowered:
.L_overlay_start_1:
0x0: {  	(tag) =	ssettag $0x1  }
0x1: {  	s1 =	rddreg [dreg:$0x0]  }
0x2: {  	s0 =	rddreg [dreg:$0x1]  }
0x3: {  	s2 =	rddreg [dreg:$0x2];
	s3 =	simm.s32 $0x0;
	s4 =	srdreg.scid  }
0x4: {  	s24 =	stileid.u32;
	s17 =	simm.s32 $0x40;
	s28 =	simm.s32 $0x3  }
0x5: {  	s29 =	simm.s32 $0x4;
	s30 =	simm.s32 $0x1380;
	s8 =	smul.u32 $0x4F000, s24  }
0x6: {  	s31 =	simm.s32 $0x13C0;
	[smem:$0x7FF] =	sst s3;
	s18 =	smul.u32 $0x4E000, s24  }
0x7: {  	s4 =	sand.u32 $0x1, s4;
	s7 =	sadd.s32 $0x2000, s0;
	s21 =	smul.u32 $0x2700, s24  }
0x8: {  	s10 =	sadd.s32 $0xC000, s0;
	s6 =	sshll.u32 s24, $0x1;
	s5 =	smul.u32 $0x2780, s4  }
0x9: {  	s19 =	sshll.u32 s24, $0x6;
	p0 =	sne.s32 s24, $0xF;
	s16 =	smul.u32 $0x27100, s4  }
0xa: {  	s6 =	sor.u32 s4, s6;
	s9 =	ssub.s32 $0x2, s4;
	s4 =	smul.u32 $0x138800, s4  }
0xb: {  	_ =	strace $0x80000047;
	s11 =	smul.u32 $0x500, s6;
	s12 =	sshrl.u32 s9, $0x1  }
0xc: {  	s8 =	sshrl.u32 s8, $0x2;
	s13 =	smul.u32 $0x2800, s6;
	s6 =	sor.u32 $0x1C05, s19  }
0xd: {  	s25 =	sshrl.u32 s18, $0x2;
	s18 =	simm.s32 $0x2800;
	s19 =	simm.s32 $0x4800  }
0xe: {  	s5 =	sadd.s32 s5, s0;
	s0 =	sadd.s32 $0x1B000, s0;
	s14 =	ssub.s32 s9, s12  }
0xf: {  	s15 =	sadd.s32 s8, s2;
	s26 =	sadd.s32 s21, s16;
	s4 =	sshrl.u32 s4, $0x3  }
0x10: {  	s16 =	simm.s32 $0x1400;
	s21 =	simm.s32 $0x2;
	s5 =	sadd.s32 $0x16000, s5  }
0x11: {  	s20 =	sshrl.u32 s13, $0x3;
	s22 =	sadd.s32 s7, s11;
	s23 =	sadd.s32 s10, s11  }
0x12: {  	s11 =	sadd.s32 s0, s26;
	s0 =	sadd.s32 s0, s4;
	s4 =	sadd.s32 $0x138000, s2  }
0x13: {  	s13 =	smax.u32 s14, $0x1;
	s14 =	sshrl.u32 s15, $0x3;
	[dreg:$0x4] =	wrdreg s5  }
0x14: {  	s15 =	simm.s32 $0x5;
	s26 =	simm.s32 $0x80;
	[dreg:$0x5] =	wrdreg s22  }
0x15: {  	s5 =	sadd.s32 $0x280, s20;
	[dreg:$0x6] =	wrdreg s23;
	s12 =	sadd.s32 $0x27000, s0  }
0x16: {  	s20 =	simm.s32 $0x1;
	s22 =	simm.s32 $0x6800;
	s23 =	simm.s32 $0x8800  }
0x17: {  	s0 =	simm.s32 $0x2700;
	s7 =	sadd.s32 s7, s5;
	s10 =	sadd.s32 s10, s5  }
0x18: {  	s5 =	sadd.s32 s25, s2;
	s25 =	sshrl.u32 @!p0 s4, $0x3;
	s4 =	simm.s32 $0x2780  }
0x19: {  	[dreg:$0x7] =	wrdreg s7;
	s24 =	sshrl.u32 s5, $0x3;
	s5 =	simm.s32 $0x0  }
.LBB2_1:
0x1a: {  	s7 =	rddreg [dreg:$0x4]  }
0x1b: {  	[spmem:s14], [sflag:s6] =	dma.local [hbm:s7], $0x2780  }
0x1c: {  	_ =	swait.ge [sflag:s15], $0x2780  }
0x1d: {  	[sflag:s15] =	ssyncset.done $0x0  }
0x1e: {  	[sflag:s15] =	ssyncadd.s32 $0xFFFFD880  }
0x1f: {  	[bflag:$0x0] =	sbarrier.arrive $0xFFFF  }
0x20: {  	s8 =	rddreg [dreg:$0x5]  }
0x21: {  	[tilespmem:s3], [sflag:$0x5] =	stream.linear.gather [hbm4b:s8+s3], $0x1400, $0x38;
	[tilespmem:$0x1E400] =	vst v63  }
0x22: {  	_ =	swait.ge [sflag:s15], $0x1400  }
0x23: {  	[sflag:s15] =	ssyncset.done $0x0  }
0x24: {  	s9 =	rddreg [dreg:$0x6];
	[sflag:s15] =	ssyncadd.s32 $0xFFFFEC00  }
0x25: {  	[tilespmem:s16], [sflag:$0x5] =	stream.linear.gather [hbm4b:s9+s3], $0x1400, $0x38;
	[tilespmem:$0x1E400] =	vst v63  }
0x26: {  	_ =	swait.ge [sflag:s15], $0x1400  }
0x27: {  	[sflag:s15] =	ssyncset.done $0x0  }
0x28: {  	[sflag:s15] =	ssyncadd.s32 $0xFFFFEC00  }
0x29: {  	[tilespmem:s18], [sflag:$0x1] =	stream.indirect.gather [hbm4b:s1+s17], $0x80, s3, s17, $0xb8;
	[tilespmem:$0x1E400] =	vst v63  }
0x2a: {  	_ = 	snop  }
0x2b: {  	[tilespmem:s19], [sflag:$0x2] =	stream.indirect.gather [hbm4b:s1+s17], $0x80, s17, s17, $0xb8;
	[tilespmem:$0x1E400] =	vst v63  }
0x2c: {  	_ =	swait.ge [sflag:s20], $0x2000  }
0x2d: {  	[sflag:s20] =	ssyncset.done $0x0  }
0x2e: {  	[sflag:s20] =	ssyncadd.s32 $0xFFFFE000  }
0x2f: {  	_ =	swait.ge [sflag:s21], $0x2000  }
0x30: {  	[sflag:s21] =	ssyncset.done $0x0  }
0x31: {  	s8 =	simm.s32 $0x80;
	[sflag:s21] =	ssyncadd.s32 $0xFFFFE000  }
0x32: {  	[tilespmem:s22], [sflag:$0x3] =	stream.indirect.gather [hbm4b:s1+s17], $0x80, s8, s17, $0xb8;
	[tilespmem:$0x1E400] =	vst v63  }
0x33: {  	s9 =	simm.s32 $0xC0  }
0x34: {  	[tilespmem:s23], [sflag:$0x4] =	stream.indirect.gather [hbm4b:s1+s17], $0x80, s9, s17, $0xb8;
	[tilespmem:$0x1E400] =	vst v63  }
0x35: {  	s8 =	simm.s32 $0x1400  }
0x36: {  	[spmem:s2] =	stream.indirect.scatter.add.f32 [tilespmem:s18], [sflag:$0x5], $0x80, s8, s26, $0xb8;
	[tilespmem:$0x1E400] =	vst v63  }
0x37: {  	_ =	swait.ge [sflag:s15], $0x4000  }
0x38: {  	[sflag:s15] =	ssyncset.done $0x0  }
0x39: {  	[sflag:s15] =	ssyncadd.s32 $0xFFFFC000  }
0x3a: {  	_ =	swait.ge [sflag:s28], $0x2000  }
0x3b: {  	[sflag:s28] =	ssyncset.done $0x0  }
0x3c: {  	[sflag:s28] =	ssyncadd.s32 $0xFFFFE000  }
0x3d: {  	_ =	swait.ge [sflag:s29], $0x2000  }
0x3e: {  	[sflag:s29] =	ssyncset.done $0x0  }
0x3f: {  	s9 =	simm.s32 $0x100;
	[sflag:s29] =	ssyncadd.s32 $0xFFFFE000  }
0x40: {  	[tilespmem:s18], [sflag:$0x1] =	stream.indirect.gather [hbm4b:s1+s17], $0x80, s9, s17, $0xb8;
	[tilespmem:$0x1E400] =	vst v63  }
0x41: {  	s8 =	simm.s32 $0x140  }
0x42: {  	[tilespmem:s19], [sflag:$0x2] =	stream.indirect.gather [hbm4b:s1+s17], $0x80, s8, s17, $0xb8;
	[tilespmem:$0x1E400] =	vst v63  }
0x43: {  	s9 =	simm.s32 $0x1480  }
0x44: {  	[spmem:s2] =	stream.indirect.scatter.add.f32 [tilespmem:s22], [sflag:$0x5], $0x80, s9, s26, $0xb8;
	[tilespmem:$0x1E400] =	vst v63  }
0x45: {  	_ =	swait.ge [sflag:s15], $0x4000  }
0x46: {  	s7 =	simm.s32 $0x400;
	[sflag:s15] =	ssyncset.done $0x0  }
.LBB2_2:
0x47: {  	p1 =	sne.s32 s7, $0x4800  }
0x48: {  	[sflag:s15] =	ssyncadd.s32 $0xFFFFC000;
	s8 =	smov.u32 s7;
	s7 =	sadd.s32 $0x400, s7  }
0x49: {  	_ = 	snop  }
0x4a: {  	_ =	swait.ge [sflag:s20], $0x2000  }
0x4b: {  	[sflag:s20] =	ssyncset.done $0x0  }
0x4c: {  	[sflag:s20] =	ssyncadd.s32 $0xFFFFE000  }
0x4d: {  	_ =	swait.ge [sflag:s21], $0x2000  }
0x4e: {  	s8 =	sshra.s32 s8, $0x2;
	[sflag:s21] =	ssyncset.done $0x0  }
0x4f: {  	s9 =	sadd.s32 $0x80, s8;
	[sflag:s21] =	ssyncadd.s32 $0xFFFFE000  }
0x50: {  	[tilespmem:s22], [sflag:$0x3] =	stream.indirect.gather [hbm4b:s1+s17], $0x80, s9, s17, $0xb8;
	[tilespmem:$0x1E400] =	vst v63  }
0x51: {  	s9 =	sadd.s32 $0xC0, s8  }
0x52: {  	[tilespmem:s23], [sflag:$0x4] =	stream.indirect.gather [hbm4b:s1+s17], $0x80, s9, s17, $0xb8;
	[tilespmem:$0x1E400] =	vst v63  }
0x53: {  	s9 =	sadd.s32 $0x1400, s8  }
0x54: {  	[spmem:s2] =	stream.indirect.scatter.add.f32 [tilespmem:s18], [sflag:$0x5], $0x80, s9, s26, $0xb8;
	[tilespmem:$0x1E400] =	vst v63  }
0x55: {  	_ =	swait.ge [sflag:s15], $0x4000  }
0x56: {  	[sflag:s15] =	ssyncset.done $0x0  }
0x57: {  	[sflag:s15] =	ssyncadd.s32 $0xFFFFC000  }
0x58: {  	_ =	swait.ge [sflag:s28], $0x2000  }
0x59: {  	[sflag:s28] =	ssyncset.done $0x0  }
0x5a: {  	[sflag:s28] =	ssyncadd.s32 $0xFFFFE000  }
0x5b: {  	_ =	swait.ge [sflag:s29], $0x2000  }
0x5c: {  	[sflag:s29] =	ssyncset.done $0x0  }
0x5d: {  	s9 =	sadd.s32 $0x100, s8;
	[sflag:s29] =	ssyncadd.s32 $0xFFFFE000  }
0x5e: {  	[tilespmem:s18], [sflag:$0x1] =	stream.indirect.gather [hbm4b:s1+s17], $0x80, s9, s17, $0xb8;
	[tilespmem:$0x1E400] =	vst v63  }
0x5f: {  	s9 =	sadd.s32 $0x140, s8  }
0x60: {  	[tilespmem:s19], [sflag:$0x2] =	stream.indirect.gather [hbm4b:s1+s17], $0x80, s9, s17, $0xb8;
	[tilespmem:$0x1E400] =	vst v63  }
.Ltmp0:
0x61: {  	_ = 	snop;
	(pc) =	sbr.rel @p1 .LBB2_2-.Ltmp0, $4  }
0x62: {  	s8 =	sadd.s32 $0x1480, s8  }
0x63: {  	[spmem:s2] =	stream.indirect.scatter.add.f32 [tilespmem:s22], [sflag:$0x5], $0x80, s8, s26, $0xb8;
	[tilespmem:$0x1E400] =	vst v63  }
0x64: {  	_ =	swait.ge [sflag:s15], $0x4000  }
0x65: {  	[sflag:s15] =	ssyncset.done $0x0  }
0x66: {  	[sflag:s15] =	ssyncadd.s32 $0xFFFFC000  }
0x67: {  	_ =	swait.ge [sflag:s20], $0x2000  }
0x68: {  	[sflag:s20] =	ssyncset.done $0x0  }
0x69: {  	[sflag:s20] =	ssyncadd.s32 $0xFFFFE000  }
0x6a: {  	_ =	swait.ge [sflag:s21], $0x2000  }
0x6b: {  	[sflag:s21] =	ssyncset.done $0x0  }
0x6c: {  	[sflag:s21] =	ssyncadd.s32 $0xFFFFE000  }
0x6d: {  	[tilespmem:s22], [sflag:$0x3] =	stream.indirect.gather [hbm4b:s1+s17], $0x80, s30, s17, $0xb8;
	[tilespmem:$0x1E400] =	vst v63  }
0x6e: {  	_ = 	snop  }
0x6f: {  	[tilespmem:s23], [sflag:$0x4] =	stream.indirect.gather [hbm4b:s1+s17], $0x80, s31, s17, $0xb8;
	[tilespmem:$0x1E400] =	vst v63  }
0x70: {  	_ = 	snop  }
0x71: {  	[spmem:s2] =	stream.indirect.scatter.add.f32 [tilespmem:s18], [sflag:$0x5], $0x80, s0, s26, $0xb8;
	[tilespmem:$0x1E400] =	vst v63  }
0x72: {  	_ =	swait.ge [sflag:s15], $0x4000  }
0x73: {  	[sflag:s15] =	ssyncset.done $0x0  }
0x74: {  	[sflag:s15] =	ssyncadd.s32 $0xFFFFC000  }
0x75: {  	_ =	swait.ge [sflag:s28], $0x2000  }
0x76: {  	[sflag:s28] =	ssyncset.done $0x0  }
0x77: {  	[sflag:s28] =	ssyncadd.s32 $0xFFFFE000  }
0x78: {  	_ =	swait.ge [sflag:s29], $0x2000  }
0x79: {  	[sflag:s29] =	ssyncset.done $0x0  }
0x7a: {  	[sflag:s29] =	ssyncadd.s32 $0xFFFFE000  }
0x7b: {  	[spmem:s2] =	stream.indirect.scatter.add.f32 [tilespmem:s22], [sflag:$0x5], $0x80, s4, s26, $0xb8;
	[tilespmem:$0x1E400] =	vst v63  }
0x7c: {  	_ =	swait.ge [sflag:s15], $0x4000  }
0x7d: {  	[sflag:s15] =	ssyncset.done $0x0  }
0x7e: {  	s7 =	simm.s32 $0x0;
	s8 =	rddreg [dreg:$0x7];
	[sflag:s15] =	ssyncadd.s32 $0xFFFFC000  }
0x7f: {  	[tilespmem:s7], [sflag:$0x5] =	stream.linear.gather [hbm4b:s8+s7], $0x1400, $0x38;
	[tilespmem:$0x1E400] =	vst v63  }
0x80: {  	_ =	swait.ge [sflag:s15], $0x1400  }
0x81: {  	[sflag:s15] =	ssyncset.done $0x0  }
0x82: {  	[sflag:s15] =	ssyncadd.s32 $0xFFFFEC00  }
0x83: {  	[tilespmem:s16], [sflag:$0x5] =	stream.linear.gather [hbm4b:s10+s7], $0x1400, $0x38;
	[tilespmem:$0x1E400] =	vst v63  }
0x84: {  	_ =	swait.ge [sflag:s15], $0x1400  }
0x85: {  	[sflag:s15] =	ssyncset.done $0x0  }
0x86: {  	[sflag:s15] =	ssyncadd.s32 $0xFFFFEC00  }
0x87: {  	[tilespmem:s18], [sflag:$0x1] =	stream.indirect.gather [hbm4b:s1+s17], $0x80, s7, s17, $0xb8;
	[tilespmem:$0x1E400] =	vst v63  }
0x88: {  	_ = 	snop  }
0x89: {  	[tilespmem:s19], [sflag:$0x2] =	stream.indirect.gather [hbm4b:s1+s17], $0x80, s17, s17, $0xb8;
	[tilespmem:$0x1E400] =	vst v63  }
0x8a: {  	_ =	swait.ge [sflag:s20], $0x2000  }
0x8b: {  	[sflag:s20] =	ssyncset.done $0x0  }
0x8c: {  	[sflag:s20] =	ssyncadd.s32 $0xFFFFE000  }
0x8d: {  	_ =	swait.ge [sflag:s21], $0x2000  }
0x8e: {  	[sflag:s21] =	ssyncset.done $0x0  }
0x8f: {  	s8 =	simm.s32 $0x80;
	[sflag:s21] =	ssyncadd.s32 $0xFFFFE000  }
0x90: {  	[tilespmem:s22], [sflag:$0x3] =	stream.indirect.gather [hbm4b:s1+s17], $0x80, s8, s17, $0xb8;
	[tilespmem:$0x1E400] =	vst v63  }
0x91: {  	s9 =	simm.s32 $0xC0  }
0x92: {  	[tilespmem:s23], [sflag:$0x4] =	stream.indirect.gather [hbm4b:s1+s17], $0x80, s9, s17, $0xb8;
	[tilespmem:$0x1E400] =	vst v63  }
0x93: {  	s8 =	simm.s32 $0x1400  }
0x94: {  	[spmem:s2] =	stream.indirect.scatter.add.f32 [tilespmem:s18], [sflag:$0x5], $0x80, s8, s26, $0xb8;
	[tilespmem:$0x1E400] =	vst v63  }
0x95: {  	_ =	swait.ge [sflag:s15], $0x4000  }
0x96: {  	[sflag:s15] =	ssyncset.done $0x0  }
0x97: {  	[sflag:s15] =	ssyncadd.s32 $0xFFFFC000  }
0x98: {  	_ =	swait.ge [sflag:s28], $0x2000  }
0x99: {  	[sflag:s28] =	ssyncset.done $0x0  }
0x9a: {  	[sflag:s28] =	ssyncadd.s32 $0xFFFFE000  }
0x9b: {  	_ =	swait.ge [sflag:s29], $0x2000  }
0x9c: {  	[sflag:s29] =	ssyncset.done $0x0  }
0x9d: {  	s9 =	simm.s32 $0x100;
	[sflag:s29] =	ssyncadd.s32 $0xFFFFE000  }
0x9e: {  	[tilespmem:s18], [sflag:$0x1] =	stream.indirect.gather [hbm4b:s1+s17], $0x80, s9, s17, $0xb8;
	[tilespmem:$0x1E400] =	vst v63  }
0x9f: {  	s8 =	simm.s32 $0x140  }
0xa0: {  	[tilespmem:s19], [sflag:$0x2] =	stream.indirect.gather [hbm4b:s1+s17], $0x80, s8, s17, $0xb8;
	[tilespmem:$0x1E400] =	vst v63  }
0xa1: {  	s9 =	simm.s32 $0x1480  }
0xa2: {  	[spmem:s2] =	stream.indirect.scatter.add.f32 [tilespmem:s22], [sflag:$0x5], $0x80, s9, s26, $0xb8;
	[tilespmem:$0x1E400] =	vst v63  }
0xa3: {  	_ =	swait.ge [sflag:s15], $0x4000  }
0xa4: {  	s7 =	simm.s32 $0x400;
	[sflag:s15] =	ssyncset.done $0x0  }
.LBB2_4:
0xa5: {  	p1 =	sne.s32 s7, $0x4800  }
0xa6: {  	[sflag:s15] =	ssyncadd.s32 $0xFFFFC000;
	s8 =	smov.u32 s7;
	s7 =	sadd.s32 $0x400, s7  }
0xa7: {  	_ = 	snop  }
0xa8: {  	_ =	swait.ge [sflag:s20], $0x2000  }
0xa9: {  	[sflag:s20] =	ssyncset.done $0x0  }
0xaa: {  	[sflag:s20] =	ssyncadd.s32 $0xFFFFE000  }
0xab: {  	_ =	swait.ge [sflag:s21], $0x2000  }
0xac: {  	s8 =	sshra.s32 s8, $0x2;
	[sflag:s21] =	ssyncset.done $0x0  }
0xad: {  	s9 =	sadd.s32 $0x80, s8;
	[sflag:s21] =	ssyncadd.s32 $0xFFFFE000  }
0xae: {  	[tilespmem:s22], [sflag:$0x3] =	stream.indirect.gather [hbm4b:s1+s17], $0x80, s9, s17, $0xb8;
	[tilespmem:$0x1E400] =	vst v63  }
0xaf: {  	s9 =	sadd.s32 $0xC0, s8  }
0xb0: {  	[tilespmem:s23], [sflag:$0x4] =	stream.indirect.gather [hbm4b:s1+s17], $0x80, s9, s17, $0xb8;
	[tilespmem:$0x1E400] =	vst v63  }
0xb1: {  	s9 =	sadd.s32 $0x1400, s8  }
0xb2: {  	[spmem:s2] =	stream.indirect.scatter.add.f32 [tilespmem:s18], [sflag:$0x5], $0x80, s9, s26, $0xb8;
	[tilespmem:$0x1E400] =	vst v63  }
0xb3: {  	_ =	swait.ge [sflag:s15], $0x4000  }
0xb4: {  	[sflag:s15] =	ssyncset.done $0x0  }
0xb5: {  	[sflag:s15] =	ssyncadd.s32 $0xFFFFC000  }
0xb6: {  	_ =	swait.ge [sflag:s28], $0x2000  }
0xb7: {  	[sflag:s28] =	ssyncset.done $0x0  }
0xb8: {  	[sflag:s28] =	ssyncadd.s32 $0xFFFFE000  }
0xb9: {  	_ =	swait.ge [sflag:s29], $0x2000  }
0xba: {  	[sflag:s29] =	ssyncset.done $0x0  }
0xbb: {  	s9 =	sadd.s32 $0x100, s8;
	[sflag:s29] =	ssyncadd.s32 $0xFFFFE000  }
0xbc: {  	[tilespmem:s18], [sflag:$0x1] =	stream.indirect.gather [hbm4b:s1+s17], $0x80, s9, s17, $0xb8;
	[tilespmem:$0x1E400] =	vst v63  }
0xbd: {  	s9 =	sadd.s32 $0x140, s8  }
0xbe: {  	[tilespmem:s19], [sflag:$0x2] =	stream.indirect.gather [hbm4b:s1+s17], $0x80, s9, s17, $0xb8;
	[tilespmem:$0x1E400] =	vst v63  }
.Ltmp1:
0xbf: {  	_ = 	snop;
	(pc) =	sbr.rel @p1 .LBB2_4-.Ltmp1, $4  }
0xc0: {  	s8 =	sadd.s32 $0x1480, s8  }
0xc1: {  	[spmem:s2] =	stream.indirect.scatter.add.f32 [tilespmem:s22], [sflag:$0x5], $0x80, s8, s26, $0xb8;
	[tilespmem:$0x1E400] =	vst v63  }
0xc2: {  	_ =	swait.ge [sflag:s15], $0x4000  }
0xc3: {  	[sflag:s15] =	ssyncset.done $0x0  }
0xc4: {  	[sflag:s15] =	ssyncadd.s32 $0xFFFFC000  }
0xc5: {  	_ =	swait.ge [sflag:s20], $0x2000  }
0xc6: {  	[sflag:s20] =	ssyncset.done $0x0  }
0xc7: {  	[sflag:s20] =	ssyncadd.s32 $0xFFFFE000  }
0xc8: {  	_ =	swait.ge [sflag:s21], $0x2000  }
0xc9: {  	[sflag:s21] =	ssyncset.done $0x0  }
0xca: {  	[sflag:s21] =	ssyncadd.s32 $0xFFFFE000  }
0xcb: {  	[tilespmem:s22], [sflag:$0x3] =	stream.indirect.gather [hbm4b:s1+s17], $0x80, s30, s17, $0xb8;
	[tilespmem:$0x1E400] =	vst v63  }
0xcc: {  	_ = 	snop  }
0xcd: {  	[tilespmem:s23], [sflag:$0x4] =	stream.indirect.gather [hbm4b:s1+s17], $0x80, s31, s17, $0xb8;
	[tilespmem:$0x1E400] =	vst v63  }
0xce: {  	_ = 	snop  }
0xcf: {  	[spmem:s2] =	stream.indirect.scatter.add.f32 [tilespmem:s18], [sflag:$0x5], $0x80, s0, s26, $0xb8;
	[tilespmem:$0x1E400] =	vst v63  }
0xd0: {  	_ =	swait.ge [sflag:s15], $0x4000  }
0xd1: {  	[sflag:s15] =	ssyncset.done $0x0  }
0xd2: {  	[sflag:s15] =	ssyncadd.s32 $0xFFFFC000  }
0xd3: {  	_ =	swait.ge [sflag:s28], $0x2000  }
0xd4: {  	[sflag:s28] =	ssyncset.done $0x0  }
0xd5: {  	[sflag:s28] =	ssyncadd.s32 $0xFFFFE000  }
0xd6: {  	_ =	swait.ge [sflag:s29], $0x2000  }
0xd7: {  	[sflag:s29] =	ssyncset.done $0x0  }
0xd8: {  	[sflag:s29] =	ssyncadd.s32 $0xFFFFE000  }
0xd9: {  	[spmem:s2] =	stream.indirect.scatter.add.f32 [tilespmem:s22], [sflag:$0x5], $0x80, s4, s26, $0xb8;
	[tilespmem:$0x1E400] =	vst v63  }
0xda: {  	_ =	swait.ge [sflag:s15], $0x4000  }
0xdb: {  	[sflag:s15] =	ssyncset.done $0x0  }
0xdc: {  	[sflag:s15] =	ssyncadd.s32 $0xFFFFC000  }
0xdd: {  	[bflag:$0x0] =	sbarrier.arrive $0xFFFF  }
0xde: {  	[hbm:s11], [sflag:s6] =	dma.local [spmem:s24], $0x2700  }
0xdf: {  	s5 =	sadd.s32 $0x1, s5;
	_ =	swait.ge [sflag:s15], $0x2700  }
0xe0: {  	p1 =	sne.s32 s5, s13;
	[sflag:s15] =	ssyncset.done $0x0  }
.Ltmp2:
0xe1: {  	s7 =	simm.s32 @!p0 $0x5;
	[sflag:s15] =	ssyncadd.s32 $0xFFFFD900;
	(pc) =	sbr.rel @p1 .LBB2_1-.Ltmp2, $4  }
0xe2: {  	[hbm:s12], [sflag:s6] =	dma.local @!p0 [spmem:s25], $0x100  }
0xe3: {  	_ =	swait.ge @!p0 [sflag:s7], $0x100  }
0xe4: {  	[sflag:s7] =	ssyncset.done @!p0 $0x0  }
0xe5: {  	[sflag:s7] =	ssyncadd.s32 @!p0 $0xFFFFFF00  }
0xe6: {  	_ =	sfence.sel $0x180000  }
0xe7: {  	[bflag:$0x0] =	sbarrier.arrive $0xFFFF  }
0xe8: {  	_ =	strace $0x90000047  }
0xe9: {  	s0 =	stileid.u32;
	[bflag:$0x2] =	sbarrier.arrive $0xFFFF  }
0xea: {  	p0 =	sne.s32 s0, $0x0;
	s0 =	rddreg [dreg:$0x3]  }
0xeb: {  	s0 =	sadd.s32 @!p0 $0x100000, s0  }
0xec: {  	[sflag:s0] =	ssyncadd.tile.s32 @!p0 $0x1;
	_ =	shalt  }
.Lfunc_end2:
_tile_overlayer_lowered:
.L_overlay_start_2:
0xed: {  	(tag) =	ssettag $0x2  }
0xee: {  	s0 =	rddreg [dreg:$0x0];
	s2 =	stileid.u32  }
0xef: {  	s1 =	rddreg [dreg:$0x1];
	p0 =	sne.s32 s2, $0x0  }
0xf0: {  	s3 =	rddreg [dreg:$0x2];
	[bflag:$0x3] =	sbarrier.arrive $0xFFFF;
	s2 =	simm.s32 @!p0 $0x1C05  }
0xf1: {  	[timem:s3], [sflag:s2] =	dma.local @!p0 [hbm:s0], s1  }
0xf2: {  	s0 =	simm.s32 @!p0 $0x5  }
0xf3: {  	_ =	swait.ge @!p0 [sflag:s0], s1  }
0xf4: {  	s1 =	ssub.s32 @!p0 $0x0, s1;
	[sflag:s0] =	ssyncset.done @!p0 $0x0  }
0xf5: {  	[sflag:s0] =	ssyncadd.s32 @!p0 s1  }
0xf6: {  	[bflag:$0x3] =	sbarrier.arrive $0xFFFF  }
0xf7: {  	_ =	shalt  }

</sc_bundles>
